<compile_context>
chip_gen: v7x
topology: tpu7x:2x2x1
jax: 0.10.2.dev20260603
libtpu: 0.0.44.dev20260713+nightly
codegen_flags: <defaults>
</compile_context>

<pallas_src>
import functools

import jax
import jax.numpy as jnp
from jax import lax
from jax.experimental import pallas as pl
from jax.experimental.pallas import tpu as pltpu
from jax.experimental.pallas import tpu_sc as plsc

BS = 8
V = 2048
F = 256
K = 16
POOL = 512

NC = 2
NS = 16
NW = NC * NS
NQ = BS * POOL
QPW = NQ // NW
CHUNK_Q = 8
N_CHUNK = QPW // CHUNK_Q
ROWS_PER_CHUNK = CHUNK_Q * K


def _knn_body(qv_ref, vt_ref, out_ref):
    qv = qv_ref[0]
    vt = vt_ref[0]
    inner = jax.lax.dot_general(
        qv.astype(jnp.bfloat16), vt.astype(jnp.bfloat16),
        (((1,), (0,)), ((), ())),
        preferred_element_type=jnp.float32,
    )
    qx, qy, qz = qv[:, 0:1], qv[:, 1:2], qv[:, 2:3]
    vx, vy, vz = vt[0:1, :], vt[1:2, :], vt[2:3, :]
    quad_v = vx * vx + vy * vy + vz * vz
    quad_q = qx * qx + qy * qy + qz * qz
    d = inner * -2.0 + quad_v + quad_q

    iota = lax.broadcasted_iota(jnp.int32, (POOL, V), 1).astype(jnp.float32)
    base = pl.program_id(0) * V
    cols = []
    for t in range(K + 1):
        m = jnp.min(d, axis=1, keepdims=True)
        amin = jnp.min(
            jnp.where(d == m, iota, jnp.float32(V)), axis=1, keepdims=True
        )
        if t > 0:
            cols.append(amin.astype(jnp.int32) + base)
        if t < K:
            d = jnp.where(iota == amin, jnp.float32(jnp.inf), d)
    out_ref[0] = jnp.concatenate(cols, axis=1)


def _knn_indices(qv, vt):
    return pl.pallas_call(
        _knn_body,
        grid=(BS,),
        in_specs=[
            pl.BlockSpec((1, POOL, 3), lambda b: (b, 0, 0)),
            pl.BlockSpec((1, 3, V), lambda b: (b, 0, 0)),
        ],
        out_specs=pl.BlockSpec((1, POOL, K), lambda b: (b, 0, 0)),
        out_shape=jax.ShapeDtypeStruct((BS, POOL, K), jnp.int32),
    )(qv, vt)


def _sc_pool_body(fm_hbm, idx_hbm, out_hbm, idx_v, rows0, rows1, out_v,
                  sem0, sem1):
    wid = lax.axis_index("s") * NC + lax.axis_index("c")
    qbase = pl.multiple_of(wid * QPW, QPW)
    pltpu.sync_copy(idx_hbm.at[pl.ds(qbase * K, QPW * K)], idx_v)

    def _src(ci):
        off = pl.multiple_of(ci * ROWS_PER_CHUNK, ROWS_PER_CHUNK)
        return fm_hbm.at[idx_v.at[pl.ds(off, ROWS_PER_CHUNK)]]

    def _compute(ci, buf):
        def q_body(qq, inner_carry):
            row0 = qq * K
            for c in range(F // 16):
                sl = pl.ds(c * 16, 16)
                acc = buf[row0, sl]
                for r in range(1, K):
                    acc = jnp.maximum(acc, buf[row0 + r, sl])
                out_v[ci * CHUNK_Q + qq, sl] = acc
            return inner_carry

        lax.fori_loop(0, CHUNK_Q, q_body, 0)

    pltpu.make_async_copy(_src(0), rows0, sem0).start()

    def pair_body(i, carry):
        ci0 = i * 2
        ci1 = ci0 + 1
        pltpu.make_async_copy(_src(ci1), rows1, sem1).start()
        pltpu.make_async_copy(_src(ci0), rows0, sem0).wait()
        _compute(ci0, rows0)

        @pl.when(ci1 + 1 < N_CHUNK)
        def _():
            pltpu.make_async_copy(_src(ci1 + 1), rows0, sem0).start()

        pltpu.make_async_copy(_src(ci1), rows1, sem1).wait()
        _compute(ci1, rows1)
        return carry

    lax.fori_loop(0, N_CHUNK // 2, pair_body, 0)
    pltpu.sync_copy(out_v, out_hbm.at[pl.ds(qbase, QPW)])


@functools.cache
def _make_sc_pool():
    return functools.partial(
        pl.kernel,
        out_type=jax.ShapeDtypeStruct((NQ, F), jnp.float32),
        mesh=plsc.VectorSubcoreMesh(core_axis_name="c", subcore_axis_name="s"),
        scratch_types=[
            pltpu.VMEM((QPW * K,), jnp.int32),
            pltpu.VMEM((ROWS_PER_CHUNK, F), jnp.float32),
            pltpu.VMEM((ROWS_PER_CHUNK, F), jnp.float32),
            pltpu.VMEM((QPW, F), jnp.float32),
            pltpu.SemaphoreType.DMA,
            pltpu.SemaphoreType.DMA,
        ],
    )(_sc_pool_body)


def kernel(vertices, feature_map):
    sample_idx = jax.random.permutation(jax.random.key(42), V)[:POOL]
    qv = jnp.take(vertices, sample_idx, axis=1)
    vt = vertices.transpose(0, 2, 1)
    gidx = _knn_indices(qv, vt)
    fm_flat = feature_map.reshape(BS * V, F)
    idx_flat = gidx.reshape(NQ * K)
    pooled = _make_sc_pool()(fm_flat, idx_flat)
    return (qv, pooled.reshape(BS, POOL, F))

# --- scband reference (transcript-rebuilt; emitter-appended) ---
"""Pipeline reference for scband-constant-pool-layer-60842506715664 (READ-ONLY COPY).

The authoritative reference and input builder live on the scoring server;
editing this copy changes nothing except your own understanding.
"""

import jax, jax.numpy as jnp
import numpy as np

POOL_NUM = 512
NEIGHBOR_NUM = 16


def setup_inputs(seed: int = 0) -> dict:
    key = jax.random.key(seed)
    k1, k2 = jax.random.split(key)
    vertices = jax.random.normal(k1, (8, 2048, 3), dtype=jnp.float32)
    feature_map = jax.random.normal(k2, (8, 2048, 256), dtype=jnp.float32)
    return {"vertices": vertices, "feature_map": feature_map}


def _get_neighbor_index(vertices, neighbor_num):
    # vertices: (bs, V, 3)
    inner = jnp.einsum('bik,bjk->bij', vertices, vertices)  # bmm(v, v^T)
    quadratic = jnp.sum(vertices ** 2, axis=2)              # (bs, V)
    distance = inner * -2 + quadratic[:, None, :] + quadratic[:, :, None]
    # smallest k+1 distances -> top_k of negated distance
    _, idx = jax.lax.top_k(-distance, neighbor_num + 1)
    return idx[:, :, 1:]  # drop self


def _indexing_neighbor(tensor, index):
    # tensor: (bs, V, dim), index: (bs, V, n) -> (bs, V, n, dim)
    return jax.vmap(lambda t, i: t[i])(tensor, index)


def reference(vertices, feature_map):
    bs, vertice_num, _ = vertices.shape
    neighbor_index = _get_neighbor_index(vertices, NEIGHBOR_NUM)
    neighbor_feature = _indexing_neighbor(feature_map, neighbor_index)
    pooled_feature = jnp.max(neighbor_feature, axis=2)
    # torch.randperm(vertice_num)[:pool_num] -> fixed-key jax permutation
    sample_idx = jax.random.permutation(jax.random.key(42), vertice_num)[:POOL_NUM]
    vertices_pool = vertices[:, sample_idx, :]
    feature_map_pool = pooled_feature[:, sample_idx, :]
    return (vertices_pool, feature_map_pool)

if __name__ == "__main__":
    import jax
    _d = setup_inputs()
    print(jax.jit(kernel)(*tuple(_d.values())))

</pallas_src>

<mosaic_0001>
#map = affine_map<(d0, d1) -> (0, 0)>
#map1 = affine_map<(d0, d1) -> (0)>
module attributes {stable_mosaic.version = 14 : i64} {
  func.func @_sc_pool_body(%arg0: i32, %arg1: i32, %arg2: memref<16384x256xf32, #tpu.memory_space<hbm>>, %arg3: memref<65536xi32, #tpu.memory_space<hbm>>, %arg4: memref<4096x256xf32, #tpu.memory_space<hbm>>, %arg5: memref<2048xi32, #tpu.memory_space<vmem>>, %arg6: memref<128x256xf32, #tpu.memory_space<vmem>>, %arg7: memref<128x256xf32, #tpu.memory_space<vmem>>, %arg8: memref<128x256xf32, #tpu.memory_space<vmem>>, %arg9: memref<!tpu.dma_semaphore, #tpu.memory_space<semaphore_mem>>, %arg10: memref<!tpu.dma_semaphore, #tpu.memory_space<semaphore_mem>>) attributes {dimension_semantics = [#tpu.dimension_semantics<core_parallel>, #tpu.dimension_semantics<subcore_parallel>], iteration_bounds = array<i64: 2, 16>, scalar_prefetch = 0 : i64, scratch_operands = 6 : i64, tpu.core_type = #tpu.core_type<sc_vector_subcore>, window_params = [{transform_indices = #map}, {transform_indices = #map1}, {transform_indices = #map}]} {
    %mul3A = arith.constant 2 : i32
    %mul3A_0 = arith.muli %arg1, %mul3A : i32
    %add3A = arith.addi %mul3A_0, %arg0 : i32
    %mul3A_1 = arith.constant 128 : i32
    %mul3A_2 = arith.muli %add3A, %mul3A_1 : i32
    %multiple_of3A = tpu.assume_multiple %mul3A_2, 128 : i32
    %mul3A_3 = arith.constant 16 : i32
    %mul3A_4 = arith.muli %multiple_of3A, %mul3A_3 : i32
    "tpu.region"() ({
      %run_scoped3A = tpu.sem_alloc : memref<!tpu.dma_semaphore, #tpu.memory_space<semaphore_mem>>
      %dma_start3A_15 = tpu.memref_slice %arg3[%mul3A_4] : memref<65536xi32, #tpu.memory_space<hbm>> -> memref<2048xi32, #tpu.memory_space<hbm>>
      %dma_start3A_16 = tpu.memref_slice %arg3[%mul3A_4] : memref<65536xi32, #tpu.memory_space<hbm>> -> memref<2048xi32, #tpu.memory_space<hbm>>
      tpu.enqueue_dma source(%dma_start3A_16 : memref<2048xi32, #tpu.memory_space<hbm>>) target(%arg5 : memref<2048xi32, #tpu.memory_space<vmem>>) target_semaphore(%run_scoped3A : memref<!tpu.dma_semaphore, #tpu.memory_space<semaphore_mem>>)
      %dma_wait3A = tpu.memref_slice %arg3[%mul3A_4] : memref<65536xi32, #tpu.memory_space<hbm>> -> memref<2048xi32, #tpu.memory_space<hbm>>
      %dma_wait3A_17 = tpu.memref_slice %arg3[%mul3A_4] : memref<65536xi32, #tpu.memory_space<hbm>> -> memref<2048xi32, #tpu.memory_space<hbm>>
      tpu.wait_dma2 semaphore(%run_scoped3A : memref<!tpu.dma_semaphore, #tpu.memory_space<semaphore_mem>>) src(%dma_wait3A_17 : memref<2048xi32, #tpu.memory_space<hbm>>) dst(%arg5 : memref<2048xi32, #tpu.memory_space<vmem>>)
      tpu.yield
    }) : () -> ()
    %multiple_of3A_5 = arith.constant 0 : i32
    %multiple_of3A_6 = tpu.assume_multiple %multiple_of3A_5, 128 : i32
    %dma_start3A = tpu.memref_slice %arg5[%multiple_of3A_6] : memref<2048xi32, #tpu.memory_space<vmem>> -> memref<128xi32, #tpu.memory_space<vmem>>
    %dma_start3A_7 = arith.constant 0 : i32
    %dma_start3A_8 = arith.constant 0 : i32
    %dma_start3A_9 = tpu.memref_slice %arg2[%dma_start3A_7, %dma_start3A_8] : memref<16384x256xf32, #tpu.memory_space<hbm>> -> memref<16384x256xf32, #tpu.memory_space<hbm>>
    tpu.enqueue_indirect_dma source(%dma_start3A_9 : memref<16384x256xf32, #tpu.memory_space<hbm>>) target(%arg6 : memref<128x256xf32, #tpu.memory_space<vmem>>) offsets(%dma_start3A : memref<128xi32, #tpu.memory_space<vmem>>) semaphore(%arg9 : memref<!tpu.dma_semaphore, #tpu.memory_space<semaphore_mem>>)
    %scan3A = arith.constant 0 : i32
    %scan3A_10 = arith.constant 0 : i32
    %scan3A_11 = arith.constant 8 : i32
    %scan3A_12 = arith.addi %scan3A_10, %scan3A_11 : i32
    %scan3A_13 = arith.constant 1 : i32
    scf.for %scan3A_15 = %scan3A_10 to %scan3A_12 step %scan3A_13  : i32 {
      %mul3A_16 = arith.constant 2 : i32
      %mul3A_17 = arith.muli %scan3A_15, %mul3A_16 : i32
      %add3A_18 = arith.constant 1 : i32
      %add3A_19 = arith.addi %mul3A_17, %add3A_18 : i32
      %mul3A_20 = arith.constant 128 : i32
      %mul3A_21 = arith.muli %add3A_19, %mul3A_20 : i32
      %multiple_of3A_22 = tpu.assume_multiple %mul3A_21, 128 : i32
      %dma_start3A_23 = tpu.memref_slice %arg5[%multiple_of3A_22] : memref<2048xi32, #tpu.memory_space<vmem>> -> memref<128xi32, #tpu.memory_space<vmem>>
      %dma_start3A_24 = arith.constant 0 : i32
      %dma_start3A_25 = arith.constant 0 : i32
      %dma_start3A_26 = tpu.memref_slice %arg2[%dma_start3A_24, %dma_start3A_25] : memref<16384x256xf32, #tpu.memory_space<hbm>> -> memref<16384x256xf32, #tpu.memory_space<hbm>>
      tpu.enqueue_indirect_dma source(%dma_start3A_26 : memref<16384x256xf32, #tpu.memory_space<hbm>>) target(%arg7 : memref<128x256xf32, #tpu.memory_space<vmem>>) offsets(%dma_start3A_23 : memref<128xi32, #tpu.memory_space<vmem>>) semaphore(%arg10 : memref<!tpu.dma_semaphore, #tpu.memory_space<semaphore_mem>>)
      %mul3A_27 = arith.constant 128 : i32
      %mul3A_28 = arith.muli %mul3A_17, %mul3A_27 : i32
      %multiple_of3A_29 = tpu.assume_multiple %mul3A_28, 128 : i32
      %dma_wait3A = tpu.memref_slice %arg5[%multiple_of3A_29] : memref<2048xi32, #tpu.memory_space<vmem>> -> memref<128xi32, #tpu.memory_space<vmem>>
      %dma_wait3A_30 = arith.constant 0 : i32
      %dma_wait3A_31 = arith.constant 0 : i32
      %dma_wait3A_32 = tpu.memref_slice %arg2[%dma_wait3A_30, %dma_wait3A_31] : memref<16384x256xf32, #tpu.memory_space<hbm>> -> memref<16384x256xf32, #tpu.memory_space<hbm>>
      tpu.wait_indirect_dma semaphore(%arg9 : memref<!tpu.dma_semaphore, #tpu.memory_space<semaphore_mem>>) src(%dma_wait3A_32 : memref<16384x256xf32, #tpu.memory_space<hbm>>) dst(%arg6 : memref<128x256xf32, #tpu.memory_space<vmem>>)
      %scan3A_33 = arith.constant 0 : i32
      %scan3A_34 = arith.constant 0 : i32
      %scan3A_35 = arith.constant 8 : i32
      %scan3A_36 = arith.addi %scan3A_34, %scan3A_35 : i32
      %scan3A_37 = arith.constant 1 : i32
      scf.for %scan3A_56 = %scan3A_34 to %scan3A_36 step %scan3A_37  : i32 {
        %mul3A_57 = arith.constant 16 : i32
        %mul3A_58 = arith.muli %scan3A_56, %mul3A_57 : i32
        %get3A = arith.index_cast %mul3A_58 : i32 to index
        %get3A_59 = arith.constant 0 : index
        %get3A_60 = tpu.vector_load %arg6[%get3A, %get3A_59] {strides = array<i32>} : memref<128x256xf32, #tpu.memory_space<vmem>>, vector<1x16xf32>,
        %get3A_61 = vector.shape_cast %get3A_60 : vector<1x16xf32> to vector<16xf32>
        %add3A_62 = arith.constant 1 : i32
        %add3A_63 = arith.addi %mul3A_58, %add3A_62 : i32
        %get3A_64 = arith.index_cast %add3A_63 : i32 to index
        %get3A_65 = arith.constant 0 : index
        %get3A_66 = tpu.vector_load %arg6[%get3A_64, %get3A_65] {strides = array<i32>} : memref<128x256xf32, #tpu.memory_space<vmem>>, vector<1x16xf32>,
        %get3A_67 = vector.shape_cast %get3A_66 : vector<1x16xf32> to vector<16xf32>
        %max3A = arith.maximumf %get3A_61, %get3A_67 : vector<16xf32>
        %add3A_68 = arith.constant 2 : i32
        %add3A_69 = arith.addi %mul3A_58, %add3A_68 : i32
        %get3A_70 = arith.index_cast %add3A_69 : i32 to index
        %get3A_71 = arith.constant 0 : index
        %get3A_72 = tpu.vector_load %arg6[%get3A_70, %get3A_71] {strides = array<i32>} : memref<128x256xf32, #tpu.memory_space<vmem>>, vector<1x16xf32>,
        %get3A_73 = vector.shape_cast %get3A_72 : vector<1x16xf32> to vector<16xf32>
        %max3A_74 = arith.maximumf %max3A, %get3A_73 : vector<16xf32>
        %add3A_75 = arith.constant 3 : i32
        %add3A_76 = arith.addi %mul3A_58, %add3A_75 : i32
        %get3A_77 = arith.index_cast %add3A_76 : i32 to index
        %get3A_78 = arith.constant 0 : index
        %get3A_79 = tpu.vector_load %arg6[%get3A_77, %get3A_78] {strides = array<i32>} : memref<128x256xf32, #tpu.memory_space<vmem>>, vector<1x16xf32>,
        %get3A_80 = vector.shape_cast %get3A_79 : vector<1x16xf32> to vector<16xf32>
        %max3A_81 = arith.maximumf %max3A_74, %get3A_80 : vector<16xf32>
        %add3A_82 = arith.constant 4 : i32
        %add3A_83 = arith.addi %mul3A_58, %add3A_82 : i32
        %get3A_84 = arith.index_cast %add3A_83 : i32 to index
        %get3A_85 = arith.constant 0 : index
        %get3A_86 = tpu.vector_load %arg6[%get3A_84, %get3A_85] {strides = array<i32>} : memref<128x256xf32, #tpu.memory_space<vmem>>, vector<1x16xf32>,
        %get3A_87 = vector.shape_cast %get3A_86 : vector<1x16xf32> to vector<16xf32>
        %max3A_88 = arith.maximumf %max3A_81, %get3A_87 : vector<16xf32>
        %add3A_89 = arith.constant 5 : i32
        %add3A_90 = arith.addi %mul3A_58, %add3A_89 : i32
        %get3A_91 = arith.index_cast %add3A_90 : i32 to index
        %get3A_92 = arith.constant 0 : index
        %get3A_93 = tpu.vector_load %arg6[%get3A_91, %get3A_92] {strides = array<i32>} : memref<128x256xf32, #tpu.memory_space<vmem>>, vector<1x16xf32>,
        %get3A_94 = vector.shape_cast %get3A_93 : vector<1x16xf32> to vector<16xf32>
        %max3A_95 = arith.maximumf %max3A_88, %get3A_94 : vector<16xf32>
        %add3A_96 = arith.constant 6 : i32
        %add3A_97 = arith.addi %mul3A_58, %add3A_96 : i32
        %get3A_98 = arith.index_cast %add3A_97 : i32 to index
        %get3A_99 = arith.constant 0 : index
        %get3A_100 = tpu.vector_load %arg6[%get3A_98, %get3A_99] {strides = array<i32>} : memref<128x256xf32, #tpu.memory_space<vmem>>, vector<1x16xf32>,
        %get3A_101 = vector.shape_cast %get3A_100 : vector<1x16xf32> to vector<16xf32>
        %max3A_102 = arith.maximumf %max3A_95, %get3A_101 : vector<16xf32>
        %add3A_103 = arith.constant 7 : i32
        %add3A_104 = arith.addi %mul3A_58, %add3A_103 : i32
        %get3A_105 = arith.index_cast %add3A_104 : i32 to index
        %get3A_106 = arith.constant 0 : index
        %get3A_107 = tpu.vector_load %arg6[%get3A_105, %get3A_106] {strides = array<i32>} : memref<128x256xf32, #tpu.memory_space<vmem>>, vector<1x16xf32>,
        %get3A_108 = vector.shape_cast %get3A_107 : vector<1x16xf32> to vector<16xf32>
        %max3A_109 = arith.maximumf %max3A_102, %get3A_108 : vector<16xf32>
        %add3A_110 = arith.constant 8 : i32
        %add3A_111 = arith.addi %mul3A_58, %add3A_110 : i32
        %get3A_112 = arith.index_cast %add3A_111 : i32 to index
        %get3A_113 = arith.constant 0 : index
        %get3A_114 = tpu.vector_load %arg6[%get3A_112, %get3A_113] {strides = array<i32>} : memref<128x256xf32, #tpu.memory_space<vmem>>, vector<1x16xf32>,
        %get3A_115 = vector.shape_cast %get3A_114 : vector<1x16xf32> to vector<16xf32>
        %max3A_116 = arith.maximumf %max3A_109, %get3A_115 : vector<16xf32>
        %add3A_117 = arith.constant 9 : i32
        %add3A_118 = arith.addi %mul3A_58, %add3A_117 : i32
        %get3A_119 = arith.index_cast %add3A_118 : i32 to index
        %get3A_120 = arith.constant 0 : index
        %get3A_121 = tpu.vector_load %arg6[%get3A_119, %get3A_120] {strides = array<i32>} : memref<128x256xf32, #tpu.memory_space<vmem>>, vector<1x16xf32>,
        %get3A_122 = vector.shape_cast %get3A_121 : vector<1x16xf32> to vector<16xf32>
        %max3A_123 = arith.maximumf %max3A_116, %get3A_122 : vector<16xf32>
        %add3A_124 = arith.constant 10 : i32
        %add3A_125 = arith.addi %mul3A_58, %add3A_124 : i32
        %get3A_126 = arith.index_cast %add3A_125 : i32 to index
        %get3A_127 = arith.constant 0 : index
        %get3A_128 = tpu.vector_load %arg6[%get3A_126, %get3A_127] {strides = array<i32>} : memref<128x256xf32, #tpu.memory_space<vmem>>, vector<1x16xf32>,
        %get3A_129 = vector.shape_cast %get3A_128 : vector<1x16xf32> to vector<16xf32>
        %max3A_130 = arith.maximumf %max3A_123, %get3A_129 : vector<16xf32>
        %add3A_131 = arith.constant 11 : i32
        %add3A_132 = arith.addi %mul3A_58, %add3A_131 : i32
        %get3A_133 = arith.index_cast %add3A_132 : i32 to index
        %get3A_134 = arith.constant 0 : index
        %get3A_135 = tpu.vector_load %arg6[%get3A_133, %get3A_134] {strides = array<i32>} : memref<128x256xf32, #tpu.memory_space<vmem>>, vector<1x16xf32>,
        %get3A_136 = vector.shape_cast %get3A_135 : vector<1x16xf32> to vector<16xf32>
        %max3A_137 = arith.maximumf %max3A_130, %get3A_136 : vector<16xf32>
        %add3A_138 = arith.constant 12 : i32
        %add3A_139 = arith.addi %mul3A_58, %add3A_138 : i32
        %get3A_140 = arith.index_cast %add3A_139 : i32 to index
        %get3A_141 = arith.constant 0 : index
        %get3A_142 = tpu.vector_load %arg6[%get3A_140, %get3A_141] {strides = array<i32>} : memref<128x256xf32, #tpu.memory_space<vmem>>, vector<1x16xf32>,
        %get3A_143 = vector.shape_cast %get3A_142 : vector<1x16xf32> to vector<16xf32>
        %max3A_144 = arith.maximumf %max3A_137, %get3A_143 : vector<16xf32>
        %add3A_145 = arith.constant 13 : i32
        %add3A_146 = arith.addi %mul3A_58, %add3A_145 : i32
        %get3A_147 = arith.index_cast %add3A_146 : i32 to index
        %get3A_148 = arith.constant 0 : index
        %get3A_149 = tpu.vector_load %arg6[%get3A_147, %get3A_148] {strides = array<i32>} : memref<128x256xf32, #tpu.memory_space<vmem>>, vector<1x16xf32>,
        %get3A_150 = vector.shape_cast %get3A_149 : vector<1x16xf32> to vector<16xf32>
        %max3A_151 = arith.maximumf %max3A_144, %get3A_150 : vector<16xf32>
        %add3A_152 = arith.constant 14 : i32
        %add3A_153 = arith.addi %mul3A_58, %add3A_152 : i32
        %get3A_154 = arith.index_cast %add3A_153 : i32 to index
        %get3A_155 = arith.constant 0 : index
        %get3A_156 = tpu.vector_load %arg6[%get3A_154, %get3A_155] {strides = array<i32>} : memref<128x256xf32, #tpu.memory_space<vmem>>, vector<1x16xf32>,
        %get3A_157 = vector.shape_cast %get3A_156 : vector<1x16xf32> to vector<16xf32>
        %max3A_158 = arith.maximumf %max3A_151, %get3A_157 : vector<16xf32>
        %add3A_159 = arith.constant 15 : i32
        %add3A_160 = arith.addi %mul3A_58, %add3A_159 : i32
        %get3A_161 = arith.index_cast %add3A_160 : i32 to index
        %get3A_162 = arith.constant 0 : index
        %get3A_163 = tpu.vector_load %arg6[%get3A_161, %get3A_162] {strides = array<i32>} : memref<128x256xf32, #tpu.memory_space<vmem>>, vector<1x16xf32>,
        %get3A_164 = vector.shape_cast %get3A_163 : vector<1x16xf32> to vector<16xf32>
        %max3A_165 = arith.maximumf %max3A_158, %get3A_164 : vector<16xf32>
        %mul3A_166 = arith.constant 8 : i32
        %mul3A_167 = arith.muli %mul3A_17, %mul3A_166 : i32
        %add3A_168 = arith.addi %mul3A_167, %scan3A_56 : i32
        %swap3A = arith.index_cast %add3A_168 : i32 to index
        %swap3A_169 = arith.constant 0 : index
        %swap3A_170 = tpu.vector_load %arg8[%swap3A, %swap3A_169] {strides = array<i32>} : memref<128x256xf32, #tpu.memory_space<vmem>>, vector<1x16xf32>,
        %swap3A_171 = vector.shape_cast %swap3A_170 : vector<1x16xf32> to vector<16xf32>
        %swap3A_172 = vector.shape_cast %max3A_165 : vector<16xf32> to vector<1x16xf32>
        tpu.vector_store %arg8[%swap3A, %swap3A_169], %swap3A_172 {strides = array<i32>} : memref<128x256xf32, #tpu.memory_space<vmem>>, vector<1x16xf32>,
        %get3A_173 = arith.index_cast %mul3A_58 : i32 to index
        %get3A_174 = arith.constant 16 : index
        %get3A_175 = tpu.vector_load %arg6[%get3A_173, %get3A_174] {strides = array<i32>} : memref<128x256xf32, #tpu.memory_space<vmem>>, vector<1x16xf32>,
        %get3A_176 = vector.shape_cast %get3A_175 : vector<1x16xf32> to vector<16xf32>
        %add3A_177 = arith.constant 1 : i32
        %add3A_178 = arith.addi %mul3A_58, %add3A_177 : i32
        %get3A_179 = arith.index_cast %add3A_178 : i32 to index
        %get3A_180 = arith.constant 16 : index
        %get3A_181 = tpu.vector_load %arg6[%get3A_179, %get3A_180] {strides = array<i32>} : memref<128x256xf32, #tpu.memory_space<vmem>>, vector<1x16xf32>,
        %get3A_182 = vector.shape_cast %get3A_181 : vector<1x16xf32> to vector<16xf32>
        %max3A_183 = arith.maximumf %get3A_176, %get3A_182 : vector<16xf32>
        %add3A_184 = arith.constant 2 : i32
        %add3A_185 = arith.addi %mul3A_58, %add3A_184 : i32
        %get3A_186 = arith.index_cast %add3A_185 : i32 to index
        %get3A_187 = arith.constant 16 : index
        %get3A_188 = tpu.vector_load %arg6[%get3A_186, %get3A_187] {strides = array<i32>} : memref<128x256xf32, #tpu.memory_space<vmem>>, vector<1x16xf32>,
        %get3A_189 = vector.shape_cast %get3A_188 : vector<1x16xf32> to vector<16xf32>
        %max3A_190 = arith.maximumf %max3A_183, %get3A_189 : vector<16xf32>
        %add3A_191 = arith.constant 3 : i32
        %add3A_192 = arith.addi %mul3A_58, %add3A_191 : i32
        %get3A_193 = arith.index_cast %add3A_192 : i32 to index
        %get3A_194 = arith.constant 16 : index
        %get3A_195 = tpu.vector_load %arg6[%get3A_193, %get3A_194] {strides = array<i32>} : memref<128x256xf32, #tpu.memory_space<vmem>>, vector<1x16xf32>,
        %get3A_196 = vector.shape_cast %get3A_195 : vector<1x16xf32> to vector<16xf32>
        %max3A_197 = arith.maximumf %max3A_190, %get3A_196 : vector<16xf32>
        %add3A_198 = arith.constant 4 : i32
        %add3A_199 = arith.addi %mul3A_58, %add3A_198 : i32
        %get3A_200 = arith.index_cast %add3A_199 : i32 to index
        %get3A_201 = arith.constant 16 : index
        %get3A_202 = tpu.vector_load %arg6[%get3A_200, %get3A_201] {strides = array<i32>} : memref<128x256xf32, #tpu.memory_space<vmem>>, vector<1x16xf32>,
        %get3A_203 = vector.shape_cast %get3A_202 : vector<1x16xf32> to vector<16xf32>
        %max3A_204 = arith.maximumf %max3A_197, %get3A_203 : vector<16xf32>
        %add3A_205 = arith.constant 5 : i32
        %add3A_206 = arith.addi %mul3A_58, %add3A_205 : i32
        %get3A_207 = arith.index_cast %add3A_206 : i32 to index
        %get3A_208 = arith.constant 16 : index
        %get3A_209 = tpu.vector_load %arg6[%get3A_207, %get3A_208] {strides = array<i32>} : memref<128x256xf32, #tpu.memory_space<vmem>>, vector<1x16xf32>,
        %get3A_210 = vector.shape_cast %get3A_209 : vector<1x16xf32> to vector<16xf32>
        %max3A_211 = arith.maximumf %max3A_204, %get3A_210 : vector<16xf32>
        %add3A_212 = arith.constant 6 : i32
        %add3A_213 = arith.addi %mul3A_58, %add3A_212 : i32
        %get3A_214 = arith.index_cast %add3A_213 : i32 to index
        %get3A_215 = arith.constant 16 : index
        %get3A_216 = tpu.vector_load %arg6[%get3A_214, %get3A_215] {strides = array<i32>} : memref<128x256xf32, #tpu.memory_space<vmem>>, vector<1x16xf32>,
        %get3A_217 = vector.shape_cast %get3A_216 : vector<1x16xf32> to vector<16xf32>
        %max3A_218 = arith.maximumf %max3A_211, %get3A_217 : vector<16xf32>
        %add3A_219 = arith.constant 7 : i32
        %add3A_220 = arith.addi %mul3A_58, %add3A_219 : i32
        %get3A_221 = arith.index_cast %add3A_220 : i32 to index
        %get3A_222 = arith.constant 16 : index
        %get3A_223 = tpu.vector_load %arg6[%get3A_221, %get3A_222] {strides = array<i32>} : memref<128x256xf32, #tpu.memory_space<vmem>>, vector<1x16xf32>,
        %get3A_224 = vector.shape_cast %get3A_223 : vector<1x16xf32> to vector<16xf32>
        %max3A_225 = arith.maximumf %max3A_218, %get3A_224 : vector<16xf32>
        %add3A_226 = arith.constant 8 : i32
        %add3A_227 = arith.addi %mul3A_58, %add3A_226 : i32
        %get3A_228 = arith.index_cast %add3A_227 : i32 to index
        %get3A_229 = arith.constant 16 : index
        %get3A_230 = tpu.vector_load %arg6[%get3A_228, %get3A_229] {strides = array<i32>} : memref<128x256xf32, #tpu.memory_space<vmem>>, vector<1x16xf32>,
        %get3A_231 = vector.shape_cast %get3A_230 : vector<1x16xf32> to vector<16xf32>
        %max3A_232 = arith.maximumf %max3A_225, %get3A_231 : vector<16xf32>
        %add3A_233 = arith.constant 9 : i32
        %add3A_234 = arith.addi %mul3A_58, %add3A_233 : i32
        %get3A_235 = arith.index_cast %add3A_234 : i32 to index
        %get3A_236 = arith.constant 16 : index
        %get3A_237 = tpu.vector_load %arg6[%get3A_235, %get3A_236] {strides = array<i32>} : memref<128x256xf32, #tpu.memory_space<vmem>>, vector<1x16xf32>,
        %get3A_238 = vector.shape_cast %get3A_237 : vector<1x16xf32> to vector<16xf32>
        %max3A_239 = arith.maximumf %max3A_232, %get3A_238 : vector<16xf32>
        %add3A_240 = arith.constant 10 : i32
        %add3A_241 = arith.addi %mul3A_58, %add3A_240 : i32
        %get3A_242 = arith.index_cast %add3A_241 : i32 to index
        %get3A_243 = arith.constant 16 : index
        %get3A_244 = tpu.vector_load %arg6[%get3A_242, %get3A_243] {strides = array<i32>} : memref<128x256xf32, #tpu.memory_space<vmem>>, vector<1x16xf32>,
        %get3A_245 = vector.shape_cast %get3A_244 : vector<1x16xf32> to vector<16xf32>
        %max3A_246 = arith.maximumf %max3A_239, %get3A_245 : vector<16xf32>
        %add3A_247 = arith.constant 11 : i32
        %add3A_248 = arith.addi %mul3A_58, %add3A_247 : i32
        %get3A_249 = arith.index_cast %add3A_248 : i32 to index
        %get3A_250 = arith.constant 16 : index
        %get3A_251 = tpu.vector_load %arg6[%get3A_249, %get3A_250] {strides = array<i32>} : memref<128x256xf32, #tpu.memory_space<vmem>>, vector<1x16xf32>,
        %get3A_252 = vector.shape_cast %get3A_251 : vector<1x16xf32> to vector<16xf32>
        %max3A_253 = arith.maximumf %max3A_246, %get3A_252 : vector<16xf32>
        %add3A_254 = arith.constant 12 : i32
        %add3A_255 = arith.addi %mul3A_58, %add3A_254 : i32
        %get3A_256 = arith.index_cast %add3A_255 : i32 to index
        %get3A_257 = arith.constant 16 : index
        %get3A_258 = tpu.vector_load %arg6[%get3A_256, %get3A_257] {strides = array<i32>} : memref<128x256xf32, #tpu.memory_space<vmem>>, vector<1x16xf32>,
        %get3A_259 = vector.shape_cast %get3A_258 : vector<1x16xf32> to vector<16xf32>
        %max3A_260 = arith.maximumf %max3A_253, %get3A_259 : vector<16xf32>
        %add3A_261 = arith.constant 13 : i32
        %add3A_262 = arith.addi %mul3A_58, %add3A_261 : i32
        %get3A_263 = arith.index_cast %add3A_262 : i32 to index
        %get3A_264 = arith.constant 16 : index
        %get3A_265 = tpu.vector_load %arg6[%get3A_263, %get3A_264] {strides = array<i32>} : memref<128x256xf32, #tpu.memory_space<vmem>>, vector<1x16xf32>,
        %get3A_266 = vector.shape_cast %get3A_265 : vector<1x16xf32> to vector<16xf32>
        %max3A_267 = arith.maximumf %max3A_260, %get3A_266 : vector<16xf32>
        %add3A_268 = arith.constant 14 : i32
        %add3A_269 = arith.addi %mul3A_58, %add3A_268 : i32
        %get3A_270 = arith.index_cast %add3A_269 : i32 to index
        %get3A_271 = arith.constant 16 : index
        %get3A_272 = tpu.vector_load %arg6[%get3A_270, %get3A_271] {strides = array<i32>} : memref<128x256xf32, #tpu.memory_space<vmem>>, vector<1x16xf32>,
        %get3A_273 = vector.shape_cast %get3A_272 : vector<1x16xf32> to vector<16xf32>
        %max3A_274 = arith.maximumf %max3A_267, %get3A_273 : vector<16xf32>
        %add3A_275 = arith.constant 15 : i32
        %add3A_276 = arith.addi %mul3A_58, %add3A_275 : i32
        %get3A_277 = arith.index_cast %add3A_276 : i32 to index
        %get3A_278 = arith.constant 16 : index
        %get3A_279 = tpu.vector_load %arg6[%get3A_277, %get3A_278] {strides = array<i32>} : memref<128x256xf32, #tpu.memory_space<vmem>>, vector<1x16xf32>,
        %get3A_280 = vector.shape_cast %get3A_279 : vector<1x16xf32> to vector<16xf32>
        %max3A_281 = arith.maximumf %max3A_274, %get3A_280 : vector<16xf32>
        %mul3A_282 = arith.constant 8 : i32
        %mul3A_283 = arith.muli %mul3A_17, %mul3A_282 : i32
        %add3A_284 = arith.addi %mul3A_283, %scan3A_56 : i32
        %swap3A_285 = arith.index_cast %add3A_284 : i32 to index
        %swap3A_286 = arith.constant 16 : index
        %swap3A_287 = tpu.vector_load %arg8[%swap3A_285, %swap3A_286] {strides = array<i32>} : memref<128x256xf32, #tpu.memory_space<vmem>>, vector<1x16xf32>,
        %swap3A_288 = vector.shape_cast %swap3A_287 : vector<1x16xf32> to vector<16xf32>
        %swap3A_289 = vector.shape_cast %max3A_281 : vector<16xf32> to vector<1x16xf32>
        tpu.vector_store %arg8[%swap3A_285, %swap3A_286], %swap3A_289 {strides = array<i32>} : memref<128x256xf32, #tpu.memory_space<vmem>>, vector<1x16xf32>,
        %get3A_290 = arith.index_cast %mul3A_58 : i32 to index
        %get3A_291 = arith.constant 32 : index
        %get3A_292 = tpu.vector_load %arg6[%get3A_290, %get3A_291] {strides = array<i32>} : memref<128x256xf32, #tpu.memory_space<vmem>>, vector<1x16xf32>,
        %get3A_293 = vector.shape_cast %get3A_292 : vector<1x16xf32> to vector<16xf32>
        %add3A_294 = arith.constant 1 : i32
        %add3A_295 = arith.addi %mul3A_58, %add3A_294 : i32
        %get3A_296 = arith.index_cast %add3A_295 : i32 to index
        %get3A_297 = arith.constant 32 : index
        %get3A_298 = tpu.vector_load %arg6[%get3A_296, %get3A_297] {strides = array<i32>} : memref<128x256xf32, #tpu.memory_space<vmem>>, vector<1x16xf32>,
        %get3A_299 = vector.shape_cast %get3A_298 : vector<1x16xf32> to vector<16xf32>
        %max3A_300 = arith.maximumf %get3A_293, %get3A_299 : vector<16xf32>
        %add3A_301 = arith.constant 2 : i32
        %add3A_302 = arith.addi %mul3A_58, %add3A_301 : i32
        %get3A_303 = arith.index_cast %add3A_302 : i32 to index
        %get3A_304 = arith.constant 32 : index
        %get3A_305 = tpu.vector_load %arg6[%get3A_303, %get3A_304] {strides = array<i32>} : memref<128x256xf32, #tpu.memory_space<vmem>>, vector<1x16xf32>,
        %get3A_306 = vector.shape_cast %get3A_305 : vector<1x16xf32> to vector<16xf32>
        %max3A_307 = arith.maximumf %max3A_300, %get3A_306 : vector<16xf32>
        %add3A_308 = arith.constant 3 : i32
        %add3A_309 = arith.addi %mul3A_58, %add3A_308 : i32
        %get3A_310 = arith.index_cast %add3A_309 : i32 to index
        %get3A_311 = arith.constant 32 : index
        %get3A_312 = tpu.vector_load %arg6[%get3A_310, %get3A_311] {strides = array<i32>} : memref<128x256xf32, #tpu.memory_space<vmem>>, vector<1x16xf32>,
        %get3A_313 = vector.shape_cast %get3A_312 : vector<1x16xf32> to vector<16xf32>
        %max3A_314 = arith.maximumf %max3A_307, %get3A_313 : vector<16xf32>
        %add3A_315 = arith.constant 4 : i32
        %add3A_316 = arith.addi %mul3A_58, %add3A_315 : i32
        %get3A_317 = arith.index_cast %add3A_316 : i32 to index
        %get3A_318 = arith.constant 32 : index
        %get3A_319 = tpu.vector_load %arg6[%get3A_317, %get3A_318] {strides = array<i32>} : memref<128x256xf32, #tpu.memory_space<vmem>>, vector<1x16xf32>,
        %get3A_320 = vector.shape_cast %get3A_319 : vector<1x16xf32> to vector<16xf32>
        %max3A_321 = arith.maximumf %max3A_314, %get3A_320 : vector<16xf32>
        %add3A_322 = arith.constant 5 : i32
        %add3A_323 = arith.addi %mul3A_58, %add3A_322 : i32
        %get3A_324 = arith.index_cast %add3A_323 : i32 to index
        %get3A_325 = arith.constant 32 : index
        %get3A_326 = tpu.vector_load %arg6[%get3A_324, %get3A_325] {strides = array<i32>} : memref<128x256xf32, #tpu.memory_space<vmem>>, vector<1x16xf32>,
        %get3A_327 = vector.shape_cast %get3A_326 : vector<1x16xf32> to vector<16xf32>
        %max3A_328 = arith.maximumf %max3A_321, %get3A_327 : vector<16xf32>
        %add3A_329 = arith.constant 6 : i32
        %add3A_330 = arith.addi %mul3A_58, %add3A_329 : i32
        %get3A_331 = arith.index_cast %add3A_330 : i32 to index
        %get3A_332 = arith.constant 32 : index
        %get3A_333 = tpu.vector_load %arg6[%get3A_331, %get3A_332] {strides = array<i32>} : memref<128x256xf32, #tpu.memory_space<vmem>>, vector<1x16xf32>,
        %get3A_334 = vector.shape_cast %get3A_333 : vector<1x16xf32> to vector<16xf32>
        %max3A_335 = arith.maximumf %max3A_328, %get3A_334 : vector<16xf32>
        %add3A_336 = arith.constant 7 : i32
        %add3A_337 = arith.addi %mul3A_58, %add3A_336 : i32
        %get3A_338 = arith.index_cast %add3A_337 : i32 to index
        %get3A_339 = arith.constant 32 : index
        %get3A_340 = tpu.vector_load %arg6[%get3A_338, %get3A_339] {strides = array<i32>} : memref<128x256xf32, #tpu.memory_space<vmem>>, vector<1x16xf32>,
        %get3A_341 = vector.shape_cast %get3A_340 : vector<1x16xf32> to vector<16xf32>
        %max3A_342 = arith.maximumf %max3A_335, %get3A_341 : vector<16xf32>
        %add3A_343 = arith.constant 8 : i32
        %add3A_344 = arith.addi %mul3A_58, %add3A_343 : i32
        %get3A_345 = arith.index_cast %add3A_344 : i32 to index
        %get3A_346 = arith.constant 32 : index
        %get3A_347 = tpu.vector_load %arg6[%get3A_345, %get3A_346] {strides = array<i32>} : memref<128x256xf32, #tpu.memory_space<vmem>>, vector<1x16xf32>,
        %get3A_348 = vector.shape_cast %get3A_347 : vector<1x16xf32> to vector<16xf32>
        %max3A_349 = arith.maximumf %max3A_342, %get3A_348 : vector<16xf32>
        %add3A_350 = arith.constant 9 : i32
        %add3A_351 = arith.addi %mul3A_58, %add3A_350 : i32
        %get3A_352 = arith.index_cast %add3A_351 : i32 to index
        %get3A_353 = arith.constant 32 : index
        %get3A_354 = tpu.vector_load %arg6[%get3A_352, %get3A_353] {strides = array<i32>} : memref<128x256xf32, #tpu.memory_space<vmem>>, vector<1x16xf32>,
        %get3A_355 = vector.shape_cast %get3A_354 : vector<1x16xf32> to vector<16xf32>
        %max3A_356 = arith.maximumf %max3A_349, %get3A_355 : vector<16xf32>
        %add3A_357 = arith.constant 10 : i32
        %add3A_358 = arith.addi %mul3A_58, %add3A_357 : i32
        %get3A_359 = arith.index_cast %add3A_358 : i32 to index
        %get3A_360 = arith.constant 32 : index
        %get3A_361 = tpu.vector_load %arg6[%get3A_359, %get3A_360] {strides = array<i32>} : memref<128x256xf32, #tpu.memory_space<vmem>>, vector<1x16xf32>,
        %get3A_362 = vector.shape_cast %get3A_361 : vector<1x16xf32> to vector<16xf32>
        %max3A_363 = arith.maximumf %max3A_356, %get3A_362 : vector<16xf32>
        %add3A_364 = arith.constant 11 : i32
        %add3A_365 = arith.addi %mul3A_58, %add3A_364 : i32
        %get3A_366 = arith.index_cast %add3A_365 : i32 to index
        %get3A_367 = arith.constant 32 : index
        %get3A_368 = tpu.vector_load %arg6[%get3A_366, %get3A_367] {strides = array<i32>} : memref<128x256xf32, #tpu.memory_space<vmem>>, vector<1x16xf32>,
        %get3A_369 = vector.shape_cast %get3A_368 : vector<1x16xf32> to vector<16xf32>
        %max3A_370 = arith.maximumf %max3A_363, %get3A_369 : vector<16xf32>
        %add3A_371 = arith.constant 12 : i32
        %add3A_372 = arith.addi %mul3A_58, %add3A_371 : i32
        %get3A_373 = arith.index_cast %add3A_372 : i32 to index
        %get3A_374 = arith.constant 32 : index
        %get3A_375 = tpu.vector_load %arg6[%get3A_373, %get3A_374] {strides = array<i32>} : memref<128x256xf32, #tpu.memory_space<vmem>>, vector<1x16xf32>,
        %get3A_376 = vector.shape_cast %get3A_375 : vector<1x16xf32> to vector<16xf32>
        %max3A_377 = arith.maximumf %max3A_370, %get3A_376 : vector<16xf32>
        %add3A_378 = arith.constant 13 : i32
        %add3A_379 = arith.addi %mul3A_58, %add3A_378 : i32
        %get3A_380 = arith.index_cast %add3A_379 : i32 to index
        %get3A_381 = arith.constant 32 : index
        %get3A_382 = tpu.vector_load %arg6[%get3A_380, %get3A_381] {strides = array<i32>} : memref<128x256xf32, #tpu.memory_space<vmem>>, vector<1x16xf32>,
        %get3A_383 = vector.shape_cast %get3A_382 : vector<1x16xf32> to vector<16xf32>
        %max3A_384 = arith.maximumf %max3A_377, %get3A_383 : vector<16xf32>
        %add3A_385 = arith.constant 14 : i32
        %add3A_386 = arith.addi %mul3A_58, %add3A_385 : i32
        %get3A_387 = arith.index_cast %add3A_386 : i32 to index
        %get3A_388 = arith.constant 32 : index
        %get3A_389 = tpu.vector_load %arg6[%get3A_387, %get3A_388] {strides = array<i32>} : memref<128x256xf32, #tpu.memory_space<vmem>>, vector<1x16xf32>,
        %get3A_390 = vector.shape_cast %get3A_389 : vector<1x16xf32> to vector<16xf32>
        %max3A_391 = arith.maximumf %max3A_384, %get3A_390 : vector<16xf32>
        %add3A_392 = arith.constant 15 : i32
        %add3A_393 = arith.addi %mul3A_58, %add3A_392 : i32
        %get3A_394 = arith.index_cast %add3A_393 : i32 to index
        %get3A_395 = arith.constant 32 : index
        %get3A_396 = tpu.vector_load %arg6[%get3A_394, %get3A_395] {strides = array<i32>} : memref<128x256xf32, #tpu.memory_space<vmem>>, vector<1x16xf32>,
        %get3A_397 = vector.shape_cast %get3A_396 : vector<1x16xf32> to vector<16xf32>
        %max3A_398 = arith.maximumf %max3A_391, %get3A_397 : vector<16xf32>
        %mul3A_399 = arith.constant 8 : i32
        %mul3A_400 = arith.muli %mul3A_17, %mul3A_399 : i32
        %add3A_401 = arith.addi %mul3A_400, %scan3A_56 : i32
        %swap3A_402 = arith.index_cast %add3A_401 : i32 to index
        %swap3A_403 = arith.constant 32 : index
        %swap3A_404 = tpu.vector_load %arg8[%swap3A_402, %swap3A_403] {strides = array<i32>} : memref<128x256xf32, #tpu.memory_space<vmem>>, vector<1x16xf32>,
        %swap3A_405 = vector.shape_cast %swap3A_404 : vector<1x16xf32> to vector<16xf32>
        %swap3A_406 = vector.shape_cast %max3A_398 : vector<16xf32> to vector<1x16xf32>
        tpu.vector_store %arg8[%swap3A_402, %swap3A_403], %swap3A_406 {strides = array<i32>} : memref<128x256xf32, #tpu.memory_space<vmem>>, vector<1x16xf32>,
        %get3A_407 = arith.index_cast %mul3A_58 : i32 to index
        %get3A_408 = arith.constant 48 : index
        %get3A_409 = tpu.vector_load %arg6[%get3A_407, %get3A_408] {strides = array<i32>} : memref<128x256xf32, #tpu.memory_space<vmem>>, vector<1x16xf32>,
        %get3A_410 = vector.shape_cast %get3A_409 : vector<1x16xf32> to vector<16xf32>
        %add3A_411 = arith.constant 1 : i32
        %add3A_412 = arith.addi %mul3A_58, %add3A_411 : i32
        %get3A_413 = arith.index_cast %add3A_412 : i32 to index
        %get3A_414 = arith.constant 48 : index
        %get3A_415 = tpu.vector_load %arg6[%get3A_413, %get3A_414] {strides = array<i32>} : memref<128x256xf32, #tpu.memory_space<vmem>>, vector<1x16xf32>,
        %get3A_416 = vector.shape_cast %get3A_415 : vector<1x16xf32> to vector<16xf32>
        %max3A_417 = arith.maximumf %get3A_410, %get3A_416 : vector<16xf32>
        %add3A_418 = arith.constant 2 : i32
        %add3A_419 = arith.addi %mul3A_58, %add3A_418 : i32
        %get3A_420 = arith.index_cast %add3A_419 : i32 to index
        %get3A_421 = arith.constant 48 : index
        %get3A_422 = tpu.vector_load %arg6[%get3A_420, %get3A_421] {strides = array<i32>} : memref<128x256xf32, #tpu.memory_space<vmem>>, vector<1x16xf32>,
        %get3A_423 = vector.shape_cast %get3A_422 : vector<1x16xf32> to vector<16xf32>
        %max3A_424 = arith.maximumf %max3A_417, %get3A_423 : vector<16xf32>
        %add3A_425 = arith.constant 3 : i32
        %add3A_426 = arith.addi %mul3A_58, %add3A_425 : i32
        %get3A_427 = arith.index_cast %add3A_426 : i32 to index
        %get3A_428 = arith.constant 48 : index
        %get3A_429 = tpu.vector_load %arg6[%get3A_427, %get3A_428] {strides = array<i32>} : memref<128x256xf32, #tpu.memory_space<vmem>>, vector<1x16xf32>,
        %get3A_430 = vector.shape_cast %get3A_429 : vector<1x16xf32> to vector<16xf32>
        %max3A_431 = arith.maximumf %max3A_424, %get3A_430 : vector<16xf32>
        %add3A_432 = arith.constant 4 : i32
        %add3A_433 = arith.addi %mul3A_58, %add3A_432 : i32
        %get3A_434 = arith.index_cast %add3A_433 : i32 to index
        %get3A_435 = arith.constant 48 : index
        %get3A_436 = tpu.vector_load %arg6[%get3A_434, %get3A_435] {strides = array<i32>} : memref<128x256xf32, #tpu.memory_space<vmem>>, vector<1x16xf32>,
        %get3A_437 = vector.shape_cast %get3A_436 : vector<1x16xf32> to vector<16xf32>
        %max3A_438 = arith.maximumf %max3A_431, %get3A_437 : vector<16xf32>
        %add3A_439 = arith.constant 5 : i32
        %add3A_440 = arith.addi %mul3A_58, %add3A_439 : i32
        %get3A_441 = arith.index_cast %add3A_440 : i32 to index
        %get3A_442 = arith.constant 48 : index
        %get3A_443 = tpu.vector_load %arg6[%get3A_441, %get3A_442] {strides = array<i32>} : memref<128x256xf32, #tpu.memory_space<vmem>>, vector<1x16xf32>,
        %get3A_444 = vector.shape_cast %get3A_443 : vector<1x16xf32> to vector<16xf32>
        %max3A_445 = arith.maximumf %max3A_438, %get3A_444 : vector<16xf32>
        %add3A_446 = arith.constant 6 : i32
        %add3A_447 = arith.addi %mul3A_58, %add3A_446 : i32
        %get3A_448 = arith.index_cast %add3A_447 : i32 to index
        %get3A_449 = arith.constant 48 : index
        %get3A_450 = tpu.vector_load %arg6[%get3A_448, %get3A_449] {strides = array<i32>} : memref<128x256xf32, #tpu.memory_space<vmem>>, vector<1x16xf32>,
        %get3A_451 = vector.shape_cast %get3A_450 : vector<1x16xf32> to vector<16xf32>
        %max3A_452 = arith.maximumf %max3A_445, %get3A_451 : vector<16xf32>
        %add3A_453 = arith.constant 7 : i32
        %add3A_454 = arith.addi %mul3A_58, %add3A_453 : i32
        %get3A_455 = arith.index_cast %add3A_454 : i32 to index
        %get3A_456 = arith.constant 48 : index
        %get3A_457 = tpu.vector_load %arg6[%get3A_455, %get3A_456] {strides = array<i32>} : memref<128x256xf32, #tpu.memory_space<vmem>>, vector<1x16xf32>,
        %get3A_458 = vector.shape_cast %get3A_457 : vector<1x16xf32> to vector<16xf32>
        %max3A_459 = arith.maximumf %max3A_452, %get3A_458 : vector<16xf32>
        %add3A_460 = arith.constant 8 : i32
        %add3A_461 = arith.addi %mul3A_58, %add3A_460 : i32
        %get3A_462 = arith.index_cast %add3A_461 : i32 to index
        %get3A_463 = arith.constant 48 : index
        %get3A_464 = tpu.vector_load %arg6[%get3A_462, %get3A_463] {strides = array<i32>} : memref<128x256xf32, #tpu.memory_space<vmem>>, vector<1x16xf32>,
        %get3A_465 = vector.shape_cast %get3A_464 : vector<1x16xf32> to vector<16xf32>
        %max3A_466 = arith.maximumf %max3A_459, %get3A_465 : vector<16xf32>
        %add3A_467 = arith.constant 9 : i32
        %add3A_468 = arith.addi %mul3A_58, %add3A_467 : i32
        %get3A_469 = arith.index_cast %add3A_468 : i32 to index
        %get3A_470 = arith.constant 48 : index
        %get3A_471 = tpu.vector_load %arg6[%get3A_469, %get3A_470] {strides = array<i32>} : memref<128x256xf32, #tpu.memory_space<vmem>>, vector<1x16xf32>,
        %get3A_472 = vector.shape_cast %get3A_471 : vector<1x16xf32> to vector<16xf32>
        %max3A_473 = arith.maximumf %max3A_466, %get3A_472 : vector<16xf32>
        %add3A_474 = arith.constant 10 : i32
        %add3A_475 = arith.addi %mul3A_58, %add3A_474 : i32
        %get3A_476 = arith.index_cast %add3A_475 : i32 to index
        %get3A_477 = arith.constant 48 : index
        %get3A_478 = tpu.vector_load %arg6[%get3A_476, %get3A_477] {strides = array<i32>} : memref<128x256xf32, #tpu.memory_space<vmem>>, vector<1x16xf32>,
        %get3A_479 = vector.shape_cast %get3A_478 : vector<1x16xf32> to vector<16xf32>
        %max3A_480 = arith.maximumf %max3A_473, %get3A_479 : vector<16xf32>
        %add3A_481 = arith.constant 11 : i32
        %add3A_482 = arith.addi %mul3A_58, %add3A_481 : i32
        %get3A_483 = arith.index_cast %add3A_482 : i32 to index
        %get3A_484 = arith.constant 48 : index
        %get3A_485 = tpu.vector_load %arg6[%get3A_483, %get3A_484] {strides = array<i32>} : memref<128x256xf32, #tpu.memory_space<vmem>>, vector<1x16xf32>,
        %get3A_486 = vector.shape_cast %get3A_485 : vector<1x16xf32> to vector<16xf32>
        %max3A_487 = arith.maximumf %max3A_480, %get3A_486 : vector<16xf32>
        %add3A_488 = arith.constant 12 : i32
        %add3A_489 = arith.addi %mul3A_58, %add3A_488 : i32
        %get3A_490 = arith.index_cast %add3A_489 : i32 to index
        %get3A_491 = arith.constant 48 : index
        %get3A_492 = tpu.vector_load %arg6[%get3A_490, %get3A_491] {strides = array<i32>} : memref<128x256xf32, #tpu.memory_space<vmem>>, vector<1x16xf32>,
        %get3A_493 = vector.shape_cast %get3A_492 : vector<1x16xf32> to vector<16xf32>
        %max3A_494 = arith.maximumf %max3A_487, %get3A_493 : vector<16xf32>
        %add3A_495 = arith.constant 13 : i32
        %add3A_496 = arith.addi %mul3A_58, %add3A_495 : i32
        %get3A_497 = arith.index_cast %add3A_496 : i32 to index
        %get3A_498 = arith.constant 48 : index
        %get3A_499 = tpu.vector_load %arg6[%get3A_497, %get3A_498] {strides = array<i32>} : memref<128x256xf32, #tpu.memory_space<vmem>>, vector<1x16xf32>,
        %get3A_500 = vector.shape_cast %get3A_499 : vector<1x16xf32> to vector<16xf32>
        %max3A_501 = arith.maximumf %max3A_494, %get3A_500 : vector<16xf32>
        %add3A_502 = arith.constant 14 : i32
        %add3A_503 = arith.addi %mul3A_58, %add3A_502 : i32
        %get3A_504 = arith.index_cast %add3A_503 : i32 to index
        %get3A_505 = arith.constant 48 : index
        %get3A_506 = tpu.vector_load %arg6[%get3A_504, %get3A_505] {strides = array<i32>} : memref<128x256xf32, #tpu.memory_space<vmem>>, vector<1x16xf32>,
        %get3A_507 = vector.shape_cast %get3A_506 : vector<1x16xf32> to vector<16xf32>
        %max3A_508 = arith.maximumf %max3A_501, %get3A_507 : vector<16xf32>
        %add3A_509 = arith.constant 15 : i32
        %add3A_510 = arith.addi %mul3A_58, %add3A_509 : i32
        %get3A_511 = arith.index_cast %add3A_510 : i32 to index
        %get3A_512 = arith.constant 48 : index
        %get3A_513 = tpu.vector_load %arg6[%get3A_511, %get3A_512] {strides = array<i32>} : memref<128x256xf32, #tpu.memory_space<vmem>>, vector<1x16xf32>,
        %get3A_514 = vector.shape_cast %get3A_513 : vector<1x16xf32> to vector<16xf32>
        %max3A_515 = arith.maximumf %max3A_508, %get3A_514 : vector<16xf32>
        %mul3A_516 = arith.constant 8 : i32
        %mul3A_517 = arith.muli %mul3A_17, %mul3A_516 : i32
        %add3A_518 = arith.addi %mul3A_517, %scan3A_56 : i32
        %swap3A_519 = arith.index_cast %add3A_518 : i32 to index
        %swap3A_520 = arith.constant 48 : index
        %swap3A_521 = tpu.vector_load %arg8[%swap3A_519, %swap3A_520] {strides = array<i32>} : memref<128x256xf32, #tpu.memory_space<vmem>>, vector<1x16xf32>,
        %swap3A_522 = vector.shape_cast %swap3A_521 : vector<1x16xf32> to vector<16xf32>
        %swap3A_523 = vector.shape_cast %max3A_515 : vector<16xf32> to vector<1x16xf32>
        tpu.vector_store %arg8[%swap3A_519, %swap3A_520], %swap3A_523 {strides = array<i32>} : memref<128x256xf32, #tpu.memory_space<vmem>>, vector<1x16xf32>,
        %get3A_524 = arith.index_cast %mul3A_58 : i32 to index
        %get3A_525 = arith.constant 64 : index
        %get3A_526 = tpu.vector_load %arg6[%get3A_524, %get3A_525] {strides = array<i32>} : memref<128x256xf32, #tpu.memory_space<vmem>>, vector<1x16xf32>,
        %get3A_527 = vector.shape_cast %get3A_526 : vector<1x16xf32> to vector<16xf32>
        %add3A_528 = arith.constant 1 : i32
        %add3A_529 = arith.addi %mul3A_58, %add3A_528 : i32
        %get3A_530 = arith.index_cast %add3A_529 : i32 to index
        %get3A_531 = arith.constant 64 : index
        %get3A_532 = tpu.vector_load %arg6[%get3A_530, %get3A_531] {strides = array<i32>} : memref<128x256xf32, #tpu.memory_space<vmem>>, vector<1x16xf32>,
        %get3A_533 = vector.shape_cast %get3A_532 : vector<1x16xf32> to vector<16xf32>
        %max3A_534 = arith.maximumf %get3A_527, %get3A_533 : vector<16xf32>
        %add3A_535 = arith.constant 2 : i32
        %add3A_536 = arith.addi %mul3A_58, %add3A_535 : i32
        %get3A_537 = arith.index_cast %add3A_536 : i32 to index
        %get3A_538 = arith.constant 64 : index
        %get3A_539 = tpu.vector_load %arg6[%get3A_537, %get3A_538] {strides = array<i32>} : memref<128x256xf32, #tpu.memory_space<vmem>>, vector<1x16xf32>,
        %get3A_540 = vector.shape_cast %get3A_539 : vector<1x16xf32> to vector<16xf32>
        %max3A_541 = arith.maximumf %max3A_534, %get3A_540 : vector<16xf32>
        %add3A_542 = arith.constant 3 : i32
        %add3A_543 = arith.addi %mul3A_58, %add3A_542 : i32
        %get3A_544 = arith.index_cast %add3A_543 : i32 to index
        %get3A_545 = arith.constant 64 : index
        %get3A_546 = tpu.vector_load %arg6[%get3A_544, %get3A_545] {strides = array<i32>} : memref<128x256xf32, #tpu.memory_space<vmem>>, vector<1x16xf32>,
        %get3A_547 = vector.shape_cast %get3A_546 : vector<1x16xf32> to vector<16xf32>
        %max3A_548 = arith.maximumf %max3A_541, %get3A_547 : vector<16xf32>
        %add3A_549 = arith.constant 4 : i32
        %add3A_550 = arith.addi %mul3A_58, %add3A_549 : i32
        %get3A_551 = arith.index_cast %add3A_550 : i32 to index
        %get3A_552 = arith.constant 64 : index
        %get3A_553 = tpu.vector_load %arg6[%get3A_551, %get3A_552] {strides = array<i32>} : memref<128x256xf32, #tpu.memory_space<vmem>>, vector<1x16xf32>,
        %get3A_554 = vector.shape_cast %get3A_553 : vector<1x16xf32> to vector<16xf32>
        %max3A_555 = arith.maximumf %max3A_548, %get3A_554 : vector<16xf32>
        %add3A_556 = arith.constant 5 : i32
        %add3A_557 = arith.addi %mul3A_58, %add3A_556 : i32
        %get3A_558 = arith.index_cast %add3A_557 : i32 to index
        %get3A_559 = arith.constant 64 : index
        %get3A_560 = tpu.vector_load %arg6[%get3A_558, %get3A_559] {strides = array<i32>} : memref<128x256xf32, #tpu.memory_space<vmem>>, vector<1x16xf32>,
        %get3A_561 = vector.shape_cast %get3A_560 : vector<1x16xf32> to vector<16xf32>
        %max3A_562 = arith.maximumf %max3A_555, %get3A_561 : vector<16xf32>
        %add3A_563 = arith.constant 6 : i32
        %add3A_564 = arith.addi %mul3A_58, %add3A_563 : i32
        %get3A_565 = arith.index_cast %add3A_564 : i32 to index
        %get3A_566 = arith.constant 64 : index
        %get3A_567 = tpu.vector_load %arg6[%get3A_565, %get3A_566] {strides = array<i32>} : memref<128x256xf32, #tpu.memory_space<vmem>>, vector<1x16xf32>,
        %get3A_568 = vector.shape_cast %get3A_567 : vector<1x16xf32> to vector<16xf32>
        %max3A_569 = arith.maximumf %max3A_562, %get3A_568 : vector<16xf32>
        %add3A_570 = arith.constant 7 : i32
        %add3A_571 = arith.addi %mul3A_58, %add3A_570 : i32
        %get3A_572 = arith.index_cast %add3A_571 : i32 to index
        %get3A_573 = arith.constant 64 : index
        %get3A_574 = tpu.vector_load %arg6[%get3A_572, %get3A_573] {strides = array<i32>} : memref<128x256xf32, #tpu.memory_space<vmem>>, vector<1x16xf32>,
        %get3A_575 = vector.shape_cast %get3A_574 : vector<1x16xf32> to vector<16xf32>
        %max3A_576 = arith.maximumf %max3A_569, %get3A_575 : vector<16xf32>
        %add3A_577 = arith.constant 8 : i32
        %add3A_578 = arith.addi %mul3A_58, %add3A_577 : i32
        %get3A_579 = arith.index_cast %add3A_578 : i32 to index
        %get3A_580 = arith.constant 64 : index
        %get3A_581 = tpu.vector_load %arg6[%get3A_579, %get3A_580] {strides = array<i32>} : memref<128x256xf32, #tpu.memory_space<vmem>>, vector<1x16xf32>,
        %get3A_582 = vector.shape_cast %get3A_581 : vector<1x16xf32> to vector<16xf32>
        %max3A_583 = arith.maximumf %max3A_576, %get3A_582 : vector<16xf32>
        %add3A_584 = arith.constant 9 : i32
        %add3A_585 = arith.addi %mul3A_58, %add3A_584 : i32
        %get3A_586 = arith.index_cast %add3A_585 : i32 to index
        %get3A_587 = arith.constant 64 : index
        %get3A_588 = tpu.vector_load %arg6[%get3A_586, %get3A_587] {strides = array<i32>} : memref<128x256xf32, #tpu.memory_space<vmem>>, vector<1x16xf32>,
        %get3A_589 = vector.shape_cast %get3A_588 : vector<1x16xf32> to vector<16xf32>
        %max3A_590 = arith.maximumf %max3A_583, %get3A_589 : vector<16xf32>
        %add3A_591 = arith.constant 10 : i32
        %add3A_592 = arith.addi %mul3A_58, %add3A_591 : i32
        %get3A_593 = arith.index_cast %add3A_592 : i32 to index
        %get3A_594 = arith.constant 64 : index
        %get3A_595 = tpu.vector_load %arg6[%get3A_593, %get3A_594] {strides = array<i32>} : memref<128x256xf32, #tpu.memory_space<vmem>>, vector<1x16xf32>,
        %get3A_596 = vector.shape_cast %get3A_595 : vector<1x16xf32> to vector<16xf32>
        %max3A_597 = arith.maximumf %max3A_590, %get3A_596 : vector<16xf32>
        %add3A_598 = arith.constant 11 : i32
        %add3A_599 = arith.addi %mul3A_58, %add3A_598 : i32
        %get3A_600 = arith.index_cast %add3A_599 : i32 to index
        %get3A_601 = arith.constant 64 : index
        %get3A_602 = tpu.vector_load %arg6[%get3A_600, %get3A_601] {strides = array<i32>} : memref<128x256xf32, #tpu.memory_space<vmem>>, vector<1x16xf32>,
        %get3A_603 = vector.shape_cast %get3A_602 : vector<1x16xf32> to vector<16xf32>
        %max3A_604 = arith.maximumf %max3A_597, %get3A_603 : vector<16xf32>
        %add3A_605 = arith.constant 12 : i32
        %add3A_606 = arith.addi %mul3A_58, %add3A_605 : i32
        %get3A_607 = arith.index_cast %add3A_606 : i32 to index
        %get3A_608 = arith.constant 64 : index
        %get3A_609 = tpu.vector_load %arg6[%get3A_607, %get3A_608] {strides = array<i32>} : memref<128x256xf32, #tpu.memory_space<vmem>>, vector<1x16xf32>,
        %get3A_610 = vector.shape_cast %get3A_609 : vector<1x16xf32> to vector<16xf32>
        %max3A_611 = arith.maximumf %max3A_604, %get3A_610 : vector<16xf32>
        %add3A_612 = arith.constant 13 : i32
        %add3A_613 = arith.addi %mul3A_58, %add3A_612 : i32
        %get3A_614 = arith.index_cast %add3A_613 : i32 to index
        %get3A_615 = arith.constant 64 : index
        %get3A_616 = tpu.vector_load %arg6[%get3A_614, %get3A_615] {strides = array<i32>} : memref<128x256xf32, #tpu.memory_space<vmem>>, vector<1x16xf32>,
        %get3A_617 = vector.shape_cast %get3A_616 : vector<1x16xf32> to vector<16xf32>
        %max3A_618 = arith.maximumf %max3A_611, %get3A_617 : vector<16xf32>
        %add3A_619 = arith.constant 14 : i32
        %add3A_620 = arith.addi %mul3A_58, %add3A_619 : i32
        %get3A_621 = arith.index_cast %add3A_620 : i32 to index
        %get3A_622 = arith.constant 64 : index
        %get3A_623 = tpu.vector_load %arg6[%get3A_621, %get3A_622] {strides = array<i32>} : memref<128x256xf32, #tpu.memory_space<vmem>>, vector<1x16xf32>,
        %get3A_624 = vector.shape_cast %get3A_623 : vector<1x16xf32> to vector<16xf32>
        %max3A_625 = arith.maximumf %max3A_618, %get3A_624 : vector<16xf32>
        %add3A_626 = arith.constant 15 : i32
        %add3A_627 = arith.addi %mul3A_58, %add3A_626 : i32
        %get3A_628 = arith.index_cast %add3A_627 : i32 to index
        %get3A_629 = arith.constant 64 : index
        %get3A_630 = tpu.vector_load %arg6[%get3A_628, %get3A_629] {strides = array<i32>} : memref<128x256xf32, #tpu.memory_space<vmem>>, vector<1x16xf32>,
        %get3A_631 = vector.shape_cast %get3A_630 : vector<1x16xf32> to vector<16xf32>
        %max3A_632 = arith.maximumf %max3A_625, %get3A_631 : vector<16xf32>
        %mul3A_633 = arith.constant 8 : i32
        %mul3A_634 = arith.muli %mul3A_17, %mul3A_633 : i32
        %add3A_635 = arith.addi %mul3A_634, %scan3A_56 : i32
        %swap3A_636 = arith.index_cast %add3A_635 : i32 to index
        %swap3A_637 = arith.constant 64 : index
        %swap3A_638 = tpu.vector_load %arg8[%swap3A_636, %swap3A_637] {strides = array<i32>} : memref<128x256xf32, #tpu.memory_space<vmem>>, vector<1x16xf32>,
        %swap3A_639 = vector.shape_cast %swap3A_638 : vector<1x16xf32> to vector<16xf32>
        %swap3A_640 = vector.shape_cast %max3A_632 : vector<16xf32> to vector<1x16xf32>
        tpu.vector_store %arg8[%swap3A_636, %swap3A_637], %swap3A_640 {strides = array<i32>} : memref<128x256xf32, #tpu.memory_space<vmem>>, vector<1x16xf32>,
        %get3A_641 = arith.index_cast %mul3A_58 : i32 to index
        %get3A_642 = arith.constant 80 : index
        %get3A_643 = tpu.vector_load %arg6[%get3A_641, %get3A_642] {strides = array<i32>} : memref<128x256xf32, #tpu.memory_space<vmem>>, vector<1x16xf32>,
        %get3A_644 = vector.shape_cast %get3A_643 : vector<1x16xf32> to vector<16xf32>
        %add3A_645 = arith.constant 1 : i32
        %add3A_646 = arith.addi %mul3A_58, %add3A_645 : i32
        %get3A_647 = arith.index_cast %add3A_646 : i32 to index
        %get3A_648 = arith.constant 80 : index
        %get3A_649 = tpu.vector_load %arg6[%get3A_647, %get3A_648] {strides = array<i32>} : memref<128x256xf32, #tpu.memory_space<vmem>>, vector<1x16xf32>,
        %get3A_650 = vector.shape_cast %get3A_649 : vector<1x16xf32> to vector<16xf32>
        %max3A_651 = arith.maximumf %get3A_644, %get3A_650 : vector<16xf32>
        %add3A_652 = arith.constant 2 : i32
        %add3A_653 = arith.addi %mul3A_58, %add3A_652 : i32
        %get3A_654 = arith.index_cast %add3A_653 : i32 to index
        %get3A_655 = arith.constant 80 : index
        %get3A_656 = tpu.vector_load %arg6[%get3A_654, %get3A_655] {strides = array<i32>} : memref<128x256xf32, #tpu.memory_space<vmem>>, vector<1x16xf32>,
        %get3A_657 = vector.shape_cast %get3A_656 : vector<1x16xf32> to vector<16xf32>
        %max3A_658 = arith.maximumf %max3A_651, %get3A_657 : vector<16xf32>
        %add3A_659 = arith.constant 3 : i32
        %add3A_660 = arith.addi %mul3A_58, %add3A_659 : i32
        %get3A_661 = arith.index_cast %add3A_660 : i32 to index
        %get3A_662 = arith.constant 80 : index
        %get3A_663 = tpu.vector_load %arg6[%get3A_661, %get3A_662] {strides = array<i32>} : memref<128x256xf32, #tpu.memory_space<vmem>>, vector<1x16xf32>,
        %get3A_664 = vector.shape_cast %get3A_663 : vector<1x16xf32> to vector<16xf32>
        %max3A_665 = arith.maximumf %max3A_658, %get3A_664 : vector<16xf32>
        %add3A_666 = arith.constant 4 : i32
        %add3A_667 = arith.addi %mul3A_58, %add3A_666 : i32
        %get3A_668 = arith.index_cast %add3A_667 : i32 to index
        %get3A_669 = arith.constant 80 : index
        %get3A_670 = tpu.vector_load %arg6[%get3A_668, %get3A_669] {strides = array<i32>} : memref<128x256xf32, #tpu.memory_space<vmem>>, vector<1x16xf32>,
        %get3A_671 = vector.shape_cast %get3A_670 : vector<1x16xf32> to vector<16xf32>
        %max3A_672 = arith.maximumf %max3A_665, %get3A_671 : vector<16xf32>
        %add3A_673 = arith.constant 5 : i32
        %add3A_674 = arith.addi %mul3A_58, %add3A_673 : i32
        %get3A_675 = arith.index_cast %add3A_674 : i32 to index
        %get3A_676 = arith.constant 80 : index
        %get3A_677 = tpu.vector_load %arg6[%get3A_675, %get3A_676] {strides = array<i32>} : memref<128x256xf32, #tpu.memory_space<vmem>>, vector<1x16xf32>,
        %get3A_678 = vector.shape_cast %get3A_677 : vector<1x16xf32> to vector<16xf32>
        %max3A_679 = arith.maximumf %max3A_672, %get3A_678 : vector<16xf32>
        %add3A_680 = arith.constant 6 : i32
        %add3A_681 = arith.addi %mul3A_58, %add3A_680 : i32
        %get3A_682 = arith.index_cast %add3A_681 : i32 to index
        %get3A_683 = arith.constant 80 : index
        %get3A_684 = tpu.vector_load %arg6[%get3A_682, %get3A_683] {strides = array<i32>} : memref<128x256xf32, #tpu.memory_space<vmem>>, vector<1x16xf32>,
        %get3A_685 = vector.shape_cast %get3A_684 : vector<1x16xf32> to vector<16xf32>
        %max3A_686 = arith.maximumf %max3A_679, %get3A_685 : vector<16xf32>
        %add3A_687 = arith.constant 7 : i32
        %add3A_688 = arith.addi %mul3A_58, %add3A_687 : i32
        %get3A_689 = arith.index_cast %add3A_688 : i32 to index
        %get3A_690 = arith.constant 80 : index
        %get3A_691 = tpu.vector_load %arg6[%get3A_689, %get3A_690] {strides = array<i32>} : memref<128x256xf32, #tpu.memory_space<vmem>>, vector<1x16xf32>,
        %get3A_692 = vector.shape_cast %get3A_691 : vector<1x16xf32> to vector<16xf32>
        %max3A_693 = arith.maximumf %max3A_686, %get3A_692 : vector<16xf32>
        %add3A_694 = arith.constant 8 : i32
        %add3A_695 = arith.addi %mul3A_58, %add3A_694 : i32
        %get3A_696 = arith.index_cast %add3A_695 : i32 to index
        %get3A_697 = arith.constant 80 : index
        %get3A_698 = tpu.vector_load %arg6[%get3A_696, %get3A_697] {strides = array<i32>} : memref<128x256xf32, #tpu.memory_space<vmem>>, vector<1x16xf32>,
        %get3A_699 = vector.shape_cast %get3A_698 : vector<1x16xf32> to vector<16xf32>
        %max3A_700 = arith.maximumf %max3A_693, %get3A_699 : vector<16xf32>
        %add3A_701 = arith.constant 9 : i32
        %add3A_702 = arith.addi %mul3A_58, %add3A_701 : i32
        %get3A_703 = arith.index_cast %add3A_702 : i32 to index
        %get3A_704 = arith.constant 80 : index
        %get3A_705 = tpu.vector_load %arg6[%get3A_703, %get3A_704] {strides = array<i32>} : memref<128x256xf32, #tpu.memory_space<vmem>>, vector<1x16xf32>,
        %get3A_706 = vector.shape_cast %get3A_705 : vector<1x16xf32> to vector<16xf32>
        %max3A_707 = arith.maximumf %max3A_700, %get3A_706 : vector<16xf32>
        %add3A_708 = arith.constant 10 : i32
        %add3A_709 = arith.addi %mul3A_58, %add3A_708 : i32
        %get3A_710 = arith.index_cast %add3A_709 : i32 to index
        %get3A_711 = arith.constant 80 : index
        %get3A_712 = tpu.vector_load %arg6[%get3A_710, %get3A_711] {strides = array<i32>} : memref<128x256xf32, #tpu.memory_space<vmem>>, vector<1x16xf32>,
        %get3A_713 = vector.shape_cast %get3A_712 : vector<1x16xf32> to vector<16xf32>
        %max3A_714 = arith.maximumf %max3A_707, %get3A_713 : vector<16xf32>
        %add3A_715 = arith.constant 11 : i32
        %add3A_716 = arith.addi %mul3A_58, %add3A_715 : i32
        %get3A_717 = arith.index_cast %add3A_716 : i32 to index
        %get3A_718 = arith.constant 80 : index
        %get3A_719 = tpu.vector_load %arg6[%get3A_717, %get3A_718] {strides = array<i32>} : memref<128x256xf32, #tpu.memory_space<vmem>>, vector<1x16xf32>,
        %get3A_720 = vector.shape_cast %get3A_719 : vector<1x16xf32> to vector<16xf32>
        %max3A_721 = arith.maximumf %max3A_714, %get3A_720 : vector<16xf32>
        %add3A_722 = arith.constant 12 : i32
        %add3A_723 = arith.addi %mul3A_58, %add3A_722 : i32
        %get3A_724 = arith.index_cast %add3A_723 : i32 to index
        %get3A_725 = arith.constant 80 : index
        %get3A_726 = tpu.vector_load %arg6[%get3A_724, %get3A_725] {strides = array<i32>} : memref<128x256xf32, #tpu.memory_space<vmem>>, vector<1x16xf32>,
        %get3A_727 = vector.shape_cast %get3A_726 : vector<1x16xf32> to vector<16xf32>
        %max3A_728 = arith.maximumf %max3A_721, %get3A_727 : vector<16xf32>
        %add3A_729 = arith.constant 13 : i32
        %add3A_730 = arith.addi %mul3A_58, %add3A_729 : i32
        %get3A_731 = arith.index_cast %add3A_730 : i32 to index
        %get3A_732 = arith.constant 80 : index
        %get3A_733 = tpu.vector_load %arg6[%get3A_731, %get3A_732] {strides = array<i32>} : memref<128x256xf32, #tpu.memory_space<vmem>>, vector<1x16xf32>,
        %get3A_734 = vector.shape_cast %get3A_733 : vector<1x16xf32> to vector<16xf32>
        %max3A_735 = arith.maximumf %max3A_728, %get3A_734 : vector<16xf32>
        %add3A_736 = arith.constant 14 : i32
        %add3A_737 = arith.addi %mul3A_58, %add3A_736 : i32
        %get3A_738 = arith.index_cast %add3A_737 : i32 to index
        %get3A_739 = arith.constant 80 : index
        %get3A_740 = tpu.vector_load %arg6[%get3A_738, %get3A_739] {strides = array<i32>} : memref<128x256xf32, #tpu.memory_space<vmem>>, vector<1x16xf32>,
        %get3A_741 = vector.shape_cast %get3A_740 : vector<1x16xf32> to vector<16xf32>
        %max3A_742 = arith.maximumf %max3A_735, %get3A_741 : vector<16xf32>
        %add3A_743 = arith.constant 15 : i32
        %add3A_744 = arith.addi %mul3A_58, %add3A_743 : i32
        %get3A_745 = arith.index_cast %add3A_744 : i32 to index
        %get3A_746 = arith.constant 80 : index
        %get3A_747 = tpu.vector_load %arg6[%get3A_745, %get3A_746] {strides = array<i32>} : memref<128x256xf32, #tpu.memory_space<vmem>>, vector<1x16xf32>,
        %get3A_748 = vector.shape_cast %get3A_747 : vector<1x16xf32> to vector<16xf32>
        %max3A_749 = arith.maximumf %max3A_742, %get3A_748 : vector<16xf32>
        %mul3A_750 = arith.constant 8 : i32
        %mul3A_751 = arith.muli %mul3A_17, %mul3A_750 : i32
        %add3A_752 = arith.addi %mul3A_751, %scan3A_56 : i32
        %swap3A_753 = arith.index_cast %add3A_752 : i32 to index
        %swap3A_754 = arith.constant 80 : index
        %swap3A_755 = tpu.vector_load %arg8[%swap3A_753, %swap3A_754] {strides = array<i32>} : memref<128x256xf32, #tpu.memory_space<vmem>>, vector<1x16xf32>,
        %swap3A_756 = vector.shape_cast %swap3A_755 : vector<1x16xf32> to vector<16xf32>
        %swap3A_757 = vector.shape_cast %max3A_749 : vector<16xf32> to vector<1x16xf32>
        tpu.vector_store %arg8[%swap3A_753, %swap3A_754], %swap3A_757 {strides = array<i32>} : memref<128x256xf32, #tpu.memory_space<vmem>>, vector<1x16xf32>,
        %get3A_758 = arith.index_cast %mul3A_58 : i32 to index
        %get3A_759 = arith.constant 96 : index
        %get3A_760 = tpu.vector_load %arg6[%get3A_758, %get3A_759] {strides = array<i32>} : memref<128x256xf32, #tpu.memory_space<vmem>>, vector<1x16xf32>,
        %get3A_761 = vector.shape_cast %get3A_760 : vector<1x16xf32> to vector<16xf32>
        %add3A_762 = arith.constant 1 : i32
        %add3A_763 = arith.addi %mul3A_58, %add3A_762 : i32
        %get3A_764 = arith.index_cast %add3A_763 : i32 to index
        %get3A_765 = arith.constant 96 : index
        %get3A_766 = tpu.vector_load %arg6[%get3A_764, %get3A_765] {strides = array<i32>} : memref<128x256xf32, #tpu.memory_space<vmem>>, vector<1x16xf32>,
        %get3A_767 = vector.shape_cast %get3A_766 : vector<1x16xf32> to vector<16xf32>
        %max3A_768 = arith.maximumf %get3A_761, %get3A_767 : vector<16xf32>
        %add3A_769 = arith.constant 2 : i32
        %add3A_770 = arith.addi %mul3A_58, %add3A_769 : i32
        %get3A_771 = arith.index_cast %add3A_770 : i32 to index
        %get3A_772 = arith.constant 96 : index
        %get3A_773 = tpu.vector_load %arg6[%get3A_771, %get3A_772] {strides = array<i32>} : memref<128x256xf32, #tpu.memory_space<vmem>>, vector<1x16xf32>,
        %get3A_774 = vector.shape_cast %get3A_773 : vector<1x16xf32> to vector<16xf32>
        %max3A_775 = arith.maximumf %max3A_768, %get3A_774 : vector<16xf32>
        %add3A_776 = arith.constant 3 : i32
        %add3A_777 = arith.addi %mul3A_58, %add3A_776 : i32
        %get3A_778 = arith.index_cast %add3A_777 : i32 to index
        %get3A_779 = arith.constant 96 : index
        %get3A_780 = tpu.vector_load %arg6[%get3A_778, %get3A_779] {strides = array<i32>} : memref<128x256xf32, #tpu.memory_space<vmem>>, vector<1x16xf32>,
        %get3A_781 = vector.shape_cast %get3A_780 : vector<1x16xf32> to vector<16xf32>
        %max3A_782 = arith.maximumf %max3A_775, %get3A_781 : vector<16xf32>
        %add3A_783 = arith.constant 4 : i32
        %add3A_784 = arith.addi %mul3A_58, %add3A_783 : i32
        %get3A_785 = arith.index_cast %add3A_784 : i32 to index
        %get3A_786 = arith.constant 96 : index
        %get3A_787 = tpu.vector_load %arg6[%get3A_785, %get3A_786] {strides = array<i32>} : memref<128x256xf32, #tpu.memory_space<vmem>>, vector<1x16xf32>,
        %get3A_788 = vector.shape_cast %get3A_787 : vector<1x16xf32> to vector<16xf32>
        %max3A_789 = arith.maximumf %max3A_782, %get3A_788 : vector<16xf32>
        %add3A_790 = arith.constant 5 : i32
        %add3A_791 = arith.addi %mul3A_58, %add3A_790 : i32
        %get3A_792 = arith.index_cast %add3A_791 : i32 to index
        %get3A_793 = arith.constant 96 : index
        %get3A_794 = tpu.vector_load %arg6[%get3A_792, %get3A_793] {strides = array<i32>} : memref<128x256xf32, #tpu.memory_space<vmem>>, vector<1x16xf32>,
        %get3A_795 = vector.shape_cast %get3A_794 : vector<1x16xf32> to vector<16xf32>
        %max3A_796 = arith.maximumf %max3A_789, %get3A_795 : vector<16xf32>
        %add3A_797 = arith.constant 6 : i32
        %add3A_798 = arith.addi %mul3A_58, %add3A_797 : i32
        %get3A_799 = arith.index_cast %add3A_798 : i32 to index
        %get3A_800 = arith.constant 96 : index
        %get3A_801 = tpu.vector_load %arg6[%get3A_799, %get3A_800] {strides = array<i32>} : memref<128x256xf32, #tpu.memory_space<vmem>>, vector<1x16xf32>,
        %get3A_802 = vector.shape_cast %get3A_801 : vector<1x16xf32> to vector<16xf32>
        %max3A_803 = arith.maximumf %max3A_796, %get3A_802 : vector<16xf32>
        %add3A_804 = arith.constant 7 : i32
        %add3A_805 = arith.addi %mul3A_58, %add3A_804 : i32
        %get3A_806 = arith.index_cast %add3A_805 : i32 to index
        %get3A_807 = arith.constant 96 : index
        %get3A_808 = tpu.vector_load %arg6[%get3A_806, %get3A_807] {strides = array<i32>} : memref<128x256xf32, #tpu.memory_space<vmem>>, vector<1x16xf32>,
        %get3A_809 = vector.shape_cast %get3A_808 : vector<1x16xf32> to vector<16xf32>
        %max3A_810 = arith.maximumf %max3A_803, %get3A_809 : vector<16xf32>
        %add3A_811 = arith.constant 8 : i32
        %add3A_812 = arith.addi %mul3A_58, %add3A_811 : i32
        %get3A_813 = arith.index_cast %add3A_812 : i32 to index
        %get3A_814 = arith.constant 96 : index
        %get3A_815 = tpu.vector_load %arg6[%get3A_813, %get3A_814] {strides = array<i32>} : memref<128x256xf32, #tpu.memory_space<vmem>>, vector<1x16xf32>,
        %get3A_816 = vector.shape_cast %get3A_815 : vector<1x16xf32> to vector<16xf32>
        %max3A_817 = arith.maximumf %max3A_810, %get3A_816 : vector<16xf32>
        %add3A_818 = arith.constant 9 : i32
        %add3A_819 = arith.addi %mul3A_58, %add3A_818 : i32
        %get3A_820 = arith.index_cast %add3A_819 : i32 to index
        %get3A_821 = arith.constant 96 : index
        %get3A_822 = tpu.vector_load %arg6[%get3A_820, %get3A_821] {strides = array<i32>} : memref<128x256xf32, #tpu.memory_space<vmem>>, vector<1x16xf32>,
        %get3A_823 = vector.shape_cast %get3A_822 : vector<1x16xf32> to vector<16xf32>
        %max3A_824 = arith.maximumf %max3A_817, %get3A_823 : vector<16xf32>
        %add3A_825 = arith.constant 10 : i32
        %add3A_826 = arith.addi %mul3A_58, %add3A_825 : i32
        %get3A_827 = arith.index_cast %add3A_826 : i32 to index
        %get3A_828 = arith.constant 96 : index
        %get3A_829 = tpu.vector_load %arg6[%get3A_827, %get3A_828] {strides = array<i32>} : memref<128x256xf32, #tpu.memory_space<vmem>>, vector<1x16xf32>,
        %get3A_830 = vector.shape_cast %get3A_829 : vector<1x16xf32> to vector<16xf32>
        %max3A_831 = arith.maximumf %max3A_824, %get3A_830 : vector<16xf32>
        %add3A_832 = arith.constant 11 : i32
        %add3A_833 = arith.addi %mul3A_58, %add3A_832 : i32
        %get3A_834 = arith.index_cast %add3A_833 : i32 to index
        %get3A_835 = arith.constant 96 : index
        %get3A_836 = tpu.vector_load %arg6[%get3A_834, %get3A_835] {strides = array<i32>} : memref<128x256xf32, #tpu.memory_space<vmem>>, vector<1x16xf32>,
        %get3A_837 = vector.shape_cast %get3A_836 : vector<1x16xf32> to vector<16xf32>
        %max3A_838 = arith.maximumf %max3A_831, %get3A_837 : vector<16xf32>
        %add3A_839 = arith.constant 12 : i32
        %add3A_840 = arith.addi %mul3A_58, %add3A_839 : i32
        %get3A_841 = arith.index_cast %add3A_840 : i32 to index
        %get3A_842 = arith.constant 96 : index
        %get3A_843 = tpu.vector_load %arg6[%get3A_841, %get3A_842] {strides = array<i32>} : memref<128x256xf32, #tpu.memory_space<vmem>>, vector<1x16xf32>,
        %get3A_844 = vector.shape_cast %get3A_843 : vector<1x16xf32> to vector<16xf32>
        %max3A_845 = arith.maximumf %max3A_838, %get3A_844 : vector<16xf32>
        %add3A_846 = arith.constant 13 : i32
        %add3A_847 = arith.addi %mul3A_58, %add3A_846 : i32
        %get3A_848 = arith.index_cast %add3A_847 : i32 to index
        %get3A_849 = arith.constant 96 : index
        %get3A_850 = tpu.vector_load %arg6[%get3A_848, %get3A_849] {strides = array<i32>} : memref<128x256xf32, #tpu.memory_space<vmem>>, vector<1x16xf32>,
        %get3A_851 = vector.shape_cast %get3A_850 : vector<1x16xf32> to vector<16xf32>
        %max3A_852 = arith.maximumf %max3A_845, %get3A_851 : vector<16xf32>
        %add3A_853 = arith.constant 14 : i32
        %add3A_854 = arith.addi %mul3A_58, %add3A_853 : i32
        %get3A_855 = arith.index_cast %add3A_854 : i32 to index
        %get3A_856 = arith.constant 96 : index
        %get3A_857 = tpu.vector_load %arg6[%get3A_855, %get3A_856] {strides = array<i32>} : memref<128x256xf32, #tpu.memory_space<vmem>>, vector<1x16xf32>,
        %get3A_858 = vector.shape_cast %get3A_857 : vector<1x16xf32> to vector<16xf32>
        %max3A_859 = arith.maximumf %max3A_852, %get3A_858 : vector<16xf32>
        %add3A_860 = arith.constant 15 : i32
        %add3A_861 = arith.addi %mul3A_58, %add3A_860 : i32
        %get3A_862 = arith.index_cast %add3A_861 : i32 to index
        %get3A_863 = arith.constant 96 : index
        %get3A_864 = tpu.vector_load %arg6[%get3A_862, %get3A_863] {strides = array<i32>} : memref<128x256xf32, #tpu.memory_space<vmem>>, vector<1x16xf32>,
        %get3A_865 = vector.shape_cast %get3A_864 : vector<1x16xf32> to vector<16xf32>
        %max3A_866 = arith.maximumf %max3A_859, %get3A_865 : vector<16xf32>
        %mul3A_867 = arith.constant 8 : i32
        %mul3A_868 = arith.muli %mul3A_17, %mul3A_867 : i32
        %add3A_869 = arith.addi %mul3A_868, %scan3A_56 : i32
        %swap3A_870 = arith.index_cast %add3A_869 : i32 to index
        %swap3A_871 = arith.constant 96 : index
        %swap3A_872 = tpu.vector_load %arg8[%swap3A_870, %swap3A_871] {strides = array<i32>} : memref<128x256xf32, #tpu.memory_space<vmem>>, vector<1x16xf32>,
        %swap3A_873 = vector.shape_cast %swap3A_872 : vector<1x16xf32> to vector<16xf32>
        %swap3A_874 = vector.shape_cast %max3A_866 : vector<16xf32> to vector<1x16xf32>
        tpu.vector_store %arg8[%swap3A_870, %swap3A_871], %swap3A_874 {strides = array<i32>} : memref<128x256xf32, #tpu.memory_space<vmem>>, vector<1x16xf32>,
        %get3A_875 = arith.index_cast %mul3A_58 : i32 to index
        %get3A_876 = arith.constant 112 : index
        %get3A_877 = tpu.vector_load %arg6[%get3A_875, %get3A_876] {strides = array<i32>} : memref<128x256xf32, #tpu.memory_space<vmem>>, vector<1x16xf32>,
        %get3A_878 = vector.shape_cast %get3A_877 : vector<1x16xf32> to vector<16xf32>
        %add3A_879 = arith.constant 1 : i32
        %add3A_880 = arith.addi %mul3A_58, %add3A_879 : i32
        %get3A_881 = arith.index_cast %add3A_880 : i32 to index
        %get3A_882 = arith.constant 112 : index
        %get3A_883 = tpu.vector_load %arg6[%get3A_881, %get3A_882] {strides = array<i32>} : memref<128x256xf32, #tpu.memory_space<vmem>>, vector<1x16xf32>,
        %get3A_884 = vector.shape_cast %get3A_883 : vector<1x16xf32> to vector<16xf32>
        %max3A_885 = arith.maximumf %get3A_878, %get3A_884 : vector<16xf32>
        %add3A_886 = arith.constant 2 : i32
        %add3A_887 = arith.addi %mul3A_58, %add3A_886 : i32
        %get3A_888 = arith.index_cast %add3A_887 : i32 to index
        %get3A_889 = arith.constant 112 : index
        %get3A_890 = tpu.vector_load %arg6[%get3A_888, %get3A_889] {strides = array<i32>} : memref<128x256xf32, #tpu.memory_space<vmem>>, vector<1x16xf32>,
        %get3A_891 = vector.shape_cast %get3A_890 : vector<1x16xf32> to vector<16xf32>
        %max3A_892 = arith.maximumf %max3A_885, %get3A_891 : vector<16xf32>
        %add3A_893 = arith.constant 3 : i32
        %add3A_894 = arith.addi %mul3A_58, %add3A_893 : i32
        %get3A_895 = arith.index_cast %add3A_894 : i32 to index
        %get3A_896 = arith.constant 112 : index
        %get3A_897 = tpu.vector_load %arg6[%get3A_895, %get3A_896] {strides = array<i32>} : memref<128x256xf32, #tpu.memory_space<vmem>>, vector<1x16xf32>,
        %get3A_898 = vector.shape_cast %get3A_897 : vector<1x16xf32> to vector<16xf32>
        %max3A_899 = arith.maximumf %max3A_892, %get3A_898 : vector<16xf32>
        %add3A_900 = arith.constant 4 : i32
        %add3A_901 = arith.addi %mul3A_58, %add3A_900 : i32
        %get3A_902 = arith.index_cast %add3A_901 : i32 to index
        %get3A_903 = arith.constant 112 : index
        %get3A_904 = tpu.vector_load %arg6[%get3A_902, %get3A_903] {strides = array<i32>} : memref<128x256xf32, #tpu.memory_space<vmem>>, vector<1x16xf32>,
        %get3A_905 = vector.shape_cast %get3A_904 : vector<1x16xf32> to vector<16xf32>
        %max3A_906 = arith.maximumf %max3A_899, %get3A_905 : vector<16xf32>
        %add3A_907 = arith.constant 5 : i32
        %add3A_908 = arith.addi %mul3A_58, %add3A_907 : i32
        %get3A_909 = arith.index_cast %add3A_908 : i32 to index
        %get3A_910 = arith.constant 112 : index
        %get3A_911 = tpu.vector_load %arg6[%get3A_909, %get3A_910] {strides = array<i32>} : memref<128x256xf32, #tpu.memory_space<vmem>>, vector<1x16xf32>,
        %get3A_912 = vector.shape_cast %get3A_911 : vector<1x16xf32> to vector<16xf32>
        %max3A_913 = arith.maximumf %max3A_906, %get3A_912 : vector<16xf32>
        %add3A_914 = arith.constant 6 : i32
        %add3A_915 = arith.addi %mul3A_58, %add3A_914 : i32
        %get3A_916 = arith.index_cast %add3A_915 : i32 to index
        %get3A_917 = arith.constant 112 : index
        %get3A_918 = tpu.vector_load %arg6[%get3A_916, %get3A_917] {strides = array<i32>} : memref<128x256xf32, #tpu.memory_space<vmem>>, vector<1x16xf32>,
        %get3A_919 = vector.shape_cast %get3A_918 : vector<1x16xf32> to vector<16xf32>
        %max3A_920 = arith.maximumf %max3A_913, %get3A_919 : vector<16xf32>
        %add3A_921 = arith.constant 7 : i32
        %add3A_922 = arith.addi %mul3A_58, %add3A_921 : i32
        %get3A_923 = arith.index_cast %add3A_922 : i32 to index
        %get3A_924 = arith.constant 112 : index
        %get3A_925 = tpu.vector_load %arg6[%get3A_923, %get3A_924] {strides = array<i32>} : memref<128x256xf32, #tpu.memory_space<vmem>>, vector<1x16xf32>,
        %get3A_926 = vector.shape_cast %get3A_925 : vector<1x16xf32> to vector<16xf32>
        %max3A_927 = arith.maximumf %max3A_920, %get3A_926 : vector<16xf32>
        %add3A_928 = arith.constant 8 : i32
        %add3A_929 = arith.addi %mul3A_58, %add3A_928 : i32
        %get3A_930 = arith.index_cast %add3A_929 : i32 to index
        %get3A_931 = arith.constant 112 : index
        %get3A_932 = tpu.vector_load %arg6[%get3A_930, %get3A_931] {strides = array<i32>} : memref<128x256xf32, #tpu.memory_space<vmem>>, vector<1x16xf32>,
        %get3A_933 = vector.shape_cast %get3A_932 : vector<1x16xf32> to vector<16xf32>
        %max3A_934 = arith.maximumf %max3A_927, %get3A_933 : vector<16xf32>
        %add3A_935 = arith.constant 9 : i32
        %add3A_936 = arith.addi %mul3A_58, %add3A_935 : i32
        %get3A_937 = arith.index_cast %add3A_936 : i32 to index
        %get3A_938 = arith.constant 112 : index
        %get3A_939 = tpu.vector_load %arg6[%get3A_937, %get3A_938] {strides = array<i32>} : memref<128x256xf32, #tpu.memory_space<vmem>>, vector<1x16xf32>,
        %get3A_940 = vector.shape_cast %get3A_939 : vector<1x16xf32> to vector<16xf32>
        %max3A_941 = arith.maximumf %max3A_934, %get3A_940 : vector<16xf32>
        %add3A_942 = arith.constant 10 : i32
        %add3A_943 = arith.addi %mul3A_58, %add3A_942 : i32
        %get3A_944 = arith.index_cast %add3A_943 : i32 to index
        %get3A_945 = arith.constant 112 : index
        %get3A_946 = tpu.vector_load %arg6[%get3A_944, %get3A_945] {strides = array<i32>} : memref<128x256xf32, #tpu.memory_space<vmem>>, vector<1x16xf32>,
        %get3A_947 = vector.shape_cast %get3A_946 : vector<1x16xf32> to vector<16xf32>
        %max3A_948 = arith.maximumf %max3A_941, %get3A_947 : vector<16xf32>
        %add3A_949 = arith.constant 11 : i32
        %add3A_950 = arith.addi %mul3A_58, %add3A_949 : i32
        %get3A_951 = arith.index_cast %add3A_950 : i32 to index
        %get3A_952 = arith.constant 112 : index
        %get3A_953 = tpu.vector_load %arg6[%get3A_951, %get3A_952] {strides = array<i32>} : memref<128x256xf32, #tpu.memory_space<vmem>>, vector<1x16xf32>,
        %get3A_954 = vector.shape_cast %get3A_953 : vector<1x16xf32> to vector<16xf32>
        %max3A_955 = arith.maximumf %max3A_948, %get3A_954 : vector<16xf32>
        %add3A_956 = arith.constant 12 : i32
        %add3A_957 = arith.addi %mul3A_58, %add3A_956 : i32
        %get3A_958 = arith.index_cast %add3A_957 : i32 to index
        %get3A_959 = arith.constant 112 : index
        %get3A_960 = tpu.vector_load %arg6[%get3A_958, %get3A_959] {strides = array<i32>} : memref<128x256xf32, #tpu.memory_space<vmem>>, vector<1x16xf32>,
        %get3A_961 = vector.shape_cast %get3A_960 : vector<1x16xf32> to vector<16xf32>
        %max3A_962 = arith.maximumf %max3A_955, %get3A_961 : vector<16xf32>
        %add3A_963 = arith.constant 13 : i32
        %add3A_964 = arith.addi %mul3A_58, %add3A_963 : i32
        %get3A_965 = arith.index_cast %add3A_964 : i32 to index
        %get3A_966 = arith.constant 112 : index
        %get3A_967 = tpu.vector_load %arg6[%get3A_965, %get3A_966] {strides = array<i32>} : memref<128x256xf32, #tpu.memory_space<vmem>>, vector<1x16xf32>,
        %get3A_968 = vector.shape_cast %get3A_967 : vector<1x16xf32> to vector<16xf32>
        %max3A_969 = arith.maximumf %max3A_962, %get3A_968 : vector<16xf32>
        %add3A_970 = arith.constant 14 : i32
        %add3A_971 = arith.addi %mul3A_58, %add3A_970 : i32
        %get3A_972 = arith.index_cast %add3A_971 : i32 to index
        %get3A_973 = arith.constant 112 : index
        %get3A_974 = tpu.vector_load %arg6[%get3A_972, %get3A_973] {strides = array<i32>} : memref<128x256xf32, #tpu.memory_space<vmem>>, vector<1x16xf32>,
        %get3A_975 = vector.shape_cast %get3A_974 : vector<1x16xf32> to vector<16xf32>
        %max3A_976 = arith.maximumf %max3A_969, %get3A_975 : vector<16xf32>
        %add3A_977 = arith.constant 15 : i32
        %add3A_978 = arith.addi %mul3A_58, %add3A_977 : i32
        %get3A_979 = arith.index_cast %add3A_978 : i32 to index
        %get3A_980 = arith.constant 112 : index
        %get3A_981 = tpu.vector_load %arg6[%get3A_979, %get3A_980] {strides = array<i32>} : memref<128x256xf32, #tpu.memory_space<vmem>>, vector<1x16xf32>,
        %get3A_982 = vector.shape_cast %get3A_981 : vector<1x16xf32> to vector<16xf32>
        %max3A_983 = arith.maximumf %max3A_976, %get3A_982 : vector<16xf32>
        %mul3A_984 = arith.constant 8 : i32
        %mul3A_985 = arith.muli %mul3A_17, %mul3A_984 : i32
        %add3A_986 = arith.addi %mul3A_985, %scan3A_56 : i32
        %swap3A_987 = arith.index_cast %add3A_986 : i32 to index
        %swap3A_988 = arith.constant 112 : index
        %swap3A_989 = tpu.vector_load %arg8[%swap3A_987, %swap3A_988] {strides = array<i32>} : memref<128x256xf32, #tpu.memory_space<vmem>>, vector<1x16xf32>,
        %swap3A_990 = vector.shape_cast %swap3A_989 : vector<1x16xf32> to vector<16xf32>
        %swap3A_991 = vector.shape_cast %max3A_983 : vector<16xf32> to vector<1x16xf32>
        tpu.vector_store %arg8[%swap3A_987, %swap3A_988], %swap3A_991 {strides = array<i32>} : memref<128x256xf32, #tpu.memory_space<vmem>>, vector<1x16xf32>,
        %get3A_992 = arith.index_cast %mul3A_58 : i32 to index
        %get3A_993 = arith.constant 128 : index
        %get3A_994 = tpu.vector_load %arg6[%get3A_992, %get3A_993] {strides = array<i32>} : memref<128x256xf32, #tpu.memory_space<vmem>>, vector<1x16xf32>,
        %get3A_995 = vector.shape_cast %get3A_994 : vector<1x16xf32> to vector<16xf32>
        %add3A_996 = arith.constant 1 : i32
        %add3A_997 = arith.addi %mul3A_58, %add3A_996 : i32
        %get3A_998 = arith.index_cast %add3A_997 : i32 to index
        %get3A_999 = arith.constant 128 : index
        %get3A_1000 = tpu.vector_load %arg6[%get3A_998, %get3A_999] {strides = array<i32>} : memref<128x256xf32, #tpu.memory_space<vmem>>, vector<1x16xf32>,
        %get3A_1001 = vector.shape_cast %get3A_1000 : vector<1x16xf32> to vector<16xf32>
        %max3A_1002 = arith.maximumf %get3A_995, %get3A_1001 : vector<16xf32>
        %add3A_1003 = arith.constant 2 : i32
        %add3A_1004 = arith.addi %mul3A_58, %add3A_1003 : i32
        %get3A_1005 = arith.index_cast %add3A_1004 : i32 to index
        %get3A_1006 = arith.constant 128 : index
        %get3A_1007 = tpu.vector_load %arg6[%get3A_1005, %get3A_1006] {strides = array<i32>} : memref<128x256xf32, #tpu.memory_space<vmem>>, vector<1x16xf32>,
        %get3A_1008 = vector.shape_cast %get3A_1007 : vector<1x16xf32> to vector<16xf32>
        %max3A_1009 = arith.maximumf %max3A_1002, %get3A_1008 : vector<16xf32>
        %add3A_1010 = arith.constant 3 : i32
        %add3A_1011 = arith.addi %mul3A_58, %add3A_1010 : i32
        %get3A_1012 = arith.index_cast %add3A_1011 : i32 to index
        %get3A_1013 = arith.constant 128 : index
        %get3A_1014 = tpu.vector_load %arg6[%get3A_1012, %get3A_1013] {strides = array<i32>} : memref<128x256xf32, #tpu.memory_space<vmem>>, vector<1x16xf32>,
        %get3A_1015 = vector.shape_cast %get3A_1014 : vector<1x16xf32> to vector<16xf32>
        %max3A_1016 = arith.maximumf %max3A_1009, %get3A_1015 : vector<16xf32>
        %add3A_1017 = arith.constant 4 : i32
        %add3A_1018 = arith.addi %mul3A_58, %add3A_1017 : i32
        %get3A_1019 = arith.index_cast %add3A_1018 : i32 to index
        %get3A_1020 = arith.constant 128 : index
        %get3A_1021 = tpu.vector_load %arg6[%get3A_1019, %get3A_1020] {strides = array<i32>} : memref<128x256xf32, #tpu.memory_space<vmem>>, vector<1x16xf32>,
        %get3A_1022 = vector.shape_cast %get3A_1021 : vector<1x16xf32> to vector<16xf32>
        %max3A_1023 = arith.maximumf %max3A_1016, %get3A_1022 : vector<16xf32>
        %add3A_1024 = arith.constant 5 : i32
        %add3A_1025 = arith.addi %mul3A_58, %add3A_1024 : i32
        %get3A_1026 = arith.index_cast %add3A_1025 : i32 to index
        %get3A_1027 = arith.constant 128 : index
        %get3A_1028 = tpu.vector_load %arg6[%get3A_1026, %get3A_1027] {strides = array<i32>} : memref<128x256xf32, #tpu.memory_space<vmem>>, vector<1x16xf32>,
        %get3A_1029 = vector.shape_cast %get3A_1028 : vector<1x16xf32> to vector<16xf32>
        %max3A_1030 = arith.maximumf %max3A_1023, %get3A_1029 : vector<16xf32>
        %add3A_1031 = arith.constant 6 : i32
        %add3A_1032 = arith.addi %mul3A_58, %add3A_1031 : i32
        %get3A_1033 = arith.index_cast %add3A_1032 : i32 to index
        %get3A_1034 = arith.constant 128 : index
        %get3A_1035 = tpu.vector_load %arg6[%get3A_1033, %get3A_1034] {strides = array<i32>} : memref<128x256xf32, #tpu.memory_space<vmem>>, vector<1x16xf32>,
        %get3A_1036 = vector.shape_cast %get3A_1035 : vector<1x16xf32> to vector<16xf32>
        %max3A_1037 = arith.maximumf %max3A_1030, %get3A_1036 : vector<16xf32>
        %add3A_1038 = arith.constant 7 : i32
        %add3A_1039 = arith.addi %mul3A_58, %add3A_1038 : i32
        %get3A_1040 = arith.index_cast %add3A_1039 : i32 to index
        %get3A_1041 = arith.constant 128 : index
        %get3A_1042 = tpu.vector_load %arg6[%get3A_1040, %get3A_1041] {strides = array<i32>} : memref<128x256xf32, #tpu.memory_space<vmem>>, vector<1x16xf32>,
        %get3A_1043 = vector.shape_cast %get3A_1042 : vector<1x16xf32> to vector<16xf32>
        %max3A_1044 = arith.maximumf %max3A_1037, %get3A_1043 : vector<16xf32>
        %add3A_1045 = arith.constant 8 : i32
        %add3A_1046 = arith.addi %mul3A_58, %add3A_1045 : i32
        %get3A_1047 = arith.index_cast %add3A_1046 : i32 to index
        %get3A_1048 = arith.constant 128 : index
        %get3A_1049 = tpu.vector_load %arg6[%get3A_1047, %get3A_1048] {strides = array<i32>} : memref<128x256xf32, #tpu.memory_space<vmem>>, vector<1x16xf32>,
        %get3A_1050 = vector.shape_cast %get3A_1049 : vector<1x16xf32> to vector<16xf32>
        %max3A_1051 = arith.maximumf %max3A_1044, %get3A_1050 : vector<16xf32>
        %add3A_1052 = arith.constant 9 : i32
        %add3A_1053 = arith.addi %mul3A_58, %add3A_1052 : i32
        %get3A_1054 = arith.index_cast %add3A_1053 : i32 to index
        %get3A_1055 = arith.constant 128 : index
        %get3A_1056 = tpu.vector_load %arg6[%get3A_1054, %get3A_1055] {strides = array<i32>} : memref<128x256xf32, #tpu.memory_space<vmem>>, vector<1x16xf32>,
        %get3A_1057 = vector.shape_cast %get3A_1056 : vector<1x16xf32> to vector<16xf32>
        %max3A_1058 = arith.maximumf %max3A_1051, %get3A_1057 : vector<16xf32>
        %add3A_1059 = arith.constant 10 : i32
        %add3A_1060 = arith.addi %mul3A_58, %add3A_1059 : i32
        %get3A_1061 = arith.index_cast %add3A_1060 : i32 to index
        %get3A_1062 = arith.constant 128 : index
        %get3A_1063 = tpu.vector_load %arg6[%get3A_1061, %get3A_1062] {strides = array<i32>} : memref<128x256xf32, #tpu.memory_space<vmem>>, vector<1x16xf32>,
        %get3A_1064 = vector.shape_cast %get3A_1063 : vector<1x16xf32> to vector<16xf32>
        %max3A_1065 = arith.maximumf %max3A_1058, %get3A_1064 : vector<16xf32>
        %add3A_1066 = arith.constant 11 : i32
        %add3A_1067 = arith.addi %mul3A_58, %add3A_1066 : i32
        %get3A_1068 = arith.index_cast %add3A_1067 : i32 to index
        %get3A_1069 = arith.constant 128 : index
        %get3A_1070 = tpu.vector_load %arg6[%get3A_1068, %get3A_1069] {strides = array<i32>} : memref<128x256xf32, #tpu.memory_space<vmem>>, vector<1x16xf32>,
        %get3A_1071 = vector.shape_cast %get3A_1070 : vector<1x16xf32> to vector<16xf32>
        %max3A_1072 = arith.maximumf %max3A_1065, %get3A_1071 : vector<16xf32>
        %add3A_1073 = arith.constant 12 : i32
        %add3A_1074 = arith.addi %mul3A_58, %add3A_1073 : i32
        %get3A_1075 = arith.index_cast %add3A_1074 : i32 to index
        %get3A_1076 = arith.constant 128 : index
        %get3A_1077 = tpu.vector_load %arg6[%get3A_1075, %get3A_1076] {strides = array<i32>} : memref<128x256xf32, #tpu.memory_space<vmem>>, vector<1x16xf32>,
        %get3A_1078 = vector.shape_cast %get3A_1077 : vector<1x16xf32> to vector<16xf32>
        %max3A_1079 = arith.maximumf %max3A_1072, %get3A_1078 : vector<16xf32>
        %add3A_1080 = arith.constant 13 : i32
        %add3A_1081 = arith.addi %mul3A_58, %add3A_1080 : i32
        %get3A_1082 = arith.index_cast %add3A_1081 : i32 to index
        %get3A_1083 = arith.constant 128 : index
        %get3A_1084 = tpu.vector_load %arg6[%get3A_1082, %get3A_1083] {strides = array<i32>} : memref<128x256xf32, #tpu.memory_space<vmem>>, vector<1x16xf32>,
        %get3A_1085 = vector.shape_cast %get3A_1084 : vector<1x16xf32> to vector<16xf32>
        %max3A_1086 = arith.maximumf %max3A_1079, %get3A_1085 : vector<16xf32>
        %add3A_1087 = arith.constant 14 : i32
        %add3A_1088 = arith.addi %mul3A_58, %add3A_1087 : i32
        %get3A_1089 = arith.index_cast %add3A_1088 : i32 to index
        %get3A_1090 = arith.constant 128 : index
        %get3A_1091 = tpu.vector_load %arg6[%get3A_1089, %get3A_1090] {strides = array<i32>} : memref<128x256xf32, #tpu.memory_space<vmem>>, vector<1x16xf32>,
        %get3A_1092 = vector.shape_cast %get3A_1091 : vector<1x16xf32> to vector<16xf32>
        %max3A_1093 = arith.maximumf %max3A_1086, %get3A_1092 : vector<16xf32>
        %add3A_1094 = arith.constant 15 : i32
        %add3A_1095 = arith.addi %mul3A_58, %add3A_1094 : i32
        %get3A_1096 = arith.index_cast %add3A_1095 : i32 to index
        %get3A_1097 = arith.constant 128 : index
        %get3A_1098 = tpu.vector_load %arg6[%get3A_1096, %get3A_1097] {strides = array<i32>} : memref<128x256xf32, #tpu.memory_space<vmem>>, vector<1x16xf32>,
        %get3A_1099 = vector.shape_cast %get3A_1098 : vector<1x16xf32> to vector<16xf32>
        %max3A_1100 = arith.maximumf %max3A_1093, %get3A_1099 : vector<16xf32>
        %mul3A_1101 = arith.constant 8 : i32
        %mul3A_1102 = arith.muli %mul3A_17, %mul3A_1101 : i32
        %add3A_1103 = arith.addi %mul3A_1102, %scan3A_56 : i32
        %swap3A_1104 = arith.index_cast %add3A_1103 : i32 to index
        %swap3A_1105 = arith.constant 128 : index
        %swap3A_1106 = tpu.vector_load %arg8[%swap3A_1104, %swap3A_1105] {strides = array<i32>} : memref<128x256xf32, #tpu.memory_space<vmem>>, vector<1x16xf32>,
        %swap3A_1107 = vector.shape_cast %swap3A_1106 : vector<1x16xf32> to vector<16xf32>
        %swap3A_1108 = vector.shape_cast %max3A_1100 : vector<16xf32> to vector<1x16xf32>
        tpu.vector_store %arg8[%swap3A_1104, %swap3A_1105], %swap3A_1108 {strides = array<i32>} : memref<128x256xf32, #tpu.memory_space<vmem>>, vector<1x16xf32>,
        %get3A_1109 = arith.index_cast %mul3A_58 : i32 to index
        %get3A_1110 = arith.constant 144 : index
        %get3A_1111 = tpu.vector_load %arg6[%get3A_1109, %get3A_1110] {strides = array<i32>} : memref<128x256xf32, #tpu.memory_space<vmem>>, vector<1x16xf32>,
        %get3A_1112 = vector.shape_cast %get3A_1111 : vector<1x16xf32> to vector<16xf32>
        %add3A_1113 = arith.constant 1 : i32
        %add3A_1114 = arith.addi %mul3A_58, %add3A_1113 : i32
        %get3A_1115 = arith.index_cast %add3A_1114 : i32 to index
        %get3A_1116 = arith.constant 144 : index
        %get3A_1117 = tpu.vector_load %arg6[%get3A_1115, %get3A_1116] {strides = array<i32>} : memref<128x256xf32, #tpu.memory_space<vmem>>, vector<1x16xf32>,
        %get3A_1118 = vector.shape_cast %get3A_1117 : vector<1x16xf32> to vector<16xf32>
        %max3A_1119 = arith.maximumf %get3A_1112, %get3A_1118 : vector<16xf32>
        %add3A_1120 = arith.constant 2 : i32
        %add3A_1121 = arith.addi %mul3A_58, %add3A_1120 : i32
        %get3A_1122 = arith.index_cast %add3A_1121 : i32 to index
        %get3A_1123 = arith.constant 144 : index
        %get3A_1124 = tpu.vector_load %arg6[%get3A_1122, %get3A_1123] {strides = array<i32>} : memref<128x256xf32, #tpu.memory_space<vmem>>, vector<1x16xf32>,
        %get3A_1125 = vector.shape_cast %get3A_1124 : vector<1x16xf32> to vector<16xf32>
        %max3A_1126 = arith.maximumf %max3A_1119, %get3A_1125 : vector<16xf32>
        %add3A_1127 = arith.constant 3 : i32
        %add3A_1128 = arith.addi %mul3A_58, %add3A_1127 : i32
        %get3A_1129 = arith.index_cast %add3A_1128 : i32 to index
        %get3A_1130 = arith.constant 144 : index
        %get3A_1131 = tpu.vector_load %arg6[%get3A_1129, %get3A_1130] {strides = array<i32>} : memref<128x256xf32, #tpu.memory_space<vmem>>, vector<1x16xf32>,
        %get3A_1132 = vector.shape_cast %get3A_1131 : vector<1x16xf32> to vector<16xf32>
        %max3A_1133 = arith.maximumf %max3A_1126, %get3A_1132 : vector<16xf32>
        %add3A_1134 = arith.constant 4 : i32
        %add3A_1135 = arith.addi %mul3A_58, %add3A_1134 : i32
        %get3A_1136 = arith.index_cast %add3A_1135 : i32 to index
        %get3A_1137 = arith.constant 144 : index
        %get3A_1138 = tpu.vector_load %arg6[%get3A_1136, %get3A_1137] {strides = array<i32>} : memref<128x256xf32, #tpu.memory_space<vmem>>, vector<1x16xf32>,
        %get3A_1139 = vector.shape_cast %get3A_1138 : vector<1x16xf32> to vector<16xf32>
        %max3A_1140 = arith.maximumf %max3A_1133, %get3A_1139 : vector<16xf32>
        %add3A_1141 = arith.constant 5 : i32
        %add3A_1142 = arith.addi %mul3A_58, %add3A_1141 : i32
        %get3A_1143 = arith.index_cast %add3A_1142 : i32 to index
        %get3A_1144 = arith.constant 144 : index
        %get3A_1145 = tpu.vector_load %arg6[%get3A_1143, %get3A_1144] {strides = array<i32>} : memref<128x256xf32, #tpu.memory_space<vmem>>, vector<1x16xf32>,
        %get3A_1146 = vector.shape_cast %get3A_1145 : vector<1x16xf32> to vector<16xf32>
        %max3A_1147 = arith.maximumf %max3A_1140, %get3A_1146 : vector<16xf32>
        %add3A_1148 = arith.constant 6 : i32
        %add3A_1149 = arith.addi %mul3A_58, %add3A_1148 : i32
        %get3A_1150 = arith.index_cast %add3A_1149 : i32 to index
        %get3A_1151 = arith.constant 144 : index
        %get3A_1152 = tpu.vector_load %arg6[%get3A_1150, %get3A_1151] {strides = array<i32>} : memref<128x256xf32, #tpu.memory_space<vmem>>, vector<1x16xf32>,
        %get3A_1153 = vector.shape_cast %get3A_1152 : vector<1x16xf32> to vector<16xf32>
        %max3A_1154 = arith.maximumf %max3A_1147, %get3A_1153 : vector<16xf32>
        %add3A_1155 = arith.constant 7 : i32
        %add3A_1156 = arith.addi %mul3A_58, %add3A_1155 : i32
        %get3A_1157 = arith.index_cast %add3A_1156 : i32 to index
        %get3A_1158 = arith.constant 144 : index
        %get3A_1159 = tpu.vector_load %arg6[%get3A_1157, %get3A_1158] {strides = array<i32>} : memref<128x256xf32, #tpu.memory_space<vmem>>, vector<1x16xf32>,
        %get3A_1160 = vector.shape_cast %get3A_1159 : vector<1x16xf32> to vector<16xf32>
        %max3A_1161 = arith.maximumf %max3A_1154, %get3A_1160 : vector<16xf32>
        %add3A_1162 = arith.constant 8 : i32
        %add3A_1163 = arith.addi %mul3A_58, %add3A_1162 : i32
        %get3A_1164 = arith.index_cast %add3A_1163 : i32 to index
        %get3A_1165 = arith.constant 144 : index
        %get3A_1166 = tpu.vector_load %arg6[%get3A_1164, %get3A_1165] {strides = array<i32>} : memref<128x256xf32, #tpu.memory_space<vmem>>, vector<1x16xf32>,
        %get3A_1167 = vector.shape_cast %get3A_1166 : vector<1x16xf32> to vector<16xf32>
        %max3A_1168 = arith.maximumf %max3A_1161, %get3A_1167 : vector<16xf32>
        %add3A_1169 = arith.constant 9 : i32
        %add3A_1170 = arith.addi %mul3A_58, %add3A_1169 : i32
        %get3A_1171 = arith.index_cast %add3A_1170 : i32 to index
        %get3A_1172 = arith.constant 144 : index
        %get3A_1173 = tpu.vector_load %arg6[%get3A_1171, %get3A_1172] {strides = array<i32>} : memref<128x256xf32, #tpu.memory_space<vmem>>, vector<1x16xf32>,
        %get3A_1174 = vector.shape_cast %get3A_1173 : vector<1x16xf32> to vector<16xf32>
        %max3A_1175 = arith.maximumf %max3A_1168, %get3A_1174 : vector<16xf32>
        %add3A_1176 = arith.constant 10 : i32
        %add3A_1177 = arith.addi %mul3A_58, %add3A_1176 : i32
        %get3A_1178 = arith.index_cast %add3A_1177 : i32 to index
        %get3A_1179 = arith.constant 144 : index
        %get3A_1180 = tpu.vector_load %arg6[%get3A_1178, %get3A_1179] {strides = array<i32>} : memref<128x256xf32, #tpu.memory_space<vmem>>, vector<1x16xf32>,
        %get3A_1181 = vector.shape_cast %get3A_1180 : vector<1x16xf32> to vector<16xf32>
        %max3A_1182 = arith.maximumf %max3A_1175, %get3A_1181 : vector<16xf32>
        %add3A_1183 = arith.constant 11 : i32
        %add3A_1184 = arith.addi %mul3A_58, %add3A_1183 : i32
        %get3A_1185 = arith.index_cast %add3A_1184 : i32 to index
        %get3A_1186 = arith.constant 144 : index
        %get3A_1187 = tpu.vector_load %arg6[%get3A_1185, %get3A_1186] {strides = array<i32>} : memref<128x256xf32, #tpu.memory_space<vmem>>, vector<1x16xf32>,
        %get3A_1188 = vector.shape_cast %get3A_1187 : vector<1x16xf32> to vector<16xf32>
        %max3A_1189 = arith.maximumf %max3A_1182, %get3A_1188 : vector<16xf32>
        %add3A_1190 = arith.constant 12 : i32
        %add3A_1191 = arith.addi %mul3A_58, %add3A_1190 : i32
        %get3A_1192 = arith.index_cast %add3A_1191 : i32 to index
        %get3A_1193 = arith.constant 144 : index
        %get3A_1194 = tpu.vector_load %arg6[%get3A_1192, %get3A_1193] {strides = array<i32>} : memref<128x256xf32, #tpu.memory_space<vmem>>, vector<1x16xf32>,
        %get3A_1195 = vector.shape_cast %get3A_1194 : vector<1x16xf32> to vector<16xf32>
        %max3A_1196 = arith.maximumf %max3A_1189, %get3A_1195 : vector<16xf32>
        %add3A_1197 = arith.constant 13 : i32
        %add3A_1198 = arith.addi %mul3A_58, %add3A_1197 : i32
        %get3A_1199 = arith.index_cast %add3A_1198 : i32 to index
        %get3A_1200 = arith.constant 144 : index
        %get3A_1201 = tpu.vector_load %arg6[%get3A_1199, %get3A_1200] {strides = array<i32>} : memref<128x256xf32, #tpu.memory_space<vmem>>, vector<1x16xf32>,
        %get3A_1202 = vector.shape_cast %get3A_1201 : vector<1x16xf32> to vector<16xf32>
        %max3A_1203 = arith.maximumf %max3A_1196, %get3A_1202 : vector<16xf32>
        %add3A_1204 = arith.constant 14 : i32
        %add3A_1205 = arith.addi %mul3A_58, %add3A_1204 : i32
        %get3A_1206 = arith.index_cast %add3A_1205 : i32 to index
        %get3A_1207 = arith.constant 144 : index
        %get3A_1208 = tpu.vector_load %arg6[%get3A_1206, %get3A_1207] {strides = array<i32>} : memref<128x256xf32, #tpu.memory_space<vmem>>, vector<1x16xf32>,
        %get3A_1209 = vector.shape_cast %get3A_1208 : vector<1x16xf32> to vector<16xf32>
        %max3A_1210 = arith.maximumf %max3A_1203, %get3A_1209 : vector<16xf32>
        %add3A_1211 = arith.constant 15 : i32
        %add3A_1212 = arith.addi %mul3A_58, %add3A_1211 : i32
        %get3A_1213 = arith.index_cast %add3A_1212 : i32 to index
        %get3A_1214 = arith.constant 144 : index
        %get3A_1215 = tpu.vector_load %arg6[%get3A_1213, %get3A_1214] {strides = array<i32>} : memref<128x256xf32, #tpu.memory_space<vmem>>, vector<1x16xf32>,
        %get3A_1216 = vector.shape_cast %get3A_1215 : vector<1x16xf32> to vector<16xf32>
        %max3A_1217 = arith.maximumf %max3A_1210, %get3A_1216 : vector<16xf32>
        %mul3A_1218 = arith.constant 8 : i32
        %mul3A_1219 = arith.muli %mul3A_17, %mul3A_1218 : i32
        %add3A_1220 = arith.addi %mul3A_1219, %scan3A_56 : i32
        %swap3A_1221 = arith.index_cast %add3A_1220 : i32 to index
        %swap3A_1222 = arith.constant 144 : index
        %swap3A_1223 = tpu.vector_load %arg8[%swap3A_1221, %swap3A_1222] {strides = array<i32>} : memref<128x256xf32, #tpu.memory_space<vmem>>, vector<1x16xf32>,
        %swap3A_1224 = vector.shape_cast %swap3A_1223 : vector<1x16xf32> to vector<16xf32>
        %swap3A_1225 = vector.shape_cast %max3A_1217 : vector<16xf32> to vector<1x16xf32>
        tpu.vector_store %arg8[%swap3A_1221, %swap3A_1222], %swap3A_1225 {strides = array<i32>} : memref<128x256xf32, #tpu.memory_space<vmem>>, vector<1x16xf32>,
        %get3A_1226 = arith.index_cast %mul3A_58 : i32 to index
        %get3A_1227 = arith.constant 160 : index
        %get3A_1228 = tpu.vector_load %arg6[%get3A_1226, %get3A_1227] {strides = array<i32>} : memref<128x256xf32, #tpu.memory_space<vmem>>, vector<1x16xf32>,
        %get3A_1229 = vector.shape_cast %get3A_1228 : vector<1x16xf32> to vector<16xf32>
        %add3A_1230 = arith.constant 1 : i32
        %add3A_1231 = arith.addi %mul3A_58, %add3A_1230 : i32
        %get3A_1232 = arith.index_cast %add3A_1231 : i32 to index
        %get3A_1233 = arith.constant 160 : index
        %get3A_1234 = tpu.vector_load %arg6[%get3A_1232, %get3A_1233] {strides = array<i32>} : memref<128x256xf32, #tpu.memory_space<vmem>>, vector<1x16xf32>,
        %get3A_1235 = vector.shape_cast %get3A_1234 : vector<1x16xf32> to vector<16xf32>
        %max3A_1236 = arith.maximumf %get3A_1229, %get3A_1235 : vector<16xf32>
        %add3A_1237 = arith.constant 2 : i32
        %add3A_1238 = arith.addi %mul3A_58, %add3A_1237 : i32
        %get3A_1239 = arith.index_cast %add3A_1238 : i32 to index
        %get3A_1240 = arith.constant 160 : index
        %get3A_1241 = tpu.vector_load %arg6[%get3A_1239, %get3A_1240] {strides = array<i32>} : memref<128x256xf32, #tpu.memory_space<vmem>>, vector<1x16xf32>,
        %get3A_1242 = vector.shape_cast %get3A_1241 : vector<1x16xf32> to vector<16xf32>
        %max3A_1243 = arith.maximumf %max3A_1236, %get3A_1242 : vector<16xf32>
        %add3A_1244 = arith.constant 3 : i32
        %add3A_1245 = arith.addi %mul3A_58, %add3A_1244 : i32
        %get3A_1246 = arith.index_cast %add3A_1245 : i32 to index
        %get3A_1247 = arith.constant 160 : index
        %get3A_1248 = tpu.vector_load %arg6[%get3A_1246, %get3A_1247] {strides = array<i32>} : memref<128x256xf32, #tpu.memory_space<vmem>>, vector<1x16xf32>,
        %get3A_1249 = vector.shape_cast %get3A_1248 : vector<1x16xf32> to vector<16xf32>
        %max3A_1250 = arith.maximumf %max3A_1243, %get3A_1249 : vector<16xf32>
        %add3A_1251 = arith.constant 4 : i32
        %add3A_1252 = arith.addi %mul3A_58, %add3A_1251 : i32
        %get3A_1253 = arith.index_cast %add3A_1252 : i32 to index
        %get3A_1254 = arith.constant 160 : index
        %get3A_1255 = tpu.vector_load %arg6[%get3A_1253, %get3A_1254] {strides = array<i32>} : memref<128x256xf32, #tpu.memory_space<vmem>>, vector<1x16xf32>,
        %get3A_1256 = vector.shape_cast %get3A_1255 : vector<1x16xf32> to vector<16xf32>
        %max3A_1257 = arith.maximumf %max3A_1250, %get3A_1256 : vector<16xf32>
        %add3A_1258 = arith.constant 5 : i32
        %add3A_1259 = arith.addi %mul3A_58, %add3A_1258 : i32
        %get3A_1260 = arith.index_cast %add3A_1259 : i32 to index
        %get3A_1261 = arith.constant 160 : index
        %get3A_1262 = tpu.vector_load %arg6[%get3A_1260, %get3A_1261] {strides = array<i32>} : memref<128x256xf32, #tpu.memory_space<vmem>>, vector<1x16xf32>,
        %get3A_1263 = vector.shape_cast %get3A_1262 : vector<1x16xf32> to vector<16xf32>
        %max3A_1264 = arith.maximumf %max3A_1257, %get3A_1263 : vector<16xf32>
        %add3A_1265 = arith.constant 6 : i32
        %add3A_1266 = arith.addi %mul3A_58, %add3A_1265 : i32
        %get3A_1267 = arith.index_cast %add3A_1266 : i32 to index
        %get3A_1268 = arith.constant 160 : index
        %get3A_1269 = tpu.vector_load %arg6[%get3A_1267, %get3A_1268] {strides = array<i32>} : memref<128x256xf32, #tpu.memory_space<vmem>>, vector<1x16xf32>,
        %get3A_1270 = vector.shape_cast %get3A_1269 : vector<1x16xf32> to vector<16xf32>
        %max3A_1271 = arith.maximumf %max3A_1264, %get3A_1270 : vector<16xf32>
        %add3A_1272 = arith.constant 7 : i32
        %add3A_1273 = arith.addi %mul3A_58, %add3A_1272 : i32
        %get3A_1274 = arith.index_cast %add3A_1273 : i32 to index
        %get3A_1275 = arith.constant 160 : index
        %get3A_1276 = tpu.vector_load %arg6[%get3A_1274, %get3A_1275] {strides = array<i32>} : memref<128x256xf32, #tpu.memory_space<vmem>>, vector<1x16xf32>,
        %get3A_1277 = vector.shape_cast %get3A_1276 : vector<1x16xf32> to vector<16xf32>
        %max3A_1278 = arith.maximumf %max3A_1271, %get3A_1277 : vector<16xf32>
        %add3A_1279 = arith.constant 8 : i32
        %add3A_1280 = arith.addi %mul3A_58, %add3A_1279 : i32
        %get3A_1281 = arith.index_cast %add3A_1280 : i32 to index
        %get3A_1282 = arith.constant 160 : index
        %get3A_1283 = tpu.vector_load %arg6[%get3A_1281, %get3A_1282] {strides = array<i32>} : memref<128x256xf32, #tpu.memory_space<vmem>>, vector<1x16xf32>,
        %get3A_1284 = vector.shape_cast %get3A_1283 : vector<1x16xf32> to vector<16xf32>
        %max3A_1285 = arith.maximumf %max3A_1278, %get3A_1284 : vector<16xf32>
        %add3A_1286 = arith.constant 9 : i32
        %add3A_1287 = arith.addi %mul3A_58, %add3A_1286 : i32
        %get3A_1288 = arith.index_cast %add3A_1287 : i32 to index
        %get3A_1289 = arith.constant 160 : index
        %get3A_1290 = tpu.vector_load %arg6[%get3A_1288, %get3A_1289] {strides = array<i32>} : memref<128x256xf32, #tpu.memory_space<vmem>>, vector<1x16xf32>,
        %get3A_1291 = vector.shape_cast %get3A_1290 : vector<1x16xf32> to vector<16xf32>
        %max3A_1292 = arith.maximumf %max3A_1285, %get3A_1291 : vector<16xf32>
        %add3A_1293 = arith.constant 10 : i32
        %add3A_1294 = arith.addi %mul3A_58, %add3A_1293 : i32
        %get3A_1295 = arith.index_cast %add3A_1294 : i32 to index
        %get3A_1296 = arith.constant 160 : index
        %get3A_1297 = tpu.vector_load %arg6[%get3A_1295, %get3A_1296] {strides = array<i32>} : memref<128x256xf32, #tpu.memory_space<vmem>>, vector<1x16xf32>,
        %get3A_1298 = vector.shape_cast %get3A_1297 : vector<1x16xf32> to vector<16xf32>
        %max3A_1299 = arith.maximumf %max3A_1292, %get3A_1298 : vector<16xf32>
        %add3A_1300 = arith.constant 11 : i32
        %add3A_1301 = arith.addi %mul3A_58, %add3A_1300 : i32
        %get3A_1302 = arith.index_cast %add3A_1301 : i32 to index
        %get3A_1303 = arith.constant 160 : index
        %get3A_1304 = tpu.vector_load %arg6[%get3A_1302, %get3A_1303] {strides = array<i32>} : memref<128x256xf32, #tpu.memory_space<vmem>>, vector<1x16xf32>,
        %get3A_1305 = vector.shape_cast %get3A_1304 : vector<1x16xf32> to vector<16xf32>
        %max3A_1306 = arith.maximumf %max3A_1299, %get3A_1305 : vector<16xf32>
        %add3A_1307 = arith.constant 12 : i32
        %add3A_1308 = arith.addi %mul3A_58, %add3A_1307 : i32
        %get3A_1309 = arith.index_cast %add3A_1308 : i32 to index
        %get3A_1310 = arith.constant 160 : index
        %get3A_1311 = tpu.vector_load %arg6[%get3A_1309, %get3A_1310] {strides = array<i32>} : memref<128x256xf32, #tpu.memory_space<vmem>>, vector<1x16xf32>,
        %get3A_1312 = vector.shape_cast %get3A_1311 : vector<1x16xf32> to vector<16xf32>
        %max3A_1313 = arith.maximumf %max3A_1306, %get3A_1312 : vector<16xf32>
        %add3A_1314 = arith.constant 13 : i32
        %add3A_1315 = arith.addi %mul3A_58, %add3A_1314 : i32
        %get3A_1316 = arith.index_cast %add3A_1315 : i32 to index
        %get3A_1317 = arith.constant 160 : index
        %get3A_1318 = tpu.vector_load %arg6[%get3A_1316, %get3A_1317] {strides = array<i32>} : memref<128x256xf32, #tpu.memory_space<vmem>>, vector<1x16xf32>,
        %get3A_1319 = vector.shape_cast %get3A_1318 : vector<1x16xf32> to vector<16xf32>
        %max3A_1320 = arith.maximumf %max3A_1313, %get3A_1319 : vector<16xf32>
        %add3A_1321 = arith.constant 14 : i32
        %add3A_1322 = arith.addi %mul3A_58, %add3A_1321 : i32
        %get3A_1323 = arith.index_cast %add3A_1322 : i32 to index
        %get3A_1324 = arith.constant 160 : index
        %get3A_1325 = tpu.vector_load %arg6[%get3A_1323, %get3A_1324] {strides = array<i32>} : memref<128x256xf32, #tpu.memory_space<vmem>>, vector<1x16xf32>,
        %get3A_1326 = vector.shape_cast %get3A_1325 : vector<1x16xf32> to vector<16xf32>
        %max3A_1327 = arith.maximumf %max3A_1320, %get3A_1326 : vector<16xf32>
        %add3A_1328 = arith.constant 15 : i32
        %add3A_1329 = arith.addi %mul3A_58, %add3A_1328 : i32
        %get3A_1330 = arith.index_cast %add3A_1329 : i32 to index
        %get3A_1331 = arith.constant 160 : index
        %get3A_1332 = tpu.vector_load %arg6[%get3A_1330, %get3A_1331] {strides = array<i32>} : memref<128x256xf32, #tpu.memory_space<vmem>>, vector<1x16xf32>,
        %get3A_1333 = vector.shape_cast %get3A_1332 : vector<1x16xf32> to vector<16xf32>
        %max3A_1334 = arith.maximumf %max3A_1327, %get3A_1333 : vector<16xf32>
        %mul3A_1335 = arith.constant 8 : i32
        %mul3A_1336 = arith.muli %mul3A_17, %mul3A_1335 : i32
        %add3A_1337 = arith.addi %mul3A_1336, %scan3A_56 : i32
        %swap3A_1338 = arith.index_cast %add3A_1337 : i32 to index
        %swap3A_1339 = arith.constant 160 : index
        %swap3A_1340 = tpu.vector_load %arg8[%swap3A_1338, %swap3A_1339] {strides = array<i32>} : memref<128x256xf32, #tpu.memory_space<vmem>>, vector<1x16xf32>,
        %swap3A_1341 = vector.shape_cast %swap3A_1340 : vector<1x16xf32> to vector<16xf32>
        %swap3A_1342 = vector.shape_cast %max3A_1334 : vector<16xf32> to vector<1x16xf32>
        tpu.vector_store %arg8[%swap3A_1338, %swap3A_1339], %swap3A_1342 {strides = array<i32>} : memref<128x256xf32, #tpu.memory_space<vmem>>, vector<1x16xf32>,
        %get3A_1343 = arith.index_cast %mul3A_58 : i32 to index
        %get3A_1344 = arith.constant 176 : index
        %get3A_1345 = tpu.vector_load %arg6[%get3A_1343, %get3A_1344] {strides = array<i32>} : memref<128x256xf32, #tpu.memory_space<vmem>>, vector<1x16xf32>,
        %get3A_1346 = vector.shape_cast %get3A_1345 : vector<1x16xf32> to vector<16xf32>
        %add3A_1347 = arith.constant 1 : i32
        %add3A_1348 = arith.addi %mul3A_58, %add3A_1347 : i32
        %get3A_1349 = arith.index_cast %add3A_1348 : i32 to index
        %get3A_1350 = arith.constant 176 : index
        %get3A_1351 = tpu.vector_load %arg6[%get3A_1349, %get3A_1350] {strides = array<i32>} : memref<128x256xf32, #tpu.memory_space<vmem>>, vector<1x16xf32>,
        %get3A_1352 = vector.shape_cast %get3A_1351 : vector<1x16xf32> to vector<16xf32>
        %max3A_1353 = arith.maximumf %get3A_1346, %get3A_1352 : vector<16xf32>
        %add3A_1354 = arith.constant 2 : i32
        %add3A_1355 = arith.addi %mul3A_58, %add3A_1354 : i32
        %get3A_1356 = arith.index_cast %add3A_1355 : i32 to index
        %get3A_1357 = arith.constant 176 : index
        %get3A_1358 = tpu.vector_load %arg6[%get3A_1356, %get3A_1357] {strides = array<i32>} : memref<128x256xf32, #tpu.memory_space<vmem>>, vector<1x16xf32>,
        %get3A_1359 = vector.shape_cast %get3A_1358 : vector<1x16xf32> to vector<16xf32>
        %max3A_1360 = arith.maximumf %max3A_1353, %get3A_1359 : vector<16xf32>
        %add3A_1361 = arith.constant 3 : i32
        %add3A_1362 = arith.addi %mul3A_58, %add3A_1361 : i32
        %get3A_1363 = arith.index_cast %add3A_1362 : i32 to index
        %get3A_1364 = arith.constant 176 : index
        %get3A_1365 = tpu.vector_load %arg6[%get3A_1363, %get3A_1364] {strides = array<i32>} : memref<128x256xf32, #tpu.memory_space<vmem>>, vector<1x16xf32>,
        %get3A_1366 = vector.shape_cast %get3A_1365 : vector<1x16xf32> to vector<16xf32>
        %max3A_1367 = arith.maximumf %max3A_1360, %get3A_1366 : vector<16xf32>
        %add3A_1368 = arith.constant 4 : i32
        %add3A_1369 = arith.addi %mul3A_58, %add3A_1368 : i32
        %get3A_1370 = arith.index_cast %add3A_1369 : i32 to index
        %get3A_1371 = arith.constant 176 : index
        %get3A_1372 = tpu.vector_load %arg6[%get3A_1370, %get3A_1371] {strides = array<i32>} : memref<128x256xf32, #tpu.memory_space<vmem>>, vector<1x16xf32>,
        %get3A_1373 = vector.shape_cast %get3A_1372 : vector<1x16xf32> to vector<16xf32>
        %max3A_1374 = arith.maximumf %max3A_1367, %get3A_1373 : vector<16xf32>
        %add3A_1375 = arith.constant 5 : i32
        %add3A_1376 = arith.addi %mul3A_58, %add3A_1375 : i32
        %get3A_1377 = arith.index_cast %add3A_1376 : i32 to index
        %get3A_1378 = arith.constant 176 : index
        %get3A_1379 = tpu.vector_load %arg6[%get3A_1377, %get3A_1378] {strides = array<i32>} : memref<128x256xf32, #tpu.memory_space<vmem>>, vector<1x16xf32>,
        %get3A_1380 = vector.shape_cast %get3A_1379 : vector<1x16xf32> to vector<16xf32>
        %max3A_1381 = arith.maximumf %max3A_1374, %get3A_1380 : vector<16xf32>
        %add3A_1382 = arith.constant 6 : i32
        %add3A_1383 = arith.addi %mul3A_58, %add3A_1382 : i32
        %get3A_1384 = arith.index_cast %add3A_1383 : i32 to index
        %get3A_1385 = arith.constant 176 : index
        %get3A_1386 = tpu.vector_load %arg6[%get3A_1384, %get3A_1385] {strides = array<i32>} : memref<128x256xf32, #tpu.memory_space<vmem>>, vector<1x16xf32>,
        %get3A_1387 = vector.shape_cast %get3A_1386 : vector<1x16xf32> to vector<16xf32>
        %max3A_1388 = arith.maximumf %max3A_1381, %get3A_1387 : vector<16xf32>
        %add3A_1389 = arith.constant 7 : i32
        %add3A_1390 = arith.addi %mul3A_58, %add3A_1389 : i32
        %get3A_1391 = arith.index_cast %add3A_1390 : i32 to index
        %get3A_1392 = arith.constant 176 : index
        %get3A_1393 = tpu.vector_load %arg6[%get3A_1391, %get3A_1392] {strides = array<i32>} : memref<128x256xf32, #tpu.memory_space<vmem>>, vector<1x16xf32>,
        %get3A_1394 = vector.shape_cast %get3A_1393 : vector<1x16xf32> to vector<16xf32>
        %max3A_1395 = arith.maximumf %max3A_1388, %get3A_1394 : vector<16xf32>
        %add3A_1396 = arith.constant 8 : i32
        %add3A_1397 = arith.addi %mul3A_58, %add3A_1396 : i32
        %get3A_1398 = arith.index_cast %add3A_1397 : i32 to index
        %get3A_1399 = arith.constant 176 : index
        %get3A_1400 = tpu.vector_load %arg6[%get3A_1398, %get3A_1399] {strides = array<i32>} : memref<128x256xf32, #tpu.memory_space<vmem>>, vector<1x16xf32>,
        %get3A_1401 = vector.shape_cast %get3A_1400 : vector<1x16xf32> to vector<16xf32>
        %max3A_1402 = arith.maximumf %max3A_1395, %get3A_1401 : vector<16xf32>
        %add3A_1403 = arith.constant 9 : i32
        %add3A_1404 = arith.addi %mul3A_58, %add3A_1403 : i32
        %get3A_1405 = arith.index_cast %add3A_1404 : i32 to index
        %get3A_1406 = arith.constant 176 : index
        %get3A_1407 = tpu.vector_load %arg6[%get3A_1405, %get3A_1406] {strides = array<i32>} : memref<128x256xf32, #tpu.memory_space<vmem>>, vector<1x16xf32>,
        %get3A_1408 = vector.shape_cast %get3A_1407 : vector<1x16xf32> to vector<16xf32>
        %max3A_1409 = arith.maximumf %max3A_1402, %get3A_1408 : vector<16xf32>
        %add3A_1410 = arith.constant 10 : i32
        %add3A_1411 = arith.addi %mul3A_58, %add3A_1410 : i32
        %get3A_1412 = arith.index_cast %add3A_1411 : i32 to index
        %get3A_1413 = arith.constant 176 : index
        %get3A_1414 = tpu.vector_load %arg6[%get3A_1412, %get3A_1413] {strides = array<i32>} : memref<128x256xf32, #tpu.memory_space<vmem>>, vector<1x16xf32>,
        %get3A_1415 = vector.shape_cast %get3A_1414 : vector<1x16xf32> to vector<16xf32>
        %max3A_1416 = arith.maximumf %max3A_1409, %get3A_1415 : vector<16xf32>
        %add3A_1417 = arith.constant 11 : i32
        %add3A_1418 = arith.addi %mul3A_58, %add3A_1417 : i32
        %get3A_1419 = arith.index_cast %add3A_1418 : i32 to index
        %get3A_1420 = arith.constant 176 : index
        %get3A_1421 = tpu.vector_load %arg6[%get3A_1419, %get3A_1420] {strides = array<i32>} : memref<128x256xf32, #tpu.memory_space<vmem>>, vector<1x16xf32>,
        %get3A_1422 = vector.shape_cast %get3A_1421 : vector<1x16xf32> to vector<16xf32>
        %max3A_1423 = arith.maximumf %max3A_1416, %get3A_1422 : vector<16xf32>
        %add3A_1424 = arith.constant 12 : i32
        %add3A_1425 = arith.addi %mul3A_58, %add3A_1424 : i32
        %get3A_1426 = arith.index_cast %add3A_1425 : i32 to index
        %get3A_1427 = arith.constant 176 : index
        %get3A_1428 = tpu.vector_load %arg6[%get3A_1426, %get3A_1427] {strides = array<i32>} : memref<128x256xf32, #tpu.memory_space<vmem>>, vector<1x16xf32>,
        %get3A_1429 = vector.shape_cast %get3A_1428 : vector<1x16xf32> to vector<16xf32>
        %max3A_1430 = arith.maximumf %max3A_1423, %get3A_1429 : vector<16xf32>
        %add3A_1431 = arith.constant 13 : i32
        %add3A_1432 = arith.addi %mul3A_58, %add3A_1431 : i32
        %get3A_1433 = arith.index_cast %add3A_1432 : i32 to index
        %get3A_1434 = arith.constant 176 : index
        %get3A_1435 = tpu.vector_load %arg6[%get3A_1433, %get3A_1434] {strides = array<i32>} : memref<128x256xf32, #tpu.memory_space<vmem>>, vector<1x16xf32>,
        %get3A_1436 = vector.shape_cast %get3A_1435 : vector<1x16xf32> to vector<16xf32>
        %max3A_1437 = arith.maximumf %max3A_1430, %get3A_1436 : vector<16xf32>
        %add3A_1438 = arith.constant 14 : i32
        %add3A_1439 = arith.addi %mul3A_58, %add3A_1438 : i32
        %get3A_1440 = arith.index_cast %add3A_1439 : i32 to index
        %get3A_1441 = arith.constant 176 : index
        %get3A_1442 = tpu.vector_load %arg6[%get3A_1440, %get3A_1441] {strides = array<i32>} : memref<128x256xf32, #tpu.memory_space<vmem>>, vector<1x16xf32>,
        %get3A_1443 = vector.shape_cast %get3A_1442 : vector<1x16xf32> to vector<16xf32>
        %max3A_1444 = arith.maximumf %max3A_1437, %get3A_1443 : vector<16xf32>
        %add3A_1445 = arith.constant 15 : i32
        %add3A_1446 = arith.addi %mul3A_58, %add3A_1445 : i32
        %get3A_1447 = arith.index_cast %add3A_1446 : i32 to index
        %get3A_1448 = arith.constant 176 : index
        %get3A_1449 = tpu.vector_load %arg6[%get3A_1447, %get3A_1448] {strides = array<i32>} : memref<128x256xf32, #tpu.memory_space<vmem>>, vector<1x16xf32>,
        %get3A_1450 = vector.shape_cast %get3A_1449 : vector<1x16xf32> to vector<16xf32>
        %max3A_1451 = arith.maximumf %max3A_1444, %get3A_1450 : vector<16xf32>
        %mul3A_1452 = arith.constant 8 : i32
        %mul3A_1453 = arith.muli %mul3A_17, %mul3A_1452 : i32
        %add3A_1454 = arith.addi %mul3A_1453, %scan3A_56 : i32
        %swap3A_1455 = arith.index_cast %add3A_1454 : i32 to index
        %swap3A_1456 = arith.constant 176 : index
        %swap3A_1457 = tpu.vector_load %arg8[%swap3A_1455, %swap3A_1456] {strides = array<i32>} : memref<128x256xf32, #tpu.memory_space<vmem>>, vector<1x16xf32>,
        %swap3A_1458 = vector.shape_cast %swap3A_1457 : vector<1x16xf32> to vector<16xf32>
        %swap3A_1459 = vector.shape_cast %max3A_1451 : vector<16xf32> to vector<1x16xf32>
        tpu.vector_store %arg8[%swap3A_1455, %swap3A_1456], %swap3A_1459 {strides = array<i32>} : memref<128x256xf32, #tpu.memory_space<vmem>>, vector<1x16xf32>,
        %get3A_1460 = arith.index_cast %mul3A_58 : i32 to index
        %get3A_1461 = arith.constant 192 : index
        %get3A_1462 = tpu.vector_load %arg6[%get3A_1460, %get3A_1461] {strides = array<i32>} : memref<128x256xf32, #tpu.memory_space<vmem>>, vector<1x16xf32>,
        %get3A_1463 = vector.shape_cast %get3A_1462 : vector<1x16xf32> to vector<16xf32>
        %add3A_1464 = arith.constant 1 : i32
        %add3A_1465 = arith.addi %mul3A_58, %add3A_1464 : i32
        %get3A_1466 = arith.index_cast %add3A_1465 : i32 to index
        %get3A_1467 = arith.constant 192 : index
        %get3A_1468 = tpu.vector_load %arg6[%get3A_1466, %get3A_1467] {strides = array<i32>} : memref<128x256xf32, #tpu.memory_space<vmem>>, vector<1x16xf32>,
        %get3A_1469 = vector.shape_cast %get3A_1468 : vector<1x16xf32> to vector<16xf32>
        %max3A_1470 = arith.maximumf %get3A_1463, %get3A_1469 : vector<16xf32>
        %add3A_1471 = arith.constant 2 : i32
        %add3A_1472 = arith.addi %mul3A_58, %add3A_1471 : i32
        %get3A_1473 = arith.index_cast %add3A_1472 : i32 to index
        %get3A_1474 = arith.constant 192 : index
        %get3A_1475 = tpu.vector_load %arg6[%get3A_1473, %get3A_1474] {strides = array<i32>} : memref<128x256xf32, #tpu.memory_space<vmem>>, vector<1x16xf32>,
        %get3A_1476 = vector.shape_cast %get3A_1475 : vector<1x16xf32> to vector<16xf32>
        %max3A_1477 = arith.maximumf %max3A_1470, %get3A_1476 : vector<16xf32>
        %add3A_1478 = arith.constant 3 : i32
        %add3A_1479 = arith.addi %mul3A_58, %add3A_1478 : i32
        %get3A_1480 = arith.index_cast %add3A_1479 : i32 to index
        %get3A_1481 = arith.constant 192 : index
        %get3A_1482 = tpu.vector_load %arg6[%get3A_1480, %get3A_1481] {strides = array<i32>} : memref<128x256xf32, #tpu.memory_space<vmem>>, vector<1x16xf32>,
        %get3A_1483 = vector.shape_cast %get3A_1482 : vector<1x16xf32> to vector<16xf32>
        %max3A_1484 = arith.maximumf %max3A_1477, %get3A_1483 : vector<16xf32>
        %add3A_1485 = arith.constant 4 : i32
        %add3A_1486 = arith.addi %mul3A_58, %add3A_1485 : i32
        %get3A_1487 = arith.index_cast %add3A_1486 : i32 to index
        %get3A_1488 = arith.constant 192 : index
        %get3A_1489 = tpu.vector_load %arg6[%get3A_1487, %get3A_1488] {strides = array<i32>} : memref<128x256xf32, #tpu.memory_space<vmem>>, vector<1x16xf32>,
        %get3A_1490 = vector.shape_cast %get3A_1489 : vector<1x16xf32> to vector<16xf32>
        %max3A_1491 = arith.maximumf %max3A_1484, %get3A_1490 : vector<16xf32>
        %add3A_1492 = arith.constant 5 : i32
        %add3A_1493 = arith.addi %mul3A_58, %add3A_1492 : i32
        %get3A_1494 = arith.index_cast %add3A_1493 : i32 to index
        %get3A_1495 = arith.constant 192 : index
        %get3A_1496 = tpu.vector_load %arg6[%get3A_1494, %get3A_1495] {strides = array<i32>} : memref<128x256xf32, #tpu.memory_space<vmem>>, vector<1x16xf32>,
        %get3A_1497 = vector.shape_cast %get3A_1496 : vector<1x16xf32> to vector<16xf32>
        %max3A_1498 = arith.maximumf %max3A_1491, %get3A_1497 : vector<16xf32>
        %add3A_1499 = arith.constant 6 : i32
        %add3A_1500 = arith.addi %mul3A_58, %add3A_1499 : i32
        %get3A_1501 = arith.index_cast %add3A_1500 : i32 to index
        %get3A_1502 = arith.constant 192 : index
        %get3A_1503 = tpu.vector_load %arg6[%get3A_1501, %get3A_1502] {strides = array<i32>} : memref<128x256xf32, #tpu.memory_space<vmem>>, vector<1x16xf32>,
        %get3A_1504 = vector.shape_cast %get3A_1503 : vector<1x16xf32> to vector<16xf32>
        %max3A_1505 = arith.maximumf %max3A_1498, %get3A_1504 : vector<16xf32>
        %add3A_1506 = arith.constant 7 : i32
        %add3A_1507 = arith.addi %mul3A_58, %add3A_1506 : i32
        %get3A_1508 = arith.index_cast %add3A_1507 : i32 to index
        %get3A_1509 = arith.constant 192 : index
        %get3A_1510 = tpu.vector_load %arg6[%get3A_1508, %get3A_1509] {strides = array<i32>} : memref<128x256xf32, #tpu.memory_space<vmem>>, vector<1x16xf32>,
        %get3A_1511 = vector.shape_cast %get3A_1510 : vector<1x16xf32> to vector<16xf32>
        %max3A_1512 = arith.maximumf %max3A_1505, %get3A_1511 : vector<16xf32>
        %add3A_1513 = arith.constant 8 : i32
        %add3A_1514 = arith.addi %mul3A_58, %add3A_1513 : i32
        %get3A_1515 = arith.index_cast %add3A_1514 : i32 to index
        %get3A_1516 = arith.constant 192 : index
        %get3A_1517 = tpu.vector_load %arg6[%get3A_1515, %get3A_1516] {strides = array<i32>} : memref<128x256xf32, #tpu.memory_space<vmem>>, vector<1x16xf32>,
        %get3A_1518 = vector.shape_cast %get3A_1517 : vector<1x16xf32> to vector<16xf32>
        %max3A_1519 = arith.maximumf %max3A_1512, %get3A_1518 : vector<16xf32>
        %add3A_1520 = arith.constant 9 : i32
        %add3A_1521 = arith.addi %mul3A_58, %add3A_1520 : i32
        %get3A_1522 = arith.index_cast %add3A_1521 : i32 to index
        %get3A_1523 = arith.constant 192 : index
        %get3A_1524 = tpu.vector_load %arg6[%get3A_1522, %get3A_1523] {strides = array<i32>} : memref<128x256xf32, #tpu.memory_space<vmem>>, vector<1x16xf32>,
        %get3A_1525 = vector.shape_cast %get3A_1524 : vector<1x16xf32> to vector<16xf32>
        %max3A_1526 = arith.maximumf %max3A_1519, %get3A_1525 : vector<16xf32>
        %add3A_1527 = arith.constant 10 : i32
        %add3A_1528 = arith.addi %mul3A_58, %add3A_1527 : i32
        %get3A_1529 = arith.index_cast %add3A_1528 : i32 to index
        %get3A_1530 = arith.constant 192 : index
        %get3A_1531 = tpu.vector_load %arg6[%get3A_1529, %get3A_1530] {strides = array<i32>} : memref<128x256xf32, #tpu.memory_space<vmem>>, vector<1x16xf32>,
        %get3A_1532 = vector.shape_cast %get3A_1531 : vector<1x16xf32> to vector<16xf32>
        %max3A_1533 = arith.maximumf %max3A_1526, %get3A_1532 : vector<16xf32>
        %add3A_1534 = arith.constant 11 : i32
        %add3A_1535 = arith.addi %mul3A_58, %add3A_1534 : i32
        %get3A_1536 = arith.index_cast %add3A_1535 : i32 to index
        %get3A_1537 = arith.constant 192 : index
        %get3A_1538 = tpu.vector_load %arg6[%get3A_1536, %get3A_1537] {strides = array<i32>} : memref<128x256xf32, #tpu.memory_space<vmem>>, vector<1x16xf32>,
        %get3A_1539 = vector.shape_cast %get3A_1538 : vector<1x16xf32> to vector<16xf32>
        %max3A_1540 = arith.maximumf %max3A_1533, %get3A_1539 : vector<16xf32>
        %add3A_1541 = arith.constant 12 : i32
        %add3A_1542 = arith.addi %mul3A_58, %add3A_1541 : i32
        %get3A_1543 = arith.index_cast %add3A_1542 : i32 to index
        %get3A_1544 = arith.constant 192 : index
        %get3A_1545 = tpu.vector_load %arg6[%get3A_1543, %get3A_1544] {strides = array<i32>} : memref<128x256xf32, #tpu.memory_space<vmem>>, vector<1x16xf32>,
        %get3A_1546 = vector.shape_cast %get3A_1545 : vector<1x16xf32> to vector<16xf32>
        %max3A_1547 = arith.maximumf %max3A_1540, %get3A_1546 : vector<16xf32>
        %add3A_1548 = arith.constant 13 : i32
        %add3A_1549 = arith.addi %mul3A_58, %add3A_1548 : i32
        %get3A_1550 = arith.index_cast %add3A_1549 : i32 to index
        %get3A_1551 = arith.constant 192 : index
        %get3A_1552 = tpu.vector_load %arg6[%get3A_1550, %get3A_1551] {strides = array<i32>} : memref<128x256xf32, #tpu.memory_space<vmem>>, vector<1x16xf32>,
        %get3A_1553 = vector.shape_cast %get3A_1552 : vector<1x16xf32> to vector<16xf32>
        %max3A_1554 = arith.maximumf %max3A_1547, %get3A_1553 : vector<16xf32>
        %add3A_1555 = arith.constant 14 : i32
        %add3A_1556 = arith.addi %mul3A_58, %add3A_1555 : i32
        %get3A_1557 = arith.index_cast %add3A_1556 : i32 to index
        %get3A_1558 = arith.constant 192 : index
        %get3A_1559 = tpu.vector_load %arg6[%get3A_1557, %get3A_1558] {strides = array<i32>} : memref<128x256xf32, #tpu.memory_space<vmem>>, vector<1x16xf32>,
        %get3A_1560 = vector.shape_cast %get3A_1559 : vector<1x16xf32> to vector<16xf32>
        %max3A_1561 = arith.maximumf %max3A_1554, %get3A_1560 : vector<16xf32>
        %add3A_1562 = arith.constant 15 : i32
        %add3A_1563 = arith.addi %mul3A_58, %add3A_1562 : i32
        %get3A_1564 = arith.index_cast %add3A_1563 : i32 to index
        %get3A_1565 = arith.constant 192 : index
        %get3A_1566 = tpu.vector_load %arg6[%get3A_1564, %get3A_1565] {strides = array<i32>} : memref<128x256xf32, #tpu.memory_space<vmem>>, vector<1x16xf32>,
        %get3A_1567 = vector.shape_cast %get3A_1566 : vector<1x16xf32> to vector<16xf32>
        %max3A_1568 = arith.maximumf %max3A_1561, %get3A_1567 : vector<16xf32>
        %mul3A_1569 = arith.constant 8 : i32
        %mul3A_1570 = arith.muli %mul3A_17, %mul3A_1569 : i32
        %add3A_1571 = arith.addi %mul3A_1570, %scan3A_56 : i32
        %swap3A_1572 = arith.index_cast %add3A_1571 : i32 to index
        %swap3A_1573 = arith.constant 192 : index
        %swap3A_1574 = tpu.vector_load %arg8[%swap3A_1572, %swap3A_1573] {strides = array<i32>} : memref<128x256xf32, #tpu.memory_space<vmem>>, vector<1x16xf32>,
        %swap3A_1575 = vector.shape_cast %swap3A_1574 : vector<1x16xf32> to vector<16xf32>
        %swap3A_1576 = vector.shape_cast %max3A_1568 : vector<16xf32> to vector<1x16xf32>
        tpu.vector_store %arg8[%swap3A_1572, %swap3A_1573], %swap3A_1576 {strides = array<i32>} : memref<128x256xf32, #tpu.memory_space<vmem>>, vector<1x16xf32>,
        %get3A_1577 = arith.index_cast %mul3A_58 : i32 to index
        %get3A_1578 = arith.constant 208 : index
        %get3A_1579 = tpu.vector_load %arg6[%get3A_1577, %get3A_1578] {strides = array<i32>} : memref<128x256xf32, #tpu.memory_space<vmem>>, vector<1x16xf32>,
        %get3A_1580 = vector.shape_cast %get3A_1579 : vector<1x16xf32> to vector<16xf32>
        %add3A_1581 = arith.constant 1 : i32
        %add3A_1582 = arith.addi %mul3A_58, %add3A_1581 : i32
        %get3A_1583 = arith.index_cast %add3A_1582 : i32 to index
        %get3A_1584 = arith.constant 208 : index
        %get3A_1585 = tpu.vector_load %arg6[%get3A_1583, %get3A_1584] {strides = array<i32>} : memref<128x256xf32, #tpu.memory_space<vmem>>, vector<1x16xf32>,
        %get3A_1586 = vector.shape_cast %get3A_1585 : vector<1x16xf32> to vector<16xf32>
        %max3A_1587 = arith.maximumf %get3A_1580, %get3A_1586 : vector<16xf32>
        %add3A_1588 = arith.constant 2 : i32
        %add3A_1589 = arith.addi %mul3A_58, %add3A_1588 : i32
        %get3A_1590 = arith.index_cast %add3A_1589 : i32 to index
        %get3A_1591 = arith.constant 208 : index
        %get3A_1592 = tpu.vector_load %arg6[%get3A_1590, %get3A_1591] {strides = array<i32>} : memref<128x256xf32, #tpu.memory_space<vmem>>, vector<1x16xf32>,
        %get3A_1593 = vector.shape_cast %get3A_1592 : vector<1x16xf32> to vector<16xf32>
        %max3A_1594 = arith.maximumf %max3A_1587, %get3A_1593 : vector<16xf32>
        %add3A_1595 = arith.constant 3 : i32
        %add3A_1596 = arith.addi %mul3A_58, %add3A_1595 : i32
        %get3A_1597 = arith.index_cast %add3A_1596 : i32 to index
        %get3A_1598 = arith.constant 208 : index
        %get3A_1599 = tpu.vector_load %arg6[%get3A_1597, %get3A_1598] {strides = array<i32>} : memref<128x256xf32, #tpu.memory_space<vmem>>, vector<1x16xf32>,
        %get3A_1600 = vector.shape_cast %get3A_1599 : vector<1x16xf32> to vector<16xf32>
        %max3A_1601 = arith.maximumf %max3A_1594, %get3A_1600 : vector<16xf32>
        %add3A_1602 = arith.constant 4 : i32
        %add3A_1603 = arith.addi %mul3A_58, %add3A_1602 : i32
        %get3A_1604 = arith.index_cast %add3A_1603 : i32 to index
        %get3A_1605 = arith.constant 208 : index
        %get3A_1606 = tpu.vector_load %arg6[%get3A_1604, %get3A_1605] {strides = array<i32>} : memref<128x256xf32, #tpu.memory_space<vmem>>, vector<1x16xf32>,
        %get3A_1607 = vector.shape_cast %get3A_1606 : vector<1x16xf32> to vector<16xf32>
        %max3A_1608 = arith.maximumf %max3A_1601, %get3A_1607 : vector<16xf32>
        %add3A_1609 = arith.constant 5 : i32
        %add3A_1610 = arith.addi %mul3A_58, %add3A_1609 : i32
        %get3A_1611 = arith.index_cast %add3A_1610 : i32 to index
        %get3A_1612 = arith.constant 208 : index
        %get3A_1613 = tpu.vector_load %arg6[%get3A_1611, %get3A_1612] {strides = array<i32>} : memref<128x256xf32, #tpu.memory_space<vmem>>, vector<1x16xf32>,
        %get3A_1614 = vector.shape_cast %get3A_1613 : vector<1x16xf32> to vector<16xf32>
        %max3A_1615 = arith.maximumf %max3A_1608, %get3A_1614 : vector<16xf32>
        %add3A_1616 = arith.constant 6 : i32
        %add3A_1617 = arith.addi %mul3A_58, %add3A_1616 : i32
        %get3A_1618 = arith.index_cast %add3A_1617 : i32 to index
        %get3A_1619 = arith.constant 208 : index
        %get3A_1620 = tpu.vector_load %arg6[%get3A_1618, %get3A_1619] {strides = array<i32>} : memref<128x256xf32, #tpu.memory_space<vmem>>, vector<1x16xf32>,
        %get3A_1621 = vector.shape_cast %get3A_1620 : vector<1x16xf32> to vector<16xf32>
        %max3A_1622 = arith.maximumf %max3A_1615, %get3A_1621 : vector<16xf32>
        %add3A_1623 = arith.constant 7 : i32
        %add3A_1624 = arith.addi %mul3A_58, %add3A_1623 : i32
        %get3A_1625 = arith.index_cast %add3A_1624 : i32 to index
        %get3A_1626 = arith.constant 208 : index
        %get3A_1627 = tpu.vector_load %arg6[%get3A_1625, %get3A_1626] {strides = array<i32>} : memref<128x256xf32, #tpu.memory_space<vmem>>, vector<1x16xf32>,
        %get3A_1628 = vector.shape_cast %get3A_1627 : vector<1x16xf32> to vector<16xf32>
        %max3A_1629 = arith.maximumf %max3A_1622, %get3A_1628 : vector<16xf32>
        %add3A_1630 = arith.constant 8 : i32
        %add3A_1631 = arith.addi %mul3A_58, %add3A_1630 : i32
        %get3A_1632 = arith.index_cast %add3A_1631 : i32 to index
        %get3A_1633 = arith.constant 208 : index
        %get3A_1634 = tpu.vector_load %arg6[%get3A_1632, %get3A_1633] {strides = array<i32>} : memref<128x256xf32, #tpu.memory_space<vmem>>, vector<1x16xf32>,
        %get3A_1635 = vector.shape_cast %get3A_1634 : vector<1x16xf32> to vector<16xf32>
        %max3A_1636 = arith.maximumf %max3A_1629, %get3A_1635 : vector<16xf32>
        %add3A_1637 = arith.constant 9 : i32
        %add3A_1638 = arith.addi %mul3A_58, %add3A_1637 : i32
        %get3A_1639 = arith.index_cast %add3A_1638 : i32 to index
        %get3A_1640 = arith.constant 208 : index
        %get3A_1641 = tpu.vector_load %arg6[%get3A_1639, %get3A_1640] {strides = array<i32>} : memref<128x256xf32, #tpu.memory_space<vmem>>, vector<1x16xf32>,
        %get3A_1642 = vector.shape_cast %get3A_1641 : vector<1x16xf32> to vector<16xf32>
        %max3A_1643 = arith.maximumf %max3A_1636, %get3A_1642 : vector<16xf32>
        %add3A_1644 = arith.constant 10 : i32
        %add3A_1645 = arith.addi %mul3A_58, %add3A_1644 : i32
        %get3A_1646 = arith.index_cast %add3A_1645 : i32 to index
        %get3A_1647 = arith.constant 208 : index
        %get3A_1648 = tpu.vector_load %arg6[%get3A_1646, %get3A_1647] {strides = array<i32>} : memref<128x256xf32, #tpu.memory_space<vmem>>, vector<1x16xf32>,
        %get3A_1649 = vector.shape_cast %get3A_1648 : vector<1x16xf32> to vector<16xf32>
        %max3A_1650 = arith.maximumf %max3A_1643, %get3A_1649 : vector<16xf32>
        %add3A_1651 = arith.constant 11 : i32
        %add3A_1652 = arith.addi %mul3A_58, %add3A_1651 : i32
        %get3A_1653 = arith.index_cast %add3A_1652 : i32 to index
        %get3A_1654 = arith.constant 208 : index
        %get3A_1655 = tpu.vector_load %arg6[%get3A_1653, %get3A_1654] {strides = array<i32>} : memref<128x256xf32, #tpu.memory_space<vmem>>, vector<1x16xf32>,
        %get3A_1656 = vector.shape_cast %get3A_1655 : vector<1x16xf32> to vector<16xf32>
        %max3A_1657 = arith.maximumf %max3A_1650, %get3A_1656 : vector<16xf32>
        %add3A_1658 = arith.constant 12 : i32
        %add3A_1659 = arith.addi %mul3A_58, %add3A_1658 : i32
        %get3A_1660 = arith.index_cast %add3A_1659 : i32 to index
        %get3A_1661 = arith.constant 208 : index
        %get3A_1662 = tpu.vector_load %arg6[%get3A_1660, %get3A_1661] {strides = array<i32>} : memref<128x256xf32, #tpu.memory_space<vmem>>, vector<1x16xf32>,
        %get3A_1663 = vector.shape_cast %get3A_1662 : vector<1x16xf32> to vector<16xf32>
        %max3A_1664 = arith.maximumf %max3A_1657, %get3A_1663 : vector<16xf32>
        %add3A_1665 = arith.constant 13 : i32
        %add3A_1666 = arith.addi %mul3A_58, %add3A_1665 : i32
        %get3A_1667 = arith.index_cast %add3A_1666 : i32 to index
        %get3A_1668 = arith.constant 208 : index
        %get3A_1669 = tpu.vector_load %arg6[%get3A_1667, %get3A_1668] {strides = array<i32>} : memref<128x256xf32, #tpu.memory_space<vmem>>, vector<1x16xf32>,
        %get3A_1670 = vector.shape_cast %get3A_1669 : vector<1x16xf32> to vector<16xf32>
        %max3A_1671 = arith.maximumf %max3A_1664, %get3A_1670 : vector<16xf32>
        %add3A_1672 = arith.constant 14 : i32
        %add3A_1673 = arith.addi %mul3A_58, %add3A_1672 : i32
        %get3A_1674 = arith.index_cast %add3A_1673 : i32 to index
        %get3A_1675 = arith.constant 208 : index
        %get3A_1676 = tpu.vector_load %arg6[%get3A_1674, %get3A_1675] {strides = array<i32>} : memref<128x256xf32, #tpu.memory_space<vmem>>, vector<1x16xf32>,
        %get3A_1677 = vector.shape_cast %get3A_1676 : vector<1x16xf32> to vector<16xf32>
        %max3A_1678 = arith.maximumf %max3A_1671, %get3A_1677 : vector<16xf32>
        %add3A_1679 = arith.constant 15 : i32
        %add3A_1680 = arith.addi %mul3A_58, %add3A_1679 : i32
        %get3A_1681 = arith.index_cast %add3A_1680 : i32 to index
        %get3A_1682 = arith.constant 208 : index
        %get3A_1683 = tpu.vector_load %arg6[%get3A_1681, %get3A_1682] {strides = array<i32>} : memref<128x256xf32, #tpu.memory_space<vmem>>, vector<1x16xf32>,
        %get3A_1684 = vector.shape_cast %get3A_1683 : vector<1x16xf32> to vector<16xf32>
        %max3A_1685 = arith.maximumf %max3A_1678, %get3A_1684 : vector<16xf32>
        %mul3A_1686 = arith.constant 8 : i32
        %mul3A_1687 = arith.muli %mul3A_17, %mul3A_1686 : i32
        %add3A_1688 = arith.addi %mul3A_1687, %scan3A_56 : i32
        %swap3A_1689 = arith.index_cast %add3A_1688 : i32 to index
        %swap3A_1690 = arith.constant 208 : index
        %swap3A_1691 = tpu.vector_load %arg8[%swap3A_1689, %swap3A_1690] {strides = array<i32>} : memref<128x256xf32, #tpu.memory_space<vmem>>, vector<1x16xf32>,
        %swap3A_1692 = vector.shape_cast %swap3A_1691 : vector<1x16xf32> to vector<16xf32>
        %swap3A_1693 = vector.shape_cast %max3A_1685 : vector<16xf32> to vector<1x16xf32>
        tpu.vector_store %arg8[%swap3A_1689, %swap3A_1690], %swap3A_1693 {strides = array<i32>} : memref<128x256xf32, #tpu.memory_space<vmem>>, vector<1x16xf32>,
        %get3A_1694 = arith.index_cast %mul3A_58 : i32 to index
        %get3A_1695 = arith.constant 224 : index
        %get3A_1696 = tpu.vector_load %arg6[%get3A_1694, %get3A_1695] {strides = array<i32>} : memref<128x256xf32, #tpu.memory_space<vmem>>, vector<1x16xf32>,
        %get3A_1697 = vector.shape_cast %get3A_1696 : vector<1x16xf32> to vector<16xf32>
        %add3A_1698 = arith.constant 1 : i32
        %add3A_1699 = arith.addi %mul3A_58, %add3A_1698 : i32
        %get3A_1700 = arith.index_cast %add3A_1699 : i32 to index
        %get3A_1701 = arith.constant 224 : index
        %get3A_1702 = tpu.vector_load %arg6[%get3A_1700, %get3A_1701] {strides = array<i32>} : memref<128x256xf32, #tpu.memory_space<vmem>>, vector<1x16xf32>,
        %get3A_1703 = vector.shape_cast %get3A_1702 : vector<1x16xf32> to vector<16xf32>
        %max3A_1704 = arith.maximumf %get3A_1697, %get3A_1703 : vector<16xf32>
        %add3A_1705 = arith.constant 2 : i32
        %add3A_1706 = arith.addi %mul3A_58, %add3A_1705 : i32
        %get3A_1707 = arith.index_cast %add3A_1706 : i32 to index
        %get3A_1708 = arith.constant 224 : index
        %get3A_1709 = tpu.vector_load %arg6[%get3A_1707, %get3A_1708] {strides = array<i32>} : memref<128x256xf32, #tpu.memory_space<vmem>>, vector<1x16xf32>,
        %get3A_1710 = vector.shape_cast %get3A_1709 : vector<1x16xf32> to vector<16xf32>
        %max3A_1711 = arith.maximumf %max3A_1704, %get3A_1710 : vector<16xf32>
        %add3A_1712 = arith.constant 3 : i32
        %add3A_1713 = arith.addi %mul3A_58, %add3A_1712 : i32
        %get3A_1714 = arith.index_cast %add3A_1713 : i32 to index
        %get3A_1715 = arith.constant 224 : index
        %get3A_1716 = tpu.vector_load %arg6[%get3A_1714, %get3A_1715] {strides = array<i32>} : memref<128x256xf32, #tpu.memory_space<vmem>>, vector<1x16xf32>,
        %get3A_1717 = vector.shape_cast %get3A_1716 : vector<1x16xf32> to vector<16xf32>
        %max3A_1718 = arith.maximumf %max3A_1711, %get3A_1717 : vector<16xf32>
        %add3A_1719 = arith.constant 4 : i32
        %add3A_1720 = arith.addi %mul3A_58, %add3A_1719 : i32
        %get3A_1721 = arith.index_cast %add3A_1720 : i32 to index
        %get3A_1722 = arith.constant 224 : index
        %get3A_1723 = tpu.vector_load %arg6[%get3A_1721, %get3A_1722] {strides = array<i32>} : memref<128x256xf32, #tpu.memory_space<vmem>>, vector<1x16xf32>,
        %get3A_1724 = vector.shape_cast %get3A_1723 : vector<1x16xf32> to vector<16xf32>
        %max3A_1725 = arith.maximumf %max3A_1718, %get3A_1724 : vector<16xf32>
        %add3A_1726 = arith.constant 5 : i32
        %add3A_1727 = arith.addi %mul3A_58, %add3A_1726 : i32
        %get3A_1728 = arith.index_cast %add3A_1727 : i32 to index
        %get3A_1729 = arith.constant 224 : index
        %get3A_1730 = tpu.vector_load %arg6[%get3A_1728, %get3A_1729] {strides = array<i32>} : memref<128x256xf32, #tpu.memory_space<vmem>>, vector<1x16xf32>,
        %get3A_1731 = vector.shape_cast %get3A_1730 : vector<1x16xf32> to vector<16xf32>
        %max3A_1732 = arith.maximumf %max3A_1725, %get3A_1731 : vector<16xf32>
        %add3A_1733 = arith.constant 6 : i32
        %add3A_1734 = arith.addi %mul3A_58, %add3A_1733 : i32
        %get3A_1735 = arith.index_cast %add3A_1734 : i32 to index
        %get3A_1736 = arith.constant 224 : index
        %get3A_1737 = tpu.vector_load %arg6[%get3A_1735, %get3A_1736] {strides = array<i32>} : memref<128x256xf32, #tpu.memory_space<vmem>>, vector<1x16xf32>,
        %get3A_1738 = vector.shape_cast %get3A_1737 : vector<1x16xf32> to vector<16xf32>
        %max3A_1739 = arith.maximumf %max3A_1732, %get3A_1738 : vector<16xf32>
        %add3A_1740 = arith.constant 7 : i32
        %add3A_1741 = arith.addi %mul3A_58, %add3A_1740 : i32
        %get3A_1742 = arith.index_cast %add3A_1741 : i32 to index
        %get3A_1743 = arith.constant 224 : index
        %get3A_1744 = tpu.vector_load %arg6[%get3A_1742, %get3A_1743] {strides = array<i32>} : memref<128x256xf32, #tpu.memory_space<vmem>>, vector<1x16xf32>,
        %get3A_1745 = vector.shape_cast %get3A_1744 : vector<1x16xf32> to vector<16xf32>
        %max3A_1746 = arith.maximumf %max3A_1739, %get3A_1745 : vector<16xf32>
        %add3A_1747 = arith.constant 8 : i32
        %add3A_1748 = arith.addi %mul3A_58, %add3A_1747 : i32
        %get3A_1749 = arith.index_cast %add3A_1748 : i32 to index
        %get3A_1750 = arith.constant 224 : index
        %get3A_1751 = tpu.vector_load %arg6[%get3A_1749, %get3A_1750] {strides = array<i32>} : memref<128x256xf32, #tpu.memory_space<vmem>>, vector<1x16xf32>,
        %get3A_1752 = vector.shape_cast %get3A_1751 : vector<1x16xf32> to vector<16xf32>
        %max3A_1753 = arith.maximumf %max3A_1746, %get3A_1752 : vector<16xf32>
        %add3A_1754 = arith.constant 9 : i32
        %add3A_1755 = arith.addi %mul3A_58, %add3A_1754 : i32
        %get3A_1756 = arith.index_cast %add3A_1755 : i32 to index
        %get3A_1757 = arith.constant 224 : index
        %get3A_1758 = tpu.vector_load %arg6[%get3A_1756, %get3A_1757] {strides = array<i32>} : memref<128x256xf32, #tpu.memory_space<vmem>>, vector<1x16xf32>,
        %get3A_1759 = vector.shape_cast %get3A_1758 : vector<1x16xf32> to vector<16xf32>
        %max3A_1760 = arith.maximumf %max3A_1753, %get3A_1759 : vector<16xf32>
        %add3A_1761 = arith.constant 10 : i32
        %add3A_1762 = arith.addi %mul3A_58, %add3A_1761 : i32
        %get3A_1763 = arith.index_cast %add3A_1762 : i32 to index
        %get3A_1764 = arith.constant 224 : index
        %get3A_1765 = tpu.vector_load %arg6[%get3A_1763, %get3A_1764] {strides = array<i32>} : memref<128x256xf32, #tpu.memory_space<vmem>>, vector<1x16xf32>,
        %get3A_1766 = vector.shape_cast %get3A_1765 : vector<1x16xf32> to vector<16xf32>
        %max3A_1767 = arith.maximumf %max3A_1760, %get3A_1766 : vector<16xf32>
        %add3A_1768 = arith.constant 11 : i32
        %add3A_1769 = arith.addi %mul3A_58, %add3A_1768 : i32
        %get3A_1770 = arith.index_cast %add3A_1769 : i32 to index
        %get3A_1771 = arith.constant 224 : index
        %get3A_1772 = tpu.vector_load %arg6[%get3A_1770, %get3A_1771] {strides = array<i32>} : memref<128x256xf32, #tpu.memory_space<vmem>>, vector<1x16xf32>,
        %get3A_1773 = vector.shape_cast %get3A_1772 : vector<1x16xf32> to vector<16xf32>
        %max3A_1774 = arith.maximumf %max3A_1767, %get3A_1773 : vector<16xf32>
        %add3A_1775 = arith.constant 12 : i32
        %add3A_1776 = arith.addi %mul3A_58, %add3A_1775 : i32
        %get3A_1777 = arith.index_cast %add3A_1776 : i32 to index
        %get3A_1778 = arith.constant 224 : index
        %get3A_1779 = tpu.vector_load %arg6[%get3A_1777, %get3A_1778] {strides = array<i32>} : memref<128x256xf32, #tpu.memory_space<vmem>>, vector<1x16xf32>,
        %get3A_1780 = vector.shape_cast %get3A_1779 : vector<1x16xf32> to vector<16xf32>
        %max3A_1781 = arith.maximumf %max3A_1774, %get3A_1780 : vector<16xf32>
        %add3A_1782 = arith.constant 13 : i32
        %add3A_1783 = arith.addi %mul3A_58, %add3A_1782 : i32
        %get3A_1784 = arith.index_cast %add3A_1783 : i32 to index
        %get3A_1785 = arith.constant 224 : index
        %get3A_1786 = tpu.vector_load %arg6[%get3A_1784, %get3A_1785] {strides = array<i32>} : memref<128x256xf32, #tpu.memory_space<vmem>>, vector<1x16xf32>,
        %get3A_1787 = vector.shape_cast %get3A_1786 : vector<1x16xf32> to vector<16xf32>
        %max3A_1788 = arith.maximumf %max3A_1781, %get3A_1787 : vector<16xf32>
        %add3A_1789 = arith.constant 14 : i32
        %add3A_1790 = arith.addi %mul3A_58, %add3A_1789 : i32
        %get3A_1791 = arith.index_cast %add3A_1790 : i32 to index
        %get3A_1792 = arith.constant 224 : index
        %get3A_1793 = tpu.vector_load %arg6[%get3A_1791, %get3A_1792] {strides = array<i32>} : memref<128x256xf32, #tpu.memory_space<vmem>>, vector<1x16xf32>,
        %get3A_1794 = vector.shape_cast %get3A_1793 : vector<1x16xf32> to vector<16xf32>
        %max3A_1795 = arith.maximumf %max3A_1788, %get3A_1794 : vector<16xf32>
        %add3A_1796 = arith.constant 15 : i32
        %add3A_1797 = arith.addi %mul3A_58, %add3A_1796 : i32
        %get3A_1798 = arith.index_cast %add3A_1797 : i32 to index
        %get3A_1799 = arith.constant 224 : index
        %get3A_1800 = tpu.vector_load %arg6[%get3A_1798, %get3A_1799] {strides = array<i32>} : memref<128x256xf32, #tpu.memory_space<vmem>>, vector<1x16xf32>,
        %get3A_1801 = vector.shape_cast %get3A_1800 : vector<1x16xf32> to vector<16xf32>
        %max3A_1802 = arith.maximumf %max3A_1795, %get3A_1801 : vector<16xf32>
        %mul3A_1803 = arith.constant 8 : i32
        %mul3A_1804 = arith.muli %mul3A_17, %mul3A_1803 : i32
        %add3A_1805 = arith.addi %mul3A_1804, %scan3A_56 : i32
        %swap3A_1806 = arith.index_cast %add3A_1805 : i32 to index
        %swap3A_1807 = arith.constant 224 : index
        %swap3A_1808 = tpu.vector_load %arg8[%swap3A_1806, %swap3A_1807] {strides = array<i32>} : memref<128x256xf32, #tpu.memory_space<vmem>>, vector<1x16xf32>,
        %swap3A_1809 = vector.shape_cast %swap3A_1808 : vector<1x16xf32> to vector<16xf32>
        %swap3A_1810 = vector.shape_cast %max3A_1802 : vector<16xf32> to vector<1x16xf32>
        tpu.vector_store %arg8[%swap3A_1806, %swap3A_1807], %swap3A_1810 {strides = array<i32>} : memref<128x256xf32, #tpu.memory_space<vmem>>, vector<1x16xf32>,
        %get3A_1811 = arith.index_cast %mul3A_58 : i32 to index
        %get3A_1812 = arith.constant 240 : index
        %get3A_1813 = tpu.vector_load %arg6[%get3A_1811, %get3A_1812] {strides = array<i32>} : memref<128x256xf32, #tpu.memory_space<vmem>>, vector<1x16xf32>,
        %get3A_1814 = vector.shape_cast %get3A_1813 : vector<1x16xf32> to vector<16xf32>
        %add3A_1815 = arith.constant 1 : i32
        %add3A_1816 = arith.addi %mul3A_58, %add3A_1815 : i32
        %get3A_1817 = arith.index_cast %add3A_1816 : i32 to index
        %get3A_1818 = arith.constant 240 : index
        %get3A_1819 = tpu.vector_load %arg6[%get3A_1817, %get3A_1818] {strides = array<i32>} : memref<128x256xf32, #tpu.memory_space<vmem>>, vector<1x16xf32>,
        %get3A_1820 = vector.shape_cast %get3A_1819 : vector<1x16xf32> to vector<16xf32>
        %max3A_1821 = arith.maximumf %get3A_1814, %get3A_1820 : vector<16xf32>
        %add3A_1822 = arith.constant 2 : i32
        %add3A_1823 = arith.addi %mul3A_58, %add3A_1822 : i32
        %get3A_1824 = arith.index_cast %add3A_1823 : i32 to index
        %get3A_1825 = arith.constant 240 : index
        %get3A_1826 = tpu.vector_load %arg6[%get3A_1824, %get3A_1825] {strides = array<i32>} : memref<128x256xf32, #tpu.memory_space<vmem>>, vector<1x16xf32>,
        %get3A_1827 = vector.shape_cast %get3A_1826 : vector<1x16xf32> to vector<16xf32>
        %max3A_1828 = arith.maximumf %max3A_1821, %get3A_1827 : vector<16xf32>
        %add3A_1829 = arith.constant 3 : i32
        %add3A_1830 = arith.addi %mul3A_58, %add3A_1829 : i32
        %get3A_1831 = arith.index_cast %add3A_1830 : i32 to index
        %get3A_1832 = arith.constant 240 : index
        %get3A_1833 = tpu.vector_load %arg6[%get3A_1831, %get3A_1832] {strides = array<i32>} : memref<128x256xf32, #tpu.memory_space<vmem>>, vector<1x16xf32>,
        %get3A_1834 = vector.shape_cast %get3A_1833 : vector<1x16xf32> to vector<16xf32>
        %max3A_1835 = arith.maximumf %max3A_1828, %get3A_1834 : vector<16xf32>
        %add3A_1836 = arith.constant 4 : i32
        %add3A_1837 = arith.addi %mul3A_58, %add3A_1836 : i32
        %get3A_1838 = arith.index_cast %add3A_1837 : i32 to index
        %get3A_1839 = arith.constant 240 : index
        %get3A_1840 = tpu.vector_load %arg6[%get3A_1838, %get3A_1839] {strides = array<i32>} : memref<128x256xf32, #tpu.memory_space<vmem>>, vector<1x16xf32>,
        %get3A_1841 = vector.shape_cast %get3A_1840 : vector<1x16xf32> to vector<16xf32>
        %max3A_1842 = arith.maximumf %max3A_1835, %get3A_1841 : vector<16xf32>
        %add3A_1843 = arith.constant 5 : i32
        %add3A_1844 = arith.addi %mul3A_58, %add3A_1843 : i32
        %get3A_1845 = arith.index_cast %add3A_1844 : i32 to index
        %get3A_1846 = arith.constant 240 : index
        %get3A_1847 = tpu.vector_load %arg6[%get3A_1845, %get3A_1846] {strides = array<i32>} : memref<128x256xf32, #tpu.memory_space<vmem>>, vector<1x16xf32>,
        %get3A_1848 = vector.shape_cast %get3A_1847 : vector<1x16xf32> to vector<16xf32>
        %max3A_1849 = arith.maximumf %max3A_1842, %get3A_1848 : vector<16xf32>
        %add3A_1850 = arith.constant 6 : i32
        %add3A_1851 = arith.addi %mul3A_58, %add3A_1850 : i32
        %get3A_1852 = arith.index_cast %add3A_1851 : i32 to index
        %get3A_1853 = arith.constant 240 : index
        %get3A_1854 = tpu.vector_load %arg6[%get3A_1852, %get3A_1853] {strides = array<i32>} : memref<128x256xf32, #tpu.memory_space<vmem>>, vector<1x16xf32>,
        %get3A_1855 = vector.shape_cast %get3A_1854 : vector<1x16xf32> to vector<16xf32>
        %max3A_1856 = arith.maximumf %max3A_1849, %get3A_1855 : vector<16xf32>
        %add3A_1857 = arith.constant 7 : i32
        %add3A_1858 = arith.addi %mul3A_58, %add3A_1857 : i32
        %get3A_1859 = arith.index_cast %add3A_1858 : i32 to index
        %get3A_1860 = arith.constant 240 : index
        %get3A_1861 = tpu.vector_load %arg6[%get3A_1859, %get3A_1860] {strides = array<i32>} : memref<128x256xf32, #tpu.memory_space<vmem>>, vector<1x16xf32>,
        %get3A_1862 = vector.shape_cast %get3A_1861 : vector<1x16xf32> to vector<16xf32>
        %max3A_1863 = arith.maximumf %max3A_1856, %get3A_1862 : vector<16xf32>
        %add3A_1864 = arith.constant 8 : i32
        %add3A_1865 = arith.addi %mul3A_58, %add3A_1864 : i32
        %get3A_1866 = arith.index_cast %add3A_1865 : i32 to index
        %get3A_1867 = arith.constant 240 : index
        %get3A_1868 = tpu.vector_load %arg6[%get3A_1866, %get3A_1867] {strides = array<i32>} : memref<128x256xf32, #tpu.memory_space<vmem>>, vector<1x16xf32>,
        %get3A_1869 = vector.shape_cast %get3A_1868 : vector<1x16xf32> to vector<16xf32>
        %max3A_1870 = arith.maximumf %max3A_1863, %get3A_1869 : vector<16xf32>
        %add3A_1871 = arith.constant 9 : i32
        %add3A_1872 = arith.addi %mul3A_58, %add3A_1871 : i32
        %get3A_1873 = arith.index_cast %add3A_1872 : i32 to index
        %get3A_1874 = arith.constant 240 : index
        %get3A_1875 = tpu.vector_load %arg6[%get3A_1873, %get3A_1874] {strides = array<i32>} : memref<128x256xf32, #tpu.memory_space<vmem>>, vector<1x16xf32>,
        %get3A_1876 = vector.shape_cast %get3A_1875 : vector<1x16xf32> to vector<16xf32>
        %max3A_1877 = arith.maximumf %max3A_1870, %get3A_1876 : vector<16xf32>
        %add3A_1878 = arith.constant 10 : i32
        %add3A_1879 = arith.addi %mul3A_58, %add3A_1878 : i32
        %get3A_1880 = arith.index_cast %add3A_1879 : i32 to index
        %get3A_1881 = arith.constant 240 : index
        %get3A_1882 = tpu.vector_load %arg6[%get3A_1880, %get3A_1881] {strides = array<i32>} : memref<128x256xf32, #tpu.memory_space<vmem>>, vector<1x16xf32>,
        %get3A_1883 = vector.shape_cast %get3A_1882 : vector<1x16xf32> to vector<16xf32>
        %max3A_1884 = arith.maximumf %max3A_1877, %get3A_1883 : vector<16xf32>
        %add3A_1885 = arith.constant 11 : i32
        %add3A_1886 = arith.addi %mul3A_58, %add3A_1885 : i32
        %get3A_1887 = arith.index_cast %add3A_1886 : i32 to index
        %get3A_1888 = arith.constant 240 : index
        %get3A_1889 = tpu.vector_load %arg6[%get3A_1887, %get3A_1888] {strides = array<i32>} : memref<128x256xf32, #tpu.memory_space<vmem>>, vector<1x16xf32>,
        %get3A_1890 = vector.shape_cast %get3A_1889 : vector<1x16xf32> to vector<16xf32>
        %max3A_1891 = arith.maximumf %max3A_1884, %get3A_1890 : vector<16xf32>
        %add3A_1892 = arith.constant 12 : i32
        %add3A_1893 = arith.addi %mul3A_58, %add3A_1892 : i32
        %get3A_1894 = arith.index_cast %add3A_1893 : i32 to index
        %get3A_1895 = arith.constant 240 : index
        %get3A_1896 = tpu.vector_load %arg6[%get3A_1894, %get3A_1895] {strides = array<i32>} : memref<128x256xf32, #tpu.memory_space<vmem>>, vector<1x16xf32>,
        %get3A_1897 = vector.shape_cast %get3A_1896 : vector<1x16xf32> to vector<16xf32>
        %max3A_1898 = arith.maximumf %max3A_1891, %get3A_1897 : vector<16xf32>
        %add3A_1899 = arith.constant 13 : i32
        %add3A_1900 = arith.addi %mul3A_58, %add3A_1899 : i32
        %get3A_1901 = arith.index_cast %add3A_1900 : i32 to index
        %get3A_1902 = arith.constant 240 : index
        %get3A_1903 = tpu.vector_load %arg6[%get3A_1901, %get3A_1902] {strides = array<i32>} : memref<128x256xf32, #tpu.memory_space<vmem>>, vector<1x16xf32>,
        %get3A_1904 = vector.shape_cast %get3A_1903 : vector<1x16xf32> to vector<16xf32>
        %max3A_1905 = arith.maximumf %max3A_1898, %get3A_1904 : vector<16xf32>
        %add3A_1906 = arith.constant 14 : i32
        %add3A_1907 = arith.addi %mul3A_58, %add3A_1906 : i32
        %get3A_1908 = arith.index_cast %add3A_1907 : i32 to index
        %get3A_1909 = arith.constant 240 : index
        %get3A_1910 = tpu.vector_load %arg6[%get3A_1908, %get3A_1909] {strides = array<i32>} : memref<128x256xf32, #tpu.memory_space<vmem>>, vector<1x16xf32>,
        %get3A_1911 = vector.shape_cast %get3A_1910 : vector<1x16xf32> to vector<16xf32>
        %max3A_1912 = arith.maximumf %max3A_1905, %get3A_1911 : vector<16xf32>
        %add3A_1913 = arith.constant 15 : i32
        %add3A_1914 = arith.addi %mul3A_58, %add3A_1913 : i32
        %get3A_1915 = arith.index_cast %add3A_1914 : i32 to index
        %get3A_1916 = arith.constant 240 : index
        %get3A_1917 = tpu.vector_load %arg6[%get3A_1915, %get3A_1916] {strides = array<i32>} : memref<128x256xf32, #tpu.memory_space<vmem>>, vector<1x16xf32>,
        %get3A_1918 = vector.shape_cast %get3A_1917 : vector<1x16xf32> to vector<16xf32>
        %max3A_1919 = arith.maximumf %max3A_1912, %get3A_1918 : vector<16xf32>
        %mul3A_1920 = arith.constant 8 : i32
        %mul3A_1921 = arith.muli %mul3A_17, %mul3A_1920 : i32
        %add3A_1922 = arith.addi %mul3A_1921, %scan3A_56 : i32
        %swap3A_1923 = arith.index_cast %add3A_1922 : i32 to index
        %swap3A_1924 = arith.constant 240 : index
        %swap3A_1925 = tpu.vector_load %arg8[%swap3A_1923, %swap3A_1924] {strides = array<i32>} : memref<128x256xf32, #tpu.memory_space<vmem>>, vector<1x16xf32>,
        %swap3A_1926 = vector.shape_cast %swap3A_1925 : vector<1x16xf32> to vector<16xf32>
        %swap3A_1927 = vector.shape_cast %max3A_1919 : vector<16xf32> to vector<1x16xf32>
        tpu.vector_store %arg8[%swap3A_1923, %swap3A_1924], %swap3A_1927 {strides = array<i32>} : memref<128x256xf32, #tpu.memory_space<vmem>>, vector<1x16xf32>,
      }
      %scan3A_38 = arith.constant 8 : i32
      %add3A_39 = arith.constant 1 : i32
      %add3A_40 = arith.addi %add3A_19, %add3A_39 : i32
      %lt3A = arith.constant 16 : i32
      %lt3A_41 = arith.cmpi slt, %add3A_40, %lt3A : i32
      %convert_element_type3A = arith.extui %lt3A_41 : i1 to i32
      %cond3A = arith.constant 0 : i32
      %cond3A_42 = arith.cmpi ne, %convert_element_type3A, %cond3A : i32
      scf.if %cond3A_42 {
        %add3A_56 = arith.constant 1 : i32
        %add3A_57 = arith.addi %add3A_19, %add3A_56 : i32
        %mul3A_58 = arith.constant 128 : i32
        %mul3A_59 = arith.muli %add3A_57, %mul3A_58 : i32
        %multiple_of3A_60 = tpu.assume_multiple %mul3A_59, 128 : i32
        %dma_start3A_61 = tpu.memref_slice %arg5[%multiple_of3A_60] : memref<2048xi32, #tpu.memory_space<vmem>> -> memref<128xi32, #tpu.memory_space<vmem>>
        %dma_start3A_62 = arith.constant 0 : i32
        %dma_start3A_63 = arith.constant 0 : i32
        %dma_start3A_64 = tpu.memref_slice %arg2[%dma_start3A_62, %dma_start3A_63] : memref<16384x256xf32, #tpu.memory_space<hbm>> -> memref<16384x256xf32, #tpu.memory_space<hbm>>
        tpu.enqueue_indirect_dma source(%dma_start3A_64 : memref<16384x256xf32, #tpu.memory_space<hbm>>) target(%arg6 : memref<128x256xf32, #tpu.memory_space<vmem>>) offsets(%dma_start3A_61 : memref<128xi32, #tpu.memory_space<vmem>>) semaphore(%arg9 : memref<!tpu.dma_semaphore, #tpu.memory_space<semaphore_mem>>)
      } else {
      }
      %mul3A_43 = arith.constant 128 : i32
      %mul3A_44 = arith.muli %add3A_19, %mul3A_43 : i32
      %multiple_of3A_45 = tpu.assume_multiple %mul3A_44, 128 : i32
      %dma_wait3A_46 = tpu.memref_slice %arg5[%multiple_of3A_45] : memref<2048xi32, #tpu.memory_space<vmem>> -> memref<128xi32, #tpu.memory_space<vmem>>
      %dma_wait3A_47 = arith.constant 0 : i32
      %dma_wait3A_48 = arith.constant 0 : i32
      %dma_wait3A_49 = tpu.memref_slice %arg2[%dma_wait3A_47, %dma_wait3A_48] : memref<16384x256xf32, #tpu.memory_space<hbm>> -> memref<16384x256xf32, #tpu.memory_space<hbm>>
      tpu.wait_indirect_dma semaphore(%arg10 : memref<!tpu.dma_semaphore, #tpu.memory_space<semaphore_mem>>) src(%dma_wait3A_49 : memref<16384x256xf32, #tpu.memory_space<hbm>>) dst(%arg7 : memref<128x256xf32, #tpu.memory_space<vmem>>)
      %scan3A_50 = arith.constant 0 : i32
      %scan3A_51 = arith.constant 0 : i32
      %scan3A_52 = arith.constant 8 : i32
      %scan3A_53 = arith.addi %scan3A_51, %scan3A_52 : i32
      %scan3A_54 = arith.constant 1 : i32
      scf.for %scan3A_56 = %scan3A_51 to %scan3A_53 step %scan3A_54  : i32 {
        %mul3A_57 = arith.constant 16 : i32
        %mul3A_58 = arith.muli %scan3A_56, %mul3A_57 : i32
        %get3A = arith.index_cast %mul3A_58 : i32 to index
        %get3A_59 = arith.constant 0 : index
        %get3A_60 = tpu.vector_load %arg7[%get3A, %get3A_59] {strides = array<i32>} : memref<128x256xf32, #tpu.memory_space<vmem>>, vector<1x16xf32>,
        %get3A_61 = vector.shape_cast %get3A_60 : vector<1x16xf32> to vector<16xf32>
        %add3A_62 = arith.constant 1 : i32
        %add3A_63 = arith.addi %mul3A_58, %add3A_62 : i32
        %get3A_64 = arith.index_cast %add3A_63 : i32 to index
        %get3A_65 = arith.constant 0 : index
        %get3A_66 = tpu.vector_load %arg7[%get3A_64, %get3A_65] {strides = array<i32>} : memref<128x256xf32, #tpu.memory_space<vmem>>, vector<1x16xf32>,
        %get3A_67 = vector.shape_cast %get3A_66 : vector<1x16xf32> to vector<16xf32>
        %max3A = arith.maximumf %get3A_61, %get3A_67 : vector<16xf32>
        %add3A_68 = arith.constant 2 : i32
        %add3A_69 = arith.addi %mul3A_58, %add3A_68 : i32
        %get3A_70 = arith.index_cast %add3A_69 : i32 to index
        %get3A_71 = arith.constant 0 : index
        %get3A_72 = tpu.vector_load %arg7[%get3A_70, %get3A_71] {strides = array<i32>} : memref<128x256xf32, #tpu.memory_space<vmem>>, vector<1x16xf32>,
        %get3A_73 = vector.shape_cast %get3A_72 : vector<1x16xf32> to vector<16xf32>
        %max3A_74 = arith.maximumf %max3A, %get3A_73 : vector<16xf32>
        %add3A_75 = arith.constant 3 : i32
        %add3A_76 = arith.addi %mul3A_58, %add3A_75 : i32
        %get3A_77 = arith.index_cast %add3A_76 : i32 to index
        %get3A_78 = arith.constant 0 : index
        %get3A_79 = tpu.vector_load %arg7[%get3A_77, %get3A_78] {strides = array<i32>} : memref<128x256xf32, #tpu.memory_space<vmem>>, vector<1x16xf32>,
        %get3A_80 = vector.shape_cast %get3A_79 : vector<1x16xf32> to vector<16xf32>
        %max3A_81 = arith.maximumf %max3A_74, %get3A_80 : vector<16xf32>
        %add3A_82 = arith.constant 4 : i32
        %add3A_83 = arith.addi %mul3A_58, %add3A_82 : i32
        %get3A_84 = arith.index_cast %add3A_83 : i32 to index
        %get3A_85 = arith.constant 0 : index
        %get3A_86 = tpu.vector_load %arg7[%get3A_84, %get3A_85] {strides = array<i32>} : memref<128x256xf32, #tpu.memory_space<vmem>>, vector<1x16xf32>,
        %get3A_87 = vector.shape_cast %get3A_86 : vector<1x16xf32> to vector<16xf32>
        %max3A_88 = arith.maximumf %max3A_81, %get3A_87 : vector<16xf32>
        %add3A_89 = arith.constant 5 : i32
        %add3A_90 = arith.addi %mul3A_58, %add3A_89 : i32
        %get3A_91 = arith.index_cast %add3A_90 : i32 to index
        %get3A_92 = arith.constant 0 : index
        %get3A_93 = tpu.vector_load %arg7[%get3A_91, %get3A_92] {strides = array<i32>} : memref<128x256xf32, #tpu.memory_space<vmem>>, vector<1x16xf32>,
        %get3A_94 = vector.shape_cast %get3A_93 : vector<1x16xf32> to vector<16xf32>
        %max3A_95 = arith.maximumf %max3A_88, %get3A_94 : vector<16xf32>
        %add3A_96 = arith.constant 6 : i32
        %add3A_97 = arith.addi %mul3A_58, %add3A_96 : i32
        %get3A_98 = arith.index_cast %add3A_97 : i32 to index
        %get3A_99 = arith.constant 0 : index
        %get3A_100 = tpu.vector_load %arg7[%get3A_98, %get3A_99] {strides = array<i32>} : memref<128x256xf32, #tpu.memory_space<vmem>>, vector<1x16xf32>,
        %get3A_101 = vector.shape_cast %get3A_100 : vector<1x16xf32> to vector<16xf32>
        %max3A_102 = arith.maximumf %max3A_95, %get3A_101 : vector<16xf32>
        %add3A_103 = arith.constant 7 : i32
        %add3A_104 = arith.addi %mul3A_58, %add3A_103 : i32
        %get3A_105 = arith.index_cast %add3A_104 : i32 to index
        %get3A_106 = arith.constant 0 : index
        %get3A_107 = tpu.vector_load %arg7[%get3A_105, %get3A_106] {strides = array<i32>} : memref<128x256xf32, #tpu.memory_space<vmem>>, vector<1x16xf32>,
        %get3A_108 = vector.shape_cast %get3A_107 : vector<1x16xf32> to vector<16xf32>
        %max3A_109 = arith.maximumf %max3A_102, %get3A_108 : vector<16xf32>
        %add3A_110 = arith.constant 8 : i32
        %add3A_111 = arith.addi %mul3A_58, %add3A_110 : i32
        %get3A_112 = arith.index_cast %add3A_111 : i32 to index
        %get3A_113 = arith.constant 0 : index
        %get3A_114 = tpu.vector_load %arg7[%get3A_112, %get3A_113] {strides = array<i32>} : memref<128x256xf32, #tpu.memory_space<vmem>>, vector<1x16xf32>,
        %get3A_115 = vector.shape_cast %get3A_114 : vector<1x16xf32> to vector<16xf32>
        %max3A_116 = arith.maximumf %max3A_109, %get3A_115 : vector<16xf32>
        %add3A_117 = arith.constant 9 : i32
        %add3A_118 = arith.addi %mul3A_58, %add3A_117 : i32
        %get3A_119 = arith.index_cast %add3A_118 : i32 to index
        %get3A_120 = arith.constant 0 : index
        %get3A_121 = tpu.vector_load %arg7[%get3A_119, %get3A_120] {strides = array<i32>} : memref<128x256xf32, #tpu.memory_space<vmem>>, vector<1x16xf32>,
        %get3A_122 = vector.shape_cast %get3A_121 : vector<1x16xf32> to vector<16xf32>
        %max3A_123 = arith.maximumf %max3A_116, %get3A_122 : vector<16xf32>
        %add3A_124 = arith.constant 10 : i32
        %add3A_125 = arith.addi %mul3A_58, %add3A_124 : i32
        %get3A_126 = arith.index_cast %add3A_125 : i32 to index
        %get3A_127 = arith.constant 0 : index
        %get3A_128 = tpu.vector_load %arg7[%get3A_126, %get3A_127] {strides = array<i32>} : memref<128x256xf32, #tpu.memory_space<vmem>>, vector<1x16xf32>,
        %get3A_129 = vector.shape_cast %get3A_128 : vector<1x16xf32> to vector<16xf32>
        %max3A_130 = arith.maximumf %max3A_123, %get3A_129 : vector<16xf32>
        %add3A_131 = arith.constant 11 : i32
        %add3A_132 = arith.addi %mul3A_58, %add3A_131 : i32
        %get3A_133 = arith.index_cast %add3A_132 : i32 to index
        %get3A_134 = arith.constant 0 : index
        %get3A_135 = tpu.vector_load %arg7[%get3A_133, %get3A_134] {strides = array<i32>} : memref<128x256xf32, #tpu.memory_space<vmem>>, vector<1x16xf32>,
        %get3A_136 = vector.shape_cast %get3A_135 : vector<1x16xf32> to vector<16xf32>
        %max3A_137 = arith.maximumf %max3A_130, %get3A_136 : vector<16xf32>
        %add3A_138 = arith.constant 12 : i32
        %add3A_139 = arith.addi %mul3A_58, %add3A_138 : i32
        %get3A_140 = arith.index_cast %add3A_139 : i32 to index
        %get3A_141 = arith.constant 0 : index
        %get3A_142 = tpu.vector_load %arg7[%get3A_140, %get3A_141] {strides = array<i32>} : memref<128x256xf32, #tpu.memory_space<vmem>>, vector<1x16xf32>,
        %get3A_143 = vector.shape_cast %get3A_142 : vector<1x16xf32> to vector<16xf32>
        %max3A_144 = arith.maximumf %max3A_137, %get3A_143 : vector<16xf32>
        %add3A_145 = arith.constant 13 : i32
        %add3A_146 = arith.addi %mul3A_58, %add3A_145 : i32
        %get3A_147 = arith.index_cast %add3A_146 : i32 to index
        %get3A_148 = arith.constant 0 : index
        %get3A_149 = tpu.vector_load %arg7[%get3A_147, %get3A_148] {strides = array<i32>} : memref<128x256xf32, #tpu.memory_space<vmem>>, vector<1x16xf32>,
        %get3A_150 = vector.shape_cast %get3A_149 : vector<1x16xf32> to vector<16xf32>
        %max3A_151 = arith.maximumf %max3A_144, %get3A_150 : vector<16xf32>
        %add3A_152 = arith.constant 14 : i32
        %add3A_153 = arith.addi %mul3A_58, %add3A_152 : i32
        %get3A_154 = arith.index_cast %add3A_153 : i32 to index
        %get3A_155 = arith.constant 0 : index
        %get3A_156 = tpu.vector_load %arg7[%get3A_154, %get3A_155] {strides = array<i32>} : memref<128x256xf32, #tpu.memory_space<vmem>>, vector<1x16xf32>,
        %get3A_157 = vector.shape_cast %get3A_156 : vector<1x16xf32> to vector<16xf32>
        %max3A_158 = arith.maximumf %max3A_151, %get3A_157 : vector<16xf32>
        %add3A_159 = arith.constant 15 : i32
        %add3A_160 = arith.addi %mul3A_58, %add3A_159 : i32
        %get3A_161 = arith.index_cast %add3A_160 : i32 to index
        %get3A_162 = arith.constant 0 : index
        %get3A_163 = tpu.vector_load %arg7[%get3A_161, %get3A_162] {strides = array<i32>} : memref<128x256xf32, #tpu.memory_space<vmem>>, vector<1x16xf32>,
        %get3A_164 = vector.shape_cast %get3A_163 : vector<1x16xf32> to vector<16xf32>
        %max3A_165 = arith.maximumf %max3A_158, %get3A_164 : vector<16xf32>
        %mul3A_166 = arith.constant 8 : i32
        %mul3A_167 = arith.muli %add3A_19, %mul3A_166 : i32
        %add3A_168 = arith.addi %mul3A_167, %scan3A_56 : i32
        %swap3A = arith.index_cast %add3A_168 : i32 to index
        %swap3A_169 = arith.constant 0 : index
        %swap3A_170 = tpu.vector_load %arg8[%swap3A, %swap3A_169] {strides = array<i32>} : memref<128x256xf32, #tpu.memory_space<vmem>>, vector<1x16xf32>,
        %swap3A_171 = vector.shape_cast %swap3A_170 : vector<1x16xf32> to vector<16xf32>
        %swap3A_172 = vector.shape_cast %max3A_165 : vector<16xf32> to vector<1x16xf32>
        tpu.vector_store %arg8[%swap3A, %swap3A_169], %swap3A_172 {strides = array<i32>} : memref<128x256xf32, #tpu.memory_space<vmem>>, vector<1x16xf32>,
        %get3A_173 = arith.index_cast %mul3A_58 : i32 to index
        %get3A_174 = arith.constant 16 : index
        %get3A_175 = tpu.vector_load %arg7[%get3A_173, %get3A_174] {strides = array<i32>} : memref<128x256xf32, #tpu.memory_space<vmem>>, vector<1x16xf32>,
        %get3A_176 = vector.shape_cast %get3A_175 : vector<1x16xf32> to vector<16xf32>
        %add3A_177 = arith.constant 1 : i32
        %add3A_178 = arith.addi %mul3A_58, %add3A_177 : i32
        %get3A_179 = arith.index_cast %add3A_178 : i32 to index
        %get3A_180 = arith.constant 16 : index
        %get3A_181 = tpu.vector_load %arg7[%get3A_179, %get3A_180] {strides = array<i32>} : memref<128x256xf32, #tpu.memory_space<vmem>>, vector<1x16xf32>,
        %get3A_182 = vector.shape_cast %get3A_181 : vector<1x16xf32> to vector<16xf32>
        %max3A_183 = arith.maximumf %get3A_176, %get3A_182 : vector<16xf32>
        %add3A_184 = arith.constant 2 : i32
        %add3A_185 = arith.addi %mul3A_58, %add3A_184 : i32
        %get3A_186 = arith.index_cast %add3A_185 : i32 to index
        %get3A_187 = arith.constant 16 : index
        %get3A_188 = tpu.vector_load %arg7[%get3A_186, %get3A_187] {strides = array<i32>} : memref<128x256xf32, #tpu.memory_space<vmem>>, vector<1x16xf32>,
        %get3A_189 = vector.shape_cast %get3A_188 : vector<1x16xf32> to vector<16xf32>
        %max3A_190 = arith.maximumf %max3A_183, %get3A_189 : vector<16xf32>
        %add3A_191 = arith.constant 3 : i32
        %add3A_192 = arith.addi %mul3A_58, %add3A_191 : i32
        %get3A_193 = arith.index_cast %add3A_192 : i32 to index
        %get3A_194 = arith.constant 16 : index
        %get3A_195 = tpu.vector_load %arg7[%get3A_193, %get3A_194] {strides = array<i32>} : memref<128x256xf32, #tpu.memory_space<vmem>>, vector<1x16xf32>,
        %get3A_196 = vector.shape_cast %get3A_195 : vector<1x16xf32> to vector<16xf32>
        %max3A_197 = arith.maximumf %max3A_190, %get3A_196 : vector<16xf32>
        %add3A_198 = arith.constant 4 : i32
        %add3A_199 = arith.addi %mul3A_58, %add3A_198 : i32
        %get3A_200 = arith.index_cast %add3A_199 : i32 to index
        %get3A_201 = arith.constant 16 : index
        %get3A_202 = tpu.vector_load %arg7[%get3A_200, %get3A_201] {strides = array<i32>} : memref<128x256xf32, #tpu.memory_space<vmem>>, vector<1x16xf32>,
        %get3A_203 = vector.shape_cast %get3A_202 : vector<1x16xf32> to vector<16xf32>
        %max3A_204 = arith.maximumf %max3A_197, %get3A_203 : vector<16xf32>
        %add3A_205 = arith.constant 5 : i32
        %add3A_206 = arith.addi %mul3A_58, %add3A_205 : i32
        %get3A_207 = arith.index_cast %add3A_206 : i32 to index
        %get3A_208 = arith.constant 16 : index
        %get3A_209 = tpu.vector_load %arg7[%get3A_207, %get3A_208] {strides = array<i32>} : memref<128x256xf32, #tpu.memory_space<vmem>>, vector<1x16xf32>,
        %get3A_210 = vector.shape_cast %get3A_209 : vector<1x16xf32> to vector<16xf32>
        %max3A_211 = arith.maximumf %max3A_204, %get3A_210 : vector<16xf32>
        %add3A_212 = arith.constant 6 : i32
        %add3A_213 = arith.addi %mul3A_58, %add3A_212 : i32
        %get3A_214 = arith.index_cast %add3A_213 : i32 to index
        %get3A_215 = arith.constant 16 : index
        %get3A_216 = tpu.vector_load %arg7[%get3A_214, %get3A_215] {strides = array<i32>} : memref<128x256xf32, #tpu.memory_space<vmem>>, vector<1x16xf32>,
        %get3A_217 = vector.shape_cast %get3A_216 : vector<1x16xf32> to vector<16xf32>
        %max3A_218 = arith.maximumf %max3A_211, %get3A_217 : vector<16xf32>
        %add3A_219 = arith.constant 7 : i32
        %add3A_220 = arith.addi %mul3A_58, %add3A_219 : i32
        %get3A_221 = arith.index_cast %add3A_220 : i32 to index
        %get3A_222 = arith.constant 16 : index
        %get3A_223 = tpu.vector_load %arg7[%get3A_221, %get3A_222] {strides = array<i32>} : memref<128x256xf32, #tpu.memory_space<vmem>>, vector<1x16xf32>,
        %get3A_224 = vector.shape_cast %get3A_223 : vector<1x16xf32> to vector<16xf32>
        %max3A_225 = arith.maximumf %max3A_218, %get3A_224 : vector<16xf32>
        %add3A_226 = arith.constant 8 : i32
        %add3A_227 = arith.addi %mul3A_58, %add3A_226 : i32
        %get3A_228 = arith.index_cast %add3A_227 : i32 to index
        %get3A_229 = arith.constant 16 : index
        %get3A_230 = tpu.vector_load %arg7[%get3A_228, %get3A_229] {strides = array<i32>} : memref<128x256xf32, #tpu.memory_space<vmem>>, vector<1x16xf32>,
        %get3A_231 = vector.shape_cast %get3A_230 : vector<1x16xf32> to vector<16xf32>
        %max3A_232 = arith.maximumf %max3A_225, %get3A_231 : vector<16xf32>
        %add3A_233 = arith.constant 9 : i32
        %add3A_234 = arith.addi %mul3A_58, %add3A_233 : i32
        %get3A_235 = arith.index_cast %add3A_234 : i32 to index
        %get3A_236 = arith.constant 16 : index
        %get3A_237 = tpu.vector_load %arg7[%get3A_235, %get3A_236] {strides = array<i32>} : memref<128x256xf32, #tpu.memory_space<vmem>>, vector<1x16xf32>,
        %get3A_238 = vector.shape_cast %get3A_237 : vector<1x16xf32> to vector<16xf32>
        %max3A_239 = arith.maximumf %max3A_232, %get3A_238 : vector<16xf32>
        %add3A_240 = arith.constant 10 : i32
        %add3A_241 = arith.addi %mul3A_58, %add3A_240 : i32
        %get3A_242 = arith.index_cast %add3A_241 : i32 to index
        %get3A_243 = arith.constant 16 : index
        %get3A_244 = tpu.vector_load %arg7[%get3A_242, %get3A_243] {strides = array<i32>} : memref<128x256xf32, #tpu.memory_space<vmem>>, vector<1x16xf32>,
        %get3A_245 = vector.shape_cast %get3A_244 : vector<1x16xf32> to vector<16xf32>
        %max3A_246 = arith.maximumf %max3A_239, %get3A_245 : vector<16xf32>
        %add3A_247 = arith.constant 11 : i32
        %add3A_248 = arith.addi %mul3A_58, %add3A_247 : i32
        %get3A_249 = arith.index_cast %add3A_248 : i32 to index
        %get3A_250 = arith.constant 16 : index
        %get3A_251 = tpu.vector_load %arg7[%get3A_249, %get3A_250] {strides = array<i32>} : memref<128x256xf32, #tpu.memory_space<vmem>>, vector<1x16xf32>,
        %get3A_252 = vector.shape_cast %get3A_251 : vector<1x16xf32> to vector<16xf32>
        %max3A_253 = arith.maximumf %max3A_246, %get3A_252 : vector<16xf32>
        %add3A_254 = arith.constant 12 : i32
        %add3A_255 = arith.addi %mul3A_58, %add3A_254 : i32
        %get3A_256 = arith.index_cast %add3A_255 : i32 to index
        %get3A_257 = arith.constant 16 : index
        %get3A_258 = tpu.vector_load %arg7[%get3A_256, %get3A_257] {strides = array<i32>} : memref<128x256xf32, #tpu.memory_space<vmem>>, vector<1x16xf32>,
        %get3A_259 = vector.shape_cast %get3A_258 : vector<1x16xf32> to vector<16xf32>
        %max3A_260 = arith.maximumf %max3A_253, %get3A_259 : vector<16xf32>
        %add3A_261 = arith.constant 13 : i32
        %add3A_262 = arith.addi %mul3A_58, %add3A_261 : i32
        %get3A_263 = arith.index_cast %add3A_262 : i32 to index
        %get3A_264 = arith.constant 16 : index
        %get3A_265 = tpu.vector_load %arg7[%get3A_263, %get3A_264] {strides = array<i32>} : memref<128x256xf32, #tpu.memory_space<vmem>>, vector<1x16xf32>,
        %get3A_266 = vector.shape_cast %get3A_265 : vector<1x16xf32> to vector<16xf32>
        %max3A_267 = arith.maximumf %max3A_260, %get3A_266 : vector<16xf32>
        %add3A_268 = arith.constant 14 : i32
        %add3A_269 = arith.addi %mul3A_58, %add3A_268 : i32
        %get3A_270 = arith.index_cast %add3A_269 : i32 to index
        %get3A_271 = arith.constant 16 : index
        %get3A_272 = tpu.vector_load %arg7[%get3A_270, %get3A_271] {strides = array<i32>} : memref<128x256xf32, #tpu.memory_space<vmem>>, vector<1x16xf32>,
        %get3A_273 = vector.shape_cast %get3A_272 : vector<1x16xf32> to vector<16xf32>
        %max3A_274 = arith.maximumf %max3A_267, %get3A_273 : vector<16xf32>
        %add3A_275 = arith.constant 15 : i32
        %add3A_276 = arith.addi %mul3A_58, %add3A_275 : i32
        %get3A_277 = arith.index_cast %add3A_276 : i32 to index
        %get3A_278 = arith.constant 16 : index
        %get3A_279 = tpu.vector_load %arg7[%get3A_277, %get3A_278] {strides = array<i32>} : memref<128x256xf32, #tpu.memory_space<vmem>>, vector<1x16xf32>,
        %get3A_280 = vector.shape_cast %get3A_279 : vector<1x16xf32> to vector<16xf32>
        %max3A_281 = arith.maximumf %max3A_274, %get3A_280 : vector<16xf32>
        %mul3A_282 = arith.constant 8 : i32
        %mul3A_283 = arith.muli %add3A_19, %mul3A_282 : i32
        %add3A_284 = arith.addi %mul3A_283, %scan3A_56 : i32
        %swap3A_285 = arith.index_cast %add3A_284 : i32 to index
        %swap3A_286 = arith.constant 16 : index
        %swap3A_287 = tpu.vector_load %arg8[%swap3A_285, %swap3A_286] {strides = array<i32>} : memref<128x256xf32, #tpu.memory_space<vmem>>, vector<1x16xf32>,
        %swap3A_288 = vector.shape_cast %swap3A_287 : vector<1x16xf32> to vector<16xf32>
        %swap3A_289 = vector.shape_cast %max3A_281 : vector<16xf32> to vector<1x16xf32>
        tpu.vector_store %arg8[%swap3A_285, %swap3A_286], %swap3A_289 {strides = array<i32>} : memref<128x256xf32, #tpu.memory_space<vmem>>, vector<1x16xf32>,
        %get3A_290 = arith.index_cast %mul3A_58 : i32 to index
        %get3A_291 = arith.constant 32 : index
        %get3A_292 = tpu.vector_load %arg7[%get3A_290, %get3A_291] {strides = array<i32>} : memref<128x256xf32, #tpu.memory_space<vmem>>, vector<1x16xf32>,
        %get3A_293 = vector.shape_cast %get3A_292 : vector<1x16xf32> to vector<16xf32>
        %add3A_294 = arith.constant 1 : i32
        %add3A_295 = arith.addi %mul3A_58, %add3A_294 : i32
        %get3A_296 = arith.index_cast %add3A_295 : i32 to index
        %get3A_297 = arith.constant 32 : index
        %get3A_298 = tpu.vector_load %arg7[%get3A_296, %get3A_297] {strides = array<i32>} : memref<128x256xf32, #tpu.memory_space<vmem>>, vector<1x16xf32>,
        %get3A_299 = vector.shape_cast %get3A_298 : vector<1x16xf32> to vector<16xf32>
        %max3A_300 = arith.maximumf %get3A_293, %get3A_299 : vector<16xf32>
        %add3A_301 = arith.constant 2 : i32
        %add3A_302 = arith.addi %mul3A_58, %add3A_301 : i32
        %get3A_303 = arith.index_cast %add3A_302 : i32 to index
        %get3A_304 = arith.constant 32 : index
        %get3A_305 = tpu.vector_load %arg7[%get3A_303, %get3A_304] {strides = array<i32>} : memref<128x256xf32, #tpu.memory_space<vmem>>, vector<1x16xf32>,
        %get3A_306 = vector.shape_cast %get3A_305 : vector<1x16xf32> to vector<16xf32>
        %max3A_307 = arith.maximumf %max3A_300, %get3A_306 : vector<16xf32>
        %add3A_308 = arith.constant 3 : i32
        %add3A_309 = arith.addi %mul3A_58, %add3A_308 : i32
        %get3A_310 = arith.index_cast %add3A_309 : i32 to index
        %get3A_311 = arith.constant 32 : index
        %get3A_312 = tpu.vector_load %arg7[%get3A_310, %get3A_311] {strides = array<i32>} : memref<128x256xf32, #tpu.memory_space<vmem>>, vector<1x16xf32>,
        %get3A_313 = vector.shape_cast %get3A_312 : vector<1x16xf32> to vector<16xf32>
        %max3A_314 = arith.maximumf %max3A_307, %get3A_313 : vector<16xf32>
        %add3A_315 = arith.constant 4 : i32
        %add3A_316 = arith.addi %mul3A_58, %add3A_315 : i32
        %get3A_317 = arith.index_cast %add3A_316 : i32 to index
        %get3A_318 = arith.constant 32 : index
        %get3A_319 = tpu.vector_load %arg7[%get3A_317, %get3A_318] {strides = array<i32>} : memref<128x256xf32, #tpu.memory_space<vmem>>, vector<1x16xf32>,
        %get3A_320 = vector.shape_cast %get3A_319 : vector<1x16xf32> to vector<16xf32>
        %max3A_321 = arith.maximumf %max3A_314, %get3A_320 : vector<16xf32>
        %add3A_322 = arith.constant 5 : i32
        %add3A_323 = arith.addi %mul3A_58, %add3A_322 : i32
        %get3A_324 = arith.index_cast %add3A_323 : i32 to index
        %get3A_325 = arith.constant 32 : index
        %get3A_326 = tpu.vector_load %arg7[%get3A_324, %get3A_325] {strides = array<i32>} : memref<128x256xf32, #tpu.memory_space<vmem>>, vector<1x16xf32>,
        %get3A_327 = vector.shape_cast %get3A_326 : vector<1x16xf32> to vector<16xf32>
        %max3A_328 = arith.maximumf %max3A_321, %get3A_327 : vector<16xf32>
        %add3A_329 = arith.constant 6 : i32
        %add3A_330 = arith.addi %mul3A_58, %add3A_329 : i32
        %get3A_331 = arith.index_cast %add3A_330 : i32 to index
        %get3A_332 = arith.constant 32 : index
        %get3A_333 = tpu.vector_load %arg7[%get3A_331, %get3A_332] {strides = array<i32>} : memref<128x256xf32, #tpu.memory_space<vmem>>, vector<1x16xf32>,
        %get3A_334 = vector.shape_cast %get3A_333 : vector<1x16xf32> to vector<16xf32>
        %max3A_335 = arith.maximumf %max3A_328, %get3A_334 : vector<16xf32>
        %add3A_336 = arith.constant 7 : i32
        %add3A_337 = arith.addi %mul3A_58, %add3A_336 : i32
        %get3A_338 = arith.index_cast %add3A_337 : i32 to index
        %get3A_339 = arith.constant 32 : index
        %get3A_340 = tpu.vector_load %arg7[%get3A_338, %get3A_339] {strides = array<i32>} : memref<128x256xf32, #tpu.memory_space<vmem>>, vector<1x16xf32>,
        %get3A_341 = vector.shape_cast %get3A_340 : vector<1x16xf32> to vector<16xf32>
        %max3A_342 = arith.maximumf %max3A_335, %get3A_341 : vector<16xf32>
        %add3A_343 = arith.constant 8 : i32
        %add3A_344 = arith.addi %mul3A_58, %add3A_343 : i32
        %get3A_345 = arith.index_cast %add3A_344 : i32 to index
        %get3A_346 = arith.constant 32 : index
        %get3A_347 = tpu.vector_load %arg7[%get3A_345, %get3A_346] {strides = array<i32>} : memref<128x256xf32, #tpu.memory_space<vmem>>, vector<1x16xf32>,
        %get3A_348 = vector.shape_cast %get3A_347 : vector<1x16xf32> to vector<16xf32>
        %max3A_349 = arith.maximumf %max3A_342, %get3A_348 : vector<16xf32>
        %add3A_350 = arith.constant 9 : i32
        %add3A_351 = arith.addi %mul3A_58, %add3A_350 : i32
        %get3A_352 = arith.index_cast %add3A_351 : i32 to index
        %get3A_353 = arith.constant 32 : index
        %get3A_354 = tpu.vector_load %arg7[%get3A_352, %get3A_353] {strides = array<i32>} : memref<128x256xf32, #tpu.memory_space<vmem>>, vector<1x16xf32>,
        %get3A_355 = vector.shape_cast %get3A_354 : vector<1x16xf32> to vector<16xf32>
        %max3A_356 = arith.maximumf %max3A_349, %get3A_355 : vector<16xf32>
        %add3A_357 = arith.constant 10 : i32
        %add3A_358 = arith.addi %mul3A_58, %add3A_357 : i32
        %get3A_359 = arith.index_cast %add3A_358 : i32 to index
        %get3A_360 = arith.constant 32 : index
        %get3A_361 = tpu.vector_load %arg7[%get3A_359, %get3A_360] {strides = array<i32>} : memref<128x256xf32, #tpu.memory_space<vmem>>, vector<1x16xf32>,
        %get3A_362 = vector.shape_cast %get3A_361 : vector<1x16xf32> to vector<16xf32>
        %max3A_363 = arith.maximumf %max3A_356, %get3A_362 : vector<16xf32>
        %add3A_364 = arith.constant 11 : i32
        %add3A_365 = arith.addi %mul3A_58, %add3A_364 : i32
        %get3A_366 = arith.index_cast %add3A_365 : i32 to index
        %get3A_367 = arith.constant 32 : index
        %get3A_368 = tpu.vector_load %arg7[%get3A_366, %get3A_367] {strides = array<i32>} : memref<128x256xf32, #tpu.memory_space<vmem>>, vector<1x16xf32>,
        %get3A_369 = vector.shape_cast %get3A_368 : vector<1x16xf32> to vector<16xf32>
        %max3A_370 = arith.maximumf %max3A_363, %get3A_369 : vector<16xf32>
        %add3A_371 = arith.constant 12 : i32
        %add3A_372 = arith.addi %mul3A_58, %add3A_371 : i32
        %get3A_373 = arith.index_cast %add3A_372 : i32 to index
        %get3A_374 = arith.constant 32 : index
        %get3A_375 = tpu.vector_load %arg7[%get3A_373, %get3A_374] {strides = array<i32>} : memref<128x256xf32, #tpu.memory_space<vmem>>, vector<1x16xf32>,
        %get3A_376 = vector.shape_cast %get3A_375 : vector<1x16xf32> to vector<16xf32>
        %max3A_377 = arith.maximumf %max3A_370, %get3A_376 : vector<16xf32>
        %add3A_378 = arith.constant 13 : i32
        %add3A_379 = arith.addi %mul3A_58, %add3A_378 : i32
        %get3A_380 = arith.index_cast %add3A_379 : i32 to index
        %get3A_381 = arith.constant 32 : index
        %get3A_382 = tpu.vector_load %arg7[%get3A_380, %get3A_381] {strides = array<i32>} : memref<128x256xf32, #tpu.memory_space<vmem>>, vector<1x16xf32>,
        %get3A_383 = vector.shape_cast %get3A_382 : vector<1x16xf32> to vector<16xf32>
        %max3A_384 = arith.maximumf %max3A_377, %get3A_383 : vector<16xf32>
        %add3A_385 = arith.constant 14 : i32
        %add3A_386 = arith.addi %mul3A_58, %add3A_385 : i32
        %get3A_387 = arith.index_cast %add3A_386 : i32 to index
        %get3A_388 = arith.constant 32 : index
        %get3A_389 = tpu.vector_load %arg7[%get3A_387, %get3A_388] {strides = array<i32>} : memref<128x256xf32, #tpu.memory_space<vmem>>, vector<1x16xf32>,
        %get3A_390 = vector.shape_cast %get3A_389 : vector<1x16xf32> to vector<16xf32>
        %max3A_391 = arith.maximumf %max3A_384, %get3A_390 : vector<16xf32>
        %add3A_392 = arith.constant 15 : i32
        %add3A_393 = arith.addi %mul3A_58, %add3A_392 : i32
        %get3A_394 = arith.index_cast %add3A_393 : i32 to index
        %get3A_395 = arith.constant 32 : index
        %get3A_396 = tpu.vector_load %arg7[%get3A_394, %get3A_395] {strides = array<i32>} : memref<128x256xf32, #tpu.memory_space<vmem>>, vector<1x16xf32>,
        %get3A_397 = vector.shape_cast %get3A_396 : vector<1x16xf32> to vector<16xf32>
        %max3A_398 = arith.maximumf %max3A_391, %get3A_397 : vector<16xf32>
        %mul3A_399 = arith.constant 8 : i32
        %mul3A_400 = arith.muli %add3A_19, %mul3A_399 : i32
        %add3A_401 = arith.addi %mul3A_400, %scan3A_56 : i32
        %swap3A_402 = arith.index_cast %add3A_401 : i32 to index
        %swap3A_403 = arith.constant 32 : index
        %swap3A_404 = tpu.vector_load %arg8[%swap3A_402, %swap3A_403] {strides = array<i32>} : memref<128x256xf32, #tpu.memory_space<vmem>>, vector<1x16xf32>,
        %swap3A_405 = vector.shape_cast %swap3A_404 : vector<1x16xf32> to vector<16xf32>
        %swap3A_406 = vector.shape_cast %max3A_398 : vector<16xf32> to vector<1x16xf32>
        tpu.vector_store %arg8[%swap3A_402, %swap3A_403], %swap3A_406 {strides = array<i32>} : memref<128x256xf32, #tpu.memory_space<vmem>>, vector<1x16xf32>,
        %get3A_407 = arith.index_cast %mul3A_58 : i32 to index
        %get3A_408 = arith.constant 48 : index
        %get3A_409 = tpu.vector_load %arg7[%get3A_407, %get3A_408] {strides = array<i32>} : memref<128x256xf32, #tpu.memory_space<vmem>>, vector<1x16xf32>,
        %get3A_410 = vector.shape_cast %get3A_409 : vector<1x16xf32> to vector<16xf32>
        %add3A_411 = arith.constant 1 : i32
        %add3A_412 = arith.addi %mul3A_58, %add3A_411 : i32
        %get3A_413 = arith.index_cast %add3A_412 : i32 to index
        %get3A_414 = arith.constant 48 : index
        %get3A_415 = tpu.vector_load %arg7[%get3A_413, %get3A_414] {strides = array<i32>} : memref<128x256xf32, #tpu.memory_space<vmem>>, vector<1x16xf32>,
        %get3A_416 = vector.shape_cast %get3A_415 : vector<1x16xf32> to vector<16xf32>
        %max3A_417 = arith.maximumf %get3A_410, %get3A_416 : vector<16xf32>
        %add3A_418 = arith.constant 2 : i32
        %add3A_419 = arith.addi %mul3A_58, %add3A_418 : i32
        %get3A_420 = arith.index_cast %add3A_419 : i32 to index
        %get3A_421 = arith.constant 48 : index
        %get3A_422 = tpu.vector_load %arg7[%get3A_420, %get3A_421] {strides = array<i32>} : memref<128x256xf32, #tpu.memory_space<vmem>>, vector<1x16xf32>,
        %get3A_423 = vector.shape_cast %get3A_422 : vector<1x16xf32> to vector<16xf32>
        %max3A_424 = arith.maximumf %max3A_417, %get3A_423 : vector<16xf32>
        %add3A_425 = arith.constant 3 : i32
        %add3A_426 = arith.addi %mul3A_58, %add3A_425 : i32
        %get3A_427 = arith.index_cast %add3A_426 : i32 to index
        %get3A_428 = arith.constant 48 : index
        %get3A_429 = tpu.vector_load %arg7[%get3A_427, %get3A_428] {strides = array<i32>} : memref<128x256xf32, #tpu.memory_space<vmem>>, vector<1x16xf32>,
        %get3A_430 = vector.shape_cast %get3A_429 : vector<1x16xf32> to vector<16xf32>
        %max3A_431 = arith.maximumf %max3A_424, %get3A_430 : vector<16xf32>
        %add3A_432 = arith.constant 4 : i32
        %add3A_433 = arith.addi %mul3A_58, %add3A_432 : i32
        %get3A_434 = arith.index_cast %add3A_433 : i32 to index
        %get3A_435 = arith.constant 48 : index
        %get3A_436 = tpu.vector_load %arg7[%get3A_434, %get3A_435] {strides = array<i32>} : memref<128x256xf32, #tpu.memory_space<vmem>>, vector<1x16xf32>,
        %get3A_437 = vector.shape_cast %get3A_436 : vector<1x16xf32> to vector<16xf32>
        %max3A_438 = arith.maximumf %max3A_431, %get3A_437 : vector<16xf32>
        %add3A_439 = arith.constant 5 : i32
        %add3A_440 = arith.addi %mul3A_58, %add3A_439 : i32
        %get3A_441 = arith.index_cast %add3A_440 : i32 to index
        %get3A_442 = arith.constant 48 : index
        %get3A_443 = tpu.vector_load %arg7[%get3A_441, %get3A_442] {strides = array<i32>} : memref<128x256xf32, #tpu.memory_space<vmem>>, vector<1x16xf32>,
        %get3A_444 = vector.shape_cast %get3A_443 : vector<1x16xf32> to vector<16xf32>
        %max3A_445 = arith.maximumf %max3A_438, %get3A_444 : vector<16xf32>
        %add3A_446 = arith.constant 6 : i32
        %add3A_447 = arith.addi %mul3A_58, %add3A_446 : i32
        %get3A_448 = arith.index_cast %add3A_447 : i32 to index
        %get3A_449 = arith.constant 48 : index
        %get3A_450 = tpu.vector_load %arg7[%get3A_448, %get3A_449] {strides = array<i32>} : memref<128x256xf32, #tpu.memory_space<vmem>>, vector<1x16xf32>,
        %get3A_451 = vector.shape_cast %get3A_450 : vector<1x16xf32> to vector<16xf32>
        %max3A_452 = arith.maximumf %max3A_445, %get3A_451 : vector<16xf32>
        %add3A_453 = arith.constant 7 : i32
        %add3A_454 = arith.addi %mul3A_58, %add3A_453 : i32
        %get3A_455 = arith.index_cast %add3A_454 : i32 to index
        %get3A_456 = arith.constant 48 : index
        %get3A_457 = tpu.vector_load %arg7[%get3A_455, %get3A_456] {strides = array<i32>} : memref<128x256xf32, #tpu.memory_space<vmem>>, vector<1x16xf32>,
        %get3A_458 = vector.shape_cast %get3A_457 : vector<1x16xf32> to vector<16xf32>
        %max3A_459 = arith.maximumf %max3A_452, %get3A_458 : vector<16xf32>
        %add3A_460 = arith.constant 8 : i32
        %add3A_461 = arith.addi %mul3A_58, %add3A_460 : i32
        %get3A_462 = arith.index_cast %add3A_461 : i32 to index
        %get3A_463 = arith.constant 48 : index
        %get3A_464 = tpu.vector_load %arg7[%get3A_462, %get3A_463] {strides = array<i32>} : memref<128x256xf32, #tpu.memory_space<vmem>>, vector<1x16xf32>,
        %get3A_465 = vector.shape_cast %get3A_464 : vector<1x16xf32> to vector<16xf32>
        %max3A_466 = arith.maximumf %max3A_459, %get3A_465 : vector<16xf32>
        %add3A_467 = arith.constant 9 : i32
        %add3A_468 = arith.addi %mul3A_58, %add3A_467 : i32
        %get3A_469 = arith.index_cast %add3A_468 : i32 to index
        %get3A_470 = arith.constant 48 : index
        %get3A_471 = tpu.vector_load %arg7[%get3A_469, %get3A_470] {strides = array<i32>} : memref<128x256xf32, #tpu.memory_space<vmem>>, vector<1x16xf32>,
        %get3A_472 = vector.shape_cast %get3A_471 : vector<1x16xf32> to vector<16xf32>
        %max3A_473 = arith.maximumf %max3A_466, %get3A_472 : vector<16xf32>
        %add3A_474 = arith.constant 10 : i32
        %add3A_475 = arith.addi %mul3A_58, %add3A_474 : i32
        %get3A_476 = arith.index_cast %add3A_475 : i32 to index
        %get3A_477 = arith.constant 48 : index
        %get3A_478 = tpu.vector_load %arg7[%get3A_476, %get3A_477] {strides = array<i32>} : memref<128x256xf32, #tpu.memory_space<vmem>>, vector<1x16xf32>,
        %get3A_479 = vector.shape_cast %get3A_478 : vector<1x16xf32> to vector<16xf32>
        %max3A_480 = arith.maximumf %max3A_473, %get3A_479 : vector<16xf32>
        %add3A_481 = arith.constant 11 : i32
        %add3A_482 = arith.addi %mul3A_58, %add3A_481 : i32
        %get3A_483 = arith.index_cast %add3A_482 : i32 to index
        %get3A_484 = arith.constant 48 : index
        %get3A_485 = tpu.vector_load %arg7[%get3A_483, %get3A_484] {strides = array<i32>} : memref<128x256xf32, #tpu.memory_space<vmem>>, vector<1x16xf32>,
        %get3A_486 = vector.shape_cast %get3A_485 : vector<1x16xf32> to vector<16xf32>
        %max3A_487 = arith.maximumf %max3A_480, %get3A_486 : vector<16xf32>
        %add3A_488 = arith.constant 12 : i32
        %add3A_489 = arith.addi %mul3A_58, %add3A_488 : i32
        %get3A_490 = arith.index_cast %add3A_489 : i32 to index
        %get3A_491 = arith.constant 48 : index
        %get3A_492 = tpu.vector_load %arg7[%get3A_490, %get3A_491] {strides = array<i32>} : memref<128x256xf32, #tpu.memory_space<vmem>>, vector<1x16xf32>,
        %get3A_493 = vector.shape_cast %get3A_492 : vector<1x16xf32> to vector<16xf32>
        %max3A_494 = arith.maximumf %max3A_487, %get3A_493 : vector<16xf32>
        %add3A_495 = arith.constant 13 : i32
        %add3A_496 = arith.addi %mul3A_58, %add3A_495 : i32
        %get3A_497 = arith.index_cast %add3A_496 : i32 to index
        %get3A_498 = arith.constant 48 : index
        %get3A_499 = tpu.vector_load %arg7[%get3A_497, %get3A_498] {strides = array<i32>} : memref<128x256xf32, #tpu.memory_space<vmem>>, vector<1x16xf32>,
        %get3A_500 = vector.shape_cast %get3A_499 : vector<1x16xf32> to vector<16xf32>
        %max3A_501 = arith.maximumf %max3A_494, %get3A_500 : vector<16xf32>
        %add3A_502 = arith.constant 14 : i32
        %add3A_503 = arith.addi %mul3A_58, %add3A_502 : i32
        %get3A_504 = arith.index_cast %add3A_503 : i32 to index
        %get3A_505 = arith.constant 48 : index
        %get3A_506 = tpu.vector_load %arg7[%get3A_504, %get3A_505] {strides = array<i32>} : memref<128x256xf32, #tpu.memory_space<vmem>>, vector<1x16xf32>,
        %get3A_507 = vector.shape_cast %get3A_506 : vector<1x16xf32> to vector<16xf32>
        %max3A_508 = arith.maximumf %max3A_501, %get3A_507 : vector<16xf32>
        %add3A_509 = arith.constant 15 : i32
        %add3A_510 = arith.addi %mul3A_58, %add3A_509 : i32
        %get3A_511 = arith.index_cast %add3A_510 : i32 to index
        %get3A_512 = arith.constant 48 : index
        %get3A_513 = tpu.vector_load %arg7[%get3A_511, %get3A_512] {strides = array<i32>} : memref<128x256xf32, #tpu.memory_space<vmem>>, vector<1x16xf32>,
        %get3A_514 = vector.shape_cast %get3A_513 : vector<1x16xf32> to vector<16xf32>
        %max3A_515 = arith.maximumf %max3A_508, %get3A_514 : vector<16xf32>
        %mul3A_516 = arith.constant 8 : i32
        %mul3A_517 = arith.muli %add3A_19, %mul3A_516 : i32
        %add3A_518 = arith.addi %mul3A_517, %scan3A_56 : i32
        %swap3A_519 = arith.index_cast %add3A_518 : i32 to index
        %swap3A_520 = arith.constant 48 : index
        %swap3A_521 = tpu.vector_load %arg8[%swap3A_519, %swap3A_520] {strides = array<i32>} : memref<128x256xf32, #tpu.memory_space<vmem>>, vector<1x16xf32>,
        %swap3A_522 = vector.shape_cast %swap3A_521 : vector<1x16xf32> to vector<16xf32>
        %swap3A_523 = vector.shape_cast %max3A_515 : vector<16xf32> to vector<1x16xf32>
        tpu.vector_store %arg8[%swap3A_519, %swap3A_520], %swap3A_523 {strides = array<i32>} : memref<128x256xf32, #tpu.memory_space<vmem>>, vector<1x16xf32>,
        %get3A_524 = arith.index_cast %mul3A_58 : i32 to index
        %get3A_525 = arith.constant 64 : index
        %get3A_526 = tpu.vector_load %arg7[%get3A_524, %get3A_525] {strides = array<i32>} : memref<128x256xf32, #tpu.memory_space<vmem>>, vector<1x16xf32>,
        %get3A_527 = vector.shape_cast %get3A_526 : vector<1x16xf32> to vector<16xf32>
        %add3A_528 = arith.constant 1 : i32
        %add3A_529 = arith.addi %mul3A_58, %add3A_528 : i32
        %get3A_530 = arith.index_cast %add3A_529 : i32 to index
        %get3A_531 = arith.constant 64 : index
        %get3A_532 = tpu.vector_load %arg7[%get3A_530, %get3A_531] {strides = array<i32>} : memref<128x256xf32, #tpu.memory_space<vmem>>, vector<1x16xf32>,
        %get3A_533 = vector.shape_cast %get3A_532 : vector<1x16xf32> to vector<16xf32>
        %max3A_534 = arith.maximumf %get3A_527, %get3A_533 : vector<16xf32>
        %add3A_535 = arith.constant 2 : i32
        %add3A_536 = arith.addi %mul3A_58, %add3A_535 : i32
        %get3A_537 = arith.index_cast %add3A_536 : i32 to index
        %get3A_538 = arith.constant 64 : index
        %get3A_539 = tpu.vector_load %arg7[%get3A_537, %get3A_538] {strides = array<i32>} : memref<128x256xf32, #tpu.memory_space<vmem>>, vector<1x16xf32>,
        %get3A_540 = vector.shape_cast %get3A_539 : vector<1x16xf32> to vector<16xf32>
        %max3A_541 = arith.maximumf %max3A_534, %get3A_540 : vector<16xf32>
        %add3A_542 = arith.constant 3 : i32
        %add3A_543 = arith.addi %mul3A_58, %add3A_542 : i32
        %get3A_544 = arith.index_cast %add3A_543 : i32 to index
        %get3A_545 = arith.constant 64 : index
        %get3A_546 = tpu.vector_load %arg7[%get3A_544, %get3A_545] {strides = array<i32>} : memref<128x256xf32, #tpu.memory_space<vmem>>, vector<1x16xf32>,
        %get3A_547 = vector.shape_cast %get3A_546 : vector<1x16xf32> to vector<16xf32>
        %max3A_548 = arith.maximumf %max3A_541, %get3A_547 : vector<16xf32>
        %add3A_549 = arith.constant 4 : i32
        %add3A_550 = arith.addi %mul3A_58, %add3A_549 : i32
        %get3A_551 = arith.index_cast %add3A_550 : i32 to index
        %get3A_552 = arith.constant 64 : index
        %get3A_553 = tpu.vector_load %arg7[%get3A_551, %get3A_552] {strides = array<i32>} : memref<128x256xf32, #tpu.memory_space<vmem>>, vector<1x16xf32>,
        %get3A_554 = vector.shape_cast %get3A_553 : vector<1x16xf32> to vector<16xf32>
        %max3A_555 = arith.maximumf %max3A_548, %get3A_554 : vector<16xf32>
        %add3A_556 = arith.constant 5 : i32
        %add3A_557 = arith.addi %mul3A_58, %add3A_556 : i32
        %get3A_558 = arith.index_cast %add3A_557 : i32 to index
        %get3A_559 = arith.constant 64 : index
        %get3A_560 = tpu.vector_load %arg7[%get3A_558, %get3A_559] {strides = array<i32>} : memref<128x256xf32, #tpu.memory_space<vmem>>, vector<1x16xf32>,
        %get3A_561 = vector.shape_cast %get3A_560 : vector<1x16xf32> to vector<16xf32>
        %max3A_562 = arith.maximumf %max3A_555, %get3A_561 : vector<16xf32>
        %add3A_563 = arith.constant 6 : i32
        %add3A_564 = arith.addi %mul3A_58, %add3A_563 : i32
        %get3A_565 = arith.index_cast %add3A_564 : i32 to index
        %get3A_566 = arith.constant 64 : index
        %get3A_567 = tpu.vector_load %arg7[%get3A_565, %get3A_566] {strides = array<i32>} : memref<128x256xf32, #tpu.memory_space<vmem>>, vector<1x16xf32>,
        %get3A_568 = vector.shape_cast %get3A_567 : vector<1x16xf32> to vector<16xf32>
        %max3A_569 = arith.maximumf %max3A_562, %get3A_568 : vector<16xf32>
        %add3A_570 = arith.constant 7 : i32
        %add3A_571 = arith.addi %mul3A_58, %add3A_570 : i32
        %get3A_572 = arith.index_cast %add3A_571 : i32 to index
        %get3A_573 = arith.constant 64 : index
        %get3A_574 = tpu.vector_load %arg7[%get3A_572, %get3A_573] {strides = array<i32>} : memref<128x256xf32, #tpu.memory_space<vmem>>, vector<1x16xf32>,
        %get3A_575 = vector.shape_cast %get3A_574 : vector<1x16xf32> to vector<16xf32>
        %max3A_576 = arith.maximumf %max3A_569, %get3A_575 : vector<16xf32>
        %add3A_577 = arith.constant 8 : i32
        %add3A_578 = arith.addi %mul3A_58, %add3A_577 : i32
        %get3A_579 = arith.index_cast %add3A_578 : i32 to index
        %get3A_580 = arith.constant 64 : index
        %get3A_581 = tpu.vector_load %arg7[%get3A_579, %get3A_580] {strides = array<i32>} : memref<128x256xf32, #tpu.memory_space<vmem>>, vector<1x16xf32>,
        %get3A_582 = vector.shape_cast %get3A_581 : vector<1x16xf32> to vector<16xf32>
        %max3A_583 = arith.maximumf %max3A_576, %get3A_582 : vector<16xf32>
        %add3A_584 = arith.constant 9 : i32
        %add3A_585 = arith.addi %mul3A_58, %add3A_584 : i32
        %get3A_586 = arith.index_cast %add3A_585 : i32 to index
        %get3A_587 = arith.constant 64 : index
        %get3A_588 = tpu.vector_load %arg7[%get3A_586, %get3A_587] {strides = array<i32>} : memref<128x256xf32, #tpu.memory_space<vmem>>, vector<1x16xf32>,
        %get3A_589 = vector.shape_cast %get3A_588 : vector<1x16xf32> to vector<16xf32>
        %max3A_590 = arith.maximumf %max3A_583, %get3A_589 : vector<16xf32>
        %add3A_591 = arith.constant 10 : i32
        %add3A_592 = arith.addi %mul3A_58, %add3A_591 : i32
        %get3A_593 = arith.index_cast %add3A_592 : i32 to index
        %get3A_594 = arith.constant 64 : index
        %get3A_595 = tpu.vector_load %arg7[%get3A_593, %get3A_594] {strides = array<i32>} : memref<128x256xf32, #tpu.memory_space<vmem>>, vector<1x16xf32>,
        %get3A_596 = vector.shape_cast %get3A_595 : vector<1x16xf32> to vector<16xf32>
        %max3A_597 = arith.maximumf %max3A_590, %get3A_596 : vector<16xf32>
        %add3A_598 = arith.constant 11 : i32
        %add3A_599 = arith.addi %mul3A_58, %add3A_598 : i32
        %get3A_600 = arith.index_cast %add3A_599 : i32 to index
        %get3A_601 = arith.constant 64 : index
        %get3A_602 = tpu.vector_load %arg7[%get3A_600, %get3A_601] {strides = array<i32>} : memref<128x256xf32, #tpu.memory_space<vmem>>, vector<1x16xf32>,
        %get3A_603 = vector.shape_cast %get3A_602 : vector<1x16xf32> to vector<16xf32>
        %max3A_604 = arith.maximumf %max3A_597, %get3A_603 : vector<16xf32>
        %add3A_605 = arith.constant 12 : i32
        %add3A_606 = arith.addi %mul3A_58, %add3A_605 : i32
        %get3A_607 = arith.index_cast %add3A_606 : i32 to index
        %get3A_608 = arith.constant 64 : index
        %get3A_609 = tpu.vector_load %arg7[%get3A_607, %get3A_608] {strides = array<i32>} : memref<128x256xf32, #tpu.memory_space<vmem>>, vector<1x16xf32>,
        %get3A_610 = vector.shape_cast %get3A_609 : vector<1x16xf32> to vector<16xf32>
        %max3A_611 = arith.maximumf %max3A_604, %get3A_610 : vector<16xf32>
        %add3A_612 = arith.constant 13 : i32
        %add3A_613 = arith.addi %mul3A_58, %add3A_612 : i32
        %get3A_614 = arith.index_cast %add3A_613 : i32 to index
        %get3A_615 = arith.constant 64 : index
        %get3A_616 = tpu.vector_load %arg7[%get3A_614, %get3A_615] {strides = array<i32>} : memref<128x256xf32, #tpu.memory_space<vmem>>, vector<1x16xf32>,
        %get3A_617 = vector.shape_cast %get3A_616 : vector<1x16xf32> to vector<16xf32>
        %max3A_618 = arith.maximumf %max3A_611, %get3A_617 : vector<16xf32>
        %add3A_619 = arith.constant 14 : i32
        %add3A_620 = arith.addi %mul3A_58, %add3A_619 : i32
        %get3A_621 = arith.index_cast %add3A_620 : i32 to index
        %get3A_622 = arith.constant 64 : index
        %get3A_623 = tpu.vector_load %arg7[%get3A_621, %get3A_622] {strides = array<i32>} : memref<128x256xf32, #tpu.memory_space<vmem>>, vector<1x16xf32>,
        %get3A_624 = vector.shape_cast %get3A_623 : vector<1x16xf32> to vector<16xf32>
        %max3A_625 = arith.maximumf %max3A_618, %get3A_624 : vector<16xf32>
        %add3A_626 = arith.constant 15 : i32
        %add3A_627 = arith.addi %mul3A_58, %add3A_626 : i32
        %get3A_628 = arith.index_cast %add3A_627 : i32 to index
        %get3A_629 = arith.constant 64 : index
        %get3A_630 = tpu.vector_load %arg7[%get3A_628, %get3A_629] {strides = array<i32>} : memref<128x256xf32, #tpu.memory_space<vmem>>, vector<1x16xf32>,
        %get3A_631 = vector.shape_cast %get3A_630 : vector<1x16xf32> to vector<16xf32>
        %max3A_632 = arith.maximumf %max3A_625, %get3A_631 : vector<16xf32>
        %mul3A_633 = arith.constant 8 : i32
        %mul3A_634 = arith.muli %add3A_19, %mul3A_633 : i32
        %add3A_635 = arith.addi %mul3A_634, %scan3A_56 : i32
        %swap3A_636 = arith.index_cast %add3A_635 : i32 to index
        %swap3A_637 = arith.constant 64 : index
        %swap3A_638 = tpu.vector_load %arg8[%swap3A_636, %swap3A_637] {strides = array<i32>} : memref<128x256xf32, #tpu.memory_space<vmem>>, vector<1x16xf32>,
        %swap3A_639 = vector.shape_cast %swap3A_638 : vector<1x16xf32> to vector<16xf32>
        %swap3A_640 = vector.shape_cast %max3A_632 : vector<16xf32> to vector<1x16xf32>
        tpu.vector_store %arg8[%swap3A_636, %swap3A_637], %swap3A_640 {strides = array<i32>} : memref<128x256xf32, #tpu.memory_space<vmem>>, vector<1x16xf32>,
        %get3A_641 = arith.index_cast %mul3A_58 : i32 to index
        %get3A_642 = arith.constant 80 : index
        %get3A_643 = tpu.vector_load %arg7[%get3A_641, %get3A_642] {strides = array<i32>} : memref<128x256xf32, #tpu.memory_space<vmem>>, vector<1x16xf32>,
        %get3A_644 = vector.shape_cast %get3A_643 : vector<1x16xf32> to vector<16xf32>
        %add3A_645 = arith.constant 1 : i32
        %add3A_646 = arith.addi %mul3A_58, %add3A_645 : i32
        %get3A_647 = arith.index_cast %add3A_646 : i32 to index
        %get3A_648 = arith.constant 80 : index
        %get3A_649 = tpu.vector_load %arg7[%get3A_647, %get3A_648] {strides = array<i32>} : memref<128x256xf32, #tpu.memory_space<vmem>>, vector<1x16xf32>,
        %get3A_650 = vector.shape_cast %get3A_649 : vector<1x16xf32> to vector<16xf32>
        %max3A_651 = arith.maximumf %get3A_644, %get3A_650 : vector<16xf32>
        %add3A_652 = arith.constant 2 : i32
        %add3A_653 = arith.addi %mul3A_58, %add3A_652 : i32
        %get3A_654 = arith.index_cast %add3A_653 : i32 to index
        %get3A_655 = arith.constant 80 : index
        %get3A_656 = tpu.vector_load %arg7[%get3A_654, %get3A_655] {strides = array<i32>} : memref<128x256xf32, #tpu.memory_space<vmem>>, vector<1x16xf32>,
        %get3A_657 = vector.shape_cast %get3A_656 : vector<1x16xf32> to vector<16xf32>
        %max3A_658 = arith.maximumf %max3A_651, %get3A_657 : vector<16xf32>
        %add3A_659 = arith.constant 3 : i32
        %add3A_660 = arith.addi %mul3A_58, %add3A_659 : i32
        %get3A_661 = arith.index_cast %add3A_660 : i32 to index
        %get3A_662 = arith.constant 80 : index
        %get3A_663 = tpu.vector_load %arg7[%get3A_661, %get3A_662] {strides = array<i32>} : memref<128x256xf32, #tpu.memory_space<vmem>>, vector<1x16xf32>,
        %get3A_664 = vector.shape_cast %get3A_663 : vector<1x16xf32> to vector<16xf32>
        %max3A_665 = arith.maximumf %max3A_658, %get3A_664 : vector<16xf32>
        %add3A_666 = arith.constant 4 : i32
        %add3A_667 = arith.addi %mul3A_58, %add3A_666 : i32
        %get3A_668 = arith.index_cast %add3A_667 : i32 to index
        %get3A_669 = arith.constant 80 : index
        %get3A_670 = tpu.vector_load %arg7[%get3A_668, %get3A_669] {strides = array<i32>} : memref<128x256xf32, #tpu.memory_space<vmem>>, vector<1x16xf32>,
        %get3A_671 = vector.shape_cast %get3A_670 : vector<1x16xf32> to vector<16xf32>
        %max3A_672 = arith.maximumf %max3A_665, %get3A_671 : vector<16xf32>
        %add3A_673 = arith.constant 5 : i32
        %add3A_674 = arith.addi %mul3A_58, %add3A_673 : i32
        %get3A_675 = arith.index_cast %add3A_674 : i32 to index
        %get3A_676 = arith.constant 80 : index
        %get3A_677 = tpu.vector_load %arg7[%get3A_675, %get3A_676] {strides = array<i32>} : memref<128x256xf32, #tpu.memory_space<vmem>>, vector<1x16xf32>,
        %get3A_678 = vector.shape_cast %get3A_677 : vector<1x16xf32> to vector<16xf32>
        %max3A_679 = arith.maximumf %max3A_672, %get3A_678 : vector<16xf32>
        %add3A_680 = arith.constant 6 : i32
        %add3A_681 = arith.addi %mul3A_58, %add3A_680 : i32
        %get3A_682 = arith.index_cast %add3A_681 : i32 to index
        %get3A_683 = arith.constant 80 : index
        %get3A_684 = tpu.vector_load %arg7[%get3A_682, %get3A_683] {strides = array<i32>} : memref<128x256xf32, #tpu.memory_space<vmem>>, vector<1x16xf32>,
        %get3A_685 = vector.shape_cast %get3A_684 : vector<1x16xf32> to vector<16xf32>
        %max3A_686 = arith.maximumf %max3A_679, %get3A_685 : vector<16xf32>
        %add3A_687 = arith.constant 7 : i32
        %add3A_688 = arith.addi %mul3A_58, %add3A_687 : i32
        %get3A_689 = arith.index_cast %add3A_688 : i32 to index
        %get3A_690 = arith.constant 80 : index
        %get3A_691 = tpu.vector_load %arg7[%get3A_689, %get3A_690] {strides = array<i32>} : memref<128x256xf32, #tpu.memory_space<vmem>>, vector<1x16xf32>,
        %get3A_692 = vector.shape_cast %get3A_691 : vector<1x16xf32> to vector<16xf32>
        %max3A_693 = arith.maximumf %max3A_686, %get3A_692 : vector<16xf32>
        %add3A_694 = arith.constant 8 : i32
        %add3A_695 = arith.addi %mul3A_58, %add3A_694 : i32
        %get3A_696 = arith.index_cast %add3A_695 : i32 to index
        %get3A_697 = arith.constant 80 : index
        %get3A_698 = tpu.vector_load %arg7[%get3A_696, %get3A_697] {strides = array<i32>} : memref<128x256xf32, #tpu.memory_space<vmem>>, vector<1x16xf32>,
        %get3A_699 = vector.shape_cast %get3A_698 : vector<1x16xf32> to vector<16xf32>
        %max3A_700 = arith.maximumf %max3A_693, %get3A_699 : vector<16xf32>
        %add3A_701 = arith.constant 9 : i32
        %add3A_702 = arith.addi %mul3A_58, %add3A_701 : i32
        %get3A_703 = arith.index_cast %add3A_702 : i32 to index
        %get3A_704 = arith.constant 80 : index
        %get3A_705 = tpu.vector_load %arg7[%get3A_703, %get3A_704] {strides = array<i32>} : memref<128x256xf32, #tpu.memory_space<vmem>>, vector<1x16xf32>,
        %get3A_706 = vector.shape_cast %get3A_705 : vector<1x16xf32> to vector<16xf32>
        %max3A_707 = arith.maximumf %max3A_700, %get3A_706 : vector<16xf32>
        %add3A_708 = arith.constant 10 : i32
        %add3A_709 = arith.addi %mul3A_58, %add3A_708 : i32
        %get3A_710 = arith.index_cast %add3A_709 : i32 to index
        %get3A_711 = arith.constant 80 : index
        %get3A_712 = tpu.vector_load %arg7[%get3A_710, %get3A_711] {strides = array<i32>} : memref<128x256xf32, #tpu.memory_space<vmem>>, vector<1x16xf32>,
        %get3A_713 = vector.shape_cast %get3A_712 : vector<1x16xf32> to vector<16xf32>
        %max3A_714 = arith.maximumf %max3A_707, %get3A_713 : vector<16xf32>
        %add3A_715 = arith.constant 11 : i32
        %add3A_716 = arith.addi %mul3A_58, %add3A_715 : i32
        %get3A_717 = arith.index_cast %add3A_716 : i32 to index
        %get3A_718 = arith.constant 80 : index
        %get3A_719 = tpu.vector_load %arg7[%get3A_717, %get3A_718] {strides = array<i32>} : memref<128x256xf32, #tpu.memory_space<vmem>>, vector<1x16xf32>,
        %get3A_720 = vector.shape_cast %get3A_719 : vector<1x16xf32> to vector<16xf32>
        %max3A_721 = arith.maximumf %max3A_714, %get3A_720 : vector<16xf32>
        %add3A_722 = arith.constant 12 : i32
        %add3A_723 = arith.addi %mul3A_58, %add3A_722 : i32
        %get3A_724 = arith.index_cast %add3A_723 : i32 to index
        %get3A_725 = arith.constant 80 : index
        %get3A_726 = tpu.vector_load %arg7[%get3A_724, %get3A_725] {strides = array<i32>} : memref<128x256xf32, #tpu.memory_space<vmem>>, vector<1x16xf32>,
        %get3A_727 = vector.shape_cast %get3A_726 : vector<1x16xf32> to vector<16xf32>
        %max3A_728 = arith.maximumf %max3A_721, %get3A_727 : vector<16xf32>
        %add3A_729 = arith.constant 13 : i32
        %add3A_730 = arith.addi %mul3A_58, %add3A_729 : i32
        %get3A_731 = arith.index_cast %add3A_730 : i32 to index
        %get3A_732 = arith.constant 80 : index
        %get3A_733 = tpu.vector_load %arg7[%get3A_731, %get3A_732] {strides = array<i32>} : memref<128x256xf32, #tpu.memory_space<vmem>>, vector<1x16xf32>,
        %get3A_734 = vector.shape_cast %get3A_733 : vector<1x16xf32> to vector<16xf32>
        %max3A_735 = arith.maximumf %max3A_728, %get3A_734 : vector<16xf32>
        %add3A_736 = arith.constant 14 : i32
        %add3A_737 = arith.addi %mul3A_58, %add3A_736 : i32
        %get3A_738 = arith.index_cast %add3A_737 : i32 to index
        %get3A_739 = arith.constant 80 : index
        %get3A_740 = tpu.vector_load %arg7[%get3A_738, %get3A_739] {strides = array<i32>} : memref<128x256xf32, #tpu.memory_space<vmem>>, vector<1x16xf32>,
        %get3A_741 = vector.shape_cast %get3A_740 : vector<1x16xf32> to vector<16xf32>
        %max3A_742 = arith.maximumf %max3A_735, %get3A_741 : vector<16xf32>
        %add3A_743 = arith.constant 15 : i32
        %add3A_744 = arith.addi %mul3A_58, %add3A_743 : i32
        %get3A_745 = arith.index_cast %add3A_744 : i32 to index
        %get3A_746 = arith.constant 80 : index
        %get3A_747 = tpu.vector_load %arg7[%get3A_745, %get3A_746] {strides = array<i32>} : memref<128x256xf32, #tpu.memory_space<vmem>>, vector<1x16xf32>,
        %get3A_748 = vector.shape_cast %get3A_747 : vector<1x16xf32> to vector<16xf32>
        %max3A_749 = arith.maximumf %max3A_742, %get3A_748 : vector<16xf32>
        %mul3A_750 = arith.constant 8 : i32
        %mul3A_751 = arith.muli %add3A_19, %mul3A_750 : i32
        %add3A_752 = arith.addi %mul3A_751, %scan3A_56 : i32
        %swap3A_753 = arith.index_cast %add3A_752 : i32 to index
        %swap3A_754 = arith.constant 80 : index
        %swap3A_755 = tpu.vector_load %arg8[%swap3A_753, %swap3A_754] {strides = array<i32>} : memref<128x256xf32, #tpu.memory_space<vmem>>, vector<1x16xf32>,
        %swap3A_756 = vector.shape_cast %swap3A_755 : vector<1x16xf32> to vector<16xf32>
        %swap3A_757 = vector.shape_cast %max3A_749 : vector<16xf32> to vector<1x16xf32>
        tpu.vector_store %arg8[%swap3A_753, %swap3A_754], %swap3A_757 {strides = array<i32>} : memref<128x256xf32, #tpu.memory_space<vmem>>, vector<1x16xf32>,
        %get3A_758 = arith.index_cast %mul3A_58 : i32 to index
        %get3A_759 = arith.constant 96 : index
        %get3A_760 = tpu.vector_load %arg7[%get3A_758, %get3A_759] {strides = array<i32>} : memref<128x256xf32, #tpu.memory_space<vmem>>, vector<1x16xf32>,
        %get3A_761 = vector.shape_cast %get3A_760 : vector<1x16xf32> to vector<16xf32>
        %add3A_762 = arith.constant 1 : i32
        %add3A_763 = arith.addi %mul3A_58, %add3A_762 : i32
        %get3A_764 = arith.index_cast %add3A_763 : i32 to index
        %get3A_765 = arith.constant 96 : index
        %get3A_766 = tpu.vector_load %arg7[%get3A_764, %get3A_765] {strides = array<i32>} : memref<128x256xf32, #tpu.memory_space<vmem>>, vector<1x16xf32>,
        %get3A_767 = vector.shape_cast %get3A_766 : vector<1x16xf32> to vector<16xf32>
        %max3A_768 = arith.maximumf %get3A_761, %get3A_767 : vector<16xf32>
        %add3A_769 = arith.constant 2 : i32
        %add3A_770 = arith.addi %mul3A_58, %add3A_769 : i32
        %get3A_771 = arith.index_cast %add3A_770 : i32 to index
        %get3A_772 = arith.constant 96 : index
        %get3A_773 = tpu.vector_load %arg7[%get3A_771, %get3A_772] {strides = array<i32>} : memref<128x256xf32, #tpu.memory_space<vmem>>, vector<1x16xf32>,
        %get3A_774 = vector.shape_cast %get3A_773 : vector<1x16xf32> to vector<16xf32>
        %max3A_775 = arith.maximumf %max3A_768, %get3A_774 : vector<16xf32>
        %add3A_776 = arith.constant 3 : i32
        %add3A_777 = arith.addi %mul3A_58, %add3A_776 : i32
        %get3A_778 = arith.index_cast %add3A_777 : i32 to index
        %get3A_779 = arith.constant 96 : index
        %get3A_780 = tpu.vector_load %arg7[%get3A_778, %get3A_779] {strides = array<i32>} : memref<128x256xf32, #tpu.memory_space<vmem>>, vector<1x16xf32>,
        %get3A_781 = vector.shape_cast %get3A_780 : vector<1x16xf32> to vector<16xf32>
        %max3A_782 = arith.maximumf %max3A_775, %get3A_781 : vector<16xf32>
        %add3A_783 = arith.constant 4 : i32
        %add3A_784 = arith.addi %mul3A_58, %add3A_783 : i32
        %get3A_785 = arith.index_cast %add3A_784 : i32 to index
        %get3A_786 = arith.constant 96 : index
        %get3A_787 = tpu.vector_load %arg7[%get3A_785, %get3A_786] {strides = array<i32>} : memref<128x256xf32, #tpu.memory_space<vmem>>, vector<1x16xf32>,
        %get3A_788 = vector.shape_cast %get3A_787 : vector<1x16xf32> to vector<16xf32>
        %max3A_789 = arith.maximumf %max3A_782, %get3A_788 : vector<16xf32>
        %add3A_790 = arith.constant 5 : i32
        %add3A_791 = arith.addi %mul3A_58, %add3A_790 : i32
        %get3A_792 = arith.index_cast %add3A_791 : i32 to index
        %get3A_793 = arith.constant 96 : index
        %get3A_794 = tpu.vector_load %arg7[%get3A_792, %get3A_793] {strides = array<i32>} : memref<128x256xf32, #tpu.memory_space<vmem>>, vector<1x16xf32>,
        %get3A_795 = vector.shape_cast %get3A_794 : vector<1x16xf32> to vector<16xf32>
        %max3A_796 = arith.maximumf %max3A_789, %get3A_795 : vector<16xf32>
        %add3A_797 = arith.constant 6 : i32
        %add3A_798 = arith.addi %mul3A_58, %add3A_797 : i32
        %get3A_799 = arith.index_cast %add3A_798 : i32 to index
        %get3A_800 = arith.constant 96 : index
        %get3A_801 = tpu.vector_load %arg7[%get3A_799, %get3A_800] {strides = array<i32>} : memref<128x256xf32, #tpu.memory_space<vmem>>, vector<1x16xf32>,
        %get3A_802 = vector.shape_cast %get3A_801 : vector<1x16xf32> to vector<16xf32>
        %max3A_803 = arith.maximumf %max3A_796, %get3A_802 : vector<16xf32>
        %add3A_804 = arith.constant 7 : i32
        %add3A_805 = arith.addi %mul3A_58, %add3A_804 : i32
        %get3A_806 = arith.index_cast %add3A_805 : i32 to index
        %get3A_807 = arith.constant 96 : index
        %get3A_808 = tpu.vector_load %arg7[%get3A_806, %get3A_807] {strides = array<i32>} : memref<128x256xf32, #tpu.memory_space<vmem>>, vector<1x16xf32>,
        %get3A_809 = vector.shape_cast %get3A_808 : vector<1x16xf32> to vector<16xf32>
        %max3A_810 = arith.maximumf %max3A_803, %get3A_809 : vector<16xf32>
        %add3A_811 = arith.constant 8 : i32
        %add3A_812 = arith.addi %mul3A_58, %add3A_811 : i32
        %get3A_813 = arith.index_cast %add3A_812 : i32 to index
        %get3A_814 = arith.constant 96 : index
        %get3A_815 = tpu.vector_load %arg7[%get3A_813, %get3A_814] {strides = array<i32>} : memref<128x256xf32, #tpu.memory_space<vmem>>, vector<1x16xf32>,
        %get3A_816 = vector.shape_cast %get3A_815 : vector<1x16xf32> to vector<16xf32>
        %max3A_817 = arith.maximumf %max3A_810, %get3A_816 : vector<16xf32>
        %add3A_818 = arith.constant 9 : i32
        %add3A_819 = arith.addi %mul3A_58, %add3A_818 : i32
        %get3A_820 = arith.index_cast %add3A_819 : i32 to index
        %get3A_821 = arith.constant 96 : index
        %get3A_822 = tpu.vector_load %arg7[%get3A_820, %get3A_821] {strides = array<i32>} : memref<128x256xf32, #tpu.memory_space<vmem>>, vector<1x16xf32>,
        %get3A_823 = vector.shape_cast %get3A_822 : vector<1x16xf32> to vector<16xf32>
        %max3A_824 = arith.maximumf %max3A_817, %get3A_823 : vector<16xf32>
        %add3A_825 = arith.constant 10 : i32
        %add3A_826 = arith.addi %mul3A_58, %add3A_825 : i32
        %get3A_827 = arith.index_cast %add3A_826 : i32 to index
        %get3A_828 = arith.constant 96 : index
        %get3A_829 = tpu.vector_load %arg7[%get3A_827, %get3A_828] {strides = array<i32>} : memref<128x256xf32, #tpu.memory_space<vmem>>, vector<1x16xf32>,
        %get3A_830 = vector.shape_cast %get3A_829 : vector<1x16xf32> to vector<16xf32>
        %max3A_831 = arith.maximumf %max3A_824, %get3A_830 : vector<16xf32>
        %add3A_832 = arith.constant 11 : i32
        %add3A_833 = arith.addi %mul3A_58, %add3A_832 : i32
        %get3A_834 = arith.index_cast %add3A_833 : i32 to index
        %get3A_835 = arith.constant 96 : index
        %get3A_836 = tpu.vector_load %arg7[%get3A_834, %get3A_835] {strides = array<i32>} : memref<128x256xf32, #tpu.memory_space<vmem>>, vector<1x16xf32>,
        %get3A_837 = vector.shape_cast %get3A_836 : vector<1x16xf32> to vector<16xf32>
        %max3A_838 = arith.maximumf %max3A_831, %get3A_837 : vector<16xf32>
        %add3A_839 = arith.constant 12 : i32
        %add3A_840 = arith.addi %mul3A_58, %add3A_839 : i32
        %get3A_841 = arith.index_cast %add3A_840 : i32 to index
        %get3A_842 = arith.constant 96 : index
        %get3A_843 = tpu.vector_load %arg7[%get3A_841, %get3A_842] {strides = array<i32>} : memref<128x256xf32, #tpu.memory_space<vmem>>, vector<1x16xf32>,
        %get3A_844 = vector.shape_cast %get3A_843 : vector<1x16xf32> to vector<16xf32>
        %max3A_845 = arith.maximumf %max3A_838, %get3A_844 : vector<16xf32>
        %add3A_846 = arith.constant 13 : i32
        %add3A_847 = arith.addi %mul3A_58, %add3A_846 : i32
        %get3A_848 = arith.index_cast %add3A_847 : i32 to index
        %get3A_849 = arith.constant 96 : index
        %get3A_850 = tpu.vector_load %arg7[%get3A_848, %get3A_849] {strides = array<i32>} : memref<128x256xf32, #tpu.memory_space<vmem>>, vector<1x16xf32>,
        %get3A_851 = vector.shape_cast %get3A_850 : vector<1x16xf32> to vector<16xf32>
        %max3A_852 = arith.maximumf %max3A_845, %get3A_851 : vector<16xf32>
        %add3A_853 = arith.constant 14 : i32
        %add3A_854 = arith.addi %mul3A_58, %add3A_853 : i32
        %get3A_855 = arith.index_cast %add3A_854 : i32 to index
        %get3A_856 = arith.constant 96 : index
        %get3A_857 = tpu.vector_load %arg7[%get3A_855, %get3A_856] {strides = array<i32>} : memref<128x256xf32, #tpu.memory_space<vmem>>, vector<1x16xf32>,
        %get3A_858 = vector.shape_cast %get3A_857 : vector<1x16xf32> to vector<16xf32>
        %max3A_859 = arith.maximumf %max3A_852, %get3A_858 : vector<16xf32>
        %add3A_860 = arith.constant 15 : i32
        %add3A_861 = arith.addi %mul3A_58, %add3A_860 : i32
        %get3A_862 = arith.index_cast %add3A_861 : i32 to index
        %get3A_863 = arith.constant 96 : index
        %get3A_864 = tpu.vector_load %arg7[%get3A_862, %get3A_863] {strides = array<i32>} : memref<128x256xf32, #tpu.memory_space<vmem>>, vector<1x16xf32>,
        %get3A_865 = vector.shape_cast %get3A_864 : vector<1x16xf32> to vector<16xf32>
        %max3A_866 = arith.maximumf %max3A_859, %get3A_865 : vector<16xf32>
        %mul3A_867 = arith.constant 8 : i32
        %mul3A_868 = arith.muli %add3A_19, %mul3A_867 : i32
        %add3A_869 = arith.addi %mul3A_868, %scan3A_56 : i32
        %swap3A_870 = arith.index_cast %add3A_869 : i32 to index
        %swap3A_871 = arith.constant 96 : index
        %swap3A_872 = tpu.vector_load %arg8[%swap3A_870, %swap3A_871] {strides = array<i32>} : memref<128x256xf32, #tpu.memory_space<vmem>>, vector<1x16xf32>,
        %swap3A_873 = vector.shape_cast %swap3A_872 : vector<1x16xf32> to vector<16xf32>
        %swap3A_874 = vector.shape_cast %max3A_866 : vector<16xf32> to vector<1x16xf32>
        tpu.vector_store %arg8[%swap3A_870, %swap3A_871], %swap3A_874 {strides = array<i32>} : memref<128x256xf32, #tpu.memory_space<vmem>>, vector<1x16xf32>,
        %get3A_875 = arith.index_cast %mul3A_58 : i32 to index
        %get3A_876 = arith.constant 112 : index
        %get3A_877 = tpu.vector_load %arg7[%get3A_875, %get3A_876] {strides = array<i32>} : memref<128x256xf32, #tpu.memory_space<vmem>>, vector<1x16xf32>,
        %get3A_878 = vector.shape_cast %get3A_877 : vector<1x16xf32> to vector<16xf32>
        %add3A_879 = arith.constant 1 : i32
        %add3A_880 = arith.addi %mul3A_58, %add3A_879 : i32
        %get3A_881 = arith.index_cast %add3A_880 : i32 to index
        %get3A_882 = arith.constant 112 : index
        %get3A_883 = tpu.vector_load %arg7[%get3A_881, %get3A_882] {strides = array<i32>} : memref<128x256xf32, #tpu.memory_space<vmem>>, vector<1x16xf32>,
        %get3A_884 = vector.shape_cast %get3A_883 : vector<1x16xf32> to vector<16xf32>
        %max3A_885 = arith.maximumf %get3A_878, %get3A_884 : vector<16xf32>
        %add3A_886 = arith.constant 2 : i32
        %add3A_887 = arith.addi %mul3A_58, %add3A_886 : i32
        %get3A_888 = arith.index_cast %add3A_887 : i32 to index
        %get3A_889 = arith.constant 112 : index
        %get3A_890 = tpu.vector_load %arg7[%get3A_888, %get3A_889] {strides = array<i32>} : memref<128x256xf32, #tpu.memory_space<vmem>>, vector<1x16xf32>,
        %get3A_891 = vector.shape_cast %get3A_890 : vector<1x16xf32> to vector<16xf32>
        %max3A_892 = arith.maximumf %max3A_885, %get3A_891 : vector<16xf32>
        %add3A_893 = arith.constant 3 : i32
        %add3A_894 = arith.addi %mul3A_58, %add3A_893 : i32
        %get3A_895 = arith.index_cast %add3A_894 : i32 to index
        %get3A_896 = arith.constant 112 : index
        %get3A_897 = tpu.vector_load %arg7[%get3A_895, %get3A_896] {strides = array<i32>} : memref<128x256xf32, #tpu.memory_space<vmem>>, vector<1x16xf32>,
        %get3A_898 = vector.shape_cast %get3A_897 : vector<1x16xf32> to vector<16xf32>
        %max3A_899 = arith.maximumf %max3A_892, %get3A_898 : vector<16xf32>
        %add3A_900 = arith.constant 4 : i32
        %add3A_901 = arith.addi %mul3A_58, %add3A_900 : i32
        %get3A_902 = arith.index_cast %add3A_901 : i32 to index
        %get3A_903 = arith.constant 112 : index
        %get3A_904 = tpu.vector_load %arg7[%get3A_902, %get3A_903] {strides = array<i32>} : memref<128x256xf32, #tpu.memory_space<vmem>>, vector<1x16xf32>,
        %get3A_905 = vector.shape_cast %get3A_904 : vector<1x16xf32> to vector<16xf32>
        %max3A_906 = arith.maximumf %max3A_899, %get3A_905 : vector<16xf32>
        %add3A_907 = arith.constant 5 : i32
        %add3A_908 = arith.addi %mul3A_58, %add3A_907 : i32
        %get3A_909 = arith.index_cast %add3A_908 : i32 to index
        %get3A_910 = arith.constant 112 : index
        %get3A_911 = tpu.vector_load %arg7[%get3A_909, %get3A_910] {strides = array<i32>} : memref<128x256xf32, #tpu.memory_space<vmem>>, vector<1x16xf32>,
        %get3A_912 = vector.shape_cast %get3A_911 : vector<1x16xf32> to vector<16xf32>
        %max3A_913 = arith.maximumf %max3A_906, %get3A_912 : vector<16xf32>
        %add3A_914 = arith.constant 6 : i32
        %add3A_915 = arith.addi %mul3A_58, %add3A_914 : i32
        %get3A_916 = arith.index_cast %add3A_915 : i32 to index
        %get3A_917 = arith.constant 112 : index
        %get3A_918 = tpu.vector_load %arg7[%get3A_916, %get3A_917] {strides = array<i32>} : memref<128x256xf32, #tpu.memory_space<vmem>>, vector<1x16xf32>,
        %get3A_919 = vector.shape_cast %get3A_918 : vector<1x16xf32> to vector<16xf32>
        %max3A_920 = arith.maximumf %max3A_913, %get3A_919 : vector<16xf32>
        %add3A_921 = arith.constant 7 : i32
        %add3A_922 = arith.addi %mul3A_58, %add3A_921 : i32
        %get3A_923 = arith.index_cast %add3A_922 : i32 to index
        %get3A_924 = arith.constant 112 : index
        %get3A_925 = tpu.vector_load %arg7[%get3A_923, %get3A_924] {strides = array<i32>} : memref<128x256xf32, #tpu.memory_space<vmem>>, vector<1x16xf32>,
        %get3A_926 = vector.shape_cast %get3A_925 : vector<1x16xf32> to vector<16xf32>
        %max3A_927 = arith.maximumf %max3A_920, %get3A_926 : vector<16xf32>
        %add3A_928 = arith.constant 8 : i32
        %add3A_929 = arith.addi %mul3A_58, %add3A_928 : i32
        %get3A_930 = arith.index_cast %add3A_929 : i32 to index
        %get3A_931 = arith.constant 112 : index
        %get3A_932 = tpu.vector_load %arg7[%get3A_930, %get3A_931] {strides = array<i32>} : memref<128x256xf32, #tpu.memory_space<vmem>>, vector<1x16xf32>,
        %get3A_933 = vector.shape_cast %get3A_932 : vector<1x16xf32> to vector<16xf32>
        %max3A_934 = arith.maximumf %max3A_927, %get3A_933 : vector<16xf32>
        %add3A_935 = arith.constant 9 : i32
        %add3A_936 = arith.addi %mul3A_58, %add3A_935 : i32
        %get3A_937 = arith.index_cast %add3A_936 : i32 to index
        %get3A_938 = arith.constant 112 : index
        %get3A_939 = tpu.vector_load %arg7[%get3A_937, %get3A_938] {strides = array<i32>} : memref<128x256xf32, #tpu.memory_space<vmem>>, vector<1x16xf32>,
        %get3A_940 = vector.shape_cast %get3A_939 : vector<1x16xf32> to vector<16xf32>
        %max3A_941 = arith.maximumf %max3A_934, %get3A_940 : vector<16xf32>
        %add3A_942 = arith.constant 10 : i32
        %add3A_943 = arith.addi %mul3A_58, %add3A_942 : i32
        %get3A_944 = arith.index_cast %add3A_943 : i32 to index
        %get3A_945 = arith.constant 112 : index
        %get3A_946 = tpu.vector_load %arg7[%get3A_944, %get3A_945] {strides = array<i32>} : memref<128x256xf32, #tpu.memory_space<vmem>>, vector<1x16xf32>,
        %get3A_947 = vector.shape_cast %get3A_946 : vector<1x16xf32> to vector<16xf32>
        %max3A_948 = arith.maximumf %max3A_941, %get3A_947 : vector<16xf32>
        %add3A_949 = arith.constant 11 : i32
        %add3A_950 = arith.addi %mul3A_58, %add3A_949 : i32
        %get3A_951 = arith.index_cast %add3A_950 : i32 to index
        %get3A_952 = arith.constant 112 : index
        %get3A_953 = tpu.vector_load %arg7[%get3A_951, %get3A_952] {strides = array<i32>} : memref<128x256xf32, #tpu.memory_space<vmem>>, vector<1x16xf32>,
        %get3A_954 = vector.shape_cast %get3A_953 : vector<1x16xf32> to vector<16xf32>
        %max3A_955 = arith.maximumf %max3A_948, %get3A_954 : vector<16xf32>
        %add3A_956 = arith.constant 12 : i32
        %add3A_957 = arith.addi %mul3A_58, %add3A_956 : i32
        %get3A_958 = arith.index_cast %add3A_957 : i32 to index
        %get3A_959 = arith.constant 112 : index
        %get3A_960 = tpu.vector_load %arg7[%get3A_958, %get3A_959] {strides = array<i32>} : memref<128x256xf32, #tpu.memory_space<vmem>>, vector<1x16xf32>,
        %get3A_961 = vector.shape_cast %get3A_960 : vector<1x16xf32> to vector<16xf32>
        %max3A_962 = arith.maximumf %max3A_955, %get3A_961 : vector<16xf32>
        %add3A_963 = arith.constant 13 : i32
        %add3A_964 = arith.addi %mul3A_58, %add3A_963 : i32
        %get3A_965 = arith.index_cast %add3A_964 : i32 to index
        %get3A_966 = arith.constant 112 : index
        %get3A_967 = tpu.vector_load %arg7[%get3A_965, %get3A_966] {strides = array<i32>} : memref<128x256xf32, #tpu.memory_space<vmem>>, vector<1x16xf32>,
        %get3A_968 = vector.shape_cast %get3A_967 : vector<1x16xf32> to vector<16xf32>
        %max3A_969 = arith.maximumf %max3A_962, %get3A_968 : vector<16xf32>
        %add3A_970 = arith.constant 14 : i32
        %add3A_971 = arith.addi %mul3A_58, %add3A_970 : i32
        %get3A_972 = arith.index_cast %add3A_971 : i32 to index
        %get3A_973 = arith.constant 112 : index
        %get3A_974 = tpu.vector_load %arg7[%get3A_972, %get3A_973] {strides = array<i32>} : memref<128x256xf32, #tpu.memory_space<vmem>>, vector<1x16xf32>,
        %get3A_975 = vector.shape_cast %get3A_974 : vector<1x16xf32> to vector<16xf32>
        %max3A_976 = arith.maximumf %max3A_969, %get3A_975 : vector<16xf32>
        %add3A_977 = arith.constant 15 : i32
        %add3A_978 = arith.addi %mul3A_58, %add3A_977 : i32
        %get3A_979 = arith.index_cast %add3A_978 : i32 to index
        %get3A_980 = arith.constant 112 : index
        %get3A_981 = tpu.vector_load %arg7[%get3A_979, %get3A_980] {strides = array<i32>} : memref<128x256xf32, #tpu.memory_space<vmem>>, vector<1x16xf32>,
        %get3A_982 = vector.shape_cast %get3A_981 : vector<1x16xf32> to vector<16xf32>
        %max3A_983 = arith.maximumf %max3A_976, %get3A_982 : vector<16xf32>
        %mul3A_984 = arith.constant 8 : i32
        %mul3A_985 = arith.muli %add3A_19, %mul3A_984 : i32
        %add3A_986 = arith.addi %mul3A_985, %scan3A_56 : i32
        %swap3A_987 = arith.index_cast %add3A_986 : i32 to index
        %swap3A_988 = arith.constant 112 : index
        %swap3A_989 = tpu.vector_load %arg8[%swap3A_987, %swap3A_988] {strides = array<i32>} : memref<128x256xf32, #tpu.memory_space<vmem>>, vector<1x16xf32>,
        %swap3A_990 = vector.shape_cast %swap3A_989 : vector<1x16xf32> to vector<16xf32>
        %swap3A_991 = vector.shape_cast %max3A_983 : vector<16xf32> to vector<1x16xf32>
        tpu.vector_store %arg8[%swap3A_987, %swap3A_988], %swap3A_991 {strides = array<i32>} : memref<128x256xf32, #tpu.memory_space<vmem>>, vector<1x16xf32>,
        %get3A_992 = arith.index_cast %mul3A_58 : i32 to index
        %get3A_993 = arith.constant 128 : index
        %get3A_994 = tpu.vector_load %arg7[%get3A_992, %get3A_993] {strides = array<i32>} : memref<128x256xf32, #tpu.memory_space<vmem>>, vector<1x16xf32>,
        %get3A_995 = vector.shape_cast %get3A_994 : vector<1x16xf32> to vector<16xf32>
        %add3A_996 = arith.constant 1 : i32
        %add3A_997 = arith.addi %mul3A_58, %add3A_996 : i32
        %get3A_998 = arith.index_cast %add3A_997 : i32 to index
        %get3A_999 = arith.constant 128 : index
        %get3A_1000 = tpu.vector_load %arg7[%get3A_998, %get3A_999] {strides = array<i32>} : memref<128x256xf32, #tpu.memory_space<vmem>>, vector<1x16xf32>,
        %get3A_1001 = vector.shape_cast %get3A_1000 : vector<1x16xf32> to vector<16xf32>
        %max3A_1002 = arith.maximumf %get3A_995, %get3A_1001 : vector<16xf32>
        %add3A_1003 = arith.constant 2 : i32
        %add3A_1004 = arith.addi %mul3A_58, %add3A_1003 : i32
        %get3A_1005 = arith.index_cast %add3A_1004 : i32 to index
        %get3A_1006 = arith.constant 128 : index
        %get3A_1007 = tpu.vector_load %arg7[%get3A_1005, %get3A_1006] {strides = array<i32>} : memref<128x256xf32, #tpu.memory_space<vmem>>, vector<1x16xf32>,
        %get3A_1008 = vector.shape_cast %get3A_1007 : vector<1x16xf32> to vector<16xf32>
        %max3A_1009 = arith.maximumf %max3A_1002, %get3A_1008 : vector<16xf32>
        %add3A_1010 = arith.constant 3 : i32
        %add3A_1011 = arith.addi %mul3A_58, %add3A_1010 : i32
        %get3A_1012 = arith.index_cast %add3A_1011 : i32 to index
        %get3A_1013 = arith.constant 128 : index
        %get3A_1014 = tpu.vector_load %arg7[%get3A_1012, %get3A_1013] {strides = array<i32>} : memref<128x256xf32, #tpu.memory_space<vmem>>, vector<1x16xf32>,
        %get3A_1015 = vector.shape_cast %get3A_1014 : vector<1x16xf32> to vector<16xf32>
        %max3A_1016 = arith.maximumf %max3A_1009, %get3A_1015 : vector<16xf32>
        %add3A_1017 = arith.constant 4 : i32
        %add3A_1018 = arith.addi %mul3A_58, %add3A_1017 : i32
        %get3A_1019 = arith.index_cast %add3A_1018 : i32 to index
        %get3A_1020 = arith.constant 128 : index
        %get3A_1021 = tpu.vector_load %arg7[%get3A_1019, %get3A_1020] {strides = array<i32>} : memref<128x256xf32, #tpu.memory_space<vmem>>, vector<1x16xf32>,
        %get3A_1022 = vector.shape_cast %get3A_1021 : vector<1x16xf32> to vector<16xf32>
        %max3A_1023 = arith.maximumf %max3A_1016, %get3A_1022 : vector<16xf32>
        %add3A_1024 = arith.constant 5 : i32
        %add3A_1025 = arith.addi %mul3A_58, %add3A_1024 : i32
        %get3A_1026 = arith.index_cast %add3A_1025 : i32 to index
        %get3A_1027 = arith.constant 128 : index
        %get3A_1028 = tpu.vector_load %arg7[%get3A_1026, %get3A_1027] {strides = array<i32>} : memref<128x256xf32, #tpu.memory_space<vmem>>, vector<1x16xf32>,
        %get3A_1029 = vector.shape_cast %get3A_1028 : vector<1x16xf32> to vector<16xf32>
        %max3A_1030 = arith.maximumf %max3A_1023, %get3A_1029 : vector<16xf32>
        %add3A_1031 = arith.constant 6 : i32
        %add3A_1032 = arith.addi %mul3A_58, %add3A_1031 : i32
        %get3A_1033 = arith.index_cast %add3A_1032 : i32 to index
        %get3A_1034 = arith.constant 128 : index
        %get3A_1035 = tpu.vector_load %arg7[%get3A_1033, %get3A_1034] {strides = array<i32>} : memref<128x256xf32, #tpu.memory_space<vmem>>, vector<1x16xf32>,
        %get3A_1036 = vector.shape_cast %get3A_1035 : vector<1x16xf32> to vector<16xf32>
        %max3A_1037 = arith.maximumf %max3A_1030, %get3A_1036 : vector<16xf32>
        %add3A_1038 = arith.constant 7 : i32
        %add3A_1039 = arith.addi %mul3A_58, %add3A_1038 : i32
        %get3A_1040 = arith.index_cast %add3A_1039 : i32 to index
        %get3A_1041 = arith.constant 128 : index
        %get3A_1042 = tpu.vector_load %arg7[%get3A_1040, %get3A_1041] {strides = array<i32>} : memref<128x256xf32, #tpu.memory_space<vmem>>, vector<1x16xf32>,
        %get3A_1043 = vector.shape_cast %get3A_1042 : vector<1x16xf32> to vector<16xf32>
        %max3A_1044 = arith.maximumf %max3A_1037, %get3A_1043 : vector<16xf32>
        %add3A_1045 = arith.constant 8 : i32
        %add3A_1046 = arith.addi %mul3A_58, %add3A_1045 : i32
        %get3A_1047 = arith.index_cast %add3A_1046 : i32 to index
        %get3A_1048 = arith.constant 128 : index
        %get3A_1049 = tpu.vector_load %arg7[%get3A_1047, %get3A_1048] {strides = array<i32>} : memref<128x256xf32, #tpu.memory_space<vmem>>, vector<1x16xf32>,
        %get3A_1050 = vector.shape_cast %get3A_1049 : vector<1x16xf32> to vector<16xf32>
        %max3A_1051 = arith.maximumf %max3A_1044, %get3A_1050 : vector<16xf32>
        %add3A_1052 = arith.constant 9 : i32
        %add3A_1053 = arith.addi %mul3A_58, %add3A_1052 : i32
        %get3A_1054 = arith.index_cast %add3A_1053 : i32 to index
        %get3A_1055 = arith.constant 128 : index
        %get3A_1056 = tpu.vector_load %arg7[%get3A_1054, %get3A_1055] {strides = array<i32>} : memref<128x256xf32, #tpu.memory_space<vmem>>, vector<1x16xf32>,
        %get3A_1057 = vector.shape_cast %get3A_1056 : vector<1x16xf32> to vector<16xf32>
        %max3A_1058 = arith.maximumf %max3A_1051, %get3A_1057 : vector<16xf32>
        %add3A_1059 = arith.constant 10 : i32
        %add3A_1060 = arith.addi %mul3A_58, %add3A_1059 : i32
        %get3A_1061 = arith.index_cast %add3A_1060 : i32 to index
        %get3A_1062 = arith.constant 128 : index
        %get3A_1063 = tpu.vector_load %arg7[%get3A_1061, %get3A_1062] {strides = array<i32>} : memref<128x256xf32, #tpu.memory_space<vmem>>, vector<1x16xf32>,
        %get3A_1064 = vector.shape_cast %get3A_1063 : vector<1x16xf32> to vector<16xf32>
        %max3A_1065 = arith.maximumf %max3A_1058, %get3A_1064 : vector<16xf32>
        %add3A_1066 = arith.constant 11 : i32
        %add3A_1067 = arith.addi %mul3A_58, %add3A_1066 : i32
        %get3A_1068 = arith.index_cast %add3A_1067 : i32 to index
        %get3A_1069 = arith.constant 128 : index
        %get3A_1070 = tpu.vector_load %arg7[%get3A_1068, %get3A_1069] {strides = array<i32>} : memref<128x256xf32, #tpu.memory_space<vmem>>, vector<1x16xf32>,
        %get3A_1071 = vector.shape_cast %get3A_1070 : vector<1x16xf32> to vector<16xf32>
        %max3A_1072 = arith.maximumf %max3A_1065, %get3A_1071 : vector<16xf32>
        %add3A_1073 = arith.constant 12 : i32
        %add3A_1074 = arith.addi %mul3A_58, %add3A_1073 : i32
        %get3A_1075 = arith.index_cast %add3A_1074 : i32 to index
        %get3A_1076 = arith.constant 128 : index
        %get3A_1077 = tpu.vector_load %arg7[%get3A_1075, %get3A_1076] {strides = array<i32>} : memref<128x256xf32, #tpu.memory_space<vmem>>, vector<1x16xf32>,
        %get3A_1078 = vector.shape_cast %get3A_1077 : vector<1x16xf32> to vector<16xf32>
        %max3A_1079 = arith.maximumf %max3A_1072, %get3A_1078 : vector<16xf32>
        %add3A_1080 = arith.constant 13 : i32
        %add3A_1081 = arith.addi %mul3A_58, %add3A_1080 : i32
        %get3A_1082 = arith.index_cast %add3A_1081 : i32 to index
        %get3A_1083 = arith.constant 128 : index
        %get3A_1084 = tpu.vector_load %arg7[%get3A_1082, %get3A_1083] {strides = array<i32>} : memref<128x256xf32, #tpu.memory_space<vmem>>, vector<1x16xf32>,
        %get3A_1085 = vector.shape_cast %get3A_1084 : vector<1x16xf32> to vector<16xf32>
        %max3A_1086 = arith.maximumf %max3A_1079, %get3A_1085 : vector<16xf32>
        %add3A_1087 = arith.constant 14 : i32
        %add3A_1088 = arith.addi %mul3A_58, %add3A_1087 : i32
        %get3A_1089 = arith.index_cast %add3A_1088 : i32 to index
        %get3A_1090 = arith.constant 128 : index
        %get3A_1091 = tpu.vector_load %arg7[%get3A_1089, %get3A_1090] {strides = array<i32>} : memref<128x256xf32, #tpu.memory_space<vmem>>, vector<1x16xf32>,
        %get3A_1092 = vector.shape_cast %get3A_1091 : vector<1x16xf32> to vector<16xf32>
        %max3A_1093 = arith.maximumf %max3A_1086, %get3A_1092 : vector<16xf32>
        %add3A_1094 = arith.constant 15 : i32
        %add3A_1095 = arith.addi %mul3A_58, %add3A_1094 : i32
        %get3A_1096 = arith.index_cast %add3A_1095 : i32 to index
        %get3A_1097 = arith.constant 128 : index
        %get3A_1098 = tpu.vector_load %arg7[%get3A_1096, %get3A_1097] {strides = array<i32>} : memref<128x256xf32, #tpu.memory_space<vmem>>, vector<1x16xf32>,
        %get3A_1099 = vector.shape_cast %get3A_1098 : vector<1x16xf32> to vector<16xf32>
        %max3A_1100 = arith.maximumf %max3A_1093, %get3A_1099 : vector<16xf32>
        %mul3A_1101 = arith.constant 8 : i32
        %mul3A_1102 = arith.muli %add3A_19, %mul3A_1101 : i32
        %add3A_1103 = arith.addi %mul3A_1102, %scan3A_56 : i32
        %swap3A_1104 = arith.index_cast %add3A_1103 : i32 to index
        %swap3A_1105 = arith.constant 128 : index
        %swap3A_1106 = tpu.vector_load %arg8[%swap3A_1104, %swap3A_1105] {strides = array<i32>} : memref<128x256xf32, #tpu.memory_space<vmem>>, vector<1x16xf32>,
        %swap3A_1107 = vector.shape_cast %swap3A_1106 : vector<1x16xf32> to vector<16xf32>
        %swap3A_1108 = vector.shape_cast %max3A_1100 : vector<16xf32> to vector<1x16xf32>
        tpu.vector_store %arg8[%swap3A_1104, %swap3A_1105], %swap3A_1108 {strides = array<i32>} : memref<128x256xf32, #tpu.memory_space<vmem>>, vector<1x16xf32>,
        %get3A_1109 = arith.index_cast %mul3A_58 : i32 to index
        %get3A_1110 = arith.constant 144 : index
        %get3A_1111 = tpu.vector_load %arg7[%get3A_1109, %get3A_1110] {strides = array<i32>} : memref<128x256xf32, #tpu.memory_space<vmem>>, vector<1x16xf32>,
        %get3A_1112 = vector.shape_cast %get3A_1111 : vector<1x16xf32> to vector<16xf32>
        %add3A_1113 = arith.constant 1 : i32
        %add3A_1114 = arith.addi %mul3A_58, %add3A_1113 : i32
        %get3A_1115 = arith.index_cast %add3A_1114 : i32 to index
        %get3A_1116 = arith.constant 144 : index
        %get3A_1117 = tpu.vector_load %arg7[%get3A_1115, %get3A_1116] {strides = array<i32>} : memref<128x256xf32, #tpu.memory_space<vmem>>, vector<1x16xf32>,
        %get3A_1118 = vector.shape_cast %get3A_1117 : vector<1x16xf32> to vector<16xf32>
        %max3A_1119 = arith.maximumf %get3A_1112, %get3A_1118 : vector<16xf32>
        %add3A_1120 = arith.constant 2 : i32
        %add3A_1121 = arith.addi %mul3A_58, %add3A_1120 : i32
        %get3A_1122 = arith.index_cast %add3A_1121 : i32 to index
        %get3A_1123 = arith.constant 144 : index
        %get3A_1124 = tpu.vector_load %arg7[%get3A_1122, %get3A_1123] {strides = array<i32>} : memref<128x256xf32, #tpu.memory_space<vmem>>, vector<1x16xf32>,
        %get3A_1125 = vector.shape_cast %get3A_1124 : vector<1x16xf32> to vector<16xf32>
        %max3A_1126 = arith.maximumf %max3A_1119, %get3A_1125 : vector<16xf32>
        %add3A_1127 = arith.constant 3 : i32
        %add3A_1128 = arith.addi %mul3A_58, %add3A_1127 : i32
        %get3A_1129 = arith.index_cast %add3A_1128 : i32 to index
        %get3A_1130 = arith.constant 144 : index
        %get3A_1131 = tpu.vector_load %arg7[%get3A_1129, %get3A_1130] {strides = array<i32>} : memref<128x256xf32, #tpu.memory_space<vmem>>, vector<1x16xf32>,
        %get3A_1132 = vector.shape_cast %get3A_1131 : vector<1x16xf32> to vector<16xf32>
        %max3A_1133 = arith.maximumf %max3A_1126, %get3A_1132 : vector<16xf32>
        %add3A_1134 = arith.constant 4 : i32
        %add3A_1135 = arith.addi %mul3A_58, %add3A_1134 : i32
        %get3A_1136 = arith.index_cast %add3A_1135 : i32 to index
        %get3A_1137 = arith.constant 144 : index
        %get3A_1138 = tpu.vector_load %arg7[%get3A_1136, %get3A_1137] {strides = array<i32>} : memref<128x256xf32, #tpu.memory_space<vmem>>, vector<1x16xf32>,
        %get3A_1139 = vector.shape_cast %get3A_1138 : vector<1x16xf32> to vector<16xf32>
        %max3A_1140 = arith.maximumf %max3A_1133, %get3A_1139 : vector<16xf32>
        %add3A_1141 = arith.constant 5 : i32
        %add3A_1142 = arith.addi %mul3A_58, %add3A_1141 : i32
        %get3A_1143 = arith.index_cast %add3A_1142 : i32 to index
        %get3A_1144 = arith.constant 144 : index
        %get3A_1145 = tpu.vector_load %arg7[%get3A_1143, %get3A_1144] {strides = array<i32>} : memref<128x256xf32, #tpu.memory_space<vmem>>, vector<1x16xf32>,
        %get3A_1146 = vector.shape_cast %get3A_1145 : vector<1x16xf32> to vector<16xf32>
        %max3A_1147 = arith.maximumf %max3A_1140, %get3A_1146 : vector<16xf32>
        %add3A_1148 = arith.constant 6 : i32
        %add3A_1149 = arith.addi %mul3A_58, %add3A_1148 : i32
        %get3A_1150 = arith.index_cast %add3A_1149 : i32 to index
        %get3A_1151 = arith.constant 144 : index
        %get3A_1152 = tpu.vector_load %arg7[%get3A_1150, %get3A_1151] {strides = array<i32>} : memref<128x256xf32, #tpu.memory_space<vmem>>, vector<1x16xf32>,
        %get3A_1153 = vector.shape_cast %get3A_1152 : vector<1x16xf32> to vector<16xf32>
        %max3A_1154 = arith.maximumf %max3A_1147, %get3A_1153 : vector<16xf32>
        %add3A_1155 = arith.constant 7 : i32
        %add3A_1156 = arith.addi %mul3A_58, %add3A_1155 : i32
        %get3A_1157 = arith.index_cast %add3A_1156 : i32 to index
        %get3A_1158 = arith.constant 144 : index
        %get3A_1159 = tpu.vector_load %arg7[%get3A_1157, %get3A_1158] {strides = array<i32>} : memref<128x256xf32, #tpu.memory_space<vmem>>, vector<1x16xf32>,
        %get3A_1160 = vector.shape_cast %get3A_1159 : vector<1x16xf32> to vector<16xf32>
        %max3A_1161 = arith.maximumf %max3A_1154, %get3A_1160 : vector<16xf32>
        %add3A_1162 = arith.constant 8 : i32
        %add3A_1163 = arith.addi %mul3A_58, %add3A_1162 : i32
        %get3A_1164 = arith.index_cast %add3A_1163 : i32 to index
        %get3A_1165 = arith.constant 144 : index
        %get3A_1166 = tpu.vector_load %arg7[%get3A_1164, %get3A_1165] {strides = array<i32>} : memref<128x256xf32, #tpu.memory_space<vmem>>, vector<1x16xf32>,
        %get3A_1167 = vector.shape_cast %get3A_1166 : vector<1x16xf32> to vector<16xf32>
        %max3A_1168 = arith.maximumf %max3A_1161, %get3A_1167 : vector<16xf32>
        %add3A_1169 = arith.constant 9 : i32
        %add3A_1170 = arith.addi %mul3A_58, %add3A_1169 : i32
        %get3A_1171 = arith.index_cast %add3A_1170 : i32 to index
        %get3A_1172 = arith.constant 144 : index
        %get3A_1173 = tpu.vector_load %arg7[%get3A_1171, %get3A_1172] {strides = array<i32>} : memref<128x256xf32, #tpu.memory_space<vmem>>, vector<1x16xf32>,
        %get3A_1174 = vector.shape_cast %get3A_1173 : vector<1x16xf32> to vector<16xf32>
        %max3A_1175 = arith.maximumf %max3A_1168, %get3A_1174 : vector<16xf32>
        %add3A_1176 = arith.constant 10 : i32
        %add3A_1177 = arith.addi %mul3A_58, %add3A_1176 : i32
        %get3A_1178 = arith.index_cast %add3A_1177 : i32 to index
        %get3A_1179 = arith.constant 144 : index
        %get3A_1180 = tpu.vector_load %arg7[%get3A_1178, %get3A_1179] {strides = array<i32>} : memref<128x256xf32, #tpu.memory_space<vmem>>, vector<1x16xf32>,
        %get3A_1181 = vector.shape_cast %get3A_1180 : vector<1x16xf32> to vector<16xf32>
        %max3A_1182 = arith.maximumf %max3A_1175, %get3A_1181 : vector<16xf32>
        %add3A_1183 = arith.constant 11 : i32
        %add3A_1184 = arith.addi %mul3A_58, %add3A_1183 : i32
        %get3A_1185 = arith.index_cast %add3A_1184 : i32 to index
        %get3A_1186 = arith.constant 144 : index
        %get3A_1187 = tpu.vector_load %arg7[%get3A_1185, %get3A_1186] {strides = array<i32>} : memref<128x256xf32, #tpu.memory_space<vmem>>, vector<1x16xf32>,
        %get3A_1188 = vector.shape_cast %get3A_1187 : vector<1x16xf32> to vector<16xf32>
        %max3A_1189 = arith.maximumf %max3A_1182, %get3A_1188 : vector<16xf32>
        %add3A_1190 = arith.constant 12 : i32
        %add3A_1191 = arith.addi %mul3A_58, %add3A_1190 : i32
        %get3A_1192 = arith.index_cast %add3A_1191 : i32 to index
        %get3A_1193 = arith.constant 144 : index
        %get3A_1194 = tpu.vector_load %arg7[%get3A_1192, %get3A_1193] {strides = array<i32>} : memref<128x256xf32, #tpu.memory_space<vmem>>, vector<1x16xf32>,
        %get3A_1195 = vector.shape_cast %get3A_1194 : vector<1x16xf32> to vector<16xf32>
        %max3A_1196 = arith.maximumf %max3A_1189, %get3A_1195 : vector<16xf32>
        %add3A_1197 = arith.constant 13 : i32
        %add3A_1198 = arith.addi %mul3A_58, %add3A_1197 : i32
        %get3A_1199 = arith.index_cast %add3A_1198 : i32 to index
        %get3A_1200 = arith.constant 144 : index
        %get3A_1201 = tpu.vector_load %arg7[%get3A_1199, %get3A_1200] {strides = array<i32>} : memref<128x256xf32, #tpu.memory_space<vmem>>, vector<1x16xf32>,
        %get3A_1202 = vector.shape_cast %get3A_1201 : vector<1x16xf32> to vector<16xf32>
        %max3A_1203 = arith.maximumf %max3A_1196, %get3A_1202 : vector<16xf32>
        %add3A_1204 = arith.constant 14 : i32
        %add3A_1205 = arith.addi %mul3A_58, %add3A_1204 : i32
        %get3A_1206 = arith.index_cast %add3A_1205 : i32 to index
        %get3A_1207 = arith.constant 144 : index
        %get3A_1208 = tpu.vector_load %arg7[%get3A_1206, %get3A_1207] {strides = array<i32>} : memref<128x256xf32, #tpu.memory_space<vmem>>, vector<1x16xf32>,
        %get3A_1209 = vector.shape_cast %get3A_1208 : vector<1x16xf32> to vector<16xf32>
        %max3A_1210 = arith.maximumf %max3A_1203, %get3A_1209 : vector<16xf32>
        %add3A_1211 = arith.constant 15 : i32
        %add3A_1212 = arith.addi %mul3A_58, %add3A_1211 : i32
        %get3A_1213 = arith.index_cast %add3A_1212 : i32 to index
        %get3A_1214 = arith.constant 144 : index
        %get3A_1215 = tpu.vector_load %arg7[%get3A_1213, %get3A_1214] {strides = array<i32>} : memref<128x256xf32, #tpu.memory_space<vmem>>, vector<1x16xf32>,
        %get3A_1216 = vector.shape_cast %get3A_1215 : vector<1x16xf32> to vector<16xf32>
        %max3A_1217 = arith.maximumf %max3A_1210, %get3A_1216 : vector<16xf32>
        %mul3A_1218 = arith.constant 8 : i32
        %mul3A_1219 = arith.muli %add3A_19, %mul3A_1218 : i32
        %add3A_1220 = arith.addi %mul3A_1219, %scan3A_56 : i32
        %swap3A_1221 = arith.index_cast %add3A_1220 : i32 to index
        %swap3A_1222 = arith.constant 144 : index
        %swap3A_1223 = tpu.vector_load %arg8[%swap3A_1221, %swap3A_1222] {strides = array<i32>} : memref<128x256xf32, #tpu.memory_space<vmem>>, vector<1x16xf32>,
        %swap3A_1224 = vector.shape_cast %swap3A_1223 : vector<1x16xf32> to vector<16xf32>
        %swap3A_1225 = vector.shape_cast %max3A_1217 : vector<16xf32> to vector<1x16xf32>
        tpu.vector_store %arg8[%swap3A_1221, %swap3A_1222], %swap3A_1225 {strides = array<i32>} : memref<128x256xf32, #tpu.memory_space<vmem>>, vector<1x16xf32>,
        %get3A_1226 = arith.index_cast %mul3A_58 : i32 to index
        %get3A_1227 = arith.constant 160 : index
        %get3A_1228 = tpu.vector_load %arg7[%get3A_1226, %get3A_1227] {strides = array<i32>} : memref<128x256xf32, #tpu.memory_space<vmem>>, vector<1x16xf32>,
        %get3A_1229 = vector.shape_cast %get3A_1228 : vector<1x16xf32> to vector<16xf32>
        %add3A_1230 = arith.constant 1 : i32
        %add3A_1231 = arith.addi %mul3A_58, %add3A_1230 : i32
        %get3A_1232 = arith.index_cast %add3A_1231 : i32 to index
        %get3A_1233 = arith.constant 160 : index
        %get3A_1234 = tpu.vector_load %arg7[%get3A_1232, %get3A_1233] {strides = array<i32>} : memref<128x256xf32, #tpu.memory_space<vmem>>, vector<1x16xf32>,
        %get3A_1235 = vector.shape_cast %get3A_1234 : vector<1x16xf32> to vector<16xf32>
        %max3A_1236 = arith.maximumf %get3A_1229, %get3A_1235 : vector<16xf32>
        %add3A_1237 = arith.constant 2 : i32
        %add3A_1238 = arith.addi %mul3A_58, %add3A_1237 : i32
        %get3A_1239 = arith.index_cast %add3A_1238 : i32 to index
        %get3A_1240 = arith.constant 160 : index
        %get3A_1241 = tpu.vector_load %arg7[%get3A_1239, %get3A_1240] {strides = array<i32>} : memref<128x256xf32, #tpu.memory_space<vmem>>, vector<1x16xf32>,
        %get3A_1242 = vector.shape_cast %get3A_1241 : vector<1x16xf32> to vector<16xf32>
        %max3A_1243 = arith.maximumf %max3A_1236, %get3A_1242 : vector<16xf32>
        %add3A_1244 = arith.constant 3 : i32
        %add3A_1245 = arith.addi %mul3A_58, %add3A_1244 : i32
        %get3A_1246 = arith.index_cast %add3A_1245 : i32 to index
        %get3A_1247 = arith.constant 160 : index
        %get3A_1248 = tpu.vector_load %arg7[%get3A_1246, %get3A_1247] {strides = array<i32>} : memref<128x256xf32, #tpu.memory_space<vmem>>, vector<1x16xf32>,
        %get3A_1249 = vector.shape_cast %get3A_1248 : vector<1x16xf32> to vector<16xf32>
        %max3A_1250 = arith.maximumf %max3A_1243, %get3A_1249 : vector<16xf32>
        %add3A_1251 = arith.constant 4 : i32
        %add3A_1252 = arith.addi %mul3A_58, %add3A_1251 : i32
        %get3A_1253 = arith.index_cast %add3A_1252 : i32 to index
        %get3A_1254 = arith.constant 160 : index
        %get3A_1255 = tpu.vector_load %arg7[%get3A_1253, %get3A_1254] {strides = array<i32>} : memref<128x256xf32, #tpu.memory_space<vmem>>, vector<1x16xf32>,
        %get3A_1256 = vector.shape_cast %get3A_1255 : vector<1x16xf32> to vector<16xf32>
        %max3A_1257 = arith.maximumf %max3A_1250, %get3A_1256 : vector<16xf32>
        %add3A_1258 = arith.constant 5 : i32
        %add3A_1259 = arith.addi %mul3A_58, %add3A_1258 : i32
        %get3A_1260 = arith.index_cast %add3A_1259 : i32 to index
        %get3A_1261 = arith.constant 160 : index
        %get3A_1262 = tpu.vector_load %arg7[%get3A_1260, %get3A_1261] {strides = array<i32>} : memref<128x256xf32, #tpu.memory_space<vmem>>, vector<1x16xf32>,
        %get3A_1263 = vector.shape_cast %get3A_1262 : vector<1x16xf32> to vector<16xf32>
        %max3A_1264 = arith.maximumf %max3A_1257, %get3A_1263 : vector<16xf32>
        %add3A_1265 = arith.constant 6 : i32
        %add3A_1266 = arith.addi %mul3A_58, %add3A_1265 : i32
        %get3A_1267 = arith.index_cast %add3A_1266 : i32 to index
        %get3A_1268 = arith.constant 160 : index
        %get3A_1269 = tpu.vector_load %arg7[%get3A_1267, %get3A_1268] {strides = array<i32>} : memref<128x256xf32, #tpu.memory_space<vmem>>, vector<1x16xf32>,
        %get3A_1270 = vector.shape_cast %get3A_1269 : vector<1x16xf32> to vector<16xf32>
        %max3A_1271 = arith.maximumf %max3A_1264, %get3A_1270 : vector<16xf32>
        %add3A_1272 = arith.constant 7 : i32
        %add3A_1273 = arith.addi %mul3A_58, %add3A_1272 : i32
        %get3A_1274 = arith.index_cast %add3A_1273 : i32 to index
        %get3A_1275 = arith.constant 160 : index
        %get3A_1276 = tpu.vector_load %arg7[%get3A_1274, %get3A_1275] {strides = array<i32>} : memref<128x256xf32, #tpu.memory_space<vmem>>, vector<1x16xf32>,
        %get3A_1277 = vector.shape_cast %get3A_1276 : vector<1x16xf32> to vector<16xf32>
        %max3A_1278 = arith.maximumf %max3A_1271, %get3A_1277 : vector<16xf32>
        %add3A_1279 = arith.constant 8 : i32
        %add3A_1280 = arith.addi %mul3A_58, %add3A_1279 : i32
        %get3A_1281 = arith.index_cast %add3A_1280 : i32 to index
        %get3A_1282 = arith.constant 160 : index
        %get3A_1283 = tpu.vector_load %arg7[%get3A_1281, %get3A_1282] {strides = array<i32>} : memref<128x256xf32, #tpu.memory_space<vmem>>, vector<1x16xf32>,
        %get3A_1284 = vector.shape_cast %get3A_1283 : vector<1x16xf32> to vector<16xf32>
        %max3A_1285 = arith.maximumf %max3A_1278, %get3A_1284 : vector<16xf32>
        %add3A_1286 = arith.constant 9 : i32
        %add3A_1287 = arith.addi %mul3A_58, %add3A_1286 : i32
        %get3A_1288 = arith.index_cast %add3A_1287 : i32 to index
        %get3A_1289 = arith.constant 160 : index
        %get3A_1290 = tpu.vector_load %arg7[%get3A_1288, %get3A_1289] {strides = array<i32>} : memref<128x256xf32, #tpu.memory_space<vmem>>, vector<1x16xf32>,
        %get3A_1291 = vector.shape_cast %get3A_1290 : vector<1x16xf32> to vector<16xf32>
        %max3A_1292 = arith.maximumf %max3A_1285, %get3A_1291 : vector<16xf32>
        %add3A_1293 = arith.constant 10 : i32
        %add3A_1294 = arith.addi %mul3A_58, %add3A_1293 : i32
        %get3A_1295 = arith.index_cast %add3A_1294 : i32 to index
        %get3A_1296 = arith.constant 160 : index
        %get3A_1297 = tpu.vector_load %arg7[%get3A_1295, %get3A_1296] {strides = array<i32>} : memref<128x256xf32, #tpu.memory_space<vmem>>, vector<1x16xf32>,
        %get3A_1298 = vector.shape_cast %get3A_1297 : vector<1x16xf32> to vector<16xf32>
        %max3A_1299 = arith.maximumf %max3A_1292, %get3A_1298 : vector<16xf32>
        %add3A_1300 = arith.constant 11 : i32
        %add3A_1301 = arith.addi %mul3A_58, %add3A_1300 : i32
        %get3A_1302 = arith.index_cast %add3A_1301 : i32 to index
        %get3A_1303 = arith.constant 160 : index
        %get3A_1304 = tpu.vector_load %arg7[%get3A_1302, %get3A_1303] {strides = array<i32>} : memref<128x256xf32, #tpu.memory_space<vmem>>, vector<1x16xf32>,
        %get3A_1305 = vector.shape_cast %get3A_1304 : vector<1x16xf32> to vector<16xf32>
        %max3A_1306 = arith.maximumf %max3A_1299, %get3A_1305 : vector<16xf32>
        %add3A_1307 = arith.constant 12 : i32
        %add3A_1308 = arith.addi %mul3A_58, %add3A_1307 : i32
        %get3A_1309 = arith.index_cast %add3A_1308 : i32 to index
        %get3A_1310 = arith.constant 160 : index
        %get3A_1311 = tpu.vector_load %arg7[%get3A_1309, %get3A_1310] {strides = array<i32>} : memref<128x256xf32, #tpu.memory_space<vmem>>, vector<1x16xf32>,
        %get3A_1312 = vector.shape_cast %get3A_1311 : vector<1x16xf32> to vector<16xf32>
        %max3A_1313 = arith.maximumf %max3A_1306, %get3A_1312 : vector<16xf32>
        %add3A_1314 = arith.constant 13 : i32
        %add3A_1315 = arith.addi %mul3A_58, %add3A_1314 : i32
        %get3A_1316 = arith.index_cast %add3A_1315 : i32 to index
        %get3A_1317 = arith.constant 160 : index
        %get3A_1318 = tpu.vector_load %arg7[%get3A_1316, %get3A_1317] {strides = array<i32>} : memref<128x256xf32, #tpu.memory_space<vmem>>, vector<1x16xf32>,
        %get3A_1319 = vector.shape_cast %get3A_1318 : vector<1x16xf32> to vector<16xf32>
        %max3A_1320 = arith.maximumf %max3A_1313, %get3A_1319 : vector<16xf32>
        %add3A_1321 = arith.constant 14 : i32
        %add3A_1322 = arith.addi %mul3A_58, %add3A_1321 : i32
        %get3A_1323 = arith.index_cast %add3A_1322 : i32 to index
        %get3A_1324 = arith.constant 160 : index
        %get3A_1325 = tpu.vector_load %arg7[%get3A_1323, %get3A_1324] {strides = array<i32>} : memref<128x256xf32, #tpu.memory_space<vmem>>, vector<1x16xf32>,
        %get3A_1326 = vector.shape_cast %get3A_1325 : vector<1x16xf32> to vector<16xf32>
        %max3A_1327 = arith.maximumf %max3A_1320, %get3A_1326 : vector<16xf32>
        %add3A_1328 = arith.constant 15 : i32
        %add3A_1329 = arith.addi %mul3A_58, %add3A_1328 : i32
        %get3A_1330 = arith.index_cast %add3A_1329 : i32 to index
        %get3A_1331 = arith.constant 160 : index
        %get3A_1332 = tpu.vector_load %arg7[%get3A_1330, %get3A_1331] {strides = array<i32>} : memref<128x256xf32, #tpu.memory_space<vmem>>, vector<1x16xf32>,
        %get3A_1333 = vector.shape_cast %get3A_1332 : vector<1x16xf32> to vector<16xf32>
        %max3A_1334 = arith.maximumf %max3A_1327, %get3A_1333 : vector<16xf32>
        %mul3A_1335 = arith.constant 8 : i32
        %mul3A_1336 = arith.muli %add3A_19, %mul3A_1335 : i32
        %add3A_1337 = arith.addi %mul3A_1336, %scan3A_56 : i32
        %swap3A_1338 = arith.index_cast %add3A_1337 : i32 to index
        %swap3A_1339 = arith.constant 160 : index
        %swap3A_1340 = tpu.vector_load %arg8[%swap3A_1338, %swap3A_1339] {strides = array<i32>} : memref<128x256xf32, #tpu.memory_space<vmem>>, vector<1x16xf32>,
        %swap3A_1341 = vector.shape_cast %swap3A_1340 : vector<1x16xf32> to vector<16xf32>
        %swap3A_1342 = vector.shape_cast %max3A_1334 : vector<16xf32> to vector<1x16xf32>
        tpu.vector_store %arg8[%swap3A_1338, %swap3A_1339], %swap3A_1342 {strides = array<i32>} : memref<128x256xf32, #tpu.memory_space<vmem>>, vector<1x16xf32>,
        %get3A_1343 = arith.index_cast %mul3A_58 : i32 to index
        %get3A_1344 = arith.constant 176 : index
        %get3A_1345 = tpu.vector_load %arg7[%get3A_1343, %get3A_1344] {strides = array<i32>} : memref<128x256xf32, #tpu.memory_space<vmem>>, vector<1x16xf32>,
        %get3A_1346 = vector.shape_cast %get3A_1345 : vector<1x16xf32> to vector<16xf32>
        %add3A_1347 = arith.constant 1 : i32
        %add3A_1348 = arith.addi %mul3A_58, %add3A_1347 : i32
        %get3A_1349 = arith.index_cast %add3A_1348 : i32 to index
        %get3A_1350 = arith.constant 176 : index
        %get3A_1351 = tpu.vector_load %arg7[%get3A_1349, %get3A_1350] {strides = array<i32>} : memref<128x256xf32, #tpu.memory_space<vmem>>, vector<1x16xf32>,
        %get3A_1352 = vector.shape_cast %get3A_1351 : vector<1x16xf32> to vector<16xf32>
        %max3A_1353 = arith.maximumf %get3A_1346, %get3A_1352 : vector<16xf32>
        %add3A_1354 = arith.constant 2 : i32
        %add3A_1355 = arith.addi %mul3A_58, %add3A_1354 : i32
        %get3A_1356 = arith.index_cast %add3A_1355 : i32 to index
        %get3A_1357 = arith.constant 176 : index
        %get3A_1358 = tpu.vector_load %arg7[%get3A_1356, %get3A_1357] {strides = array<i32>} : memref<128x256xf32, #tpu.memory_space<vmem>>, vector<1x16xf32>,
        %get3A_1359 = vector.shape_cast %get3A_1358 : vector<1x16xf32> to vector<16xf32>
        %max3A_1360 = arith.maximumf %max3A_1353, %get3A_1359 : vector<16xf32>
        %add3A_1361 = arith.constant 3 : i32
        %add3A_1362 = arith.addi %mul3A_58, %add3A_1361 : i32
        %get3A_1363 = arith.index_cast %add3A_1362 : i32 to index
        %get3A_1364 = arith.constant 176 : index
        %get3A_1365 = tpu.vector_load %arg7[%get3A_1363, %get3A_1364] {strides = array<i32>} : memref<128x256xf32, #tpu.memory_space<vmem>>, vector<1x16xf32>,
        %get3A_1366 = vector.shape_cast %get3A_1365 : vector<1x16xf32> to vector<16xf32>
        %max3A_1367 = arith.maximumf %max3A_1360, %get3A_1366 : vector<16xf32>
        %add3A_1368 = arith.constant 4 : i32
        %add3A_1369 = arith.addi %mul3A_58, %add3A_1368 : i32
        %get3A_1370 = arith.index_cast %add3A_1369 : i32 to index
        %get3A_1371 = arith.constant 176 : index
        %get3A_1372 = tpu.vector_load %arg7[%get3A_1370, %get3A_1371] {strides = array<i32>} : memref<128x256xf32, #tpu.memory_space<vmem>>, vector<1x16xf32>,
        %get3A_1373 = vector.shape_cast %get3A_1372 : vector<1x16xf32> to vector<16xf32>
        %max3A_1374 = arith.maximumf %max3A_1367, %get3A_1373 : vector<16xf32>
        %add3A_1375 = arith.constant 5 : i32
        %add3A_1376 = arith.addi %mul3A_58, %add3A_1375 : i32
        %get3A_1377 = arith.index_cast %add3A_1376 : i32 to index
        %get3A_1378 = arith.constant 176 : index
        %get3A_1379 = tpu.vector_load %arg7[%get3A_1377, %get3A_1378] {strides = array<i32>} : memref<128x256xf32, #tpu.memory_space<vmem>>, vector<1x16xf32>,
        %get3A_1380 = vector.shape_cast %get3A_1379 : vector<1x16xf32> to vector<16xf32>
        %max3A_1381 = arith.maximumf %max3A_1374, %get3A_1380 : vector<16xf32>
        %add3A_1382 = arith.constant 6 : i32
        %add3A_1383 = arith.addi %mul3A_58, %add3A_1382 : i32
        %get3A_1384 = arith.index_cast %add3A_1383 : i32 to index
        %get3A_1385 = arith.constant 176 : index
        %get3A_1386 = tpu.vector_load %arg7[%get3A_1384, %get3A_1385] {strides = array<i32>} : memref<128x256xf32, #tpu.memory_space<vmem>>, vector<1x16xf32>,
        %get3A_1387 = vector.shape_cast %get3A_1386 : vector<1x16xf32> to vector<16xf32>
        %max3A_1388 = arith.maximumf %max3A_1381, %get3A_1387 : vector<16xf32>
        %add3A_1389 = arith.constant 7 : i32
        %add3A_1390 = arith.addi %mul3A_58, %add3A_1389 : i32
        %get3A_1391 = arith.index_cast %add3A_1390 : i32 to index
        %get3A_1392 = arith.constant 176 : index
        %get3A_1393 = tpu.vector_load %arg7[%get3A_1391, %get3A_1392] {strides = array<i32>} : memref<128x256xf32, #tpu.memory_space<vmem>>, vector<1x16xf32>,
        %get3A_1394 = vector.shape_cast %get3A_1393 : vector<1x16xf32> to vector<16xf32>
        %max3A_1395 = arith.maximumf %max3A_1388, %get3A_1394 : vector<16xf32>
        %add3A_1396 = arith.constant 8 : i32
        %add3A_1397 = arith.addi %mul3A_58, %add3A_1396 : i32
        %get3A_1398 = arith.index_cast %add3A_1397 : i32 to index
        %get3A_1399 = arith.constant 176 : index
        %get3A_1400 = tpu.vector_load %arg7[%get3A_1398, %get3A_1399] {strides = array<i32>} : memref<128x256xf32, #tpu.memory_space<vmem>>, vector<1x16xf32>,
        %get3A_1401 = vector.shape_cast %get3A_1400 : vector<1x16xf32> to vector<16xf32>
        %max3A_1402 = arith.maximumf %max3A_1395, %get3A_1401 : vector<16xf32>
        %add3A_1403 = arith.constant 9 : i32
        %add3A_1404 = arith.addi %mul3A_58, %add3A_1403 : i32
        %get3A_1405 = arith.index_cast %add3A_1404 : i32 to index
        %get3A_1406 = arith.constant 176 : index
        %get3A_1407 = tpu.vector_load %arg7[%get3A_1405, %get3A_1406] {strides = array<i32>} : memref<128x256xf32, #tpu.memory_space<vmem>>, vector<1x16xf32>,
        %get3A_1408 = vector.shape_cast %get3A_1407 : vector<1x16xf32> to vector<16xf32>
        %max3A_1409 = arith.maximumf %max3A_1402, %get3A_1408 : vector<16xf32>
        %add3A_1410 = arith.constant 10 : i32
        %add3A_1411 = arith.addi %mul3A_58, %add3A_1410 : i32
        %get3A_1412 = arith.index_cast %add3A_1411 : i32 to index
        %get3A_1413 = arith.constant 176 : index
        %get3A_1414 = tpu.vector_load %arg7[%get3A_1412, %get3A_1413] {strides = array<i32>} : memref<128x256xf32, #tpu.memory_space<vmem>>, vector<1x16xf32>,
        %get3A_1415 = vector.shape_cast %get3A_1414 : vector<1x16xf32> to vector<16xf32>
        %max3A_1416 = arith.maximumf %max3A_1409, %get3A_1415 : vector<16xf32>
        %add3A_1417 = arith.constant 11 : i32
        %add3A_1418 = arith.addi %mul3A_58, %add3A_1417 : i32
        %get3A_1419 = arith.index_cast %add3A_1418 : i32 to index
        %get3A_1420 = arith.constant 176 : index
        %get3A_1421 = tpu.vector_load %arg7[%get3A_1419, %get3A_1420] {strides = array<i32>} : memref<128x256xf32, #tpu.memory_space<vmem>>, vector<1x16xf32>,
        %get3A_1422 = vector.shape_cast %get3A_1421 : vector<1x16xf32> to vector<16xf32>
        %max3A_1423 = arith.maximumf %max3A_1416, %get3A_1422 : vector<16xf32>
        %add3A_1424 = arith.constant 12 : i32
        %add3A_1425 = arith.addi %mul3A_58, %add3A_1424 : i32
        %get3A_1426 = arith.index_cast %add3A_1425 : i32 to index
        %get3A_1427 = arith.constant 176 : index
        %get3A_1428 = tpu.vector_load %arg7[%get3A_1426, %get3A_1427] {strides = array<i32>} : memref<128x256xf32, #tpu.memory_space<vmem>>, vector<1x16xf32>,
        %get3A_1429 = vector.shape_cast %get3A_1428 : vector<1x16xf32> to vector<16xf32>
        %max3A_1430 = arith.maximumf %max3A_1423, %get3A_1429 : vector<16xf32>
        %add3A_1431 = arith.constant 13 : i32
        %add3A_1432 = arith.addi %mul3A_58, %add3A_1431 : i32
        %get3A_1433 = arith.index_cast %add3A_1432 : i32 to index
        %get3A_1434 = arith.constant 176 : index
        %get3A_1435 = tpu.vector_load %arg7[%get3A_1433, %get3A_1434] {strides = array<i32>} : memref<128x256xf32, #tpu.memory_space<vmem>>, vector<1x16xf32>,
        %get3A_1436 = vector.shape_cast %get3A_1435 : vector<1x16xf32> to vector<16xf32>
        %max3A_1437 = arith.maximumf %max3A_1430, %get3A_1436 : vector<16xf32>
        %add3A_1438 = arith.constant 14 : i32
        %add3A_1439 = arith.addi %mul3A_58, %add3A_1438 : i32
        %get3A_1440 = arith.index_cast %add3A_1439 : i32 to index
        %get3A_1441 = arith.constant 176 : index
        %get3A_1442 = tpu.vector_load %arg7[%get3A_1440, %get3A_1441] {strides = array<i32>} : memref<128x256xf32, #tpu.memory_space<vmem>>, vector<1x16xf32>,
        %get3A_1443 = vector.shape_cast %get3A_1442 : vector<1x16xf32> to vector<16xf32>
        %max3A_1444 = arith.maximumf %max3A_1437, %get3A_1443 : vector<16xf32>
        %add3A_1445 = arith.constant 15 : i32
        %add3A_1446 = arith.addi %mul3A_58, %add3A_1445 : i32
        %get3A_1447 = arith.index_cast %add3A_1446 : i32 to index
        %get3A_1448 = arith.constant 176 : index
        %get3A_1449 = tpu.vector_load %arg7[%get3A_1447, %get3A_1448] {strides = array<i32>} : memref<128x256xf32, #tpu.memory_space<vmem>>, vector<1x16xf32>,
        %get3A_1450 = vector.shape_cast %get3A_1449 : vector<1x16xf32> to vector<16xf32>
        %max3A_1451 = arith.maximumf %max3A_1444, %get3A_1450 : vector<16xf32>
        %mul3A_1452 = arith.constant 8 : i32
        %mul3A_1453 = arith.muli %add3A_19, %mul3A_1452 : i32
        %add3A_1454 = arith.addi %mul3A_1453, %scan3A_56 : i32
        %swap3A_1455 = arith.index_cast %add3A_1454 : i32 to index
        %swap3A_1456 = arith.constant 176 : index
        %swap3A_1457 = tpu.vector_load %arg8[%swap3A_1455, %swap3A_1456] {strides = array<i32>} : memref<128x256xf32, #tpu.memory_space<vmem>>, vector<1x16xf32>,
        %swap3A_1458 = vector.shape_cast %swap3A_1457 : vector<1x16xf32> to vector<16xf32>
        %swap3A_1459 = vector.shape_cast %max3A_1451 : vector<16xf32> to vector<1x16xf32>
        tpu.vector_store %arg8[%swap3A_1455, %swap3A_1456], %swap3A_1459 {strides = array<i32>} : memref<128x256xf32, #tpu.memory_space<vmem>>, vector<1x16xf32>,
        %get3A_1460 = arith.index_cast %mul3A_58 : i32 to index
        %get3A_1461 = arith.constant 192 : index
        %get3A_1462 = tpu.vector_load %arg7[%get3A_1460, %get3A_1461] {strides = array<i32>} : memref<128x256xf32, #tpu.memory_space<vmem>>, vector<1x16xf32>,
        %get3A_1463 = vector.shape_cast %get3A_1462 : vector<1x16xf32> to vector<16xf32>
        %add3A_1464 = arith.constant 1 : i32
        %add3A_1465 = arith.addi %mul3A_58, %add3A_1464 : i32
        %get3A_1466 = arith.index_cast %add3A_1465 : i32 to index
        %get3A_1467 = arith.constant 192 : index
        %get3A_1468 = tpu.vector_load %arg7[%get3A_1466, %get3A_1467] {strides = array<i32>} : memref<128x256xf32, #tpu.memory_space<vmem>>, vector<1x16xf32>,
        %get3A_1469 = vector.shape_cast %get3A_1468 : vector<1x16xf32> to vector<16xf32>
        %max3A_1470 = arith.maximumf %get3A_1463, %get3A_1469 : vector<16xf32>
        %add3A_1471 = arith.constant 2 : i32
        %add3A_1472 = arith.addi %mul3A_58, %add3A_1471 : i32
        %get3A_1473 = arith.index_cast %add3A_1472 : i32 to index
        %get3A_1474 = arith.constant 192 : index
        %get3A_1475 = tpu.vector_load %arg7[%get3A_1473, %get3A_1474] {strides = array<i32>} : memref<128x256xf32, #tpu.memory_space<vmem>>, vector<1x16xf32>,
        %get3A_1476 = vector.shape_cast %get3A_1475 : vector<1x16xf32> to vector<16xf32>
        %max3A_1477 = arith.maximumf %max3A_1470, %get3A_1476 : vector<16xf32>
        %add3A_1478 = arith.constant 3 : i32
        %add3A_1479 = arith.addi %mul3A_58, %add3A_1478 : i32
        %get3A_1480 = arith.index_cast %add3A_1479 : i32 to index
        %get3A_1481 = arith.constant 192 : index
        %get3A_1482 = tpu.vector_load %arg7[%get3A_1480, %get3A_1481] {strides = array<i32>} : memref<128x256xf32, #tpu.memory_space<vmem>>, vector<1x16xf32>,
        %get3A_1483 = vector.shape_cast %get3A_1482 : vector<1x16xf32> to vector<16xf32>
        %max3A_1484 = arith.maximumf %max3A_1477, %get3A_1483 : vector<16xf32>
        %add3A_1485 = arith.constant 4 : i32
        %add3A_1486 = arith.addi %mul3A_58, %add3A_1485 : i32
        %get3A_1487 = arith.index_cast %add3A_1486 : i32 to index
        %get3A_1488 = arith.constant 192 : index
        %get3A_1489 = tpu.vector_load %arg7[%get3A_1487, %get3A_1488] {strides = array<i32>} : memref<128x256xf32, #tpu.memory_space<vmem>>, vector<1x16xf32>,
        %get3A_1490 = vector.shape_cast %get3A_1489 : vector<1x16xf32> to vector<16xf32>
        %max3A_1491 = arith.maximumf %max3A_1484, %get3A_1490 : vector<16xf32>
        %add3A_1492 = arith.constant 5 : i32
        %add3A_1493 = arith.addi %mul3A_58, %add3A_1492 : i32
        %get3A_1494 = arith.index_cast %add3A_1493 : i32 to index
        %get3A_1495 = arith.constant 192 : index
        %get3A_1496 = tpu.vector_load %arg7[%get3A_1494, %get3A_1495] {strides = array<i32>} : memref<128x256xf32, #tpu.memory_space<vmem>>, vector<1x16xf32>,
        %get3A_1497 = vector.shape_cast %get3A_1496 : vector<1x16xf32> to vector<16xf32>
        %max3A_1498 = arith.maximumf %max3A_1491, %get3A_1497 : vector<16xf32>
        %add3A_1499 = arith.constant 6 : i32
        %add3A_1500 = arith.addi %mul3A_58, %add3A_1499 : i32
        %get3A_1501 = arith.index_cast %add3A_1500 : i32 to index
        %get3A_1502 = arith.constant 192 : index
        %get3A_1503 = tpu.vector_load %arg7[%get3A_1501, %get3A_1502] {strides = array<i32>} : memref<128x256xf32, #tpu.memory_space<vmem>>, vector<1x16xf32>,
        %get3A_1504 = vector.shape_cast %get3A_1503 : vector<1x16xf32> to vector<16xf32>
        %max3A_1505 = arith.maximumf %max3A_1498, %get3A_1504 : vector<16xf32>
        %add3A_1506 = arith.constant 7 : i32
        %add3A_1507 = arith.addi %mul3A_58, %add3A_1506 : i32
        %get3A_1508 = arith.index_cast %add3A_1507 : i32 to index
        %get3A_1509 = arith.constant 192 : index
        %get3A_1510 = tpu.vector_load %arg7[%get3A_1508, %get3A_1509] {strides = array<i32>} : memref<128x256xf32, #tpu.memory_space<vmem>>, vector<1x16xf32>,
        %get3A_1511 = vector.shape_cast %get3A_1510 : vector<1x16xf32> to vector<16xf32>
        %max3A_1512 = arith.maximumf %max3A_1505, %get3A_1511 : vector<16xf32>
        %add3A_1513 = arith.constant 8 : i32
        %add3A_1514 = arith.addi %mul3A_58, %add3A_1513 : i32
        %get3A_1515 = arith.index_cast %add3A_1514 : i32 to index
        %get3A_1516 = arith.constant 192 : index
        %get3A_1517 = tpu.vector_load %arg7[%get3A_1515, %get3A_1516] {strides = array<i32>} : memref<128x256xf32, #tpu.memory_space<vmem>>, vector<1x16xf32>,
        %get3A_1518 = vector.shape_cast %get3A_1517 : vector<1x16xf32> to vector<16xf32>
        %max3A_1519 = arith.maximumf %max3A_1512, %get3A_1518 : vector<16xf32>
        %add3A_1520 = arith.constant 9 : i32
        %add3A_1521 = arith.addi %mul3A_58, %add3A_1520 : i32
        %get3A_1522 = arith.index_cast %add3A_1521 : i32 to index
        %get3A_1523 = arith.constant 192 : index
        %get3A_1524 = tpu.vector_load %arg7[%get3A_1522, %get3A_1523] {strides = array<i32>} : memref<128x256xf32, #tpu.memory_space<vmem>>, vector<1x16xf32>,
        %get3A_1525 = vector.shape_cast %get3A_1524 : vector<1x16xf32> to vector<16xf32>
        %max3A_1526 = arith.maximumf %max3A_1519, %get3A_1525 : vector<16xf32>
        %add3A_1527 = arith.constant 10 : i32
        %add3A_1528 = arith.addi %mul3A_58, %add3A_1527 : i32
        %get3A_1529 = arith.index_cast %add3A_1528 : i32 to index
        %get3A_1530 = arith.constant 192 : index
        %get3A_1531 = tpu.vector_load %arg7[%get3A_1529, %get3A_1530] {strides = array<i32>} : memref<128x256xf32, #tpu.memory_space<vmem>>, vector<1x16xf32>,
        %get3A_1532 = vector.shape_cast %get3A_1531 : vector<1x16xf32> to vector<16xf32>
        %max3A_1533 = arith.maximumf %max3A_1526, %get3A_1532 : vector<16xf32>
        %add3A_1534 = arith.constant 11 : i32
        %add3A_1535 = arith.addi %mul3A_58, %add3A_1534 : i32
        %get3A_1536 = arith.index_cast %add3A_1535 : i32 to index
        %get3A_1537 = arith.constant 192 : index
        %get3A_1538 = tpu.vector_load %arg7[%get3A_1536, %get3A_1537] {strides = array<i32>} : memref<128x256xf32, #tpu.memory_space<vmem>>, vector<1x16xf32>,
        %get3A_1539 = vector.shape_cast %get3A_1538 : vector<1x16xf32> to vector<16xf32>
        %max3A_1540 = arith.maximumf %max3A_1533, %get3A_1539 : vector<16xf32>
        %add3A_1541 = arith.constant 12 : i32
        %add3A_1542 = arith.addi %mul3A_58, %add3A_1541 : i32
        %get3A_1543 = arith.index_cast %add3A_1542 : i32 to index
        %get3A_1544 = arith.constant 192 : index
        %get3A_1545 = tpu.vector_load %arg7[%get3A_1543, %get3A_1544] {strides = array<i32>} : memref<128x256xf32, #tpu.memory_space<vmem>>, vector<1x16xf32>,
        %get3A_1546 = vector.shape_cast %get3A_1545 : vector<1x16xf32> to vector<16xf32>
        %max3A_1547 = arith.maximumf %max3A_1540, %get3A_1546 : vector<16xf32>
        %add3A_1548 = arith.constant 13 : i32
        %add3A_1549 = arith.addi %mul3A_58, %add3A_1548 : i32
        %get3A_1550 = arith.index_cast %add3A_1549 : i32 to index
        %get3A_1551 = arith.constant 192 : index
        %get3A_1552 = tpu.vector_load %arg7[%get3A_1550, %get3A_1551] {strides = array<i32>} : memref<128x256xf32, #tpu.memory_space<vmem>>, vector<1x16xf32>,
        %get3A_1553 = vector.shape_cast %get3A_1552 : vector<1x16xf32> to vector<16xf32>
        %max3A_1554 = arith.maximumf %max3A_1547, %get3A_1553 : vector<16xf32>
        %add3A_1555 = arith.constant 14 : i32
        %add3A_1556 = arith.addi %mul3A_58, %add3A_1555 : i32
        %get3A_1557 = arith.index_cast %add3A_1556 : i32 to index
        %get3A_1558 = arith.constant 192 : index
        %get3A_1559 = tpu.vector_load %arg7[%get3A_1557, %get3A_1558] {strides = array<i32>} : memref<128x256xf32, #tpu.memory_space<vmem>>, vector<1x16xf32>,
        %get3A_1560 = vector.shape_cast %get3A_1559 : vector<1x16xf32> to vector<16xf32>
        %max3A_1561 = arith.maximumf %max3A_1554, %get3A_1560 : vector<16xf32>
        %add3A_1562 = arith.constant 15 : i32
        %add3A_1563 = arith.addi %mul3A_58, %add3A_1562 : i32
        %get3A_1564 = arith.index_cast %add3A_1563 : i32 to index
        %get3A_1565 = arith.constant 192 : index
        %get3A_1566 = tpu.vector_load %arg7[%get3A_1564, %get3A_1565] {strides = array<i32>} : memref<128x256xf32, #tpu.memory_space<vmem>>, vector<1x16xf32>,
        %get3A_1567 = vector.shape_cast %get3A_1566 : vector<1x16xf32> to vector<16xf32>
        %max3A_1568 = arith.maximumf %max3A_1561, %get3A_1567 : vector<16xf32>
        %mul3A_1569 = arith.constant 8 : i32
        %mul3A_1570 = arith.muli %add3A_19, %mul3A_1569 : i32
        %add3A_1571 = arith.addi %mul3A_1570, %scan3A_56 : i32
        %swap3A_1572 = arith.index_cast %add3A_1571 : i32 to index
        %swap3A_1573 = arith.constant 192 : index
        %swap3A_1574 = tpu.vector_load %arg8[%swap3A_1572, %swap3A_1573] {strides = array<i32>} : memref<128x256xf32, #tpu.memory_space<vmem>>, vector<1x16xf32>,
        %swap3A_1575 = vector.shape_cast %swap3A_1574 : vector<1x16xf32> to vector<16xf32>
        %swap3A_1576 = vector.shape_cast %max3A_1568 : vector<16xf32> to vector<1x16xf32>
        tpu.vector_store %arg8[%swap3A_1572, %swap3A_1573], %swap3A_1576 {strides = array<i32>} : memref<128x256xf32, #tpu.memory_space<vmem>>, vector<1x16xf32>,
        %get3A_1577 = arith.index_cast %mul3A_58 : i32 to index
        %get3A_1578 = arith.constant 208 : index
        %get3A_1579 = tpu.vector_load %arg7[%get3A_1577, %get3A_1578] {strides = array<i32>} : memref<128x256xf32, #tpu.memory_space<vmem>>, vector<1x16xf32>,
        %get3A_1580 = vector.shape_cast %get3A_1579 : vector<1x16xf32> to vector<16xf32>
        %add3A_1581 = arith.constant 1 : i32
        %add3A_1582 = arith.addi %mul3A_58, %add3A_1581 : i32
        %get3A_1583 = arith.index_cast %add3A_1582 : i32 to index
        %get3A_1584 = arith.constant 208 : index
        %get3A_1585 = tpu.vector_load %arg7[%get3A_1583, %get3A_1584] {strides = array<i32>} : memref<128x256xf32, #tpu.memory_space<vmem>>, vector<1x16xf32>,
        %get3A_1586 = vector.shape_cast %get3A_1585 : vector<1x16xf32> to vector<16xf32>
        %max3A_1587 = arith.maximumf %get3A_1580, %get3A_1586 : vector<16xf32>
        %add3A_1588 = arith.constant 2 : i32
        %add3A_1589 = arith.addi %mul3A_58, %add3A_1588 : i32
        %get3A_1590 = arith.index_cast %add3A_1589 : i32 to index
        %get3A_1591 = arith.constant 208 : index
        %get3A_1592 = tpu.vector_load %arg7[%get3A_1590, %get3A_1591] {strides = array<i32>} : memref<128x256xf32, #tpu.memory_space<vmem>>, vector<1x16xf32>,
        %get3A_1593 = vector.shape_cast %get3A_1592 : vector<1x16xf32> to vector<16xf32>
        %max3A_1594 = arith.maximumf %max3A_1587, %get3A_1593 : vector<16xf32>
        %add3A_1595 = arith.constant 3 : i32
        %add3A_1596 = arith.addi %mul3A_58, %add3A_1595 : i32
        %get3A_1597 = arith.index_cast %add3A_1596 : i32 to index
        %get3A_1598 = arith.constant 208 : index
        %get3A_1599 = tpu.vector_load %arg7[%get3A_1597, %get3A_1598] {strides = array<i32>} : memref<128x256xf32, #tpu.memory_space<vmem>>, vector<1x16xf32>,
        %get3A_1600 = vector.shape_cast %get3A_1599 : vector<1x16xf32> to vector<16xf32>
        %max3A_1601 = arith.maximumf %max3A_1594, %get3A_1600 : vector<16xf32>
        %add3A_1602 = arith.constant 4 : i32
        %add3A_1603 = arith.addi %mul3A_58, %add3A_1602 : i32
        %get3A_1604 = arith.index_cast %add3A_1603 : i32 to index
        %get3A_1605 = arith.constant 208 : index
        %get3A_1606 = tpu.vector_load %arg7[%get3A_1604, %get3A_1605] {strides = array<i32>} : memref<128x256xf32, #tpu.memory_space<vmem>>, vector<1x16xf32>,
        %get3A_1607 = vector.shape_cast %get3A_1606 : vector<1x16xf32> to vector<16xf32>
        %max3A_1608 = arith.maximumf %max3A_1601, %get3A_1607 : vector<16xf32>
        %add3A_1609 = arith.constant 5 : i32
        %add3A_1610 = arith.addi %mul3A_58, %add3A_1609 : i32
        %get3A_1611 = arith.index_cast %add3A_1610 : i32 to index
        %get3A_1612 = arith.constant 208 : index
        %get3A_1613 = tpu.vector_load %arg7[%get3A_1611, %get3A_1612] {strides = array<i32>} : memref<128x256xf32, #tpu.memory_space<vmem>>, vector<1x16xf32>,
        %get3A_1614 = vector.shape_cast %get3A_1613 : vector<1x16xf32> to vector<16xf32>
        %max3A_1615 = arith.maximumf %max3A_1608, %get3A_1614 : vector<16xf32>
        %add3A_1616 = arith.constant 6 : i32
        %add3A_1617 = arith.addi %mul3A_58, %add3A_1616 : i32
        %get3A_1618 = arith.index_cast %add3A_1617 : i32 to index
        %get3A_1619 = arith.constant 208 : index
        %get3A_1620 = tpu.vector_load %arg7[%get3A_1618, %get3A_1619] {strides = array<i32>} : memref<128x256xf32, #tpu.memory_space<vmem>>, vector<1x16xf32>,
        %get3A_1621 = vector.shape_cast %get3A_1620 : vector<1x16xf32> to vector<16xf32>
        %max3A_1622 = arith.maximumf %max3A_1615, %get3A_1621 : vector<16xf32>
        %add3A_1623 = arith.constant 7 : i32
        %add3A_1624 = arith.addi %mul3A_58, %add3A_1623 : i32
        %get3A_1625 = arith.index_cast %add3A_1624 : i32 to index
        %get3A_1626 = arith.constant 208 : index
        %get3A_1627 = tpu.vector_load %arg7[%get3A_1625, %get3A_1626] {strides = array<i32>} : memref<128x256xf32, #tpu.memory_space<vmem>>, vector<1x16xf32>,
        %get3A_1628 = vector.shape_cast %get3A_1627 : vector<1x16xf32> to vector<16xf32>
        %max3A_1629 = arith.maximumf %max3A_1622, %get3A_1628 : vector<16xf32>
        %add3A_1630 = arith.constant 8 : i32
        %add3A_1631 = arith.addi %mul3A_58, %add3A_1630 : i32
        %get3A_1632 = arith.index_cast %add3A_1631 : i32 to index
        %get3A_1633 = arith.constant 208 : index
        %get3A_1634 = tpu.vector_load %arg7[%get3A_1632, %get3A_1633] {strides = array<i32>} : memref<128x256xf32, #tpu.memory_space<vmem>>, vector<1x16xf32>,
        %get3A_1635 = vector.shape_cast %get3A_1634 : vector<1x16xf32> to vector<16xf32>
        %max3A_1636 = arith.maximumf %max3A_1629, %get3A_1635 : vector<16xf32>
        %add3A_1637 = arith.constant 9 : i32
        %add3A_1638 = arith.addi %mul3A_58, %add3A_1637 : i32
        %get3A_1639 = arith.index_cast %add3A_1638 : i32 to index
        %get3A_1640 = arith.constant 208 : index
        %get3A_1641 = tpu.vector_load %arg7[%get3A_1639, %get3A_1640] {strides = array<i32>} : memref<128x256xf32, #tpu.memory_space<vmem>>, vector<1x16xf32>,
        %get3A_1642 = vector.shape_cast %get3A_1641 : vector<1x16xf32> to vector<16xf32>
        %max3A_1643 = arith.maximumf %max3A_1636, %get3A_1642 : vector<16xf32>
        %add3A_1644 = arith.constant 10 : i32
        %add3A_1645 = arith.addi %mul3A_58, %add3A_1644 : i32
        %get3A_1646 = arith.index_cast %add3A_1645 : i32 to index
        %get3A_1647 = arith.constant 208 : index
        %get3A_1648 = tpu.vector_load %arg7[%get3A_1646, %get3A_1647] {strides = array<i32>} : memref<128x256xf32, #tpu.memory_space<vmem>>, vector<1x16xf32>,
        %get3A_1649 = vector.shape_cast %get3A_1648 : vector<1x16xf32> to vector<16xf32>
        %max3A_1650 = arith.maximumf %max3A_1643, %get3A_1649 : vector<16xf32>
        %add3A_1651 = arith.constant 11 : i32
        %add3A_1652 = arith.addi %mul3A_58, %add3A_1651 : i32
        %get3A_1653 = arith.index_cast %add3A_1652 : i32 to index
        %get3A_1654 = arith.constant 208 : index
        %get3A_1655 = tpu.vector_load %arg7[%get3A_1653, %get3A_1654] {strides = array<i32>} : memref<128x256xf32, #tpu.memory_space<vmem>>, vector<1x16xf32>,
        %get3A_1656 = vector.shape_cast %get3A_1655 : vector<1x16xf32> to vector<16xf32>
        %max3A_1657 = arith.maximumf %max3A_1650, %get3A_1656 : vector<16xf32>
        %add3A_1658 = arith.constant 12 : i32
        %add3A_1659 = arith.addi %mul3A_58, %add3A_1658 : i32
        %get3A_1660 = arith.index_cast %add3A_1659 : i32 to index
        %get3A_1661 = arith.constant 208 : index
        %get3A_1662 = tpu.vector_load %arg7[%get3A_1660, %get3A_1661] {strides = array<i32>} : memref<128x256xf32, #tpu.memory_space<vmem>>, vector<1x16xf32>,
        %get3A_1663 = vector.shape_cast %get3A_1662 : vector<1x16xf32> to vector<16xf32>
        %max3A_1664 = arith.maximumf %max3A_1657, %get3A_1663 : vector<16xf32>
        %add3A_1665 = arith.constant 13 : i32
        %add3A_1666 = arith.addi %mul3A_58, %add3A_1665 : i32
        %get3A_1667 = arith.index_cast %add3A_1666 : i32 to index
        %get3A_1668 = arith.constant 208 : index
        %get3A_1669 = tpu.vector_load %arg7[%get3A_1667, %get3A_1668] {strides = array<i32>} : memref<128x256xf32, #tpu.memory_space<vmem>>, vector<1x16xf32>,
        %get3A_1670 = vector.shape_cast %get3A_1669 : vector<1x16xf32> to vector<16xf32>
        %max3A_1671 = arith.maximumf %max3A_1664, %get3A_1670 : vector<16xf32>
        %add3A_1672 = arith.constant 14 : i32
        %add3A_1673 = arith.addi %mul3A_58, %add3A_1672 : i32
        %get3A_1674 = arith.index_cast %add3A_1673 : i32 to index
        %get3A_1675 = arith.constant 208 : index
        %get3A_1676 = tpu.vector_load %arg7[%get3A_1674, %get3A_1675] {strides = array<i32>} : memref<128x256xf32, #tpu.memory_space<vmem>>, vector<1x16xf32>,
        %get3A_1677 = vector.shape_cast %get3A_1676 : vector<1x16xf32> to vector<16xf32>
        %max3A_1678 = arith.maximumf %max3A_1671, %get3A_1677 : vector<16xf32>
        %add3A_1679 = arith.constant 15 : i32
        %add3A_1680 = arith.addi %mul3A_58, %add3A_1679 : i32
        %get3A_1681 = arith.index_cast %add3A_1680 : i32 to index
        %get3A_1682 = arith.constant 208 : index
        %get3A_1683 = tpu.vector_load %arg7[%get3A_1681, %get3A_1682] {strides = array<i32>} : memref<128x256xf32, #tpu.memory_space<vmem>>, vector<1x16xf32>,
        %get3A_1684 = vector.shape_cast %get3A_1683 : vector<1x16xf32> to vector<16xf32>
        %max3A_1685 = arith.maximumf %max3A_1678, %get3A_1684 : vector<16xf32>
        %mul3A_1686 = arith.constant 8 : i32
        %mul3A_1687 = arith.muli %add3A_19, %mul3A_1686 : i32
        %add3A_1688 = arith.addi %mul3A_1687, %scan3A_56 : i32
        %swap3A_1689 = arith.index_cast %add3A_1688 : i32 to index
        %swap3A_1690 = arith.constant 208 : index
        %swap3A_1691 = tpu.vector_load %arg8[%swap3A_1689, %swap3A_1690] {strides = array<i32>} : memref<128x256xf32, #tpu.memory_space<vmem>>, vector<1x16xf32>,
        %swap3A_1692 = vector.shape_cast %swap3A_1691 : vector<1x16xf32> to vector<16xf32>
        %swap3A_1693 = vector.shape_cast %max3A_1685 : vector<16xf32> to vector<1x16xf32>
        tpu.vector_store %arg8[%swap3A_1689, %swap3A_1690], %swap3A_1693 {strides = array<i32>} : memref<128x256xf32, #tpu.memory_space<vmem>>, vector<1x16xf32>,
        %get3A_1694 = arith.index_cast %mul3A_58 : i32 to index
        %get3A_1695 = arith.constant 224 : index
        %get3A_1696 = tpu.vector_load %arg7[%get3A_1694, %get3A_1695] {strides = array<i32>} : memref<128x256xf32, #tpu.memory_space<vmem>>, vector<1x16xf32>,
        %get3A_1697 = vector.shape_cast %get3A_1696 : vector<1x16xf32> to vector<16xf32>
        %add3A_1698 = arith.constant 1 : i32
        %add3A_1699 = arith.addi %mul3A_58, %add3A_1698 : i32
        %get3A_1700 = arith.index_cast %add3A_1699 : i32 to index
        %get3A_1701 = arith.constant 224 : index
        %get3A_1702 = tpu.vector_load %arg7[%get3A_1700, %get3A_1701] {strides = array<i32>} : memref<128x256xf32, #tpu.memory_space<vmem>>, vector<1x16xf32>,
        %get3A_1703 = vector.shape_cast %get3A_1702 : vector<1x16xf32> to vector<16xf32>
        %max3A_1704 = arith.maximumf %get3A_1697, %get3A_1703 : vector<16xf32>
        %add3A_1705 = arith.constant 2 : i32
        %add3A_1706 = arith.addi %mul3A_58, %add3A_1705 : i32
        %get3A_1707 = arith.index_cast %add3A_1706 : i32 to index
        %get3A_1708 = arith.constant 224 : index
        %get3A_1709 = tpu.vector_load %arg7[%get3A_1707, %get3A_1708] {strides = array<i32>} : memref<128x256xf32, #tpu.memory_space<vmem>>, vector<1x16xf32>,
        %get3A_1710 = vector.shape_cast %get3A_1709 : vector<1x16xf32> to vector<16xf32>
        %max3A_1711 = arith.maximumf %max3A_1704, %get3A_1710 : vector<16xf32>
        %add3A_1712 = arith.constant 3 : i32
        %add3A_1713 = arith.addi %mul3A_58, %add3A_1712 : i32
        %get3A_1714 = arith.index_cast %add3A_1713 : i32 to index
        %get3A_1715 = arith.constant 224 : index
        %get3A_1716 = tpu.vector_load %arg7[%get3A_1714, %get3A_1715] {strides = array<i32>} : memref<128x256xf32, #tpu.memory_space<vmem>>, vector<1x16xf32>,
        %get3A_1717 = vector.shape_cast %get3A_1716 : vector<1x16xf32> to vector<16xf32>
        %max3A_1718 = arith.maximumf %max3A_1711, %get3A_1717 : vector<16xf32>
        %add3A_1719 = arith.constant 4 : i32
        %add3A_1720 = arith.addi %mul3A_58, %add3A_1719 : i32
        %get3A_1721 = arith.index_cast %add3A_1720 : i32 to index
        %get3A_1722 = arith.constant 224 : index
        %get3A_1723 = tpu.vector_load %arg7[%get3A_1721, %get3A_1722] {strides = array<i32>} : memref<128x256xf32, #tpu.memory_space<vmem>>, vector<1x16xf32>,
        %get3A_1724 = vector.shape_cast %get3A_1723 : vector<1x16xf32> to vector<16xf32>
        %max3A_1725 = arith.maximumf %max3A_1718, %get3A_1724 : vector<16xf32>
        %add3A_1726 = arith.constant 5 : i32
        %add3A_1727 = arith.addi %mul3A_58, %add3A_1726 : i32
        %get3A_1728 = arith.index_cast %add3A_1727 : i32 to index
        %get3A_1729 = arith.constant 224 : index
        %get3A_1730 = tpu.vector_load %arg7[%get3A_1728, %get3A_1729] {strides = array<i32>} : memref<128x256xf32, #tpu.memory_space<vmem>>, vector<1x16xf32>,
        %get3A_1731 = vector.shape_cast %get3A_1730 : vector<1x16xf32> to vector<16xf32>
        %max3A_1732 = arith.maximumf %max3A_1725, %get3A_1731 : vector<16xf32>
        %add3A_1733 = arith.constant 6 : i32
        %add3A_1734 = arith.addi %mul3A_58, %add3A_1733 : i32
        %get3A_1735 = arith.index_cast %add3A_1734 : i32 to index
        %get3A_1736 = arith.constant 224 : index
        %get3A_1737 = tpu.vector_load %arg7[%get3A_1735, %get3A_1736] {strides = array<i32>} : memref<128x256xf32, #tpu.memory_space<vmem>>, vector<1x16xf32>,
        %get3A_1738 = vector.shape_cast %get3A_1737 : vector<1x16xf32> to vector<16xf32>
        %max3A_1739 = arith.maximumf %max3A_1732, %get3A_1738 : vector<16xf32>
        %add3A_1740 = arith.constant 7 : i32
        %add3A_1741 = arith.addi %mul3A_58, %add3A_1740 : i32
        %get3A_1742 = arith.index_cast %add3A_1741 : i32 to index
        %get3A_1743 = arith.constant 224 : index
        %get3A_1744 = tpu.vector_load %arg7[%get3A_1742, %get3A_1743] {strides = array<i32>} : memref<128x256xf32, #tpu.memory_space<vmem>>, vector<1x16xf32>,
        %get3A_1745 = vector.shape_cast %get3A_1744 : vector<1x16xf32> to vector<16xf32>
        %max3A_1746 = arith.maximumf %max3A_1739, %get3A_1745 : vector<16xf32>
        %add3A_1747 = arith.constant 8 : i32
        %add3A_1748 = arith.addi %mul3A_58, %add3A_1747 : i32
        %get3A_1749 = arith.index_cast %add3A_1748 : i32 to index
        %get3A_1750 = arith.constant 224 : index
        %get3A_1751 = tpu.vector_load %arg7[%get3A_1749, %get3A_1750] {strides = array<i32>} : memref<128x256xf32, #tpu.memory_space<vmem>>, vector<1x16xf32>,
        %get3A_1752 = vector.shape_cast %get3A_1751 : vector<1x16xf32> to vector<16xf32>
        %max3A_1753 = arith.maximumf %max3A_1746, %get3A_1752 : vector<16xf32>
        %add3A_1754 = arith.constant 9 : i32
        %add3A_1755 = arith.addi %mul3A_58, %add3A_1754 : i32
        %get3A_1756 = arith.index_cast %add3A_1755 : i32 to index
        %get3A_1757 = arith.constant 224 : index
        %get3A_1758 = tpu.vector_load %arg7[%get3A_1756, %get3A_1757] {strides = array<i32>} : memref<128x256xf32, #tpu.memory_space<vmem>>, vector<1x16xf32>,
        %get3A_1759 = vector.shape_cast %get3A_1758 : vector<1x16xf32> to vector<16xf32>
        %max3A_1760 = arith.maximumf %max3A_1753, %get3A_1759 : vector<16xf32>
        %add3A_1761 = arith.constant 10 : i32
        %add3A_1762 = arith.addi %mul3A_58, %add3A_1761 : i32
        %get3A_1763 = arith.index_cast %add3A_1762 : i32 to index
        %get3A_1764 = arith.constant 224 : index
        %get3A_1765 = tpu.vector_load %arg7[%get3A_1763, %get3A_1764] {strides = array<i32>} : memref<128x256xf32, #tpu.memory_space<vmem>>, vector<1x16xf32>,
        %get3A_1766 = vector.shape_cast %get3A_1765 : vector<1x16xf32> to vector<16xf32>
        %max3A_1767 = arith.maximumf %max3A_1760, %get3A_1766 : vector<16xf32>
        %add3A_1768 = arith.constant 11 : i32
        %add3A_1769 = arith.addi %mul3A_58, %add3A_1768 : i32
        %get3A_1770 = arith.index_cast %add3A_1769 : i32 to index
        %get3A_1771 = arith.constant 224 : index
        %get3A_1772 = tpu.vector_load %arg7[%get3A_1770, %get3A_1771] {strides = array<i32>} : memref<128x256xf32, #tpu.memory_space<vmem>>, vector<1x16xf32>,
        %get3A_1773 = vector.shape_cast %get3A_1772 : vector<1x16xf32> to vector<16xf32>
        %max3A_1774 = arith.maximumf %max3A_1767, %get3A_1773 : vector<16xf32>
        %add3A_1775 = arith.constant 12 : i32
        %add3A_1776 = arith.addi %mul3A_58, %add3A_1775 : i32
        %get3A_1777 = arith.index_cast %add3A_1776 : i32 to index
        %get3A_1778 = arith.constant 224 : index
        %get3A_1779 = tpu.vector_load %arg7[%get3A_1777, %get3A_1778] {strides = array<i32>} : memref<128x256xf32, #tpu.memory_space<vmem>>, vector<1x16xf32>,
        %get3A_1780 = vector.shape_cast %get3A_1779 : vector<1x16xf32> to vector<16xf32>
        %max3A_1781 = arith.maximumf %max3A_1774, %get3A_1780 : vector<16xf32>
        %add3A_1782 = arith.constant 13 : i32
        %add3A_1783 = arith.addi %mul3A_58, %add3A_1782 : i32
        %get3A_1784 = arith.index_cast %add3A_1783 : i32 to index
        %get3A_1785 = arith.constant 224 : index
        %get3A_1786 = tpu.vector_load %arg7[%get3A_1784, %get3A_1785] {strides = array<i32>} : memref<128x256xf32, #tpu.memory_space<vmem>>, vector<1x16xf32>,
        %get3A_1787 = vector.shape_cast %get3A_1786 : vector<1x16xf32> to vector<16xf32>
        %max3A_1788 = arith.maximumf %max3A_1781, %get3A_1787 : vector<16xf32>
        %add3A_1789 = arith.constant 14 : i32
        %add3A_1790 = arith.addi %mul3A_58, %add3A_1789 : i32
        %get3A_1791 = arith.index_cast %add3A_1790 : i32 to index
        %get3A_1792 = arith.constant 224 : index
        %get3A_1793 = tpu.vector_load %arg7[%get3A_1791, %get3A_1792] {strides = array<i32>} : memref<128x256xf32, #tpu.memory_space<vmem>>, vector<1x16xf32>,
        %get3A_1794 = vector.shape_cast %get3A_1793 : vector<1x16xf32> to vector<16xf32>
        %max3A_1795 = arith.maximumf %max3A_1788, %get3A_1794 : vector<16xf32>
        %add3A_1796 = arith.constant 15 : i32
        %add3A_1797 = arith.addi %mul3A_58, %add3A_1796 : i32
        %get3A_1798 = arith.index_cast %add3A_1797 : i32 to index
        %get3A_1799 = arith.constant 224 : index
        %get3A_1800 = tpu.vector_load %arg7[%get3A_1798, %get3A_1799] {strides = array<i32>} : memref<128x256xf32, #tpu.memory_space<vmem>>, vector<1x16xf32>,
        %get3A_1801 = vector.shape_cast %get3A_1800 : vector<1x16xf32> to vector<16xf32>
        %max3A_1802 = arith.maximumf %max3A_1795, %get3A_1801 : vector<16xf32>
        %mul3A_1803 = arith.constant 8 : i32
        %mul3A_1804 = arith.muli %add3A_19, %mul3A_1803 : i32
        %add3A_1805 = arith.addi %mul3A_1804, %scan3A_56 : i32
        %swap3A_1806 = arith.index_cast %add3A_1805 : i32 to index
        %swap3A_1807 = arith.constant 224 : index
        %swap3A_1808 = tpu.vector_load %arg8[%swap3A_1806, %swap3A_1807] {strides = array<i32>} : memref<128x256xf32, #tpu.memory_space<vmem>>, vector<1x16xf32>,
        %swap3A_1809 = vector.shape_cast %swap3A_1808 : vector<1x16xf32> to vector<16xf32>
        %swap3A_1810 = vector.shape_cast %max3A_1802 : vector<16xf32> to vector<1x16xf32>
        tpu.vector_store %arg8[%swap3A_1806, %swap3A_1807], %swap3A_1810 {strides = array<i32>} : memref<128x256xf32, #tpu.memory_space<vmem>>, vector<1x16xf32>,
        %get3A_1811 = arith.index_cast %mul3A_58 : i32 to index
        %get3A_1812 = arith.constant 240 : index
        %get3A_1813 = tpu.vector_load %arg7[%get3A_1811, %get3A_1812] {strides = array<i32>} : memref<128x256xf32, #tpu.memory_space<vmem>>, vector<1x16xf32>,
        %get3A_1814 = vector.shape_cast %get3A_1813 : vector<1x16xf32> to vector<16xf32>
        %add3A_1815 = arith.constant 1 : i32
        %add3A_1816 = arith.addi %mul3A_58, %add3A_1815 : i32
        %get3A_1817 = arith.index_cast %add3A_1816 : i32 to index
        %get3A_1818 = arith.constant 240 : index
        %get3A_1819 = tpu.vector_load %arg7[%get3A_1817, %get3A_1818] {strides = array<i32>} : memref<128x256xf32, #tpu.memory_space<vmem>>, vector<1x16xf32>,
        %get3A_1820 = vector.shape_cast %get3A_1819 : vector<1x16xf32> to vector<16xf32>
        %max3A_1821 = arith.maximumf %get3A_1814, %get3A_1820 : vector<16xf32>
        %add3A_1822 = arith.constant 2 : i32
        %add3A_1823 = arith.addi %mul3A_58, %add3A_1822 : i32
        %get3A_1824 = arith.index_cast %add3A_1823 : i32 to index
        %get3A_1825 = arith.constant 240 : index
        %get3A_1826 = tpu.vector_load %arg7[%get3A_1824, %get3A_1825] {strides = array<i32>} : memref<128x256xf32, #tpu.memory_space<vmem>>, vector<1x16xf32>,
        %get3A_1827 = vector.shape_cast %get3A_1826 : vector<1x16xf32> to vector<16xf32>
        %max3A_1828 = arith.maximumf %max3A_1821, %get3A_1827 : vector<16xf32>
        %add3A_1829 = arith.constant 3 : i32
        %add3A_1830 = arith.addi %mul3A_58, %add3A_1829 : i32
        %get3A_1831 = arith.index_cast %add3A_1830 : i32 to index
        %get3A_1832 = arith.constant 240 : index
        %get3A_1833 = tpu.vector_load %arg7[%get3A_1831, %get3A_1832] {strides = array<i32>} : memref<128x256xf32, #tpu.memory_space<vmem>>, vector<1x16xf32>,
        %get3A_1834 = vector.shape_cast %get3A_1833 : vector<1x16xf32> to vector<16xf32>
        %max3A_1835 = arith.maximumf %max3A_1828, %get3A_1834 : vector<16xf32>
        %add3A_1836 = arith.constant 4 : i32
        %add3A_1837 = arith.addi %mul3A_58, %add3A_1836 : i32
        %get3A_1838 = arith.index_cast %add3A_1837 : i32 to index
        %get3A_1839 = arith.constant 240 : index
        %get3A_1840 = tpu.vector_load %arg7[%get3A_1838, %get3A_1839] {strides = array<i32>} : memref<128x256xf32, #tpu.memory_space<vmem>>, vector<1x16xf32>,
        %get3A_1841 = vector.shape_cast %get3A_1840 : vector<1x16xf32> to vector<16xf32>
        %max3A_1842 = arith.maximumf %max3A_1835, %get3A_1841 : vector<16xf32>
        %add3A_1843 = arith.constant 5 : i32
        %add3A_1844 = arith.addi %mul3A_58, %add3A_1843 : i32
        %get3A_1845 = arith.index_cast %add3A_1844 : i32 to index
        %get3A_1846 = arith.constant 240 : index
        %get3A_1847 = tpu.vector_load %arg7[%get3A_1845, %get3A_1846] {strides = array<i32>} : memref<128x256xf32, #tpu.memory_space<vmem>>, vector<1x16xf32>,
        %get3A_1848 = vector.shape_cast %get3A_1847 : vector<1x16xf32> to vector<16xf32>
        %max3A_1849 = arith.maximumf %max3A_1842, %get3A_1848 : vector<16xf32>
        %add3A_1850 = arith.constant 6 : i32
        %add3A_1851 = arith.addi %mul3A_58, %add3A_1850 : i32
        %get3A_1852 = arith.index_cast %add3A_1851 : i32 to index
        %get3A_1853 = arith.constant 240 : index
        %get3A_1854 = tpu.vector_load %arg7[%get3A_1852, %get3A_1853] {strides = array<i32>} : memref<128x256xf32, #tpu.memory_space<vmem>>, vector<1x16xf32>,
        %get3A_1855 = vector.shape_cast %get3A_1854 : vector<1x16xf32> to vector<16xf32>
        %max3A_1856 = arith.maximumf %max3A_1849, %get3A_1855 : vector<16xf32>
        %add3A_1857 = arith.constant 7 : i32
        %add3A_1858 = arith.addi %mul3A_58, %add3A_1857 : i32
        %get3A_1859 = arith.index_cast %add3A_1858 : i32 to index
        %get3A_1860 = arith.constant 240 : index
        %get3A_1861 = tpu.vector_load %arg7[%get3A_1859, %get3A_1860] {strides = array<i32>} : memref<128x256xf32, #tpu.memory_space<vmem>>, vector<1x16xf32>,
        %get3A_1862 = vector.shape_cast %get3A_1861 : vector<1x16xf32> to vector<16xf32>
        %max3A_1863 = arith.maximumf %max3A_1856, %get3A_1862 : vector<16xf32>
        %add3A_1864 = arith.constant 8 : i32
        %add3A_1865 = arith.addi %mul3A_58, %add3A_1864 : i32
        %get3A_1866 = arith.index_cast %add3A_1865 : i32 to index
        %get3A_1867 = arith.constant 240 : index
        %get3A_1868 = tpu.vector_load %arg7[%get3A_1866, %get3A_1867] {strides = array<i32>} : memref<128x256xf32, #tpu.memory_space<vmem>>, vector<1x16xf32>,
        %get3A_1869 = vector.shape_cast %get3A_1868 : vector<1x16xf32> to vector<16xf32>
        %max3A_1870 = arith.maximumf %max3A_1863, %get3A_1869 : vector<16xf32>
        %add3A_1871 = arith.constant 9 : i32
        %add3A_1872 = arith.addi %mul3A_58, %add3A_1871 : i32
        %get3A_1873 = arith.index_cast %add3A_1872 : i32 to index
        %get3A_1874 = arith.constant 240 : index
        %get3A_1875 = tpu.vector_load %arg7[%get3A_1873, %get3A_1874] {strides = array<i32>} : memref<128x256xf32, #tpu.memory_space<vmem>>, vector<1x16xf32>,
        %get3A_1876 = vector.shape_cast %get3A_1875 : vector<1x16xf32> to vector<16xf32>
        %max3A_1877 = arith.maximumf %max3A_1870, %get3A_1876 : vector<16xf32>
        %add3A_1878 = arith.constant 10 : i32
        %add3A_1879 = arith.addi %mul3A_58, %add3A_1878 : i32
        %get3A_1880 = arith.index_cast %add3A_1879 : i32 to index
        %get3A_1881 = arith.constant 240 : index
        %get3A_1882 = tpu.vector_load %arg7[%get3A_1880, %get3A_1881] {strides = array<i32>} : memref<128x256xf32, #tpu.memory_space<vmem>>, vector<1x16xf32>,
        %get3A_1883 = vector.shape_cast %get3A_1882 : vector<1x16xf32> to vector<16xf32>
        %max3A_1884 = arith.maximumf %max3A_1877, %get3A_1883 : vector<16xf32>
        %add3A_1885 = arith.constant 11 : i32
        %add3A_1886 = arith.addi %mul3A_58, %add3A_1885 : i32
        %get3A_1887 = arith.index_cast %add3A_1886 : i32 to index
        %get3A_1888 = arith.constant 240 : index
        %get3A_1889 = tpu.vector_load %arg7[%get3A_1887, %get3A_1888] {strides = array<i32>} : memref<128x256xf32, #tpu.memory_space<vmem>>, vector<1x16xf32>,
        %get3A_1890 = vector.shape_cast %get3A_1889 : vector<1x16xf32> to vector<16xf32>
        %max3A_1891 = arith.maximumf %max3A_1884, %get3A_1890 : vector<16xf32>
        %add3A_1892 = arith.constant 12 : i32
        %add3A_1893 = arith.addi %mul3A_58, %add3A_1892 : i32
        %get3A_1894 = arith.index_cast %add3A_1893 : i32 to index
        %get3A_1895 = arith.constant 240 : index
        %get3A_1896 = tpu.vector_load %arg7[%get3A_1894, %get3A_1895] {strides = array<i32>} : memref<128x256xf32, #tpu.memory_space<vmem>>, vector<1x16xf32>,
        %get3A_1897 = vector.shape_cast %get3A_1896 : vector<1x16xf32> to vector<16xf32>
        %max3A_1898 = arith.maximumf %max3A_1891, %get3A_1897 : vector<16xf32>
        %add3A_1899 = arith.constant 13 : i32
        %add3A_1900 = arith.addi %mul3A_58, %add3A_1899 : i32
        %get3A_1901 = arith.index_cast %add3A_1900 : i32 to index
        %get3A_1902 = arith.constant 240 : index
        %get3A_1903 = tpu.vector_load %arg7[%get3A_1901, %get3A_1902] {strides = array<i32>} : memref<128x256xf32, #tpu.memory_space<vmem>>, vector<1x16xf32>,
        %get3A_1904 = vector.shape_cast %get3A_1903 : vector<1x16xf32> to vector<16xf32>
        %max3A_1905 = arith.maximumf %max3A_1898, %get3A_1904 : vector<16xf32>
        %add3A_1906 = arith.constant 14 : i32
        %add3A_1907 = arith.addi %mul3A_58, %add3A_1906 : i32
        %get3A_1908 = arith.index_cast %add3A_1907 : i32 to index
        %get3A_1909 = arith.constant 240 : index
        %get3A_1910 = tpu.vector_load %arg7[%get3A_1908, %get3A_1909] {strides = array<i32>} : memref<128x256xf32, #tpu.memory_space<vmem>>, vector<1x16xf32>,
        %get3A_1911 = vector.shape_cast %get3A_1910 : vector<1x16xf32> to vector<16xf32>
        %max3A_1912 = arith.maximumf %max3A_1905, %get3A_1911 : vector<16xf32>
        %add3A_1913 = arith.constant 15 : i32
        %add3A_1914 = arith.addi %mul3A_58, %add3A_1913 : i32
        %get3A_1915 = arith.index_cast %add3A_1914 : i32 to index
        %get3A_1916 = arith.constant 240 : index
        %get3A_1917 = tpu.vector_load %arg7[%get3A_1915, %get3A_1916] {strides = array<i32>} : memref<128x256xf32, #tpu.memory_space<vmem>>, vector<1x16xf32>,
        %get3A_1918 = vector.shape_cast %get3A_1917 : vector<1x16xf32> to vector<16xf32>
        %max3A_1919 = arith.maximumf %max3A_1912, %get3A_1918 : vector<16xf32>
        %mul3A_1920 = arith.constant 8 : i32
        %mul3A_1921 = arith.muli %add3A_19, %mul3A_1920 : i32
        %add3A_1922 = arith.addi %mul3A_1921, %scan3A_56 : i32
        %swap3A_1923 = arith.index_cast %add3A_1922 : i32 to index
        %swap3A_1924 = arith.constant 240 : index
        %swap3A_1925 = tpu.vector_load %arg8[%swap3A_1923, %swap3A_1924] {strides = array<i32>} : memref<128x256xf32, #tpu.memory_space<vmem>>, vector<1x16xf32>,
        %swap3A_1926 = vector.shape_cast %swap3A_1925 : vector<1x16xf32> to vector<16xf32>
        %swap3A_1927 = vector.shape_cast %max3A_1919 : vector<16xf32> to vector<1x16xf32>
        tpu.vector_store %arg8[%swap3A_1923, %swap3A_1924], %swap3A_1927 {strides = array<i32>} : memref<128x256xf32, #tpu.memory_space<vmem>>, vector<1x16xf32>,
      }
      %scan3A_55 = arith.constant 8 : i32
    }
    %scan3A_14 = arith.constant 8 : i32
    "tpu.region"() ({
      %run_scoped3A = tpu.sem_alloc : memref<!tpu.dma_semaphore, #tpu.memory_space<semaphore_mem>>
      %dma_start3A_15 = arith.constant 0 : i32
      %dma_start3A_16 = tpu.memref_slice %arg4[%multiple_of3A, %dma_start3A_15] : memref<4096x256xf32, #tpu.memory_space<hbm>> -> memref<128x256xf32, #tpu.memory_space<hbm>>
      %dma_start3A_17 = arith.constant 0 : i32
      %dma_start3A_18 = tpu.memref_slice %arg4[%multiple_of3A, %dma_start3A_17] : memref<4096x256xf32, #tpu.memory_space<hbm>> -> memref<128x256xf32, #tpu.memory_space<hbm>>
      tpu.enqueue_dma source(%arg8 : memref<128x256xf32, #tpu.memory_space<vmem>>) target(%dma_start3A_18 : memref<128x256xf32, #tpu.memory_space<hbm>>) target_semaphore(%run_scoped3A : memref<!tpu.dma_semaphore, #tpu.memory_space<semaphore_mem>>)
      %dma_wait3A = arith.constant 0 : i32
      %dma_wait3A_19 = tpu.memref_slice %arg4[%multiple_of3A, %dma_wait3A] : memref<4096x256xf32, #tpu.memory_space<hbm>> -> memref<128x256xf32, #tpu.memory_space<hbm>>
      %dma_wait3A_20 = arith.constant 0 : i32
      %dma_wait3A_21 = tpu.memref_slice %arg4[%multiple_of3A, %dma_wait3A_20] : memref<4096x256xf32, #tpu.memory_space<hbm>> -> memref<128x256xf32, #tpu.memory_space<hbm>>
      tpu.wait_dma2 semaphore(%run_scoped3A : memref<!tpu.dma_semaphore, #tpu.memory_space<semaphore_mem>>) src(%arg8 : memref<128x256xf32, #tpu.memory_space<vmem>>) dst(%dma_wait3A_21 : memref<128x256xf32, #tpu.memory_space<hbm>>)
      tpu.yield
    }) : () -> ()
    return
  }
}

module attributes {stable_mosaic.version = 14 : i64} {
  func.func @_knn_body(%arg0: i32, %arg1: memref<1x512x3xf32, #tpu.memory_space<vmem>>, %arg2: memref<1x3x2048xf32, #tpu.memory_space<vmem>>, %arg3: memref<1x512x16xi32, #tpu.memory_space<vmem>>) attributes {dimension_semantics = [#tpu.dimension_semantics<arbitrary>], iteration_bounds = array<i64: 8>, scalar_prefetch = 0 : i64, scratch_operands = 0 : i64, tpu.core_type = #tpu.core_type<tc>, window_params = [{transform_indices = @transform_0, window_bounds = array<i64: 1, 512, 3>}, {transform_indices = @transform_1, window_bounds = array<i64: 1, 3, 2048>}, {transform_indices = @transform_2, window_bounds = array<i64: 1, 512, 16>}]} {
    %get3A = arith.constant 0 : index
    %get3A_0 = arith.constant 0 : index
    %get3A_1 = arith.constant 0 : index
    %get3A_2 = vector.load %arg1[%get3A, %get3A_0, %get3A_1] : memref<1x512x3xf32, #tpu.memory_space<vmem>>, vector<1x512x3xf32>
    %get3A_3 = vector.shape_cast %get3A_2 : vector<1x512x3xf32> to vector<512x3xf32>
    %get3A_4 = arith.constant 0 : index
    %get3A_5 = arith.constant 0 : index
    %get3A_6 = arith.constant 0 : index
    %get3A_7 = vector.load %arg2[%get3A_4, %get3A_5, %get3A_6] : memref<1x3x2048xf32, #tpu.memory_space<vmem>>, vector<1x3x2048xf32>
    %get3A_8 = vector.shape_cast %get3A_7 : vector<1x3x2048xf32> to vector<3x2048xf32>
    %convert_element_type3A = arith.truncf %get3A_3 : vector<512x3xf32> to vector<512x3xbf16>
    %convert_element_type3A_9 = arith.truncf %get3A_8 : vector<3x2048xf32> to vector<3x2048xbf16>
    %dot_general3A = arith.constant dense<0.000000e+00> : vector<512x2048xf32>
    %dot_general3A_10 = tpu.matmul %convert_element_type3A, %convert_element_type3A_9, %dot_general3A {dimension_numbers = #tpu.dot_dimension_numbers<[1], [0], [0], [1], [0, 0, 1, 1], [], []>, transpose_lhs_hint = false} : vector<512x3xbf16>, vector<3x2048xbf16>, vector<512x2048xf32> -> vector<512x2048xf32>
    %slice3A = vector.extract_strided_slice %get3A_3 {offsets = [0, 0], sizes = [512, 1], strides = [1, 1]} : vector<512x3xf32> to vector<512x1xf32>
    %slice3A_11 = vector.extract_strided_slice %get3A_3 {offsets = [0, 1], sizes = [512, 1], strides = [1, 1]} : vector<512x3xf32> to vector<512x1xf32>
    %slice3A_12 = vector.extract_strided_slice %get3A_3 {offsets = [0, 2], sizes = [512, 1], strides = [1, 1]} : vector<512x3xf32> to vector<512x1xf32>
    %slice3A_13 = vector.extract_strided_slice %get3A_8 {offsets = [0, 0], sizes = [1, 2048], strides = [1, 1]} : vector<3x2048xf32> to vector<1x2048xf32>
    %slice3A_14 = vector.extract_strided_slice %get3A_8 {offsets = [1, 0], sizes = [1, 2048], strides = [1, 1]} : vector<3x2048xf32> to vector<1x2048xf32>
    %slice3A_15 = vector.extract_strided_slice %get3A_8 {offsets = [2, 0], sizes = [1, 2048], strides = [1, 1]} : vector<3x2048xf32> to vector<1x2048xf32>
    %mul3A = arith.mulf %slice3A_13, %slice3A_13 : vector<1x2048xf32>
    %mul3A_16 = arith.mulf %slice3A_14, %slice3A_14 : vector<1x2048xf32>
    %add3A = arith.addf %mul3A, %mul3A_16 : vector<1x2048xf32>
    %mul3A_17 = arith.mulf %slice3A_15, %slice3A_15 : vector<1x2048xf32>
    %add3A_18 = arith.addf %add3A, %mul3A_17 : vector<1x2048xf32>
    %mul3A_19 = arith.mulf %slice3A, %slice3A : vector<512x1xf32>
    %mul3A_20 = arith.mulf %slice3A_11, %slice3A_11 : vector<512x1xf32>
    %add3A_21 = arith.addf %mul3A_19, %mul3A_20 : vector<512x1xf32>
    %mul3A_22 = arith.mulf %slice3A_12, %slice3A_12 : vector<512x1xf32>
    %add3A_23 = arith.addf %add3A_21, %mul3A_22 : vector<512x1xf32>
    %mul3A_24 = arith.constant -2.000000e+00 : f32
    %mul3A_25 = vector.broadcast %mul3A_24 : f32 to vector<512x2048xf32>
    %mul3A_26 = arith.mulf %dot_general3A_10, %mul3A_25 : vector<512x2048xf32>
    %add3A_27 = vector.broadcast %add3A_18 : vector<1x2048xf32> to vector<512x2048xf32>
    %add3A_28 = arith.addf %mul3A_26, %add3A_27 : vector<512x2048xf32>
    %add3A_29 = vector.broadcast %add3A_23 : vector<512x1xf32> to vector<512x2048xf32>
    %add3A_30 = arith.addf %add3A_28, %add3A_29 : vector<512x2048xf32>
    %iota3A = tpu.iota {dimensions = array<i32: 1>} : vector<512x2048xi32>
    %convert_element_type3A_31 = arith.sitofp %iota3A : vector<512x2048xi32> to vector<512x2048xf32>
    %mul3A_32 = arith.constant 2048 : i32
    %mul3A_33 = arith.muli %arg0, %mul3A_32 : i32
    %reduce_min3A = arith.constant dense<0x7F800000> : vector<512xf32>
    %reduce_min3A_34 = vector.multi_reduction <minimumf>, %add3A_30, %reduce_min3A [1] : vector<512x2048xf32> to vector<512xf32>
    %broadcast_in_dim3A = vector.shape_cast %reduce_min3A_34 : vector<512xf32> to vector<512x1xf32>
    %eq3A = vector.broadcast %broadcast_in_dim3A : vector<512x1xf32> to vector<512x2048xf32>
    %eq3A_35 = arith.cmpf oeq, %add3A_30, %eq3A : vector<512x2048xf32>
    %jit3A = arith.constant 2.048000e+03 : f32
    %broadcast_in_dim3A_36 = vector.broadcast %jit3A : f32 to vector<512x2048xf32>
    %select_n3A = arith.select %eq3A_35, %convert_element_type3A_31, %broadcast_in_dim3A_36 : vector<512x2048xi1>, vector<512x2048xf32>
    %reduce_min3A_37 = arith.constant dense<0x7F800000> : vector<512xf32>
    %reduce_min3A_38 = vector.multi_reduction <minimumf>, %select_n3A, %reduce_min3A_37 [1] : vector<512x2048xf32> to vector<512xf32>
    %broadcast_in_dim3A_39 = vector.shape_cast %reduce_min3A_38 : vector<512xf32> to vector<512x1xf32>
    %eq3A_40 = vector.broadcast %broadcast_in_dim3A_39 : vector<512x1xf32> to vector<512x2048xf32>
    %eq3A_41 = arith.cmpf oeq, %convert_element_type3A_31, %eq3A_40 : vector<512x2048xf32>
    %jit3A_42 = arith.constant 0x7F800000 : f32
    %broadcast_in_dim3A_43 = vector.broadcast %jit3A_42 : f32 to vector<512x2048xf32>
    %select_n3A_44 = arith.select %eq3A_41, %broadcast_in_dim3A_43, %add3A_30 : vector<512x2048xi1>, vector<512x2048xf32>
    %reduce_min3A_45 = arith.constant dense<0x7F800000> : vector<512xf32>
    %reduce_min3A_46 = vector.multi_reduction <minimumf>, %select_n3A_44, %reduce_min3A_45 [1] : vector<512x2048xf32> to vector<512xf32>
    %broadcast_in_dim3A_47 = vector.shape_cast %reduce_min3A_46 : vector<512xf32> to vector<512x1xf32>
    %eq3A_48 = vector.broadcast %broadcast_in_dim3A_47 : vector<512x1xf32> to vector<512x2048xf32>
    %eq3A_49 = arith.cmpf oeq, %select_n3A_44, %eq3A_48 : vector<512x2048xf32>
    %jit3A_50 = arith.constant 2.048000e+03 : f32
    %broadcast_in_dim3A_51 = vector.broadcast %jit3A_50 : f32 to vector<512x2048xf32>
    %select_n3A_52 = arith.select %eq3A_49, %convert_element_type3A_31, %broadcast_in_dim3A_51 : vector<512x2048xi1>, vector<512x2048xf32>
    %reduce_min3A_53 = arith.constant dense<0x7F800000> : vector<512xf32>
    %reduce_min3A_54 = vector.multi_reduction <minimumf>, %select_n3A_52, %reduce_min3A_53 [1] : vector<512x2048xf32> to vector<512xf32>
    %broadcast_in_dim3A_55 = vector.shape_cast %reduce_min3A_54 : vector<512xf32> to vector<512x1xf32>
    %convert_element_type3A_56 = arith.fptosi %broadcast_in_dim3A_55 : vector<512x1xf32> to vector<512x1xi32>
    %add3A_57 = vector.broadcast %mul3A_33 : i32 to vector<512x1xi32>
    %add3A_58 = arith.addi %convert_element_type3A_56, %add3A_57 : vector<512x1xi32>
    %eq3A_59 = vector.broadcast %broadcast_in_dim3A_55 : vector<512x1xf32> to vector<512x2048xf32>
    %eq3A_60 = arith.cmpf oeq, %convert_element_type3A_31, %eq3A_59 : vector<512x2048xf32>
    %jit3A_61 = arith.constant 0x7F800000 : f32
    %broadcast_in_dim3A_62 = vector.broadcast %jit3A_61 : f32 to vector<512x2048xf32>
    %select_n3A_63 = arith.select %eq3A_60, %broadcast_in_dim3A_62, %select_n3A_44 : vector<512x2048xi1>, vector<512x2048xf32>
    %reduce_min3A_64 = arith.constant dense<0x7F800000> : vector<512xf32>
    %reduce_min3A_65 = vector.multi_reduction <minimumf>, %select_n3A_63, %reduce_min3A_64 [1] : vector<512x2048xf32> to vector<512xf32>
    %broadcast_in_dim3A_66 = vector.shape_cast %reduce_min3A_65 : vector<512xf32> to vector<512x1xf32>
    %eq3A_67 = vector.broadcast %broadcast_in_dim3A_66 : vector<512x1xf32> to vector<512x2048xf32>
    %eq3A_68 = arith.cmpf oeq, %select_n3A_63, %eq3A_67 : vector<512x2048xf32>
    %jit3A_69 = arith.constant 2.048000e+03 : f32
    %broadcast_in_dim3A_70 = vector.broadcast %jit3A_69 : f32 to vector<512x2048xf32>
    %select_n3A_71 = arith.select %eq3A_68, %convert_element_type3A_31, %broadcast_in_dim3A_70 : vector<512x2048xi1>, vector<512x2048xf32>
    %reduce_min3A_72 = arith.constant dense<0x7F800000> : vector<512xf32>
    %reduce_min3A_73 = vector.multi_reduction <minimumf>, %select_n3A_71, %reduce_min3A_72 [1] : vector<512x2048xf32> to vector<512xf32>
    %broadcast_in_dim3A_74 = vector.shape_cast %reduce_min3A_73 : vector<512xf32> to vector<512x1xf32>
    %convert_element_type3A_75 = arith.fptosi %broadcast_in_dim3A_74 : vector<512x1xf32> to vector<512x1xi32>
    %add3A_76 = vector.broadcast %mul3A_33 : i32 to vector<512x1xi32>
    %add3A_77 = arith.addi %convert_element_type3A_75, %add3A_76 : vector<512x1xi32>
    %eq3A_78 = vector.broadcast %broadcast_in_dim3A_74 : vector<512x1xf32> to vector<512x2048xf32>
    %eq3A_79 = arith.cmpf oeq, %convert_element_type3A_31, %eq3A_78 : vector<512x2048xf32>
    %jit3A_80 = arith.constant 0x7F800000 : f32
    %broadcast_in_dim3A_81 = vector.broadcast %jit3A_80 : f32 to vector<512x2048xf32>
    %select_n3A_82 = arith.select %eq3A_79, %broadcast_in_dim3A_81, %select_n3A_63 : vector<512x2048xi1>, vector<512x2048xf32>
    %reduce_min3A_83 = arith.constant dense<0x7F800000> : vector<512xf32>
    %reduce_min3A_84 = vector.multi_reduction <minimumf>, %select_n3A_82, %reduce_min3A_83 [1] : vector<512x2048xf32> to vector<512xf32>
    %broadcast_in_dim3A_85 = vector.shape_cast %reduce_min3A_84 : vector<512xf32> to vector<512x1xf32>
    %eq3A_86 = vector.broadcast %broadcast_in_dim3A_85 : vector<512x1xf32> to vector<512x2048xf32>
    %eq3A_87 = arith.cmpf oeq, %select_n3A_82, %eq3A_86 : vector<512x2048xf32>
    %jit3A_88 = arith.constant 2.048000e+03 : f32
    %broadcast_in_dim3A_89 = vector.broadcast %jit3A_88 : f32 to vector<512x2048xf32>
    %select_n3A_90 = arith.select %eq3A_87, %convert_element_type3A_31, %broadcast_in_dim3A_89 : vector<512x2048xi1>, vector<512x2048xf32>
    %reduce_min3A_91 = arith.constant dense<0x7F800000> : vector<512xf32>
    %reduce_min3A_92 = vector.multi_reduction <minimumf>, %select_n3A_90, %reduce_min3A_91 [1] : vector<512x2048xf32> to vector<512xf32>
    %broadcast_in_dim3A_93 = vector.shape_cast %reduce_min3A_92 : vector<512xf32> to vector<512x1xf32>
    %convert_element_type3A_94 = arith.fptosi %broadcast_in_dim3A_93 : vector<512x1xf32> to vector<512x1xi32>
    %add3A_95 = vector.broadcast %mul3A_33 : i32 to vector<512x1xi32>
    %add3A_96 = arith.addi %convert_element_type3A_94, %add3A_95 : vector<512x1xi32>
    %eq3A_97 = vector.broadcast %broadcast_in_dim3A_93 : vector<512x1xf32> to vector<512x2048xf32>
    %eq3A_98 = arith.cmpf oeq, %convert_element_type3A_31, %eq3A_97 : vector<512x2048xf32>
    %jit3A_99 = arith.constant 0x7F800000 : f32
    %broadcast_in_dim3A_100 = vector.broadcast %jit3A_99 : f32 to vector<512x2048xf32>
    %select_n3A_101 = arith.select %eq3A_98, %broadcast_in_dim3A_100, %select_n3A_82 : vector<512x2048xi1>, vector<512x2048xf32>
    %reduce_min3A_102 = arith.constant dense<0x7F800000> : vector<512xf32>
    %reduce_min3A_103 = vector.multi_reduction <minimumf>, %select_n3A_101, %reduce_min3A_102 [1] : vector<512x2048xf32> to vector<512xf32>
    %broadcast_in_dim3A_104 = vector.shape_cast %reduce_min3A_103 : vector<512xf32> to vector<512x1xf32>
    %eq3A_105 = vector.broadcast %broadcast_in_dim3A_104 : vector<512x1xf32> to vector<512x2048xf32>
    %eq3A_106 = arith.cmpf oeq, %select_n3A_101, %eq3A_105 : vector<512x2048xf32>
    %jit3A_107 = arith.constant 2.048000e+03 : f32
    %broadcast_in_dim3A_108 = vector.broadcast %jit3A_107 : f32 to vector<512x2048xf32>
    %select_n3A_109 = arith.select %eq3A_106, %convert_element_type3A_31, %broadcast_in_dim3A_108 : vector<512x2048xi1>, vector<512x2048xf32>
    %reduce_min3A_110 = arith.constant dense<0x7F800000> : vector<512xf32>
    %reduce_min3A_111 = vector.multi_reduction <minimumf>, %select_n3A_109, %reduce_min3A_110 [1] : vector<512x2048xf32> to vector<512xf32>
    %broadcast_in_dim3A_112 = vector.shape_cast %reduce_min3A_111 : vector<512xf32> to vector<512x1xf32>
    %convert_element_type3A_113 = arith.fptosi %broadcast_in_dim3A_112 : vector<512x1xf32> to vector<512x1xi32>
    %add3A_114 = vector.broadcast %mul3A_33 : i32 to vector<512x1xi32>
    %add3A_115 = arith.addi %convert_element_type3A_113, %add3A_114 : vector<512x1xi32>
    %eq3A_116 = vector.broadcast %broadcast_in_dim3A_112 : vector<512x1xf32> to vector<512x2048xf32>
    %eq3A_117 = arith.cmpf oeq, %convert_element_type3A_31, %eq3A_116 : vector<512x2048xf32>
    %jit3A_118 = arith.constant 0x7F800000 : f32
    %broadcast_in_dim3A_119 = vector.broadcast %jit3A_118 : f32 to vector<512x2048xf32>
    %select_n3A_120 = arith.select %eq3A_117, %broadcast_in_dim3A_119, %select_n3A_101 : vector<512x2048xi1>, vector<512x2048xf32>
    %reduce_min3A_121 = arith.constant dense<0x7F800000> : vector<512xf32>
    %reduce_min3A_122 = vector.multi_reduction <minimumf>, %select_n3A_120, %reduce_min3A_121 [1] : vector<512x2048xf32> to vector<512xf32>
    %broadcast_in_dim3A_123 = vector.shape_cast %reduce_min3A_122 : vector<512xf32> to vector<512x1xf32>
    %eq3A_124 = vector.broadcast %broadcast_in_dim3A_123 : vector<512x1xf32> to vector<512x2048xf32>
    %eq3A_125 = arith.cmpf oeq, %select_n3A_120, %eq3A_124 : vector<512x2048xf32>
    %jit3A_126 = arith.constant 2.048000e+03 : f32
    %broadcast_in_dim3A_127 = vector.broadcast %jit3A_126 : f32 to vector<512x2048xf32>
    %select_n3A_128 = arith.select %eq3A_125, %convert_element_type3A_31, %broadcast_in_dim3A_127 : vector<512x2048xi1>, vector<512x2048xf32>
    %reduce_min3A_129 = arith.constant dense<0x7F800000> : vector<512xf32>
    %reduce_min3A_130 = vector.multi_reduction <minimumf>, %select_n3A_128, %reduce_min3A_129 [1] : vector<512x2048xf32> to vector<512xf32>
    %broadcast_in_dim3A_131 = vector.shape_cast %reduce_min3A_130 : vector<512xf32> to vector<512x1xf32>
    %convert_element_type3A_132 = arith.fptosi %broadcast_in_dim3A_131 : vector<512x1xf32> to vector<512x1xi32>
    %add3A_133 = vector.broadcast %mul3A_33 : i32 to vector<512x1xi32>
    %add3A_134 = arith.addi %convert_element_type3A_132, %add3A_133 : vector<512x1xi32>
    %eq3A_135 = vector.broadcast %broadcast_in_dim3A_131 : vector<512x1xf32> to vector<512x2048xf32>
    %eq3A_136 = arith.cmpf oeq, %convert_element_type3A_31, %eq3A_135 : vector<512x2048xf32>
    %jit3A_137 = arith.constant 0x7F800000 : f32
    %broadcast_in_dim3A_138 = vector.broadcast %jit3A_137 : f32 to vector<512x2048xf32>
    %select_n3A_139 = arith.select %eq3A_136, %broadcast_in_dim3A_138, %select_n3A_120 : vector<512x2048xi1>, vector<512x2048xf32>
    %reduce_min3A_140 = arith.constant dense<0x7F800000> : vector<512xf32>
    %reduce_min3A_141 = vector.multi_reduction <minimumf>, %select_n3A_139, %reduce_min3A_140 [1] : vector<512x2048xf32> to vector<512xf32>
    %broadcast_in_dim3A_142 = vector.shape_cast %reduce_min3A_141 : vector<512xf32> to vector<512x1xf32>
    %eq3A_143 = vector.broadcast %broadcast_in_dim3A_142 : vector<512x1xf32> to vector<512x2048xf32>
    %eq3A_144 = arith.cmpf oeq, %select_n3A_139, %eq3A_143 : vector<512x2048xf32>
    %jit3A_145 = arith.constant 2.048000e+03 : f32
    %broadcast_in_dim3A_146 = vector.broadcast %jit3A_145 : f32 to vector<512x2048xf32>
    %select_n3A_147 = arith.select %eq3A_144, %convert_element_type3A_31, %broadcast_in_dim3A_146 : vector<512x2048xi1>, vector<512x2048xf32>
    %reduce_min3A_148 = arith.constant dense<0x7F800000> : vector<512xf32>
    %reduce_min3A_149 = vector.multi_reduction <minimumf>, %select_n3A_147, %reduce_min3A_148 [1] : vector<512x2048xf32> to vector<512xf32>
    %broadcast_in_dim3A_150 = vector.shape_cast %reduce_min3A_149 : vector<512xf32> to vector<512x1xf32>
    %convert_element_type3A_151 = arith.fptosi %broadcast_in_dim3A_150 : vector<512x1xf32> to vector<512x1xi32>
    %add3A_152 = vector.broadcast %mul3A_33 : i32 to vector<512x1xi32>
    %add3A_153 = arith.addi %convert_element_type3A_151, %add3A_152 : vector<512x1xi32>
    %eq3A_154 = vector.broadcast %broadcast_in_dim3A_150 : vector<512x1xf32> to vector<512x2048xf32>
    %eq3A_155 = arith.cmpf oeq, %convert_element_type3A_31, %eq3A_154 : vector<512x2048xf32>
    %jit3A_156 = arith.constant 0x7F800000 : f32
    %broadcast_in_dim3A_157 = vector.broadcast %jit3A_156 : f32 to vector<512x2048xf32>
    %select_n3A_158 = arith.select %eq3A_155, %broadcast_in_dim3A_157, %select_n3A_139 : vector<512x2048xi1>, vector<512x2048xf32>
    %reduce_min3A_159 = arith.constant dense<0x7F800000> : vector<512xf32>
    %reduce_min3A_160 = vector.multi_reduction <minimumf>, %select_n3A_158, %reduce_min3A_159 [1] : vector<512x2048xf32> to vector<512xf32>
    %broadcast_in_dim3A_161 = vector.shape_cast %reduce_min3A_160 : vector<512xf32> to vector<512x1xf32>
    %eq3A_162 = vector.broadcast %broadcast_in_dim3A_161 : vector<512x1xf32> to vector<512x2048xf32>
    %eq3A_163 = arith.cmpf oeq, %select_n3A_158, %eq3A_162 : vector<512x2048xf32>
    %jit3A_164 = arith.constant 2.048000e+03 : f32
    %broadcast_in_dim3A_165 = vector.broadcast %jit3A_164 : f32 to vector<512x2048xf32>
    %select_n3A_166 = arith.select %eq3A_163, %convert_element_type3A_31, %broadcast_in_dim3A_165 : vector<512x2048xi1>, vector<512x2048xf32>
    %reduce_min3A_167 = arith.constant dense<0x7F800000> : vector<512xf32>
    %reduce_min3A_168 = vector.multi_reduction <minimumf>, %select_n3A_166, %reduce_min3A_167 [1] : vector<512x2048xf32> to vector<512xf32>
    %broadcast_in_dim3A_169 = vector.shape_cast %reduce_min3A_168 : vector<512xf32> to vector<512x1xf32>
    %convert_element_type3A_170 = arith.fptosi %broadcast_in_dim3A_169 : vector<512x1xf32> to vector<512x1xi32>
    %add3A_171 = vector.broadcast %mul3A_33 : i32 to vector<512x1xi32>
    %add3A_172 = arith.addi %convert_element_type3A_170, %add3A_171 : vector<512x1xi32>
    %eq3A_173 = vector.broadcast %broadcast_in_dim3A_169 : vector<512x1xf32> to vector<512x2048xf32>
    %eq3A_174 = arith.cmpf oeq, %convert_element_type3A_31, %eq3A_173 : vector<512x2048xf32>
    %jit3A_175 = arith.constant 0x7F800000 : f32
    %broadcast_in_dim3A_176 = vector.broadcast %jit3A_175 : f32 to vector<512x2048xf32>
    %select_n3A_177 = arith.select %eq3A_174, %broadcast_in_dim3A_176, %select_n3A_158 : vector<512x2048xi1>, vector<512x2048xf32>
    %reduce_min3A_178 = arith.constant dense<0x7F800000> : vector<512xf32>
    %reduce_min3A_179 = vector.multi_reduction <minimumf>, %select_n3A_177, %reduce_min3A_178 [1] : vector<512x2048xf32> to vector<512xf32>
    %broadcast_in_dim3A_180 = vector.shape_cast %reduce_min3A_179 : vector<512xf32> to vector<512x1xf32>
    %eq3A_181 = vector.broadcast %broadcast_in_dim3A_180 : vector<512x1xf32> to vector<512x2048xf32>
    %eq3A_182 = arith.cmpf oeq, %select_n3A_177, %eq3A_181 : vector<512x2048xf32>
    %jit3A_183 = arith.constant 2.048000e+03 : f32
    %broadcast_in_dim3A_184 = vector.broadcast %jit3A_183 : f32 to vector<512x2048xf32>
    %select_n3A_185 = arith.select %eq3A_182, %convert_element_type3A_31, %broadcast_in_dim3A_184 : vector<512x2048xi1>, vector<512x2048xf32>
    %reduce_min3A_186 = arith.constant dense<0x7F800000> : vector<512xf32>
    %reduce_min3A_187 = vector.multi_reduction <minimumf>, %select_n3A_185, %reduce_min3A_186 [1] : vector<512x2048xf32> to vector<512xf32>
    %broadcast_in_dim3A_188 = vector.shape_cast %reduce_min3A_187 : vector<512xf32> to vector<512x1xf32>
    %convert_element_type3A_189 = arith.fptosi %broadcast_in_dim3A_188 : vector<512x1xf32> to vector<512x1xi32>
    %add3A_190 = vector.broadcast %mul3A_33 : i32 to vector<512x1xi32>
    %add3A_191 = arith.addi %convert_element_type3A_189, %add3A_190 : vector<512x1xi32>
    %eq3A_192 = vector.broadcast %broadcast_in_dim3A_188 : vector<512x1xf32> to vector<512x2048xf32>
    %eq3A_193 = arith.cmpf oeq, %convert_element_type3A_31, %eq3A_192 : vector<512x2048xf32>
    %jit3A_194 = arith.constant 0x7F800000 : f32
    %broadcast_in_dim3A_195 = vector.broadcast %jit3A_194 : f32 to vector<512x2048xf32>
    %select_n3A_196 = arith.select %eq3A_193, %broadcast_in_dim3A_195, %select_n3A_177 : vector<512x2048xi1>, vector<512x2048xf32>
    %reduce_min3A_197 = arith.constant dense<0x7F800000> : vector<512xf32>
    %reduce_min3A_198 = vector.multi_reduction <minimumf>, %select_n3A_196, %reduce_min3A_197 [1] : vector<512x2048xf32> to vector<512xf32>
    %broadcast_in_dim3A_199 = vector.shape_cast %reduce_min3A_198 : vector<512xf32> to vector<512x1xf32>
    %eq3A_200 = vector.broadcast %broadcast_in_dim3A_199 : vector<512x1xf32> to vector<512x2048xf32>
    %eq3A_201 = arith.cmpf oeq, %select_n3A_196, %eq3A_200 : vector<512x2048xf32>
    %jit3A_202 = arith.constant 2.048000e+03 : f32
    %broadcast_in_dim3A_203 = vector.broadcast %jit3A_202 : f32 to vector<512x2048xf32>
    %select_n3A_204 = arith.select %eq3A_201, %convert_element_type3A_31, %broadcast_in_dim3A_203 : vector<512x2048xi1>, vector<512x2048xf32>
    %reduce_min3A_205 = arith.constant dense<0x7F800000> : vector<512xf32>
    %reduce_min3A_206 = vector.multi_reduction <minimumf>, %select_n3A_204, %reduce_min3A_205 [1] : vector<512x2048xf32> to vector<512xf32>
    %broadcast_in_dim3A_207 = vector.shape_cast %reduce_min3A_206 : vector<512xf32> to vector<512x1xf32>
    %convert_element_type3A_208 = arith.fptosi %broadcast_in_dim3A_207 : vector<512x1xf32> to vector<512x1xi32>
    %add3A_209 = vector.broadcast %mul3A_33 : i32 to vector<512x1xi32>
    %add3A_210 = arith.addi %convert_element_type3A_208, %add3A_209 : vector<512x1xi32>
    %eq3A_211 = vector.broadcast %broadcast_in_dim3A_207 : vector<512x1xf32> to vector<512x2048xf32>
    %eq3A_212 = arith.cmpf oeq, %convert_element_type3A_31, %eq3A_211 : vector<512x2048xf32>
    %jit3A_213 = arith.constant 0x7F800000 : f32
    %broadcast_in_dim3A_214 = vector.broadcast %jit3A_213 : f32 to vector<512x2048xf32>
    %select_n3A_215 = arith.select %eq3A_212, %broadcast_in_dim3A_214, %select_n3A_196 : vector<512x2048xi1>, vector<512x2048xf32>
    %reduce_min3A_216 = arith.constant dense<0x7F800000> : vector<512xf32>
    %reduce_min3A_217 = vector.multi_reduction <minimumf>, %select_n3A_215, %reduce_min3A_216 [1] : vector<512x2048xf32> to vector<512xf32>
    %broadcast_in_dim3A_218 = vector.shape_cast %reduce_min3A_217 : vector<512xf32> to vector<512x1xf32>
    %eq3A_219 = vector.broadcast %broadcast_in_dim3A_218 : vector<512x1xf32> to vector<512x2048xf32>
    %eq3A_220 = arith.cmpf oeq, %select_n3A_215, %eq3A_219 : vector<512x2048xf32>
    %jit3A_221 = arith.constant 2.048000e+03 : f32
    %broadcast_in_dim3A_222 = vector.broadcast %jit3A_221 : f32 to vector<512x2048xf32>
    %select_n3A_223 = arith.select %eq3A_220, %convert_element_type3A_31, %broadcast_in_dim3A_222 : vector<512x2048xi1>, vector<512x2048xf32>
    %reduce_min3A_224 = arith.constant dense<0x7F800000> : vector<512xf32>
    %reduce_min3A_225 = vector.multi_reduction <minimumf>, %select_n3A_223, %reduce_min3A_224 [1] : vector<512x2048xf32> to vector<512xf32>
    %broadcast_in_dim3A_226 = vector.shape_cast %reduce_min3A_225 : vector<512xf32> to vector<512x1xf32>
    %convert_element_type3A_227 = arith.fptosi %broadcast_in_dim3A_226 : vector<512x1xf32> to vector<512x1xi32>
    %add3A_228 = vector.broadcast %mul3A_33 : i32 to vector<512x1xi32>
    %add3A_229 = arith.addi %convert_element_type3A_227, %add3A_228 : vector<512x1xi32>
    %eq3A_230 = vector.broadcast %broadcast_in_dim3A_226 : vector<512x1xf32> to vector<512x2048xf32>
    %eq3A_231 = arith.cmpf oeq, %convert_element_type3A_31, %eq3A_230 : vector<512x2048xf32>
    %jit3A_232 = arith.constant 0x7F800000 : f32
    %broadcast_in_dim3A_233 = vector.broadcast %jit3A_232 : f32 to vector<512x2048xf32>
    %select_n3A_234 = arith.select %eq3A_231, %broadcast_in_dim3A_233, %select_n3A_215 : vector<512x2048xi1>, vector<512x2048xf32>
    %reduce_min3A_235 = arith.constant dense<0x7F800000> : vector<512xf32>
    %reduce_min3A_236 = vector.multi_reduction <minimumf>, %select_n3A_234, %reduce_min3A_235 [1] : vector<512x2048xf32> to vector<512xf32>
    %broadcast_in_dim3A_237 = vector.shape_cast %reduce_min3A_236 : vector<512xf32> to vector<512x1xf32>
    %eq3A_238 = vector.broadcast %broadcast_in_dim3A_237 : vector<512x1xf32> to vector<512x2048xf32>
    %eq3A_239 = arith.cmpf oeq, %select_n3A_234, %eq3A_238 : vector<512x2048xf32>
    %jit3A_240 = arith.constant 2.048000e+03 : f32
    %broadcast_in_dim3A_241 = vector.broadcast %jit3A_240 : f32 to vector<512x2048xf32>
    %select_n3A_242 = arith.select %eq3A_239, %convert_element_type3A_31, %broadcast_in_dim3A_241 : vector<512x2048xi1>, vector<512x2048xf32>
    %reduce_min3A_243 = arith.constant dense<0x7F800000> : vector<512xf32>
    %reduce_min3A_244 = vector.multi_reduction <minimumf>, %select_n3A_242, %reduce_min3A_243 [1] : vector<512x2048xf32> to vector<512xf32>
    %broadcast_in_dim3A_245 = vector.shape_cast %reduce_min3A_244 : vector<512xf32> to vector<512x1xf32>
    %convert_element_type3A_246 = arith.fptosi %broadcast_in_dim3A_245 : vector<512x1xf32> to vector<512x1xi32>
    %add3A_247 = vector.broadcast %mul3A_33 : i32 to vector<512x1xi32>
    %add3A_248 = arith.addi %convert_element_type3A_246, %add3A_247 : vector<512x1xi32>
    %eq3A_249 = vector.broadcast %broadcast_in_dim3A_245 : vector<512x1xf32> to vector<512x2048xf32>
    %eq3A_250 = arith.cmpf oeq, %convert_element_type3A_31, %eq3A_249 : vector<512x2048xf32>
    %jit3A_251 = arith.constant 0x7F800000 : f32
    %broadcast_in_dim3A_252 = vector.broadcast %jit3A_251 : f32 to vector<512x2048xf32>
    %select_n3A_253 = arith.select %eq3A_250, %broadcast_in_dim3A_252, %select_n3A_234 : vector<512x2048xi1>, vector<512x2048xf32>
    %reduce_min3A_254 = arith.constant dense<0x7F800000> : vector<512xf32>
    %reduce_min3A_255 = vector.multi_reduction <minimumf>, %select_n3A_253, %reduce_min3A_254 [1] : vector<512x2048xf32> to vector<512xf32>
    %broadcast_in_dim3A_256 = vector.shape_cast %reduce_min3A_255 : vector<512xf32> to vector<512x1xf32>
    %eq3A_257 = vector.broadcast %broadcast_in_dim3A_256 : vector<512x1xf32> to vector<512x2048xf32>
    %eq3A_258 = arith.cmpf oeq, %select_n3A_253, %eq3A_257 : vector<512x2048xf32>
    %jit3A_259 = arith.constant 2.048000e+03 : f32
    %broadcast_in_dim3A_260 = vector.broadcast %jit3A_259 : f32 to vector<512x2048xf32>
    %select_n3A_261 = arith.select %eq3A_258, %convert_element_type3A_31, %broadcast_in_dim3A_260 : vector<512x2048xi1>, vector<512x2048xf32>
    %reduce_min3A_262 = arith.constant dense<0x7F800000> : vector<512xf32>
    %reduce_min3A_263 = vector.multi_reduction <minimumf>, %select_n3A_261, %reduce_min3A_262 [1] : vector<512x2048xf32> to vector<512xf32>
    %broadcast_in_dim3A_264 = vector.shape_cast %reduce_min3A_263 : vector<512xf32> to vector<512x1xf32>
    %convert_element_type3A_265 = arith.fptosi %broadcast_in_dim3A_264 : vector<512x1xf32> to vector<512x1xi32>
    %add3A_266 = vector.broadcast %mul3A_33 : i32 to vector<512x1xi32>
    %add3A_267 = arith.addi %convert_element_type3A_265, %add3A_266 : vector<512x1xi32>
    %eq3A_268 = vector.broadcast %broadcast_in_dim3A_264 : vector<512x1xf32> to vector<512x2048xf32>
    %eq3A_269 = arith.cmpf oeq, %convert_element_type3A_31, %eq3A_268 : vector<512x2048xf32>
    %jit3A_270 = arith.constant 0x7F800000 : f32
    %broadcast_in_dim3A_271 = vector.broadcast %jit3A_270 : f32 to vector<512x2048xf32>
    %select_n3A_272 = arith.select %eq3A_269, %broadcast_in_dim3A_271, %select_n3A_253 : vector<512x2048xi1>, vector<512x2048xf32>
    %reduce_min3A_273 = arith.constant dense<0x7F800000> : vector<512xf32>
    %reduce_min3A_274 = vector.multi_reduction <minimumf>, %select_n3A_272, %reduce_min3A_273 [1] : vector<512x2048xf32> to vector<512xf32>
    %broadcast_in_dim3A_275 = vector.shape_cast %reduce_min3A_274 : vector<512xf32> to vector<512x1xf32>
    %eq3A_276 = vector.broadcast %broadcast_in_dim3A_275 : vector<512x1xf32> to vector<512x2048xf32>
    %eq3A_277 = arith.cmpf oeq, %select_n3A_272, %eq3A_276 : vector<512x2048xf32>
    %jit3A_278 = arith.constant 2.048000e+03 : f32
    %broadcast_in_dim3A_279 = vector.broadcast %jit3A_278 : f32 to vector<512x2048xf32>
    %select_n3A_280 = arith.select %eq3A_277, %convert_element_type3A_31, %broadcast_in_dim3A_279 : vector<512x2048xi1>, vector<512x2048xf32>
    %reduce_min3A_281 = arith.constant dense<0x7F800000> : vector<512xf32>
    %reduce_min3A_282 = vector.multi_reduction <minimumf>, %select_n3A_280, %reduce_min3A_281 [1] : vector<512x2048xf32> to vector<512xf32>
    %broadcast_in_dim3A_283 = vector.shape_cast %reduce_min3A_282 : vector<512xf32> to vector<512x1xf32>
    %convert_element_type3A_284 = arith.fptosi %broadcast_in_dim3A_283 : vector<512x1xf32> to vector<512x1xi32>
    %add3A_285 = vector.broadcast %mul3A_33 : i32 to vector<512x1xi32>
    %add3A_286 = arith.addi %convert_element_type3A_284, %add3A_285 : vector<512x1xi32>
    %eq3A_287 = vector.broadcast %broadcast_in_dim3A_283 : vector<512x1xf32> to vector<512x2048xf32>
    %eq3A_288 = arith.cmpf oeq, %convert_element_type3A_31, %eq3A_287 : vector<512x2048xf32>
    %jit3A_289 = arith.constant 0x7F800000 : f32
    %broadcast_in_dim3A_290 = vector.broadcast %jit3A_289 : f32 to vector<512x2048xf32>
    %select_n3A_291 = arith.select %eq3A_288, %broadcast_in_dim3A_290, %select_n3A_272 : vector<512x2048xi1>, vector<512x2048xf32>
    %reduce_min3A_292 = arith.constant dense<0x7F800000> : vector<512xf32>
    %reduce_min3A_293 = vector.multi_reduction <minimumf>, %select_n3A_291, %reduce_min3A_292 [1] : vector<512x2048xf32> to vector<512xf32>
    %broadcast_in_dim3A_294 = vector.shape_cast %reduce_min3A_293 : vector<512xf32> to vector<512x1xf32>
    %eq3A_295 = vector.broadcast %broadcast_in_dim3A_294 : vector<512x1xf32> to vector<512x2048xf32>
    %eq3A_296 = arith.cmpf oeq, %select_n3A_291, %eq3A_295 : vector<512x2048xf32>
    %jit3A_297 = arith.constant 2.048000e+03 : f32
    %broadcast_in_dim3A_298 = vector.broadcast %jit3A_297 : f32 to vector<512x2048xf32>
    %select_n3A_299 = arith.select %eq3A_296, %convert_element_type3A_31, %broadcast_in_dim3A_298 : vector<512x2048xi1>, vector<512x2048xf32>
    %reduce_min3A_300 = arith.constant dense<0x7F800000> : vector<512xf32>
    %reduce_min3A_301 = vector.multi_reduction <minimumf>, %select_n3A_299, %reduce_min3A_300 [1] : vector<512x2048xf32> to vector<512xf32>
    %broadcast_in_dim3A_302 = vector.shape_cast %reduce_min3A_301 : vector<512xf32> to vector<512x1xf32>
    %convert_element_type3A_303 = arith.fptosi %broadcast_in_dim3A_302 : vector<512x1xf32> to vector<512x1xi32>
    %add3A_304 = vector.broadcast %mul3A_33 : i32 to vector<512x1xi32>
    %add3A_305 = arith.addi %convert_element_type3A_303, %add3A_304 : vector<512x1xi32>
    %eq3A_306 = vector.broadcast %broadcast_in_dim3A_302 : vector<512x1xf32> to vector<512x2048xf32>
    %eq3A_307 = arith.cmpf oeq, %convert_element_type3A_31, %eq3A_306 : vector<512x2048xf32>
    %jit3A_308 = arith.constant 0x7F800000 : f32
    %broadcast_in_dim3A_309 = vector.broadcast %jit3A_308 : f32 to vector<512x2048xf32>
    %select_n3A_310 = arith.select %eq3A_307, %broadcast_in_dim3A_309, %select_n3A_291 : vector<512x2048xi1>, vector<512x2048xf32>
    %reduce_min3A_311 = arith.constant dense<0x7F800000> : vector<512xf32>
    %reduce_min3A_312 = vector.multi_reduction <minimumf>, %select_n3A_310, %reduce_min3A_311 [1] : vector<512x2048xf32> to vector<512xf32>
    %broadcast_in_dim3A_313 = vector.shape_cast %reduce_min3A_312 : vector<512xf32> to vector<512x1xf32>
    %eq3A_314 = vector.broadcast %broadcast_in_dim3A_313 : vector<512x1xf32> to vector<512x2048xf32>
    %eq3A_315 = arith.cmpf oeq, %select_n3A_310, %eq3A_314 : vector<512x2048xf32>
    %jit3A_316 = arith.constant 2.048000e+03 : f32
    %broadcast_in_dim3A_317 = vector.broadcast %jit3A_316 : f32 to vector<512x2048xf32>
    %select_n3A_318 = arith.select %eq3A_315, %convert_element_type3A_31, %broadcast_in_dim3A_317 : vector<512x2048xi1>, vector<512x2048xf32>
    %reduce_min3A_319 = arith.constant dense<0x7F800000> : vector<512xf32>
    %reduce_min3A_320 = vector.multi_reduction <minimumf>, %select_n3A_318, %reduce_min3A_319 [1] : vector<512x2048xf32> to vector<512xf32>
    %broadcast_in_dim3A_321 = vector.shape_cast %reduce_min3A_320 : vector<512xf32> to vector<512x1xf32>
    %convert_element_type3A_322 = arith.fptosi %broadcast_in_dim3A_321 : vector<512x1xf32> to vector<512x1xi32>
    %add3A_323 = vector.broadcast %mul3A_33 : i32 to vector<512x1xi32>
    %add3A_324 = arith.addi %convert_element_type3A_322, %add3A_323 : vector<512x1xi32>
    %eq3A_325 = vector.broadcast %broadcast_in_dim3A_321 : vector<512x1xf32> to vector<512x2048xf32>
    %eq3A_326 = arith.cmpf oeq, %convert_element_type3A_31, %eq3A_325 : vector<512x2048xf32>
    %jit3A_327 = arith.constant 0x7F800000 : f32
    %broadcast_in_dim3A_328 = vector.broadcast %jit3A_327 : f32 to vector<512x2048xf32>
    %select_n3A_329 = arith.select %eq3A_326, %broadcast_in_dim3A_328, %select_n3A_310 : vector<512x2048xi1>, vector<512x2048xf32>
    %reduce_min3A_330 = arith.constant dense<0x7F800000> : vector<512xf32>
    %reduce_min3A_331 = vector.multi_reduction <minimumf>, %select_n3A_329, %reduce_min3A_330 [1] : vector<512x2048xf32> to vector<512xf32>
    %broadcast_in_dim3A_332 = vector.shape_cast %reduce_min3A_331 : vector<512xf32> to vector<512x1xf32>
    %eq3A_333 = vector.broadcast %broadcast_in_dim3A_332 : vector<512x1xf32> to vector<512x2048xf32>
    %eq3A_334 = arith.cmpf oeq, %select_n3A_329, %eq3A_333 : vector<512x2048xf32>
    %jit3A_335 = arith.constant 2.048000e+03 : f32
    %broadcast_in_dim3A_336 = vector.broadcast %jit3A_335 : f32 to vector<512x2048xf32>
    %select_n3A_337 = arith.select %eq3A_334, %convert_element_type3A_31, %broadcast_in_dim3A_336 : vector<512x2048xi1>, vector<512x2048xf32>
    %reduce_min3A_338 = arith.constant dense<0x7F800000> : vector<512xf32>
    %reduce_min3A_339 = vector.multi_reduction <minimumf>, %select_n3A_337, %reduce_min3A_338 [1] : vector<512x2048xf32> to vector<512xf32>
    %broadcast_in_dim3A_340 = vector.shape_cast %reduce_min3A_339 : vector<512xf32> to vector<512x1xf32>
    %convert_element_type3A_341 = arith.fptosi %broadcast_in_dim3A_340 : vector<512x1xf32> to vector<512x1xi32>
    %add3A_342 = vector.broadcast %mul3A_33 : i32 to vector<512x1xi32>
    %add3A_343 = arith.addi %convert_element_type3A_341, %add3A_342 : vector<512x1xi32>
    %concatenate3A = tpu.concatenate %add3A_58, %add3A_77, %add3A_96, %add3A_115, %add3A_134, %add3A_153, %add3A_172, %add3A_191, %add3A_210, %add3A_229, %add3A_248, %add3A_267, %add3A_286, %add3A_305, %add3A_324, %add3A_343 in 1 : vector<512x1xi32>, vector<512x1xi32>, vector<512x1xi32>, vector<512x1xi32>, vector<512x1xi32>, vector<512x1xi32>, vector<512x1xi32>, vector<512x1xi32>, vector<512x1xi32>, vector<512x1xi32>, vector<512x1xi32>, vector<512x1xi32>, vector<512x1xi32>, vector<512x1xi32>, vector<512x1xi32>, vector<512x1xi32> -> vector<512x16xi32>
    %swap3A = arith.constant 0 : index
    %swap3A_344 = arith.constant 0 : index
    %swap3A_345 = arith.constant 0 : index
    %swap3A_346 = vector.load %arg3[%swap3A, %swap3A_344, %swap3A_345] : memref<1x512x16xi32, #tpu.memory_space<vmem>>, vector<1x512x16xi32>
    %swap3A_347 = vector.shape_cast %swap3A_346 : vector<1x512x16xi32> to vector<512x16xi32>
    %swap3A_348 = vector.shape_cast %concatenate3A : vector<512x16xi32> to vector<1x512x16xi32>
    tpu.vector_store %arg3[%swap3A, %swap3A_344, %swap3A_345], %swap3A_348 {strides = array<i32>} : memref<1x512x16xi32, #tpu.memory_space<vmem>>, vector<1x512x16xi32>,
    return
  }
  func.func @transform_0(%arg0: i32) -> (i32, i32, i32) {
    %c0_i32 = arith.constant 0 : i32
    %c0_i32_0 = arith.constant 0 : i32
    %c0_i32_1 = arith.constant 0 : i32
    return %arg0, %c0_i32, %c0_i32_0 : i32, i32, i32
  }
  func.func @transform_1(%arg0: i32) -> (i32, i32, i32) {
    %c0_i32 = arith.constant 0 : i32
    %c0_i32_0 = arith.constant 0 : i32
    %c0_i32_1 = arith.constant 0 : i32
    return %arg0, %c0_i32, %c0_i32_0 : i32, i32, i32
  }
  func.func @transform_2(%arg0: i32) -> (i32, i32, i32) {
    %c0_i32 = arith.constant 0 : i32
    %c0_i32_0 = arith.constant 0 : i32
    %c0_i32_1 = arith.constant 0 : i32
    return %arg0, %c0_i32, %c0_i32_0 : i32, i32, i32
  }
}

</mosaic_0001>

<sc_bundles>
// kernel: kernel.4.cloned.1.call-start
scs
__scs_entry_jumppad:
0x0: {  	(pc) =	sbr.rel $0x88, $3  }
0x1: {  	(tag) =	ssettag $0x0;
	lr =	simm.s32 $0x1  }
0x2: {  	[smem:$0x3F9F] =	sst lr;
	_ =	strace $0xD0000000  }
0x3: {  	_ = 	snop  }
0x4: {  	_ = 	snop  }
0x5: {  	_ = 	snop  }
0x6: {  	_ = 	snop  }
0x7: {  	_ = 	snop  }
__scs_overlays_trampoline_lowered:
0x8: {  	[smem:$0x3FAE] =	sst s0  }
0x9: {  	[smem:$0x3FAF] =	sst s1  }
0xa: {  	[smem:$0x3FB0] =	sst s2  }
0xb: {  	[smem:$0x3FB1] =	sst s3  }
0xc: {  	[smem:$0x3FB2] =	sst s4  }
0xd: {  	[smem:$0x3FB3] =	sst s5  }
0xe: {  	[smem:$0x3FB4] =	sst s6  }
0xf: {  	[smem:$0x3FB5] =	sst s7  }
0x10: {  	[smem:$0x3FB6] =	sst s8  }
0x11: {  	[smem:$0x3FB7] =	sst s9;
	s0 =	simm.s32 @!p0 $0x0  }
0x12: {  	s1 =	sld [smem:$0x3F9D];
	s0 =	simm.s32 @p0 $0x1  }
0x13: {  	[smem:$0x3FB8] =	sst s0;
	s0 =	simm.s32 @!p1 $0x0  }
0x14: {  	s2 =	sld [smem:$0x3F9C];
	s0 =	simm.s32 @p1 $0x1  }
0x15: {  	[smem:$0x3FB9] =	sst s0;
	s0 =	simm.s32 @!p2 $0x0  }
0x16: {  	s3 =	sld [smem:$0x3FDB];
	s0 =	simm.s32 @p2 $0x1  }
0x17: {  	s4 =	simm.s32 $0x1BF5;
	[smem:$0x3FBB] =	sst s0  }
0x18: {  	s0 =	sld [smem:$0x3F9E];
	_ =	swait.ge [sflag:s4], $0x0  }
0x19: {  	s7 =	sld [smem:$0x3F9F]  }
0x1a: {  	s8 =	sadd.s32 $0xFFFFE003, lr  }
0x1b: {  	s9 =	sadd.s32 $0xFFFFFEF7, lr;
	s5 =	simm.s32 $0xFFFFFFFF;
	p2 =	slt.u32 s8, $0xFFFFF086  }
0x1c: {  	p1 =	slt.u32 s9, $0xF7A;
	s5 =	simm.s32 @!p2 $0x0  }
0x1d: {  	s5 =	simm.s32 @p1 $0x1;
	p0 =	seq.s32 s7, s2  }
0x1e: {  	s7 =	smul.u32 @!p0 $0xF7A, s2;
	p2 =	seq.s32 @!p0 s5, $0x0  }
0x1f: {  	s9 =	smul.u32 $0xF7A, s1;
	s8 =	simm.s32 @!p0 $0x1BF5;
	p2 =	por !p2, p0  }
0x20: {  	[sflag:s8] =	ssyncset.s32 @!p0 $0xFFFFF086;
	s6 =	sadd.s32 @!p0 s3, s7;
	s7 =	simm.s32 @!p0 $0x108  }
0x21: {  	s3 =	sadd.s32 s3, s9;
	s6 =	sadd.s32 @!p0 $0x88, s6;
	s7 =	simm.s32 @p2 $0x1082  }
0x22: {  	[simem:s7], [sflag:s8] =	dma.local @!p0 [hbm:s6], $0xF7A  }
0x23: {  	s9 =	sor.u32 $0xD0000000, s2;
	s6 =	simm.s32 $0x108;
	_ =	swait.ge @!p0 [sflag:s8], $0x0  }
0x24: {  	s3 =	sadd.s32 $0x88, s3;
	s6 =	simm.s32 @!p1 $0x1082;
	[sflag:s4] =	ssyncset.s32 $0xFFFFF086  }
0x25: {  	[simem:s6], [sflag:s4] =	dma.local [hbm:s3], $0xF7A  }
0x26: {  	[smem:$0x3F9F] =	sst s1;
	(tag) =	ssettag s2;
	_ =	strace s9  }
0x27: {  	s1 =	sld [smem:$0x3FAF]  }
0x28: {  	s2 =	sld [smem:$0x3FB0]  }
0x29: {  	s4 =	sld [smem:$0x3FB2]  }
0x2a: {  	p0 =	seq.s32 s5, $0x0;
	s5 =	sld [smem:$0x3FB3]  }
0x2b: {  	s6 =	sld [smem:$0x3FB4]  }
0x2c: {  	s7 =	sld [smem:$0x3FB5]  }
0x2d: {  	s3 =	simm.s32 $0x108;
	s8 =	sld [smem:$0x3FB6]  }
0x2e: {  	s3 =	simm.s32 @!p0 $0x1082;
	s9 =	sld [smem:$0x3FB7]  }
0x2f: {  	lr =	sadd.s32 s0, s3;
	s0 =	sld [smem:$0x3FAE]  }
0x30: {  	s3 =	sld [smem:$0x3FB1]  }
0x31: {  	[smem:$0x3FBA] =	sst s10  }
0x32: {  	s10 =	sld [smem:$0x3FB8];
	_ =	sdelay $0x3  }
0x33: {  	p0 =	seq.s32 s10, $0x1;
	s10 =	sld [smem:$0x3FBA];
	_ =	sdelay $0x3  }
0x34: {  	[smem:$0x3FBA] =	sst s10  }
0x35: {  	s10 =	sld [smem:$0x3FB9];
	_ =	sdelay $0x3  }
0x36: {  	p1 =	seq.s32 s10, $0x1;
	s10 =	sld [smem:$0x3FBA];
	_ =	sdelay $0x3  }
0x37: {  	[smem:$0x3FBA] =	sst s10  }
0x38: {  	s10 =	sld [smem:$0x3FBB]  }
0x39: {  	_ = 	snop;
	(pc) =	sbr.ind lr, $3  }
0x3a: {  	_ = 	snop  }
0x3b: {  	_ = 	snop  }
0x3c: {  	p2 =	seq.s32 s10, $0x1;
	s10 =	sld [smem:$0x3FBA]  }
0x3d: {  	_ =	shalt  }
0x3e: {  	_ =	shalt  }
0x3f: {  	_ =	shalt  }
0x40: {  	_ =	shalt  }
0x41: {  	_ =	shalt  }
0x42: {  	_ =	shalt  }
0x43: {  	_ =	shalt  }
0x44: {  	_ =	shalt  }
0x45: {  	_ =	shalt  }
0x46: {  	_ =	shalt  }
0x47: {  	_ =	shalt  }
0x48: {  	_ =	shalt  }
0x49: {  	_ =	shalt  }
0x4a: {  	_ =	shalt  }
0x4b: {  	_ =	shalt  }
0x4c: {  	_ =	shalt  }
0x4d: {  	_ =	shalt  }
0x4e: {  	_ =	shalt  }
0x4f: {  	_ =	shalt  }
0x50: {  	_ =	shalt  }
0x51: {  	_ =	shalt  }
0x52: {  	_ =	shalt  }
0x53: {  	_ =	shalt  }
0x54: {  	_ =	shalt  }
0x55: {  	_ =	shalt  }
0x56: {  	_ =	shalt  }
0x57: {  	_ =	shalt  }
0x58: {  	_ =	shalt  }
0x59: {  	_ =	shalt  }
0x5a: {  	_ =	shalt  }
0x5b: {  	_ =	shalt  }
0x5c: {  	_ =	shalt  }
0x5d: {  	_ =	shalt  }
0x5e: {  	_ =	shalt  }
0x5f: {  	_ =	shalt  }
0x60: {  	_ =	shalt  }
0x61: {  	_ =	shalt  }
0x62: {  	_ =	shalt  }
0x63: {  	_ =	shalt  }
0x64: {  	_ =	shalt  }
0x65: {  	_ =	shalt  }
0x66: {  	_ =	shalt  }
0x67: {  	_ =	shalt  }
0x68: {  	_ =	shalt  }
0x69: {  	_ =	shalt  }
0x6a: {  	_ =	shalt  }
0x6b: {  	_ =	shalt  }
0x6c: {  	_ =	shalt  }
0x6d: {  	_ =	shalt  }
0x6e: {  	_ =	shalt  }
0x6f: {  	_ =	shalt  }
0x70: {  	_ =	shalt  }
0x71: {  	_ =	shalt  }
0x72: {  	_ =	shalt  }
0x73: {  	_ =	shalt  }
0x74: {  	_ =	shalt  }
0x75: {  	_ =	shalt  }
0x76: {  	_ =	shalt  }
0x77: {  	_ =	shalt  }
0x78: {  	_ =	shalt  }
0x79: {  	_ =	shalt  }
0x7a: {  	_ =	shalt  }
0x7b: {  	_ =	shalt  }
0x7c: {  	_ =	shalt  }
0x7d: {  	_ =	shalt  }
0x7e: {  	_ =	shalt  }
0x7f: {  	_ =	shalt  }
0x80: {  	_ =	shalt  }
0x81: {  	_ =	shalt  }
0x82: {  	_ =	shalt  }
0x83: {  	_ =	shalt  }
0x84: {  	_ =	shalt  }
0x85: {  	_ =	shalt  }
0x86: {  	_ =	shalt  }
0x87: {  	_ =	shalt  }
.Lfunc_end0:
.L_simem_size_0:
called_computation_lowered:
.L_overlay_start_0:
0x88: {  	s2 =	sld [smem:$0x3FD9]  }
0x89: {  	s3 =	sld [smem:$0x3FFE];
	_ =	sdelay $0x1  }
0x8a: {  	s1 =	srdreg.scid  }
0x8b: {  	s0 =	sand.u32 $0x1, s1  }
0x8c: {  	s14 =	sshll.u32 s0, $0xA;
	s2 =	sadd.s32 s3, s2  }
0x8d: {  	s2 =	sadd.s32 s2, s14  }
0x8e: {  	[smem:$0x3FC6] =	sst s2  }
0x8f: {  	_ = 	snop  }
0x90: {  	s2 =	sld [smem:$0x3FD0];
	_ =	sdelay $0x2  }
0x91: {  	s4 =	simm.s32 $0xA;
	s5 =	simm.s32 $0x10;
	s15 =	sld [smem:$0x3FC8]  }
0x92: {  	[smem:s5], [sflag:s4] =	dma.local [hbm:s2], $0x1  }
0x93: {  	_ =	swait.eq [sflag:s4], $0x1  }
0x94: {  	[sflag:s4] =	ssyncset.done $0x0  }
0x95: {  	[sflag:s4] =	ssyncadd.s32 $0xFFFFFFFF  }
0x96: {  	s16 =	sld [smem:$0x11];
	(tm) =	ssettm $0x1  }
0x97: {  	s17 =	sld [smem:$0x3FFB];
	_ =	sdelay $0x3  }
0x98: {  	_ =	strace s17  }
0x99: {  	s4 =	sld [smem:$0x3FFC];
	_ =	sdelay $0x3  }
0x9a: {  	_ =	strace s4  }
0x9b: {  	s4 =	sld [smem:$0x3FFD];
	_ =	sdelay $0x3  }
0x9c: {  	_ =	strace s4  }
0x9d: {  	_ =	strace $0x8FFFFFFF  }
0x9e: {  	s18 =	sld [smem:$0x3FDB];
	_ =	sdelay $0x1  }
0x9f: {  	s19 =	simm.s32 $_scs_section_size  }
0xa0: {  	s6 =	simm.s32 $_size__tile_overlayer_lowered;
	s7 =	simm.s32 $_tile_overlayer_lowered  }
0xa1: {  	s22 =	simm.s32 $0x1BFF;
	s21 =	sshll.u32 s7, $0x1;
	s4 =	sadd.s32 s19, s18  }
0xa2: {  	s8 =	simm.s32 $0x0;
	s20 =	sshll.u32 s6, $0x1;
	s6 =	sadd.s32 s21, s4  }
0xa3: {  	[timem:s8], [sflag:s22] =	dma.local [hbm:s6], s20  }
0xa4: {  	_ =	swait.ge [sflag:s22], s20  }
0xa5: {  	s5 =	ssub.s32 $0x0, s20;
	[sflag:s22] =	ssyncset.done $0x0  }
0xa6: {  	[sflag:s22] =	ssyncadd.s32 s5;
	_ =	sdelay $0x1  }
0xa7: {  	s23 =	simm.s32 $0x1B8B  }
0xa8: {  	_ =	swait.ge [sflag:s23], $0x1  }
0xa9: {  	[sflag:s23] =	ssyncset.done $0x0  }
0xaa: {  	s25 =	simm.s32 $0x1B8E;
	s24 =	sld [smem:$0x3FFE];
	[sflag:s23] =	ssyncadd.s32 $0xFFFFFFFF  }
0xab: {  	s26 =	simm.s32 $execute0_lowered;
	[smem:$0x3FD2] =	sst s25  }
0xac: {  	s6 =	sshll.u32 s26, $0x1;
	_ =	strace $0x80000046;
	[dreg:$0x1] =	wrdreg $0xFFFFFFFF  }
0xad: {  	s28 =	simm.s32 $_size_execute0_lowered;
	s4 =	sadd.s32 s4, s6;
	[dreg:$0x0] =	wrdreg $0x0  }
0xae: {  	s6 =	sshll.u32 s28, $0x1;
	[dreg:$0x2] =	wrdreg s4  }
0xaf: {  	[dreg:$0x3] =	wrdreg s6  }
0xb0: {  	[dreg:$0x4] =	wrdreg $0xC0  }
0xb1: {  	_ =	task [dreg:s8], $0x5FFFF  }
0xb2: {  	[dreg:$0x1] =	wrdreg $0xFFFFFFFF  }
0xb3: {  	[dreg:$0x0] =	wrdreg $0x60  }
0xb4: {  	[dreg:$0x2] =	wrdreg s15  }
0xb5: {  	[dreg:$0x3] =	wrdreg s24  }
0xb6: {  	[dreg:$0x4] =	wrdreg s16  }
0xb7: {  	[dreg:$0x5] =	wrdreg $0x9  }
0xb8: {  	_ =	task.clear_ibuf [dreg:s8], $0x6FFFF;
	_ =	strace $0x90000046  }
0xb9: {  	s29 =	simm.s32 $0x9;
	_ =	strace $0x80000048  }
0xba: {  	_ =	swait.ge [sflag:s29], $0x1  }
0xbb: {  	[sflag:s29] =	ssyncadd.s32 $0xFFFFFFFF  }
0xbc: {  	_ =	strace $0x90000048  }
0xbd: {  	_ =	sfence  }
0xbe: {  	s30 =	sld [smem:$0x0];
	_ =	sdelay $0x2  }
0xbf: {  	s31 =	sshll.u32 s1, $0xD;
	s1 =	sshrl.u32 s1, $0x2  }
0xc0: {  	s3 =	sand.u32 $0x4000, s31;
	s1 =	sadd.s32 s1, s30  }
0xc1: {  	s0 =	sor.u32 s3, s0;
	s1 =	sshll.u32 s1, $0x11  }
0xc2: {  	s0 =	sor.u32 s1, s0  }
0xc3: {  	s0 =	sadd.s32 $0x8F2B, s0  }
0xc4: {  	[sflag:s0] =	ssyncadd.remote.s32 $0x1  }
0xc5: {  	_ =	sfence.sel $0xFFFF  }
0xc6: {  	[dreg:$0x0] =	wrdreg $0xFFFFFFFF;
	(pc) =	sbr.abs _section_cstart, $3  }
0xc7: {  	[dreg:$0x1] =	wrdreg $0xFFFFFFFF  }
0xc8: {  	_ =	task.clear_ibuf [dreg:s8], $0x2FFFF;
	_ =	strace $0x9FFFFFFF  }
0xc9: {  	(tm) =	ssettm $0x7FFFFFFF  }
tec
execute0_lowered:
.L_overlay_start_1:
0x0: {  	(tag) =	ssettag $0x1  }
0x1: {  	s1 =	rddreg [dreg:$0x0]  }
0x2: {  	s0 =	rddreg [dreg:$0x1]  }
0x3: {  	s2 =	rddreg [dreg:$0x2];
	s3 =	srdreg.scid  }
0x4: {  	s5 =	stileid.u32;
	s14 =	simm.s32 $0x3;
	s18 =	simm.s32 $0x5800  }
0x5: {  	s19 =	simm.s32 $0x6000;
	s20 =	simm.s32 $0x6800;
	s21 =	simm.s32 $0x7000  }
0x6: {  	s22 =	simm.s32 $0x7800;
	s23 =	simm.s32 $0x8000;
	s28 =	simm.s32 $0xA000  }
0x7: {  	s29 =	simm.s32 $0xA800;
	s30 =	simm.s32 $0xB000;
	s31 =	simm.s32 $0xB800  }
0x8: {  	s8 =	simm.s32 $0xF000;
	s9 =	simm.s32 $0xF800;
	s10 =	simm.s32 $0x10000  }
0x9: {  	s11 =	simm.s32 $0x1;
	s12 =	simm.s32 $0x2;
	s15 =	simm.s32 $0x0  }
0xa: {  	s4 =	sand.u32 $0x1, s3;
	s3 =	simm.s32 $0x0;
	s5 =	sshll.u32 s5, $0x8  }
0xb: {  	s6 =	sshll.u32 s4, $0x7;
	[smem:$0x7FF] =	sst s3;
	s4 =	ssub.s32 $0x2, s4  }
0xc: {  	s5 =	sor.u32 s6, s5;
	_ =	strace $0x80000047;
	s24 =	sshrl.u32 s4, $0x1  }
0xd: {  	s6 =	simm.s32 $0xE000;
	s7 =	sshll.u32 s5, $0x1;
	s4 =	ssub.s32 s4, s24  }
0xe: {  	s25 =	sshll.u32 s5, $0x5;
	s24 =	simm.s32 $0x8800;
	s5 =	simm.s32 $0xD800  }
0xf: {  	s0 =	sadd.s32 s0, s7;
	s26 =	smax.u32 s4, $0x1;
	s4 =	simm.s32 $0xD000  }
0x10: {  	v2 =	vlaneseq.u32;
	s7 =	simm.s32 $0xE800;
	[dreg:$0x4] =	wrdreg s0;
	s0 =	sadd.s32 s2, s25  }
0x11: {  	vm0 =	vmmov $0xffff;
	v1 =	vshrl.u32 v2, $0x3;
	[dreg:$0x6] =	wrdreg s26;
	s25 =	simm.s32 $0x9000;
	s26 =	simm.s32 $0x9800  }
0x12: {  	v0 =	vand.u32 $0x7, v2;
	v2 =	vor.u32 $0x8, v2;
	v1 =	vmul.u32 $0x8, v1;
	s2 =	simm.s32 $0xC800;
	[dreg:$0x5] =	wrdreg s0;
	s0 =	simm.s32 $0xC000  }
.LBB2_1:
0x13: {  	[dreg:$0x7] =	wrdreg s15  }
0x14: {  	s13 =	rddreg [dreg:$0x4]  }
0x15: {  	[tilespmem:s3], [sflag:$0x3] =	stream.linear.gather [hbm4b:s13+s3], $0x800, $0x38;
	[tilespmem:$0x18800] =	vst v63  }
0x16: {  	_ =	swait.ge [sflag:s14], $0x800  }
0x17: {  	[sflag:s14] =	ssyncset.done $0x0  }
0x18: {  	[sflag:s14] =	ssyncadd.s32 $0xFFFFF800  }
0x19: {  	v3 =	vld [tilespmem:$0x0];
	_ =	sdelay $0x4  }
0x1a: {  	v4 =	vshll.u32 v3, $0x1  }
0x1b: {  	v3 =	vand.u32 $0x7, v3;
	v4 =	vand.u32 $0xFFFFFFF0, v4  }
0x1c: {  	v3 =	vor.u32 v3, v4  }
0x1d: {  	v4 =	vperm.xlane v3, v0;
	_ =	sdelay $0x1  }
0x1e: {  	v3 =	vperm.xlane v3, v2;
	v4 =	vadd.s32 v1, v4;
	_ =	sdelay $0x1  }
0x1f: {  	v3 =	vadd.s32 v1, v3;
	_ =	sdelay $0x1  }
0x20: {  	s16 =	simm.s32 $0x800  }
0x21: {  	[tilespmem:s16], [sflag:$0x1] =	stream.indirect_vreg.gather [hbm4b:s1+s3], $0x80, v4, vm0, $0xb8;
	[tilespmem:$0x18800] =	vst v63  }
0x22: {  	s17 =	simm.s32 $0x1000  }
0x23: {  	[tilespmem:s17], [sflag:$0x1] =	stream.indirect_vreg.gather [hbm4b:s1+s3], $0x80, v3, vm0, $0xb8;
	[tilespmem:$0x18800] =	vst v63  }
0x24: {  	v3 =	vld [tilespmem:$0x10];
	_ =	sdelay $0x4  }
0x25: {  	v57 =	vshll.u32 v3, $0x1  }
0x26: {  	v3 =	vand.u32 $0x7, v3;
	v4 =	vand.u32 $0xFFFFFFF0, v57  }
0x27: {  	v3 =	vor.u32 v3, v4  }
0x28: {  	v4 =	vperm.xlane v3, v0;
	_ =	sdelay $0x1  }
0x29: {  	v3 =	vperm.xlane v3, v2;
	v4 =	vadd.s32 v1, v4;
	_ =	sdelay $0x1  }
0x2a: {  	v3 =	vadd.s32 v1, v3;
	_ =	sdelay $0x1  }
0x2b: {  	s14 =	simm.s32 $0x1800  }
0x2c: {  	[tilespmem:s14], [sflag:$0x1] =	stream.indirect_vreg.gather [hbm4b:s1+s3], $0x80, v4, vm0, $0xb8;
	[tilespmem:$0x18800] =	vst v63  }
0x2d: {  	s15 =	simm.s32 $0x2000  }
0x2e: {  	[tilespmem:s15], [sflag:$0x1] =	stream.indirect_vreg.gather [hbm4b:s1+s3], $0x80, v3, vm0, $0xb8;
	[tilespmem:$0x18800] =	vst v63  }
0x2f: {  	v3 =	vld [tilespmem:$0x20];
	_ =	sdelay $0x4  }
0x30: {  	v58 =	vshll.u32 v3, $0x1  }
0x31: {  	v3 =	vand.u32 $0x7, v3;
	v4 =	vand.u32 $0xFFFFFFF0, v58  }
0x32: {  	v3 =	vor.u32 v3, v4  }
0x33: {  	v4 =	vperm.xlane v3, v0;
	_ =	sdelay $0x1  }
0x34: {  	v3 =	vperm.xlane v3, v2;
	v4 =	vadd.s32 v1, v4;
	_ =	sdelay $0x1  }
0x35: {  	v3 =	vadd.s32 v1, v3;
	_ =	sdelay $0x1  }
0x36: {  	s16 =	simm.s32 $0x2800  }
0x37: {  	[tilespmem:s16], [sflag:$0x1] =	stream.indirect_vreg.gather [hbm4b:s1+s3], $0x80, v4, vm0, $0xb8;
	[tilespmem:$0x18800] =	vst v63  }
0x38: {  	s17 =	simm.s32 $0x3000  }
0x39: {  	[tilespmem:s17], [sflag:$0x1] =	stream.indirect_vreg.gather [hbm4b:s1+s3], $0x80, v3, vm0, $0xb8;
	[tilespmem:$0x18800] =	vst v63  }
0x3a: {  	v3 =	vld [tilespmem:$0x30];
	_ =	sdelay $0x4  }
0x3b: {  	v59 =	vshll.u32 v3, $0x1  }
0x3c: {  	v3 =	vand.u32 $0x7, v3;
	v4 =	vand.u32 $0xFFFFFFF0, v59  }
0x3d: {  	v3 =	vor.u32 v3, v4  }
0x3e: {  	v4 =	vperm.xlane v3, v0;
	_ =	sdelay $0x1  }
0x3f: {  	v3 =	vperm.xlane v3, v2;
	v4 =	vadd.s32 v1, v4;
	_ =	sdelay $0x1  }
0x40: {  	v3 =	vadd.s32 v1, v3;
	_ =	sdelay $0x1  }
0x41: {  	s14 =	simm.s32 $0x3800  }
0x42: {  	[tilespmem:s14], [sflag:$0x1] =	stream.indirect_vreg.gather [hbm4b:s1+s3], $0x80, v4, vm0, $0xb8;
	[tilespmem:$0x18800] =	vst v63  }
0x43: {  	s15 =	simm.s32 $0x4000  }
0x44: {  	[tilespmem:s15], [sflag:$0x1] =	stream.indirect_vreg.gather [hbm4b:s1+s3], $0x80, v3, vm0, $0xb8;
	[tilespmem:$0x18800] =	vst v63  }
0x45: {  	v3 =	vld [tilespmem:$0x40];
	_ =	sdelay $0x4  }
0x46: {  	v60 =	vshll.u32 v3, $0x1  }
0x47: {  	v3 =	vand.u32 $0x7, v3;
	v4 =	vand.u32 $0xFFFFFFF0, v60  }
0x48: {  	v3 =	vor.u32 v3, v4  }
0x49: {  	v4 =	vperm.xlane v3, v0;
	_ =	sdelay $0x1  }
0x4a: {  	v3 =	vperm.xlane v3, v2;
	v4 =	vadd.s32 v1, v4;
	_ =	sdelay $0x1  }
0x4b: {  	v3 =	vadd.s32 v1, v3;
	_ =	sdelay $0x1  }
0x4c: {  	s16 =	simm.s32 $0x4800  }
0x4d: {  	[tilespmem:s16], [sflag:$0x1] =	stream.indirect_vreg.gather [hbm4b:s1+s3], $0x80, v4, vm0, $0xb8;
	[tilespmem:$0x18800] =	vst v63  }
0x4e: {  	s17 =	simm.s32 $0x5000  }
0x4f: {  	[tilespmem:s17], [sflag:$0x1] =	stream.indirect_vreg.gather [hbm4b:s1+s3], $0x80, v3, vm0, $0xb8;
	[tilespmem:$0x18800] =	vst v63  }
0x50: {  	v3 =	vld [tilespmem:$0x50];
	_ =	sdelay $0x4  }
0x51: {  	v61 =	vshll.u32 v3, $0x1  }
0x52: {  	v3 =	vand.u32 $0x7, v3;
	v4 =	vand.u32 $0xFFFFFFF0, v61  }
0x53: {  	v3 =	vor.u32 v3, v4  }
0x54: {  	v4 =	vperm.xlane v3, v0;
	_ =	sdelay $0x1  }
0x55: {  	v3 =	vperm.xlane v3, v2;
	v4 =	vadd.s32 v1, v4;
	_ =	sdelay $0x1  }
0x56: {  	v3 =	vadd.s32 v1, v3;
	_ =	sdelay $0x2  }
0x57: {  	[tilespmem:s18], [sflag:$0x1] =	stream.indirect_vreg.gather [hbm4b:s1+s3], $0x80, v4, vm0, $0xb8;
	[tilespmem:$0x18800] =	vst v63  }
0x58: {  	_ = 	snop  }
0x59: {  	[tilespmem:s19], [sflag:$0x1] =	stream.indirect_vreg.gather [hbm4b:s1+s3], $0x80, v3, vm0, $0xb8;
	[tilespmem:$0x18800] =	vst v63  }
0x5a: {  	v3 =	vld [tilespmem:$0x60];
	_ =	sdelay $0x4  }
0x5b: {  	v62 =	vshll.u32 v3, $0x1  }
0x5c: {  	v3 =	vand.u32 $0x7, v3;
	v4 =	vand.u32 $0xFFFFFFF0, v62  }
0x5d: {  	v3 =	vor.u32 v3, v4  }
0x5e: {  	v4 =	vperm.xlane v3, v0;
	_ =	sdelay $0x1  }
0x5f: {  	v3 =	vperm.xlane v3, v2;
	v4 =	vadd.s32 v1, v4;
	_ =	sdelay $0x1  }
0x60: {  	v3 =	vadd.s32 v1, v3;
	_ =	sdelay $0x2  }
0x61: {  	[tilespmem:s20], [sflag:$0x1] =	stream.indirect_vreg.gather [hbm4b:s1+s3], $0x80, v4, vm0, $0xb8;
	[tilespmem:$0x18800] =	vst v63  }
0x62: {  	_ = 	snop  }
0x63: {  	[tilespmem:s21], [sflag:$0x1] =	stream.indirect_vreg.gather [hbm4b:s1+s3], $0x80, v3, vm0, $0xb8;
	[tilespmem:$0x18800] =	vst v63  }
0x64: {  	v3 =	vld [tilespmem:$0x70];
	_ =	sdelay $0x4  }
0x65: {  	v63 =	vshll.u32 v3, $0x1  }
0x66: {  	v3 =	vand.u32 $0x7, v3;
	v4 =	vand.u32 $0xFFFFFFF0, v63  }
0x67: {  	v3 =	vor.u32 v3, v4  }
0x68: {  	v4 =	vperm.xlane v3, v0;
	_ =	sdelay $0x1  }
0x69: {  	v3 =	vperm.xlane v3, v2;
	v4 =	vadd.s32 v1, v4;
	_ =	sdelay $0x1  }
0x6a: {  	v3 =	vadd.s32 v1, v3;
	_ =	sdelay $0x2  }
0x6b: {  	[tilespmem:s22], [sflag:$0x1] =	stream.indirect_vreg.gather [hbm4b:s1+s3], $0x80, v4, vm0, $0xb8;
	[tilespmem:$0x18800] =	vst v63  }
0x6c: {  	s13 =	simm.s32 $0x0  }
0x6d: {  	[tilespmem:s23], [sflag:$0x1] =	stream.indirect_vreg.gather [hbm4b:s1+s3], $0x80, v3, vm0, $0xb8;
	[tilespmem:$0x18800] =	vst v63  }
.LBB2_2:
0x6e: {  	s14 =	sshllo.u32 s13, $0x1  }
0x6f: {  	s15 =	sshll.u32 s14, $0x7  }
0x70: {  	s16 =	sand.u32 $0x3FFFFF80, s15  }
0x71: {  	v3 =	vld [tilespmem:s16+$0x0];
	_ =	sdelay $0x4  }
0x72: {  	v4 =	vshll.u32 v3, $0x1  }
0x73: {  	v3 =	vand.u32 $0x7, v3;
	v4 =	vand.u32 $0xFFFFFFF0, v4  }
0x74: {  	v3 =	vor.u32 v3, v4  }
0x75: {  	v4 =	vperm.xlane v3, v0;
	_ =	sdelay $0x1  }
0x76: {  	v3 =	vperm.xlane v3, v2;
	v4 =	vadd.s32 v1, v4;
	_ =	sdelay $0x1  }
0x77: {  	v3 =	vadd.s32 v1, v3;
	_ =	sdelay $0x1  }
0x78: {  	s15 =	simm.s32 $0x0  }
0x79: {  	[tilespmem:s24], [sflag:$0x2] =	stream.indirect_vreg.gather [hbm4b:s1+s15], $0x80, v4, vm0, $0xb8;
	[tilespmem:$0x18800] =	vst v63  }
0x7a: {  	_ = 	snop  }
0x7b: {  	[tilespmem:s25], [sflag:$0x2] =	stream.indirect_vreg.gather [hbm4b:s1+s15], $0x80, v3, vm0, $0xb8;
	[tilespmem:$0x18800] =	vst v63  }
0x7c: {  	v3 =	vld [tilespmem:s16+$0x10];
	_ =	sdelay $0x4  }
0x7d: {  	v4 =	vshll.u32 v3, $0x1  }
0x7e: {  	v3 =	vand.u32 $0x7, v3;
	v4 =	vand.u32 $0xFFFFFFF0, v4  }
0x7f: {  	v3 =	vor.u32 v3, v4  }
0x80: {  	v4 =	vperm.xlane v3, v0;
	_ =	sdelay $0x1  }
0x81: {  	v3 =	vperm.xlane v3, v2;
	v4 =	vadd.s32 v1, v4;
	_ =	sdelay $0x1  }
0x82: {  	v3 =	vadd.s32 v1, v3;
	_ =	sdelay $0x2  }
0x83: {  	[tilespmem:s26], [sflag:$0x2] =	stream.indirect_vreg.gather [hbm4b:s1+s15], $0x80, v4, vm0, $0xb8;
	[tilespmem:$0x18800] =	vst v63  }
0x84: {  	_ = 	snop  }
0x85: {  	[tilespmem:s28], [sflag:$0x2] =	stream.indirect_vreg.gather [hbm4b:s1+s15], $0x80, v3, vm0, $0xb8;
	[tilespmem:$0x18800] =	vst v63  }
0x86: {  	v3 =	vld [tilespmem:s16+$0x20];
	_ =	sdelay $0x4  }
0x87: {  	v4 =	vshll.u32 v3, $0x1  }
0x88: {  	v3 =	vand.u32 $0x7, v3;
	v4 =	vand.u32 $0xFFFFFFF0, v4  }
0x89: {  	v3 =	vor.u32 v3, v4  }
0x8a: {  	v4 =	vperm.xlane v3, v0;
	_ =	sdelay $0x1  }
0x8b: {  	v3 =	vperm.xlane v3, v2;
	v4 =	vadd.s32 v1, v4;
	_ =	sdelay $0x1  }
0x8c: {  	v3 =	vadd.s32 v1, v3;
	_ =	sdelay $0x2  }
0x8d: {  	[tilespmem:s29], [sflag:$0x2] =	stream.indirect_vreg.gather [hbm4b:s1+s15], $0x80, v4, vm0, $0xb8;
	[tilespmem:$0x18800] =	vst v63  }
0x8e: {  	_ = 	snop  }
0x8f: {  	[tilespmem:s30], [sflag:$0x2] =	stream.indirect_vreg.gather [hbm4b:s1+s15], $0x80, v3, vm0, $0xb8;
	[tilespmem:$0x18800] =	vst v63  }
0x90: {  	v3 =	vld [tilespmem:s16+$0x30];
	_ =	sdelay $0x4  }
0x91: {  	v4 =	vshll.u32 v3, $0x1  }
0x92: {  	v3 =	vand.u32 $0x7, v3;
	v4 =	vand.u32 $0xFFFFFFF0, v4  }
0x93: {  	v3 =	vor.u32 v3, v4  }
0x94: {  	v4 =	vperm.xlane v3, v0;
	_ =	sdelay $0x1  }
0x95: {  	v3 =	vperm.xlane v3, v2;
	v4 =	vadd.s32 v1, v4;
	_ =	sdelay $0x1  }
0x96: {  	v3 =	vadd.s32 v1, v3;
	_ =	sdelay $0x2  }
0x97: {  	[tilespmem:s31], [sflag:$0x2] =	stream.indirect_vreg.gather [hbm4b:s1+s15], $0x80, v4, vm0, $0xb8;
	[tilespmem:$0x18800] =	vst v63  }
0x98: {  	_ = 	snop  }
0x99: {  	[tilespmem:s0], [sflag:$0x2] =	stream.indirect_vreg.gather [hbm4b:s1+s15], $0x80, v3, vm0, $0xb8;
	[tilespmem:$0x18800] =	vst v63  }
0x9a: {  	v3 =	vld [tilespmem:s16+$0x40];
	_ =	sdelay $0x4  }
0x9b: {  	v4 =	vshll.u32 v3, $0x1  }
0x9c: {  	v3 =	vand.u32 $0x7, v3;
	v4 =	vand.u32 $0xFFFFFFF0, v4  }
0x9d: {  	v3 =	vor.u32 v3, v4  }
0x9e: {  	v4 =	vperm.xlane v3, v0;
	_ =	sdelay $0x1  }
0x9f: {  	v3 =	vperm.xlane v3, v2;
	v4 =	vadd.s32 v1, v4;
	_ =	sdelay $0x1  }
0xa0: {  	v3 =	vadd.s32 v1, v3;
	_ =	sdelay $0x2  }
0xa1: {  	[tilespmem:s2], [sflag:$0x2] =	stream.indirect_vreg.gather [hbm4b:s1+s15], $0x80, v4, vm0, $0xb8;
	[tilespmem:$0x18800] =	vst v63  }
0xa2: {  	_ = 	snop  }
0xa3: {  	[tilespmem:s4], [sflag:$0x2] =	stream.indirect_vreg.gather [hbm4b:s1+s15], $0x80, v3, vm0, $0xb8;
	[tilespmem:$0x18800] =	vst v63  }
0xa4: {  	v3 =	vld [tilespmem:s16+$0x50];
	_ =	sdelay $0x4  }
0xa5: {  	v4 =	vshll.u32 v3, $0x1  }
0xa6: {  	v3 =	vand.u32 $0x7, v3;
	v4 =	vand.u32 $0xFFFFFFF0, v4  }
0xa7: {  	v3 =	vor.u32 v3, v4  }
0xa8: {  	v4 =	vperm.xlane v3, v0;
	_ =	sdelay $0x1  }
0xa9: {  	v3 =	vperm.xlane v3, v2;
	v4 =	vadd.s32 v1, v4;
	_ =	sdelay $0x1  }
0xaa: {  	v3 =	vadd.s32 v1, v3;
	_ =	sdelay $0x2  }
0xab: {  	[tilespmem:s5], [sflag:$0x2] =	stream.indirect_vreg.gather [hbm4b:s1+s15], $0x80, v4, vm0, $0xb8;
	[tilespmem:$0x18800] =	vst v63  }
0xac: {  	_ = 	snop  }
0xad: {  	[tilespmem:s6], [sflag:$0x2] =	stream.indirect_vreg.gather [hbm4b:s1+s15], $0x80, v3, vm0, $0xb8;
	[tilespmem:$0x18800] =	vst v63  }
0xae: {  	v3 =	vld [tilespmem:s16+$0x60];
	_ =	sdelay $0x4  }
0xaf: {  	v4 =	vshll.u32 v3, $0x1  }
0xb0: {  	v3 =	vand.u32 $0x7, v3;
	v4 =	vand.u32 $0xFFFFFFF0, v4  }
0xb1: {  	v3 =	vor.u32 v3, v4  }
0xb2: {  	v4 =	vperm.xlane v3, v0;
	_ =	sdelay $0x1  }
0xb3: {  	v3 =	vperm.xlane v3, v2;
	v4 =	vadd.s32 v1, v4;
	_ =	sdelay $0x1  }
0xb4: {  	v3 =	vadd.s32 v1, v3;
	_ =	sdelay $0x2  }
0xb5: {  	[tilespmem:s7], [sflag:$0x2] =	stream.indirect_vreg.gather [hbm4b:s1+s15], $0x80, v4, vm0, $0xb8;
	[tilespmem:$0x18800] =	vst v63  }
0xb6: {  	_ = 	snop  }
0xb7: {  	[tilespmem:s8], [sflag:$0x2] =	stream.indirect_vreg.gather [hbm4b:s1+s15], $0x80, v3, vm0, $0xb8;
	[tilespmem:$0x18800] =	vst v63  }
0xb8: {  	v3 =	vld [tilespmem:s16+$0x70];
	_ =	sdelay $0x4  }
0xb9: {  	v4 =	vshll.u32 v3, $0x1  }
0xba: {  	v3 =	vand.u32 $0x7, v3;
	v4 =	vand.u32 $0xFFFFFFF0, v4  }
0xbb: {  	v3 =	vor.u32 v3, v4  }
0xbc: {  	v4 =	vperm.xlane v3, v0;
	_ =	sdelay $0x1  }
0xbd: {  	v3 =	vperm.xlane v3, v2;
	v4 =	vadd.s32 v1, v4;
	_ =	sdelay $0x1  }
0xbe: {  	v3 =	vadd.s32 v1, v3;
	_ =	sdelay $0x2  }
0xbf: {  	[tilespmem:s9], [sflag:$0x2] =	stream.indirect_vreg.gather [hbm4b:s1+s15], $0x80, v4, vm0, $0xb8;
	[tilespmem:$0x18800] =	vst v63  }
0xc0: {  	s17 =	sshll.u32 s13, $0xC  }
0xc1: {  	[tilespmem:s10], [sflag:$0x2] =	stream.indirect_vreg.gather [hbm4b:s1+s15], $0x80, v3, vm0, $0xb8;
	[tilespmem:$0x18800] =	vst v63  }
0xc2: {  	s16 =	sand.u32 $0x3FFFF000, s17;
	_ =	swait.ge [sflag:s11], $0x8000  }
0xc3: {  	s16 =	sadd.s32 $0x10800, s16;
	[sflag:s11] =	ssyncset.done $0x0  }
0xc4: {  	v3 =	vmov s16;
	[sflag:s11] =	ssyncadd.s32 $0xFFFF8000  }
.LBB2_3:
0xc5: {  	s16 =	sshll.u32 s15, $0xC  }
0xc6: {  	s16 =	sand.u32 $0x3FFFF000, s16  }
0xc7: {  	v4 =	vld [tilespmem:s16+$0x800]  }
0xc8: {  	v5 =	vld [tilespmem:s16+$0x880]  }
0xc9: {  	v6 =	vld [tilespmem:s16+$0x900]  }
0xca: {  	v7 =	vld [tilespmem:s16+$0x980]  }
0xcb: {  	v8 =	vld [tilespmem:s16+$0xA00]  }
0xcc: {  	v9 =	vld [tilespmem:s16+$0xA80]  }
0xcd: {  	v4 =	vmax.f32 v4, v5;
	v5 =	vld [tilespmem:s16+$0xB00]  }
0xce: {  	v32 =	vld [tilespmem:s16+$0xB80];
	v4 =	vmax.f32 v4, v6  }
0xcf: {  	v33 =	vld [tilespmem:s16+$0x1000];
	v4 =	vmax.f32 v4, v7  }
0xd0: {  	v34 =	vld [tilespmem:s16+$0x1080];
	v4 =	vmax.f32 v4, v8  }
0xd1: {  	v35 =	vld [tilespmem:s16+$0x1100];
	v4 =	vmax.f32 v4, v9  }
0xd2: {  	v4 =	vmax.f32 v4, v5;
	v5 =	vld [tilespmem:s16+$0x1180]  }
0xd3: {  	v36 =	vld [tilespmem:s16+$0x1200];
	v4 =	vmax.f32 v4, v32  }
0xd4: {  	v37 =	vld [tilespmem:s16+$0x1280];
	v4 =	vmax.f32 v4, v33  }
0xd5: {  	v38 =	vld [tilespmem:s16+$0x1300];
	v4 =	vmax.f32 v4, v34  }
0xd6: {  	v39 =	vld [tilespmem:s16+$0x1380];
	v4 =	vmax.f32 v4, v35  }
0xd7: {  	v4 =	vmax.f32 v4, v5  }
0xd8: {  	v4 =	vmax.f32 v4, v36  }
0xd9: {  	v4 =	vmax.f32 v4, v37  }
0xda: {  	s17 =	sshll.u32 s15, $0x7;
	v4 =	vmax.f32 v4, v38  }
0xdb: {  	s17 =	sand.u32 $0x3FFFFF80, s17;
	v4 =	vmax.f32 v4, v39  }
0xdc: {  	[tilespmem:v3+s17+$0x0 ss:$0x1] =	vst.idx.msk $0xffff, v4  }
0xdd: {  	v4 =	vld [tilespmem:s16+$0x810]  }
0xde: {  	v5 =	vld [tilespmem:s16+$0x890]  }
0xdf: {  	v40 =	vld [tilespmem:s16+$0x910]  }
0xe0: {  	v41 =	vld [tilespmem:s16+$0x990]  }
0xe1: {  	v42 =	vld [tilespmem:s16+$0xA10]  }
0xe2: {  	v43 =	vld [tilespmem:s16+$0xA90]  }
0xe3: {  	v4 =	vmax.f32 v4, v5;
	v5 =	vld [tilespmem:s16+$0xB10]  }
0xe4: {  	v44 =	vld [tilespmem:s16+$0xB90];
	v4 =	vmax.f32 v4, v40  }
0xe5: {  	v45 =	vld [tilespmem:s16+$0x1010];
	v4 =	vmax.f32 v4, v41  }
0xe6: {  	v46 =	vld [tilespmem:s16+$0x1090];
	v4 =	vmax.f32 v4, v42  }
0xe7: {  	v47 =	vld [tilespmem:s16+$0x1110];
	v4 =	vmax.f32 v4, v43  }
0xe8: {  	v4 =	vmax.f32 v4, v5;
	v5 =	vld [tilespmem:s16+$0x1190]  }
0xe9: {  	v48 =	vld [tilespmem:s16+$0x1210];
	v4 =	vmax.f32 v4, v44  }
0xea: {  	v49 =	vld [tilespmem:s16+$0x1290];
	v4 =	vmax.f32 v4, v45  }
0xeb: {  	v50 =	vld [tilespmem:s16+$0x1310];
	v4 =	vmax.f32 v4, v46  }
0xec: {  	v51 =	vld [tilespmem:s16+$0x1390];
	v4 =	vmax.f32 v4, v47  }
0xed: {  	v4 =	vmax.f32 v4, v5  }
0xee: {  	v4 =	vmax.f32 v4, v48  }
0xef: {  	v4 =	vmax.f32 v4, v49  }
0xf0: {  	v4 =	vmax.f32 v4, v50  }
0xf1: {  	v4 =	vmax.f32 v4, v51  }
0xf2: {  	[tilespmem:v3+s17+$0x10 ss:$0x1] =	vst.idx.msk $0xffff, v4  }
0xf3: {  	v4 =	vld [tilespmem:s16+$0x820]  }
0xf4: {  	v5 =	vld [tilespmem:s16+$0x8A0]  }
0xf5: {  	v52 =	vld [tilespmem:s16+$0x920]  }
0xf6: {  	v53 =	vld [tilespmem:s16+$0x9A0]  }
0xf7: {  	v54 =	vld [tilespmem:s16+$0xA20]  }
0xf8: {  	v55 =	vld [tilespmem:s16+$0xAA0]  }
0xf9: {  	v4 =	vmax.f32 v4, v5;
	v5 =	vld [tilespmem:s16+$0xB20]  }
0xfa: {  	v56 =	vld [tilespmem:s16+$0xBA0];
	v4 =	vmax.f32 v4, v52  }
0xfb: {  	v57 =	vld [tilespmem:s16+$0x1020];
	v4 =	vmax.f32 v4, v53  }
0xfc: {  	v58 =	vld [tilespmem:s16+$0x10A0];
	v4 =	vmax.f32 v4, v54  }
0xfd: {  	v59 =	vld [tilespmem:s16+$0x1120];
	v4 =	vmax.f32 v4, v55  }
0xfe: {  	v4 =	vmax.f32 v4, v5;
	v5 =	vld [tilespmem:s16+$0x11A0]  }
0xff: {  	v60 =	vld [tilespmem:s16+$0x1220];
	v4 =	vmax.f32 v4, v56  }
0x100: {  	v61 =	vld [tilespmem:s16+$0x12A0];
	v4 =	vmax.f32 v4, v57  }
0x101: {  	v62 =	vld [tilespmem:s16+$0x1320];
	v4 =	vmax.f32 v4, v58  }
0x102: {  	v63 =	vld [tilespmem:s16+$0x13A0];
	v4 =	vmax.f32 v4, v59  }
0x103: {  	v4 =	vmax.f32 v4, v5  }
0x104: {  	v4 =	vmax.f32 v4, v60  }
0x105: {  	v4 =	vmax.f32 v4, v61  }
0x106: {  	v4 =	vmax.f32 v4, v62  }
0x107: {  	v4 =	vmax.f32 v4, v63  }
0x108: {  	[tilespmem:v3+s17+$0x20 ss:$0x1] =	vst.idx.msk $0xffff, v4  }
0x109: {  	v4 =	vld [tilespmem:s16+$0x830]  }
0x10a: {  	v5 =	vld [tilespmem:s16+$0x8B0]  }
0x10b: {  	v12 =	vld [tilespmem:s16+$0x930]  }
0x10c: {  	v13 =	vld [tilespmem:s16+$0x9B0]  }
0x10d: {  	v14 =	vld [tilespmem:s16+$0xA30]  }
0x10e: {  	v15 =	vld [tilespmem:s16+$0xAB0]  }
0x10f: {  	v4 =	vmax.f32 v4, v5;
	v5 =	vld [tilespmem:s16+$0xB30]  }
0x110: {  	v16 =	vld [tilespmem:s16+$0xBB0];
	v4 =	vmax.f32 v4, v12  }
0x111: {  	v17 =	vld [tilespmem:s16+$0x1030];
	v4 =	vmax.f32 v4, v13  }
0x112: {  	v18 =	vld [tilespmem:s16+$0x10B0];
	v4 =	vmax.f32 v4, v14  }
0x113: {  	v19 =	vld [tilespmem:s16+$0x1130];
	v4 =	vmax.f32 v4, v15  }
0x114: {  	v4 =	vmax.f32 v4, v5;
	v5 =	vld [tilespmem:s16+$0x11B0]  }
0x115: {  	v20 =	vld [tilespmem:s16+$0x1230];
	v4 =	vmax.f32 v4, v16  }
0x116: {  	v21 =	vld [tilespmem:s16+$0x12B0];
	v4 =	vmax.f32 v4, v17  }
0x117: {  	v22 =	vld [tilespmem:s16+$0x1330];
	v4 =	vmax.f32 v4, v18  }
0x118: {  	v23 =	vld [tilespmem:s16+$0x13B0];
	v4 =	vmax.f32 v4, v19  }
0x119: {  	v4 =	vmax.f32 v4, v5  }
0x11a: {  	v4 =	vmax.f32 v4, v20  }
0x11b: {  	v4 =	vmax.f32 v4, v21  }
0x11c: {  	v4 =	vmax.f32 v4, v22  }
0x11d: {  	v4 =	vmax.f32 v4, v23  }
0x11e: {  	[tilespmem:v3+s17+$0x30 ss:$0x1] =	vst.idx.msk $0xffff, v4  }
0x11f: {  	v4 =	vld [tilespmem:s16+$0x840]  }
0x120: {  	v5 =	vld [tilespmem:s16+$0x8C0]  }
0x121: {  	v24 =	vld [tilespmem:s16+$0x940]  }
0x122: {  	v25 =	vld [tilespmem:s16+$0x9C0]  }
0x123: {  	v26 =	vld [tilespmem:s16+$0xA40]  }
0x124: {  	v27 =	vld [tilespmem:s16+$0xAC0]  }
0x125: {  	v4 =	vmax.f32 v4, v5;
	v5 =	vld [tilespmem:s16+$0xB40]  }
0x126: {  	v28 =	vld [tilespmem:s16+$0xBC0];
	v4 =	vmax.f32 v4, v24  }
0x127: {  	v29 =	vld [tilespmem:s16+$0x1040];
	v4 =	vmax.f32 v4, v25  }
0x128: {  	v30 =	vld [tilespmem:s16+$0x10C0];
	v4 =	vmax.f32 v4, v26  }
0x129: {  	v31 =	vld [tilespmem:s16+$0x1140];
	v4 =	vmax.f32 v4, v27  }
0x12a: {  	v4 =	vmax.f32 v4, v5;
	v5 =	vld [tilespmem:s16+$0x11C0]  }
0x12b: {  	v32 =	vld [tilespmem:s16+$0x1240];
	v4 =	vmax.f32 v4, v28  }
0x12c: {  	v33 =	vld [tilespmem:s16+$0x12C0];
	v4 =	vmax.f32 v4, v29  }
0x12d: {  	v34 =	vld [tilespmem:s16+$0x1340];
	v4 =	vmax.f32 v4, v30  }
0x12e: {  	v35 =	vld [tilespmem:s16+$0x13C0];
	v4 =	vmax.f32 v4, v31  }
0x12f: {  	v4 =	vmax.f32 v4, v5  }
0x130: {  	v4 =	vmax.f32 v4, v32  }
0x131: {  	v4 =	vmax.f32 v4, v33  }
0x132: {  	v4 =	vmax.f32 v4, v34  }
0x133: {  	v4 =	vmax.f32 v4, v35  }
0x134: {  	[tilespmem:v3+s17+$0x40 ss:$0x1] =	vst.idx.msk $0xffff, v4  }
0x135: {  	v4 =	vld [tilespmem:s16+$0x850]  }
0x136: {  	v5 =	vld [tilespmem:s16+$0x8D0]  }
0x137: {  	v36 =	vld [tilespmem:s16+$0x950]  }
0x138: {  	v37 =	vld [tilespmem:s16+$0x9D0]  }
0x139: {  	v38 =	vld [tilespmem:s16+$0xA50]  }
0x13a: {  	v39 =	vld [tilespmem:s16+$0xAD0]  }
0x13b: {  	v4 =	vmax.f32 v4, v5;
	v5 =	vld [tilespmem:s16+$0xB50]  }
0x13c: {  	v40 =	vld [tilespmem:s16+$0xBD0];
	v4 =	vmax.f32 v4, v36  }
0x13d: {  	v41 =	vld [tilespmem:s16+$0x1050];
	v4 =	vmax.f32 v4, v37  }
0x13e: {  	v42 =	vld [tilespmem:s16+$0x10D0];
	v4 =	vmax.f32 v4, v38  }
0x13f: {  	v43 =	vld [tilespmem:s16+$0x1150];
	v4 =	vmax.f32 v4, v39  }
0x140: {  	v4 =	vmax.f32 v4, v5;
	v5 =	vld [tilespmem:s16+$0x11D0]  }
0x141: {  	v44 =	vld [tilespmem:s16+$0x1250];
	v4 =	vmax.f32 v4, v40  }
0x142: {  	v45 =	vld [tilespmem:s16+$0x12D0];
	v4 =	vmax.f32 v4, v41  }
0x143: {  	v46 =	vld [tilespmem:s16+$0x1350];
	v4 =	vmax.f32 v4, v42  }
0x144: {  	v47 =	vld [tilespmem:s16+$0x13D0];
	v4 =	vmax.f32 v4, v43  }
0x145: {  	v4 =	vmax.f32 v4, v5  }
0x146: {  	v4 =	vmax.f32 v4, v44  }
0x147: {  	v4 =	vmax.f32 v4, v45  }
0x148: {  	v4 =	vmax.f32 v4, v46  }
0x149: {  	v4 =	vmax.f32 v4, v47  }
0x14a: {  	[tilespmem:v3+s17+$0x50 ss:$0x1] =	vst.idx.msk $0xffff, v4  }
0x14b: {  	v4 =	vld [tilespmem:s16+$0x860]  }
0x14c: {  	v5 =	vld [tilespmem:s16+$0x8E0]  }
0x14d: {  	v48 =	vld [tilespmem:s16+$0x960]  }
0x14e: {  	v49 =	vld [tilespmem:s16+$0x9E0]  }
0x14f: {  	v50 =	vld [tilespmem:s16+$0xA60]  }
0x150: {  	v51 =	vld [tilespmem:s16+$0xAE0]  }
0x151: {  	v4 =	vmax.f32 v4, v5;
	v5 =	vld [tilespmem:s16+$0xB60]  }
0x152: {  	v52 =	vld [tilespmem:s16+$0xBE0];
	v4 =	vmax.f32 v4, v48  }
0x153: {  	v53 =	vld [tilespmem:s16+$0x1060];
	v4 =	vmax.f32 v4, v49  }
0x154: {  	v54 =	vld [tilespmem:s16+$0x10E0];
	v4 =	vmax.f32 v4, v50  }
0x155: {  	v55 =	vld [tilespmem:s16+$0x1160];
	v4 =	vmax.f32 v4, v51  }
0x156: {  	v4 =	vmax.f32 v4, v5;
	v5 =	vld [tilespmem:s16+$0x11E0]  }
0x157: {  	v56 =	vld [tilespmem:s16+$0x1260];
	v4 =	vmax.f32 v4, v52  }
0x158: {  	v57 =	vld [tilespmem:s16+$0x12E0];
	v4 =	vmax.f32 v4, v53  }
0x159: {  	v58 =	vld [tilespmem:s16+$0x1360];
	v4 =	vmax.f32 v4, v54  }
0x15a: {  	v59 =	vld [tilespmem:s16+$0x13E0];
	v4 =	vmax.f32 v4, v55  }
0x15b: {  	v4 =	vmax.f32 v4, v5  }
0x15c: {  	v4 =	vmax.f32 v4, v56  }
0x15d: {  	v4 =	vmax.f32 v4, v57  }
0x15e: {  	v4 =	vmax.f32 v4, v58  }
0x15f: {  	v4 =	vmax.f32 v4, v59  }
0x160: {  	[tilespmem:v3+s17+$0x60 ss:$0x1] =	vst.idx.msk $0xffff, v4  }
0x161: {  	v4 =	vld [tilespmem:s16+$0x870]  }
0x162: {  	v5 =	vld [tilespmem:s16+$0x8F0]  }
0x163: {  	v60 =	vld [tilespmem:s16+$0x970]  }
0x164: {  	v61 =	vld [tilespmem:s16+$0x9F0]  }
0x165: {  	v62 =	vld [tilespmem:s16+$0xA70]  }
0x166: {  	v63 =	vld [tilespmem:s16+$0xAF0]  }
0x167: {  	v4 =	vmax.f32 v4, v5;
	v5 =	vld [tilespmem:s16+$0xB70]  }
0x168: {  	v12 =	vld [tilespmem:s16+$0xBF0];
	v4 =	vmax.f32 v4, v60  }
0x169: {  	v13 =	vld [tilespmem:s16+$0x1070];
	v4 =	vmax.f32 v4, v61  }
0x16a: {  	v14 =	vld [tilespmem:s16+$0x10F0];
	v4 =	vmax.f32 v4, v62  }
0x16b: {  	v15 =	vld [tilespmem:s16+$0x1170];
	v4 =	vmax.f32 v4, v63  }
0x16c: {  	v4 =	vmax.f32 v4, v5;
	v5 =	vld [tilespmem:s16+$0x11F0]  }
0x16d: {  	v16 =	vld [tilespmem:s16+$0x1270];
	v4 =	vmax.f32 v4, v12  }
0x16e: {  	v17 =	vld [tilespmem:s16+$0x12F0];
	v4 =	vmax.f32 v4, v13  }
0x16f: {  	v18 =	vld [tilespmem:s16+$0x1370];
	v4 =	vmax.f32 v4, v14  }
0x170: {  	v19 =	vld [tilespmem:s16+$0x13F0];
	v4 =	vmax.f32 v4, v15  }
0x171: {  	v4 =	vmax.f32 v4, v5  }
0x172: {  	v4 =	vmax.f32 v4, v16  }
0x173: {  	v4 =	vmax.f32 v4, v17  }
0x174: {  	v4 =	vmax.f32 v4, v18  }
0x175: {  	v4 =	vmax.f32 v4, v19  }
0x176: {  	[tilespmem:v3+s17+$0x70 ss:$0x1] =	vst.idx.msk $0xffff, v4  }
0x177: {  	v4 =	vld [tilespmem:s16+$0xC00]  }
0x178: {  	v5 =	vld [tilespmem:s16+$0xC80]  }
0x179: {  	v20 =	vld [tilespmem:s16+$0xD00]  }
0x17a: {  	v21 =	vld [tilespmem:s16+$0xD80]  }
0x17b: {  	v22 =	vld [tilespmem:s16+$0xE00]  }
0x17c: {  	v23 =	vld [tilespmem:s16+$0xE80]  }
0x17d: {  	v4 =	vmax.f32 v4, v5;
	v5 =	vld [tilespmem:s16+$0xF00]  }
0x17e: {  	v24 =	vld [tilespmem:s16+$0xF80];
	v4 =	vmax.f32 v4, v20  }
0x17f: {  	v25 =	vld [tilespmem:s16+$0x1400];
	v4 =	vmax.f32 v4, v21  }
0x180: {  	v26 =	vld [tilespmem:s16+$0x1480];
	v4 =	vmax.f32 v4, v22  }
0x181: {  	v27 =	vld [tilespmem:s16+$0x1500];
	v4 =	vmax.f32 v4, v23  }
0x182: {  	v4 =	vmax.f32 v4, v5;
	v5 =	vld [tilespmem:s16+$0x1580]  }
0x183: {  	v28 =	vld [tilespmem:s16+$0x1600];
	v4 =	vmax.f32 v4, v24  }
0x184: {  	v29 =	vld [tilespmem:s16+$0x1680];
	v4 =	vmax.f32 v4, v25  }
0x185: {  	v30 =	vld [tilespmem:s16+$0x1700];
	v4 =	vmax.f32 v4, v26  }
0x186: {  	v31 =	vld [tilespmem:s16+$0x1780];
	v4 =	vmax.f32 v4, v27  }
0x187: {  	v4 =	vmax.f32 v4, v5  }
0x188: {  	v4 =	vmax.f32 v4, v28  }
0x189: {  	v4 =	vmax.f32 v4, v29  }
0x18a: {  	v4 =	vmax.f32 v4, v30  }
0x18b: {  	v4 =	vmax.f32 v4, v31  }
0x18c: {  	[tilespmem:v3+s17+$0x400 ss:$0x1] =	vst.idx.msk $0xffff, v4  }
0x18d: {  	v4 =	vld [tilespmem:s16+$0xC10]  }
0x18e: {  	v5 =	vld [tilespmem:s16+$0xC90]  }
0x18f: {  	v32 =	vld [tilespmem:s16+$0xD10]  }
0x190: {  	v33 =	vld [tilespmem:s16+$0xD90]  }
0x191: {  	v34 =	vld [tilespmem:s16+$0xE10]  }
0x192: {  	v35 =	vld [tilespmem:s16+$0xE90]  }
0x193: {  	v4 =	vmax.f32 v4, v5;
	v5 =	vld [tilespmem:s16+$0xF10]  }
0x194: {  	v36 =	vld [tilespmem:s16+$0xF90];
	v4 =	vmax.f32 v4, v32  }
0x195: {  	v37 =	vld [tilespmem:s16+$0x1410];
	v4 =	vmax.f32 v4, v33  }
0x196: {  	v38 =	vld [tilespmem:s16+$0x1490];
	v4 =	vmax.f32 v4, v34  }
0x197: {  	v39 =	vld [tilespmem:s16+$0x1510];
	v4 =	vmax.f32 v4, v35  }
0x198: {  	v4 =	vmax.f32 v4, v5;
	v5 =	vld [tilespmem:s16+$0x1590]  }
0x199: {  	v40 =	vld [tilespmem:s16+$0x1610];
	v4 =	vmax.f32 v4, v36  }
0x19a: {  	v41 =	vld [tilespmem:s16+$0x1690];
	v4 =	vmax.f32 v4, v37  }
0x19b: {  	v42 =	vld [tilespmem:s16+$0x1710];
	v4 =	vmax.f32 v4, v38  }
0x19c: {  	v43 =	vld [tilespmem:s16+$0x1790];
	v4 =	vmax.f32 v4, v39  }
0x19d: {  	v4 =	vmax.f32 v4, v5  }
0x19e: {  	v4 =	vmax.f32 v4, v40  }
0x19f: {  	v4 =	vmax.f32 v4, v41  }
0x1a0: {  	v4 =	vmax.f32 v4, v42  }
0x1a1: {  	v4 =	vmax.f32 v4, v43  }
0x1a2: {  	[tilespmem:v3+s17+$0x410 ss:$0x1] =	vst.idx.msk $0xffff, v4  }
0x1a3: {  	v4 =	vld [tilespmem:s16+$0xC20]  }
0x1a4: {  	v5 =	vld [tilespmem:s16+$0xCA0]  }
0x1a5: {  	v44 =	vld [tilespmem:s16+$0xD20]  }
0x1a6: {  	v45 =	vld [tilespmem:s16+$0xDA0]  }
0x1a7: {  	v46 =	vld [tilespmem:s16+$0xE20]  }
0x1a8: {  	v47 =	vld [tilespmem:s16+$0xEA0]  }
0x1a9: {  	v4 =	vmax.f32 v4, v5;
	v5 =	vld [tilespmem:s16+$0xF20]  }
0x1aa: {  	v48 =	vld [tilespmem:s16+$0xFA0];
	v4 =	vmax.f32 v4, v44  }
0x1ab: {  	v49 =	vld [tilespmem:s16+$0x1420];
	v4 =	vmax.f32 v4, v45  }
0x1ac: {  	v50 =	vld [tilespmem:s16+$0x14A0];
	v4 =	vmax.f32 v4, v46  }
0x1ad: {  	v51 =	vld [tilespmem:s16+$0x1520];
	v4 =	vmax.f32 v4, v47  }
0x1ae: {  	v4 =	vmax.f32 v4, v5;
	v5 =	vld [tilespmem:s16+$0x15A0]  }
0x1af: {  	v52 =	vld [tilespmem:s16+$0x1620];
	v4 =	vmax.f32 v4, v48  }
0x1b0: {  	v53 =	vld [tilespmem:s16+$0x16A0];
	v4 =	vmax.f32 v4, v49  }
0x1b1: {  	v54 =	vld [tilespmem:s16+$0x1720];
	v4 =	vmax.f32 v4, v50  }
0x1b2: {  	v55 =	vld [tilespmem:s16+$0x17A0];
	v4 =	vmax.f32 v4, v51  }
0x1b3: {  	v4 =	vmax.f32 v4, v5  }
0x1b4: {  	v4 =	vmax.f32 v4, v52  }
0x1b5: {  	v4 =	vmax.f32 v4, v53  }
0x1b6: {  	v4 =	vmax.f32 v4, v54  }
0x1b7: {  	v4 =	vmax.f32 v4, v55  }
0x1b8: {  	[tilespmem:v3+s17+$0x420 ss:$0x1] =	vst.idx.msk $0xffff, v4  }
0x1b9: {  	v4 =	vld [tilespmem:s16+$0xC30]  }
0x1ba: {  	v5 =	vld [tilespmem:s16+$0xCB0]  }
0x1bb: {  	v56 =	vld [tilespmem:s16+$0xD30]  }
0x1bc: {  	v57 =	vld [tilespmem:s16+$0xDB0]  }
0x1bd: {  	v58 =	vld [tilespmem:s16+$0xE30]  }
0x1be: {  	v59 =	vld [tilespmem:s16+$0xEB0]  }
0x1bf: {  	v4 =	vmax.f32 v4, v5;
	v5 =	vld [tilespmem:s16+$0xF30]  }
0x1c0: {  	v60 =	vld [tilespmem:s16+$0xFB0];
	v4 =	vmax.f32 v4, v56  }
0x1c1: {  	v61 =	vld [tilespmem:s16+$0x1430];
	v4 =	vmax.f32 v4, v57  }
0x1c2: {  	v62 =	vld [tilespmem:s16+$0x14B0];
	v4 =	vmax.f32 v4, v58  }
0x1c3: {  	v63 =	vld [tilespmem:s16+$0x1530];
	v4 =	vmax.f32 v4, v59  }
0x1c4: {  	v4 =	vmax.f32 v4, v5;
	v5 =	vld [tilespmem:s16+$0x15B0]  }
0x1c5: {  	v12 =	vld [tilespmem:s16+$0x1630];
	v4 =	vmax.f32 v4, v60  }
0x1c6: {  	v13 =	vld [tilespmem:s16+$0x16B0];
	v4 =	vmax.f32 v4, v61  }
0x1c7: {  	v14 =	vld [tilespmem:s16+$0x1730];
	v4 =	vmax.f32 v4, v62  }
0x1c8: {  	v15 =	vld [tilespmem:s16+$0x17B0];
	v4 =	vmax.f32 v4, v63  }
0x1c9: {  	v4 =	vmax.f32 v4, v5  }
0x1ca: {  	v4 =	vmax.f32 v4, v12  }
0x1cb: {  	v4 =	vmax.f32 v4, v13  }
0x1cc: {  	v4 =	vmax.f32 v4, v14  }
0x1cd: {  	v4 =	vmax.f32 v4, v15  }
0x1ce: {  	[tilespmem:v3+s17+$0x430 ss:$0x1] =	vst.idx.msk $0xffff, v4  }
0x1cf: {  	v4 =	vld [tilespmem:s16+$0xC40]  }
0x1d0: {  	v5 =	vld [tilespmem:s16+$0xCC0]  }
0x1d1: {  	v16 =	vld [tilespmem:s16+$0xD40]  }
0x1d2: {  	v17 =	vld [tilespmem:s16+$0xDC0]  }
0x1d3: {  	v18 =	vld [tilespmem:s16+$0xE40]  }
0x1d4: {  	v19 =	vld [tilespmem:s16+$0xEC0]  }
0x1d5: {  	v4 =	vmax.f32 v4, v5;
	v5 =	vld [tilespmem:s16+$0xF40]  }
0x1d6: {  	v20 =	vld [tilespmem:s16+$0xFC0];
	v4 =	vmax.f32 v4, v16  }
0x1d7: {  	v21 =	vld [tilespmem:s16+$0x1440];
	v4 =	vmax.f32 v4, v17  }
0x1d8: {  	v22 =	vld [tilespmem:s16+$0x14C0];
	v4 =	vmax.f32 v4, v18  }
0x1d9: {  	v23 =	vld [tilespmem:s16+$0x1540];
	v4 =	vmax.f32 v4, v19  }
0x1da: {  	v4 =	vmax.f32 v4, v5;
	v5 =	vld [tilespmem:s16+$0x15C0]  }
0x1db: {  	v24 =	vld [tilespmem:s16+$0x1640];
	v4 =	vmax.f32 v4, v20  }
0x1dc: {  	v25 =	vld [tilespmem:s16+$0x16C0];
	v4 =	vmax.f32 v4, v21  }
0x1dd: {  	v26 =	vld [tilespmem:s16+$0x1740];
	v4 =	vmax.f32 v4, v22  }
0x1de: {  	v27 =	vld [tilespmem:s16+$0x17C0];
	v4 =	vmax.f32 v4, v23  }
0x1df: {  	v4 =	vmax.f32 v4, v5  }
0x1e0: {  	v4 =	vmax.f32 v4, v24  }
0x1e1: {  	v4 =	vmax.f32 v4, v25  }
0x1e2: {  	v4 =	vmax.f32 v4, v26  }
0x1e3: {  	v4 =	vmax.f32 v4, v27  }
0x1e4: {  	[tilespmem:v3+s17+$0x440 ss:$0x1] =	vst.idx.msk $0xffff, v4  }
0x1e5: {  	v4 =	vld [tilespmem:s16+$0xC50]  }
0x1e6: {  	v5 =	vld [tilespmem:s16+$0xCD0]  }
0x1e7: {  	v28 =	vld [tilespmem:s16+$0xD50]  }
0x1e8: {  	v29 =	vld [tilespmem:s16+$0xDD0]  }
0x1e9: {  	v30 =	vld [tilespmem:s16+$0xE50]  }
0x1ea: {  	v31 =	vld [tilespmem:s16+$0xED0]  }
0x1eb: {  	v4 =	vmax.f32 v4, v5;
	v5 =	vld [tilespmem:s16+$0xF50]  }
0x1ec: {  	v32 =	vld [tilespmem:s16+$0xFD0];
	v4 =	vmax.f32 v4, v28  }
0x1ed: {  	v33 =	vld [tilespmem:s16+$0x1450];
	v4 =	vmax.f32 v4, v29  }
0x1ee: {  	v34 =	vld [tilespmem:s16+$0x14D0];
	v4 =	vmax.f32 v4, v30  }
0x1ef: {  	v35 =	vld [tilespmem:s16+$0x1550];
	v4 =	vmax.f32 v4, v31  }
0x1f0: {  	v4 =	vmax.f32 v4, v5;
	v5 =	vld [tilespmem:s16+$0x15D0]  }
0x1f1: {  	v36 =	vld [tilespmem:s16+$0x1650];
	v4 =	vmax.f32 v4, v32  }
0x1f2: {  	v37 =	vld [tilespmem:s16+$0x16D0];
	v4 =	vmax.f32 v4, v33  }
0x1f3: {  	v38 =	vld [tilespmem:s16+$0x1750];
	v4 =	vmax.f32 v4, v34  }
0x1f4: {  	v39 =	vld [tilespmem:s16+$0x17D0];
	v4 =	vmax.f32 v4, v35  }
0x1f5: {  	v4 =	vmax.f32 v4, v5  }
0x1f6: {  	v4 =	vmax.f32 v4, v36  }
0x1f7: {  	v4 =	vmax.f32 v4, v37  }
0x1f8: {  	v4 =	vmax.f32 v4, v38  }
0x1f9: {  	v4 =	vmax.f32 v4, v39  }
0x1fa: {  	[tilespmem:v3+s17+$0x450 ss:$0x1] =	vst.idx.msk $0xffff, v4  }
0x1fb: {  	v4 =	vld [tilespmem:s16+$0xC60]  }
0x1fc: {  	v5 =	vld [tilespmem:s16+$0xCE0]  }
0x1fd: {  	v40 =	vld [tilespmem:s16+$0xD60]  }
0x1fe: {  	v41 =	vld [tilespmem:s16+$0xDE0]  }
0x1ff: {  	v42 =	vld [tilespmem:s16+$0xE60]  }
0x200: {  	v43 =	vld [tilespmem:s16+$0xEE0]  }
0x201: {  	v4 =	vmax.f32 v4, v5;
	v5 =	vld [tilespmem:s16+$0xF60]  }
0x202: {  	v44 =	vld [tilespmem:s16+$0xFE0];
	v4 =	vmax.f32 v4, v40  }
0x203: {  	v45 =	vld [tilespmem:s16+$0x1460];
	v4 =	vmax.f32 v4, v41  }
0x204: {  	v46 =	vld [tilespmem:s16+$0x14E0];
	v4 =	vmax.f32 v4, v42  }
0x205: {  	v47 =	vld [tilespmem:s16+$0x1560];
	v4 =	vmax.f32 v4, v43  }
0x206: {  	v4 =	vmax.f32 v4, v5;
	v5 =	vld [tilespmem:s16+$0x15E0]  }
0x207: {  	v48 =	vld [tilespmem:s16+$0x1660];
	v4 =	vmax.f32 v4, v44  }
0x208: {  	v49 =	vld [tilespmem:s16+$0x16E0];
	v4 =	vmax.f32 v4, v45  }
0x209: {  	v50 =	vld [tilespmem:s16+$0x1760];
	v4 =	vmax.f32 v4, v46  }
0x20a: {  	v51 =	vld [tilespmem:s16+$0x17E0];
	v4 =	vmax.f32 v4, v47  }
0x20b: {  	v4 =	vmax.f32 v4, v5  }
0x20c: {  	v4 =	vmax.f32 v4, v48  }
0x20d: {  	v4 =	vmax.f32 v4, v49  }
0x20e: {  	v4 =	vmax.f32 v4, v50  }
0x20f: {  	v4 =	vmax.f32 v4, v51  }
0x210: {  	[tilespmem:v3+s17+$0x460 ss:$0x1] =	vst.idx.msk $0xffff, v4  }
0x211: {  	v4 =	vld [tilespmem:s16+$0xC70]  }
0x212: {  	v5 =	vld [tilespmem:s16+$0xCF0]  }
0x213: {  	v52 =	vld [tilespmem:s16+$0xD70]  }
0x214: {  	v53 =	vld [tilespmem:s16+$0xDF0]  }
0x215: {  	v54 =	vld [tilespmem:s16+$0xE70]  }
0x216: {  	v55 =	vld [tilespmem:s16+$0xEF0]  }
0x217: {  	v4 =	vmax.f32 v4, v5;
	v5 =	vld [tilespmem:s16+$0xF70]  }
0x218: {  	v56 =	vld [tilespmem:s16+$0xFF0];
	v4 =	vmax.f32 v4, v52  }
0x219: {  	v57 =	vld [tilespmem:s16+$0x1470];
	v4 =	vmax.f32 v4, v53  }
0x21a: {  	v58 =	vld [tilespmem:s16+$0x14F0];
	v4 =	vmax.f32 v4, v54  }
0x21b: {  	v59 =	vld [tilespmem:s16+$0x1570];
	v4 =	vmax.f32 v4, v55  }
0x21c: {  	v4 =	vmax.f32 v4, v5;
	v5 =	vld [tilespmem:s16+$0x15F0]  }
0x21d: {  	v60 =	vld [tilespmem:s16+$0x1670];
	v4 =	vmax.f32 v4, v56  }
0x21e: {  	v61 =	vld [tilespmem:s16+$0x16F0];
	v4 =	vmax.f32 v4, v57  }
0x21f: {  	v62 =	vld [tilespmem:s16+$0x1770];
	v4 =	vmax.f32 v4, v58  }
0x220: {  	v63 =	vld [tilespmem:s16+$0x17F0];
	v4 =	vmax.f32 v4, v59  }
0x221: {  	p0 =	sne.s32 s15, $0x7;
	v4 =	vmax.f32 v4, v5  }
.Ltmp0:
0x222: {  	v4 =	vmax.f32 v4, v60;
	(pc) =	sbr.rel @p0 .LBB2_3-.Ltmp0, $4  }
0x223: {  	v4 =	vmax.f32 v4, v61  }
0x224: {  	v4 =	vmax.f32 v4, v62  }
0x225: {  	v4 =	vmax.f32 v4, v63  }
0x226: {  	s15 =	sadd.s32 $0x1, s15;
	[tilespmem:v3+s17+$0x470 ss:$0x1] =	vst.idx.msk $0xffff, v4  }
0x227: {  	p0 =	seq.s32 s13, $0x7  }
.Ltmp1:
0x228: {  	_ = 	snop;
	(pc) =	sbr.rel @p0 .LBB2_6-.Ltmp1, $1  }
0x229: {  	_ =	sdelay $0x3  }
0x22a: {  	s15 =	sshll.u32 s13, $0x8  }
0x22b: {  	s15 =	sand.u32 $0x3FFFFF00, s15  }
0x22c: {  	v3 =	vld [tilespmem:s15+$0x100];
	_ =	sdelay $0x4  }
0x22d: {  	v4 =	vshll.u32 v3, $0x1  }
0x22e: {  	v3 =	vand.u32 $0x7, v3;
	v4 =	vand.u32 $0xFFFFFFF0, v4  }
0x22f: {  	v3 =	vor.u32 v3, v4  }
0x230: {  	v4 =	vperm.xlane v3, v0;
	_ =	sdelay $0x1  }
0x231: {  	v3 =	vperm.xlane v3, v2;
	v4 =	vadd.s32 v1, v4;
	_ =	sdelay $0x1  }
0x232: {  	v3 =	vadd.s32 v1, v3;
	_ =	sdelay $0x1  }
0x233: {  	s16 =	simm.s32 $0x800  }
0x234: {  	[tilespmem:s16], [sflag:$0x1] =	stream.indirect_vreg.gather [hbm4b:s1+s3], $0x80, v4, vm0, $0xb8;
	[tilespmem:$0x18800] =	vst v63  }
0x235: {  	s17 =	simm.s32 $0x1000  }
0x236: {  	[tilespmem:s17], [sflag:$0x1] =	stream.indirect_vreg.gather [hbm4b:s1+s3], $0x80, v3, vm0, $0xb8;
	[tilespmem:$0x18800] =	vst v63  }
0x237: {  	v3 =	vld [tilespmem:s15+$0x110];
	_ =	sdelay $0x4  }
0x238: {  	v57 =	vshll.u32 v3, $0x1  }
0x239: {  	v3 =	vand.u32 $0x7, v3;
	v4 =	vand.u32 $0xFFFFFFF0, v57  }
0x23a: {  	v3 =	vor.u32 v3, v4  }
0x23b: {  	v4 =	vperm.xlane v3, v0;
	_ =	sdelay $0x1  }
0x23c: {  	v3 =	vperm.xlane v3, v2;
	v4 =	vadd.s32 v1, v4;
	_ =	sdelay $0x1  }
0x23d: {  	v3 =	vadd.s32 v1, v3;
	_ =	sdelay $0x1  }
0x23e: {  	s17 =	simm.s32 $0x1800  }
0x23f: {  	[tilespmem:s17], [sflag:$0x1] =	stream.indirect_vreg.gather [hbm4b:s1+s3], $0x80, v4, vm0, $0xb8;
	[tilespmem:$0x18800] =	vst v63  }
0x240: {  	s17 =	simm.s32 $0x2000  }
0x241: {  	[tilespmem:s17], [sflag:$0x1] =	stream.indirect_vreg.gather [hbm4b:s1+s3], $0x80, v3, vm0, $0xb8;
	[tilespmem:$0x18800] =	vst v63  }
0x242: {  	v3 =	vld [tilespmem:s15+$0x120];
	_ =	sdelay $0x4  }
0x243: {  	v58 =	vshll.u32 v3, $0x1  }
0x244: {  	v3 =	vand.u32 $0x7, v3;
	v4 =	vand.u32 $0xFFFFFFF0, v58  }
0x245: {  	v3 =	vor.u32 v3, v4  }
0x246: {  	v4 =	vperm.xlane v3, v0;
	_ =	sdelay $0x1  }
0x247: {  	v3 =	vperm.xlane v3, v2;
	v4 =	vadd.s32 v1, v4;
	_ =	sdelay $0x1  }
0x248: {  	v3 =	vadd.s32 v1, v3;
	_ =	sdelay $0x1  }
0x249: {  	s17 =	simm.s32 $0x2800  }
0x24a: {  	[tilespmem:s17], [sflag:$0x1] =	stream.indirect_vreg.gather [hbm4b:s1+s3], $0x80, v4, vm0, $0xb8;
	[tilespmem:$0x18800] =	vst v63  }
0x24b: {  	s17 =	simm.s32 $0x3000  }
0x24c: {  	[tilespmem:s17], [sflag:$0x1] =	stream.indirect_vreg.gather [hbm4b:s1+s3], $0x80, v3, vm0, $0xb8;
	[tilespmem:$0x18800] =	vst v63  }
0x24d: {  	v3 =	vld [tilespmem:s15+$0x130];
	_ =	sdelay $0x4  }
0x24e: {  	v59 =	vshll.u32 v3, $0x1  }
0x24f: {  	v3 =	vand.u32 $0x7, v3;
	v4 =	vand.u32 $0xFFFFFFF0, v59  }
0x250: {  	v3 =	vor.u32 v3, v4  }
0x251: {  	v4 =	vperm.xlane v3, v0;
	_ =	sdelay $0x1  }
0x252: {  	v3 =	vperm.xlane v3, v2;
	v4 =	vadd.s32 v1, v4;
	_ =	sdelay $0x1  }
0x253: {  	v3 =	vadd.s32 v1, v3;
	_ =	sdelay $0x1  }
0x254: {  	s17 =	simm.s32 $0x3800  }
0x255: {  	[tilespmem:s17], [sflag:$0x1] =	stream.indirect_vreg.gather [hbm4b:s1+s3], $0x80, v4, vm0, $0xb8;
	[tilespmem:$0x18800] =	vst v63  }
0x256: {  	s17 =	simm.s32 $0x4000  }
0x257: {  	[tilespmem:s17], [sflag:$0x1] =	stream.indirect_vreg.gather [hbm4b:s1+s3], $0x80, v3, vm0, $0xb8;
	[tilespmem:$0x18800] =	vst v63  }
0x258: {  	v3 =	vld [tilespmem:s15+$0x140];
	_ =	sdelay $0x4  }
0x259: {  	v60 =	vshll.u32 v3, $0x1  }
0x25a: {  	v3 =	vand.u32 $0x7, v3;
	v4 =	vand.u32 $0xFFFFFFF0, v60  }
0x25b: {  	v3 =	vor.u32 v3, v4  }
0x25c: {  	v4 =	vperm.xlane v3, v0;
	_ =	sdelay $0x1  }
0x25d: {  	v3 =	vperm.xlane v3, v2;
	v4 =	vadd.s32 v1, v4;
	_ =	sdelay $0x1  }
0x25e: {  	v3 =	vadd.s32 v1, v3;
	_ =	sdelay $0x1  }
0x25f: {  	s17 =	simm.s32 $0x4800  }
0x260: {  	[tilespmem:s17], [sflag:$0x1] =	stream.indirect_vreg.gather [hbm4b:s1+s3], $0x80, v4, vm0, $0xb8;
	[tilespmem:$0x18800] =	vst v63  }
0x261: {  	s17 =	simm.s32 $0x5000  }
0x262: {  	[tilespmem:s17], [sflag:$0x1] =	stream.indirect_vreg.gather [hbm4b:s1+s3], $0x80, v3, vm0, $0xb8;
	[tilespmem:$0x18800] =	vst v63  }
0x263: {  	v3 =	vld [tilespmem:s15+$0x150];
	_ =	sdelay $0x4  }
0x264: {  	v61 =	vshll.u32 v3, $0x1  }
0x265: {  	v3 =	vand.u32 $0x7, v3;
	v4 =	vand.u32 $0xFFFFFFF0, v61  }
0x266: {  	v3 =	vor.u32 v3, v4  }
0x267: {  	v4 =	vperm.xlane v3, v0;
	_ =	sdelay $0x1  }
0x268: {  	v3 =	vperm.xlane v3, v2;
	v4 =	vadd.s32 v1, v4;
	_ =	sdelay $0x1  }
0x269: {  	v3 =	vadd.s32 v1, v3;
	_ =	sdelay $0x2  }
0x26a: {  	[tilespmem:s18], [sflag:$0x1] =	stream.indirect_vreg.gather [hbm4b:s1+s3], $0x80, v4, vm0, $0xb8;
	[tilespmem:$0x18800] =	vst v63  }
0x26b: {  	_ = 	snop  }
0x26c: {  	[tilespmem:s19], [sflag:$0x1] =	stream.indirect_vreg.gather [hbm4b:s1+s3], $0x80, v3, vm0, $0xb8;
	[tilespmem:$0x18800] =	vst v63  }
0x26d: {  	v3 =	vld [tilespmem:s15+$0x160];
	_ =	sdelay $0x4  }
0x26e: {  	v62 =	vshll.u32 v3, $0x1  }
0x26f: {  	v3 =	vand.u32 $0x7, v3;
	v4 =	vand.u32 $0xFFFFFFF0, v62  }
0x270: {  	v3 =	vor.u32 v3, v4  }
0x271: {  	v4 =	vperm.xlane v3, v0;
	_ =	sdelay $0x1  }
0x272: {  	v3 =	vperm.xlane v3, v2;
	v4 =	vadd.s32 v1, v4;
	_ =	sdelay $0x1  }
0x273: {  	v3 =	vadd.s32 v1, v3;
	_ =	sdelay $0x2  }
0x274: {  	[tilespmem:s20], [sflag:$0x1] =	stream.indirect_vreg.gather [hbm4b:s1+s3], $0x80, v4, vm0, $0xb8;
	[tilespmem:$0x18800] =	vst v63  }
0x275: {  	_ = 	snop  }
0x276: {  	[tilespmem:s21], [sflag:$0x1] =	stream.indirect_vreg.gather [hbm4b:s1+s3], $0x80, v3, vm0, $0xb8;
	[tilespmem:$0x18800] =	vst v63  }
0x277: {  	v3 =	vld [tilespmem:s15+$0x170];
	_ =	sdelay $0x4  }
0x278: {  	v63 =	vshll.u32 v3, $0x1  }
0x279: {  	v3 =	vand.u32 $0x7, v3;
	v4 =	vand.u32 $0xFFFFFFF0, v63  }
0x27a: {  	v3 =	vor.u32 v3, v4  }
0x27b: {  	v4 =	vperm.xlane v3, v0;
	_ =	sdelay $0x1  }
0x27c: {  	v3 =	vperm.xlane v3, v2;
	v4 =	vadd.s32 v1, v4;
	_ =	sdelay $0x1  }
0x27d: {  	v3 =	vadd.s32 v1, v3;
	_ =	sdelay $0x2  }
0x27e: {  	[tilespmem:s22], [sflag:$0x1] =	stream.indirect_vreg.gather [hbm4b:s1+s3], $0x80, v4, vm0, $0xb8;
	[tilespmem:$0x18800] =	vst v63  }
0x27f: {  	_ = 	snop  }
0x280: {  	[tilespmem:s23], [sflag:$0x1] =	stream.indirect_vreg.gather [hbm4b:s1+s3], $0x80, v3, vm0, $0xb8;
	[tilespmem:$0x18800] =	vst v63  }
.LBB2_6:
0x281: {  	s14 =	sshll.u32 s14, $0xB  }
0x282: {  	_ =	swait.ge [sflag:s12], $0x8000;
	s14 =	sand.u32 $0x3FFFF800, s14  }
0x283: {  	[sflag:s12] =	ssyncset.done $0x0;
	s15 =	sadd.s32 $0x10800, s14  }
0x284: {  	[sflag:s12] =	ssyncadd.s32 $0xFFFF8000;
	s14 =	simm.s32 $0x0;
	v3 =	vmov s15  }
.LBB2_7:
0x285: {  	s15 =	sshll.u32 s14, $0xC  }
0x286: {  	s15 =	sand.u32 $0x3FFFF000, s15  }
0x287: {  	v4 =	vld [tilespmem:s15+$0x8800]  }
0x288: {  	v5 =	vld [tilespmem:s15+$0x8880]  }
0x289: {  	v6 =	vld [tilespmem:s15+$0x8900]  }
0x28a: {  	v7 =	vld [tilespmem:s15+$0x8980]  }
0x28b: {  	v8 =	vld [tilespmem:s15+$0x8A00]  }
0x28c: {  	v9 =	vld [tilespmem:s15+$0x8A80]  }
0x28d: {  	v4 =	vmax.f32 v4, v5;
	v5 =	vld [tilespmem:s15+$0x8B00]  }
0x28e: {  	v32 =	vld [tilespmem:s15+$0x8B80];
	v4 =	vmax.f32 v4, v6  }
0x28f: {  	v33 =	vld [tilespmem:s15+$0x9000];
	v4 =	vmax.f32 v4, v7  }
0x290: {  	v34 =	vld [tilespmem:s15+$0x9080];
	v4 =	vmax.f32 v4, v8  }
0x291: {  	v35 =	vld [tilespmem:s15+$0x9100];
	v4 =	vmax.f32 v4, v9  }
0x292: {  	v4 =	vmax.f32 v4, v5;
	v5 =	vld [tilespmem:s15+$0x9180]  }
0x293: {  	v36 =	vld [tilespmem:s15+$0x9200];
	v4 =	vmax.f32 v4, v32  }
0x294: {  	v37 =	vld [tilespmem:s15+$0x9280];
	v4 =	vmax.f32 v4, v33  }
0x295: {  	v38 =	vld [tilespmem:s15+$0x9300];
	v4 =	vmax.f32 v4, v34  }
0x296: {  	v39 =	vld [tilespmem:s15+$0x9380];
	v4 =	vmax.f32 v4, v35  }
0x297: {  	v4 =	vmax.f32 v4, v5  }
0x298: {  	v4 =	vmax.f32 v4, v36  }
0x299: {  	v4 =	vmax.f32 v4, v37  }
0x29a: {  	s16 =	sshll.u32 s14, $0x7;
	v4 =	vmax.f32 v4, v38  }
0x29b: {  	s16 =	sand.u32 $0x3FFFFF80, s16;
	v4 =	vmax.f32 v4, v39  }
0x29c: {  	[tilespmem:v3+s16+$0x0 ss:$0x1] =	vst.idx.msk $0xffff, v4  }
0x29d: {  	v4 =	vld [tilespmem:s15+$0x8810]  }
0x29e: {  	v5 =	vld [tilespmem:s15+$0x8890]  }
0x29f: {  	v40 =	vld [tilespmem:s15+$0x8910]  }
0x2a0: {  	v41 =	vld [tilespmem:s15+$0x8990]  }
0x2a1: {  	v42 =	vld [tilespmem:s15+$0x8A10]  }
0x2a2: {  	v43 =	vld [tilespmem:s15+$0x8A90]  }
0x2a3: {  	v4 =	vmax.f32 v4, v5;
	v5 =	vld [tilespmem:s15+$0x8B10]  }
0x2a4: {  	v44 =	vld [tilespmem:s15+$0x8B90];
	v4 =	vmax.f32 v4, v40  }
0x2a5: {  	v45 =	vld [tilespmem:s15+$0x9010];
	v4 =	vmax.f32 v4, v41  }
0x2a6: {  	v46 =	vld [tilespmem:s15+$0x9090];
	v4 =	vmax.f32 v4, v42  }
0x2a7: {  	v47 =	vld [tilespmem:s15+$0x9110];
	v4 =	vmax.f32 v4, v43  }
0x2a8: {  	v4 =	vmax.f32 v4, v5;
	v5 =	vld [tilespmem:s15+$0x9190]  }
0x2a9: {  	v48 =	vld [tilespmem:s15+$0x9210];
	v4 =	vmax.f32 v4, v44  }
0x2aa: {  	v49 =	vld [tilespmem:s15+$0x9290];
	v4 =	vmax.f32 v4, v45  }
0x2ab: {  	v50 =	vld [tilespmem:s15+$0x9310];
	v4 =	vmax.f32 v4, v46  }
0x2ac: {  	v51 =	vld [tilespmem:s15+$0x9390];
	v4 =	vmax.f32 v4, v47  }
0x2ad: {  	v4 =	vmax.f32 v4, v5  }
0x2ae: {  	v4 =	vmax.f32 v4, v48  }
0x2af: {  	v4 =	vmax.f32 v4, v49  }
0x2b0: {  	v4 =	vmax.f32 v4, v50  }
0x2b1: {  	v4 =	vmax.f32 v4, v51  }
0x2b2: {  	[tilespmem:v3+s16+$0x10 ss:$0x1] =	vst.idx.msk $0xffff, v4  }
0x2b3: {  	v4 =	vld [tilespmem:s15+$0x8820]  }
0x2b4: {  	v5 =	vld [tilespmem:s15+$0x88A0]  }
0x2b5: {  	v52 =	vld [tilespmem:s15+$0x8920]  }
0x2b6: {  	v53 =	vld [tilespmem:s15+$0x89A0]  }
0x2b7: {  	v54 =	vld [tilespmem:s15+$0x8A20]  }
0x2b8: {  	v55 =	vld [tilespmem:s15+$0x8AA0]  }
0x2b9: {  	v4 =	vmax.f32 v4, v5;
	v5 =	vld [tilespmem:s15+$0x8B20]  }
0x2ba: {  	v56 =	vld [tilespmem:s15+$0x8BA0];
	v4 =	vmax.f32 v4, v52  }
0x2bb: {  	v57 =	vld [tilespmem:s15+$0x9020];
	v4 =	vmax.f32 v4, v53  }
0x2bc: {  	v58 =	vld [tilespmem:s15+$0x90A0];
	v4 =	vmax.f32 v4, v54  }
0x2bd: {  	v59 =	vld [tilespmem:s15+$0x9120];
	v4 =	vmax.f32 v4, v55  }
0x2be: {  	v4 =	vmax.f32 v4, v5;
	v5 =	vld [tilespmem:s15+$0x91A0]  }
0x2bf: {  	v60 =	vld [tilespmem:s15+$0x9220];
	v4 =	vmax.f32 v4, v56  }
0x2c0: {  	v61 =	vld [tilespmem:s15+$0x92A0];
	v4 =	vmax.f32 v4, v57  }
0x2c1: {  	v62 =	vld [tilespmem:s15+$0x9320];
	v4 =	vmax.f32 v4, v58  }
0x2c2: {  	v63 =	vld [tilespmem:s15+$0x93A0];
	v4 =	vmax.f32 v4, v59  }
0x2c3: {  	v4 =	vmax.f32 v4, v5  }
0x2c4: {  	v4 =	vmax.f32 v4, v60  }
0x2c5: {  	v4 =	vmax.f32 v4, v61  }
0x2c6: {  	v4 =	vmax.f32 v4, v62  }
0x2c7: {  	v4 =	vmax.f32 v4, v63  }
0x2c8: {  	[tilespmem:v3+s16+$0x20 ss:$0x1] =	vst.idx.msk $0xffff, v4  }
0x2c9: {  	v4 =	vld [tilespmem:s15+$0x8830]  }
0x2ca: {  	v5 =	vld [tilespmem:s15+$0x88B0]  }
0x2cb: {  	v12 =	vld [tilespmem:s15+$0x8930]  }
0x2cc: {  	v13 =	vld [tilespmem:s15+$0x89B0]  }
0x2cd: {  	v14 =	vld [tilespmem:s15+$0x8A30]  }
0x2ce: {  	v15 =	vld [tilespmem:s15+$0x8AB0]  }
0x2cf: {  	v4 =	vmax.f32 v4, v5;
	v5 =	vld [tilespmem:s15+$0x8B30]  }
0x2d0: {  	v16 =	vld [tilespmem:s15+$0x8BB0];
	v4 =	vmax.f32 v4, v12  }
0x2d1: {  	v17 =	vld [tilespmem:s15+$0x9030];
	v4 =	vmax.f32 v4, v13  }
0x2d2: {  	v18 =	vld [tilespmem:s15+$0x90B0];
	v4 =	vmax.f32 v4, v14  }
0x2d3: {  	v19 =	vld [tilespmem:s15+$0x9130];
	v4 =	vmax.f32 v4, v15  }
0x2d4: {  	v4 =	vmax.f32 v4, v5;
	v5 =	vld [tilespmem:s15+$0x91B0]  }
0x2d5: {  	v20 =	vld [tilespmem:s15+$0x9230];
	v4 =	vmax.f32 v4, v16  }
0x2d6: {  	v21 =	vld [tilespmem:s15+$0x92B0];
	v4 =	vmax.f32 v4, v17  }
0x2d7: {  	v22 =	vld [tilespmem:s15+$0x9330];
	v4 =	vmax.f32 v4, v18  }
0x2d8: {  	v23 =	vld [tilespmem:s15+$0x93B0];
	v4 =	vmax.f32 v4, v19  }
0x2d9: {  	v4 =	vmax.f32 v4, v5  }
0x2da: {  	v4 =	vmax.f32 v4, v20  }
0x2db: {  	v4 =	vmax.f32 v4, v21  }
0x2dc: {  	v4 =	vmax.f32 v4, v22  }
0x2dd: {  	v4 =	vmax.f32 v4, v23  }
0x2de: {  	[tilespmem:v3+s16+$0x30 ss:$0x1] =	vst.idx.msk $0xffff, v4  }
0x2df: {  	v4 =	vld [tilespmem:s15+$0x8840]  }
0x2e0: {  	v5 =	vld [tilespmem:s15+$0x88C0]  }
0x2e1: {  	v24 =	vld [tilespmem:s15+$0x8940]  }
0x2e2: {  	v25 =	vld [tilespmem:s15+$0x89C0]  }
0x2e3: {  	v26 =	vld [tilespmem:s15+$0x8A40]  }
0x2e4: {  	v27 =	vld [tilespmem:s15+$0x8AC0]  }
0x2e5: {  	v4 =	vmax.f32 v4, v5;
	v5 =	vld [tilespmem:s15+$0x8B40]  }
0x2e6: {  	v28 =	vld [tilespmem:s15+$0x8BC0];
	v4 =	vmax.f32 v4, v24  }
0x2e7: {  	v29 =	vld [tilespmem:s15+$0x9040];
	v4 =	vmax.f32 v4, v25  }
0x2e8: {  	v30 =	vld [tilespmem:s15+$0x90C0];
	v4 =	vmax.f32 v4, v26  }
0x2e9: {  	v31 =	vld [tilespmem:s15+$0x9140];
	v4 =	vmax.f32 v4, v27  }
0x2ea: {  	v4 =	vmax.f32 v4, v5;
	v5 =	vld [tilespmem:s15+$0x91C0]  }
0x2eb: {  	v32 =	vld [tilespmem:s15+$0x9240];
	v4 =	vmax.f32 v4, v28  }
0x2ec: {  	v33 =	vld [tilespmem:s15+$0x92C0];
	v4 =	vmax.f32 v4, v29  }
0x2ed: {  	v34 =	vld [tilespmem:s15+$0x9340];
	v4 =	vmax.f32 v4, v30  }
0x2ee: {  	v35 =	vld [tilespmem:s15+$0x93C0];
	v4 =	vmax.f32 v4, v31  }
0x2ef: {  	v4 =	vmax.f32 v4, v5  }
0x2f0: {  	v4 =	vmax.f32 v4, v32  }
0x2f1: {  	v4 =	vmax.f32 v4, v33  }
0x2f2: {  	v4 =	vmax.f32 v4, v34  }
0x2f3: {  	v4 =	vmax.f32 v4, v35  }
0x2f4: {  	[tilespmem:v3+s16+$0x40 ss:$0x1] =	vst.idx.msk $0xffff, v4  }
0x2f5: {  	v4 =	vld [tilespmem:s15+$0x8850]  }
0x2f6: {  	v5 =	vld [tilespmem:s15+$0x88D0]  }
0x2f7: {  	v36 =	vld [tilespmem:s15+$0x8950]  }
0x2f8: {  	v37 =	vld [tilespmem:s15+$0x89D0]  }
0x2f9: {  	v38 =	vld [tilespmem:s15+$0x8A50]  }
0x2fa: {  	v39 =	vld [tilespmem:s15+$0x8AD0]  }
0x2fb: {  	v4 =	vmax.f32 v4, v5;
	v5 =	vld [tilespmem:s15+$0x8B50]  }
0x2fc: {  	v40 =	vld [tilespmem:s15+$0x8BD0];
	v4 =	vmax.f32 v4, v36  }
0x2fd: {  	v41 =	vld [tilespmem:s15+$0x9050];
	v4 =	vmax.f32 v4, v37  }
0x2fe: {  	v42 =	vld [tilespmem:s15+$0x90D0];
	v4 =	vmax.f32 v4, v38  }
0x2ff: {  	v43 =	vld [tilespmem:s15+$0x9150];
	v4 =	vmax.f32 v4, v39  }
0x300: {  	v4 =	vmax.f32 v4, v5;
	v5 =	vld [tilespmem:s15+$0x91D0]  }
0x301: {  	v44 =	vld [tilespmem:s15+$0x9250];
	v4 =	vmax.f32 v4, v40  }
0x302: {  	v45 =	vld [tilespmem:s15+$0x92D0];
	v4 =	vmax.f32 v4, v41  }
0x303: {  	v46 =	vld [tilespmem:s15+$0x9350];
	v4 =	vmax.f32 v4, v42  }
0x304: {  	v47 =	vld [tilespmem:s15+$0x93D0];
	v4 =	vmax.f32 v4, v43  }
0x305: {  	v4 =	vmax.f32 v4, v5  }
0x306: {  	v4 =	vmax.f32 v4, v44  }
0x307: {  	v4 =	vmax.f32 v4, v45  }
0x308: {  	v4 =	vmax.f32 v4, v46  }
0x309: {  	v4 =	vmax.f32 v4, v47  }
0x30a: {  	[tilespmem:v3+s16+$0x50 ss:$0x1] =	vst.idx.msk $0xffff, v4  }
0x30b: {  	v4 =	vld [tilespmem:s15+$0x8860]  }
0x30c: {  	v5 =	vld [tilespmem:s15+$0x88E0]  }
0x30d: {  	v48 =	vld [tilespmem:s15+$0x8960]  }
0x30e: {  	v49 =	vld [tilespmem:s15+$0x89E0]  }
0x30f: {  	v50 =	vld [tilespmem:s15+$0x8A60]  }
0x310: {  	v51 =	vld [tilespmem:s15+$0x8AE0]  }
0x311: {  	v4 =	vmax.f32 v4, v5;
	v5 =	vld [tilespmem:s15+$0x8B60]  }
0x312: {  	v52 =	vld [tilespmem:s15+$0x8BE0];
	v4 =	vmax.f32 v4, v48  }
0x313: {  	v53 =	vld [tilespmem:s15+$0x9060];
	v4 =	vmax.f32 v4, v49  }
0x314: {  	v54 =	vld [tilespmem:s15+$0x90E0];
	v4 =	vmax.f32 v4, v50  }
0x315: {  	v55 =	vld [tilespmem:s15+$0x9160];
	v4 =	vmax.f32 v4, v51  }
0x316: {  	v4 =	vmax.f32 v4, v5;
	v5 =	vld [tilespmem:s15+$0x91E0]  }
0x317: {  	v56 =	vld [tilespmem:s15+$0x9260];
	v4 =	vmax.f32 v4, v52  }
0x318: {  	v57 =	vld [tilespmem:s15+$0x92E0];
	v4 =	vmax.f32 v4, v53  }
0x319: {  	v58 =	vld [tilespmem:s15+$0x9360];
	v4 =	vmax.f32 v4, v54  }
0x31a: {  	v59 =	vld [tilespmem:s15+$0x93E0];
	v4 =	vmax.f32 v4, v55  }
0x31b: {  	v4 =	vmax.f32 v4, v5  }
0x31c: {  	v4 =	vmax.f32 v4, v56  }
0x31d: {  	v4 =	vmax.f32 v4, v57  }
0x31e: {  	v4 =	vmax.f32 v4, v58  }
0x31f: {  	v4 =	vmax.f32 v4, v59  }
0x320: {  	[tilespmem:v3+s16+$0x60 ss:$0x1] =	vst.idx.msk $0xffff, v4  }
0x321: {  	v4 =	vld [tilespmem:s15+$0x8870]  }
0x322: {  	v5 =	vld [tilespmem:s15+$0x88F0]  }
0x323: {  	v60 =	vld [tilespmem:s15+$0x8970]  }
0x324: {  	v61 =	vld [tilespmem:s15+$0x89F0]  }
0x325: {  	v62 =	vld [tilespmem:s15+$0x8A70]  }
0x326: {  	v63 =	vld [tilespmem:s15+$0x8AF0]  }
0x327: {  	v4 =	vmax.f32 v4, v5;
	v5 =	vld [tilespmem:s15+$0x8B70]  }
0x328: {  	v12 =	vld [tilespmem:s15+$0x8BF0];
	v4 =	vmax.f32 v4, v60  }
0x329: {  	v13 =	vld [tilespmem:s15+$0x9070];
	v4 =	vmax.f32 v4, v61  }
0x32a: {  	v14 =	vld [tilespmem:s15+$0x90F0];
	v4 =	vmax.f32 v4, v62  }
0x32b: {  	v15 =	vld [tilespmem:s15+$0x9170];
	v4 =	vmax.f32 v4, v63  }
0x32c: {  	v4 =	vmax.f32 v4, v5;
	v5 =	vld [tilespmem:s15+$0x91F0]  }
0x32d: {  	v16 =	vld [tilespmem:s15+$0x9270];
	v4 =	vmax.f32 v4, v12  }
0x32e: {  	v17 =	vld [tilespmem:s15+$0x92F0];
	v4 =	vmax.f32 v4, v13  }
0x32f: {  	v18 =	vld [tilespmem:s15+$0x9370];
	v4 =	vmax.f32 v4, v14  }
0x330: {  	v19 =	vld [tilespmem:s15+$0x93F0];
	v4 =	vmax.f32 v4, v15  }
0x331: {  	v4 =	vmax.f32 v4, v5  }
0x332: {  	v4 =	vmax.f32 v4, v16  }
0x333: {  	v4 =	vmax.f32 v4, v17  }
0x334: {  	v4 =	vmax.f32 v4, v18  }
0x335: {  	v4 =	vmax.f32 v4, v19  }
0x336: {  	[tilespmem:v3+s16+$0x70 ss:$0x1] =	vst.idx.msk $0xffff, v4  }
0x337: {  	v4 =	vld [tilespmem:s15+$0x8C00]  }
0x338: {  	v5 =	vld [tilespmem:s15+$0x8C80]  }
0x339: {  	v20 =	vld [tilespmem:s15+$0x8D00]  }
0x33a: {  	v21 =	vld [tilespmem:s15+$0x8D80]  }
0x33b: {  	v22 =	vld [tilespmem:s15+$0x8E00]  }
0x33c: {  	v23 =	vld [tilespmem:s15+$0x8E80]  }
0x33d: {  	v4 =	vmax.f32 v4, v5;
	v5 =	vld [tilespmem:s15+$0x8F00]  }
0x33e: {  	v24 =	vld [tilespmem:s15+$0x8F80];
	v4 =	vmax.f32 v4, v20  }
0x33f: {  	v25 =	vld [tilespmem:s15+$0x9400];
	v4 =	vmax.f32 v4, v21  }
0x340: {  	v26 =	vld [tilespmem:s15+$0x9480];
	v4 =	vmax.f32 v4, v22  }
0x341: {  	v27 =	vld [tilespmem:s15+$0x9500];
	v4 =	vmax.f32 v4, v23  }
0x342: {  	v4 =	vmax.f32 v4, v5;
	v5 =	vld [tilespmem:s15+$0x9580]  }
0x343: {  	v28 =	vld [tilespmem:s15+$0x9600];
	v4 =	vmax.f32 v4, v24  }
0x344: {  	v29 =	vld [tilespmem:s15+$0x9680];
	v4 =	vmax.f32 v4, v25  }
0x345: {  	v30 =	vld [tilespmem:s15+$0x9700];
	v4 =	vmax.f32 v4, v26  }
0x346: {  	v31 =	vld [tilespmem:s15+$0x9780];
	v4 =	vmax.f32 v4, v27  }
0x347: {  	v4 =	vmax.f32 v4, v5  }
0x348: {  	v4 =	vmax.f32 v4, v28  }
0x349: {  	v4 =	vmax.f32 v4, v29  }
0x34a: {  	v4 =	vmax.f32 v4, v30  }
0x34b: {  	v4 =	vmax.f32 v4, v31  }
0x34c: {  	[tilespmem:v3+s16+$0x400 ss:$0x1] =	vst.idx.msk $0xffff, v4  }
0x34d: {  	v4 =	vld [tilespmem:s15+$0x8C10]  }
0x34e: {  	v5 =	vld [tilespmem:s15+$0x8C90]  }
0x34f: {  	v32 =	vld [tilespmem:s15+$0x8D10]  }
0x350: {  	v33 =	vld [tilespmem:s15+$0x8D90]  }
0x351: {  	v34 =	vld [tilespmem:s15+$0x8E10]  }
0x352: {  	v35 =	vld [tilespmem:s15+$0x8E90]  }
0x353: {  	v4 =	vmax.f32 v4, v5;
	v5 =	vld [tilespmem:s15+$0x8F10]  }
0x354: {  	v36 =	vld [tilespmem:s15+$0x8F90];
	v4 =	vmax.f32 v4, v32  }
0x355: {  	v37 =	vld [tilespmem:s15+$0x9410];
	v4 =	vmax.f32 v4, v33  }
0x356: {  	v38 =	vld [tilespmem:s15+$0x9490];
	v4 =	vmax.f32 v4, v34  }
0x357: {  	v39 =	vld [tilespmem:s15+$0x9510];
	v4 =	vmax.f32 v4, v35  }
0x358: {  	v4 =	vmax.f32 v4, v5;
	v5 =	vld [tilespmem:s15+$0x9590]  }
0x359: {  	v40 =	vld [tilespmem:s15+$0x9610];
	v4 =	vmax.f32 v4, v36  }
0x35a: {  	v41 =	vld [tilespmem:s15+$0x9690];
	v4 =	vmax.f32 v4, v37  }
0x35b: {  	v42 =	vld [tilespmem:s15+$0x9710];
	v4 =	vmax.f32 v4, v38  }
0x35c: {  	v43 =	vld [tilespmem:s15+$0x9790];
	v4 =	vmax.f32 v4, v39  }
0x35d: {  	v4 =	vmax.f32 v4, v5  }
0x35e: {  	v4 =	vmax.f32 v4, v40  }
0x35f: {  	v4 =	vmax.f32 v4, v41  }
0x360: {  	v4 =	vmax.f32 v4, v42  }
0x361: {  	v4 =	vmax.f32 v4, v43  }
0x362: {  	[tilespmem:v3+s16+$0x410 ss:$0x1] =	vst.idx.msk $0xffff, v4  }
0x363: {  	v4 =	vld [tilespmem:s15+$0x8C20]  }
0x364: {  	v5 =	vld [tilespmem:s15+$0x8CA0]  }
0x365: {  	v44 =	vld [tilespmem:s15+$0x8D20]  }
0x366: {  	v45 =	vld [tilespmem:s15+$0x8DA0]  }
0x367: {  	v46 =	vld [tilespmem:s15+$0x8E20]  }
0x368: {  	v47 =	vld [tilespmem:s15+$0x8EA0]  }
0x369: {  	v4 =	vmax.f32 v4, v5;
	v5 =	vld [tilespmem:s15+$0x8F20]  }
0x36a: {  	v48 =	vld [tilespmem:s15+$0x8FA0];
	v4 =	vmax.f32 v4, v44  }
0x36b: {  	v49 =	vld [tilespmem:s15+$0x9420];
	v4 =	vmax.f32 v4, v45  }
0x36c: {  	v50 =	vld [tilespmem:s15+$0x94A0];
	v4 =	vmax.f32 v4, v46  }
0x36d: {  	v51 =	vld [tilespmem:s15+$0x9520];
	v4 =	vmax.f32 v4, v47  }
0x36e: {  	v4 =	vmax.f32 v4, v5;
	v5 =	vld [tilespmem:s15+$0x95A0]  }
0x36f: {  	v52 =	vld [tilespmem:s15+$0x9620];
	v4 =	vmax.f32 v4, v48  }
0x370: {  	v53 =	vld [tilespmem:s15+$0x96A0];
	v4 =	vmax.f32 v4, v49  }
0x371: {  	v54 =	vld [tilespmem:s15+$0x9720];
	v4 =	vmax.f32 v4, v50  }
0x372: {  	v55 =	vld [tilespmem:s15+$0x97A0];
	v4 =	vmax.f32 v4, v51  }
0x373: {  	v4 =	vmax.f32 v4, v5  }
0x374: {  	v4 =	vmax.f32 v4, v52  }
0x375: {  	v4 =	vmax.f32 v4, v53  }
0x376: {  	v4 =	vmax.f32 v4, v54  }
0x377: {  	v4 =	vmax.f32 v4, v55  }
0x378: {  	[tilespmem:v3+s16+$0x420 ss:$0x1] =	vst.idx.msk $0xffff, v4  }
0x379: {  	v4 =	vld [tilespmem:s15+$0x8C30]  }
0x37a: {  	v5 =	vld [tilespmem:s15+$0x8CB0]  }
0x37b: {  	v56 =	vld [tilespmem:s15+$0x8D30]  }
0x37c: {  	v57 =	vld [tilespmem:s15+$0x8DB0]  }
0x37d: {  	v58 =	vld [tilespmem:s15+$0x8E30]  }
0x37e: {  	v59 =	vld [tilespmem:s15+$0x8EB0]  }
0x37f: {  	v4 =	vmax.f32 v4, v5;
	v5 =	vld [tilespmem:s15+$0x8F30]  }
0x380: {  	v60 =	vld [tilespmem:s15+$0x8FB0];
	v4 =	vmax.f32 v4, v56  }
0x381: {  	v61 =	vld [tilespmem:s15+$0x9430];
	v4 =	vmax.f32 v4, v57  }
0x382: {  	v62 =	vld [tilespmem:s15+$0x94B0];
	v4 =	vmax.f32 v4, v58  }
0x383: {  	v63 =	vld [tilespmem:s15+$0x9530];
	v4 =	vmax.f32 v4, v59  }
0x384: {  	v4 =	vmax.f32 v4, v5;
	v5 =	vld [tilespmem:s15+$0x95B0]  }
0x385: {  	v12 =	vld [tilespmem:s15+$0x9630];
	v4 =	vmax.f32 v4, v60  }
0x386: {  	v13 =	vld [tilespmem:s15+$0x96B0];
	v4 =	vmax.f32 v4, v61  }
0x387: {  	v14 =	vld [tilespmem:s15+$0x9730];
	v4 =	vmax.f32 v4, v62  }
0x388: {  	v15 =	vld [tilespmem:s15+$0x97B0];
	v4 =	vmax.f32 v4, v63  }
0x389: {  	v4 =	vmax.f32 v4, v5  }
0x38a: {  	v4 =	vmax.f32 v4, v12  }
0x38b: {  	v4 =	vmax.f32 v4, v13  }
0x38c: {  	v4 =	vmax.f32 v4, v14  }
0x38d: {  	v4 =	vmax.f32 v4, v15  }
0x38e: {  	[tilespmem:v3+s16+$0x430 ss:$0x1] =	vst.idx.msk $0xffff, v4  }
0x38f: {  	v4 =	vld [tilespmem:s15+$0x8C40]  }
0x390: {  	v5 =	vld [tilespmem:s15+$0x8CC0]  }
0x391: {  	v16 =	vld [tilespmem:s15+$0x8D40]  }
0x392: {  	v17 =	vld [tilespmem:s15+$0x8DC0]  }
0x393: {  	v18 =	vld [tilespmem:s15+$0x8E40]  }
0x394: {  	v19 =	vld [tilespmem:s15+$0x8EC0]  }
0x395: {  	v4 =	vmax.f32 v4, v5;
	v5 =	vld [tilespmem:s15+$0x8F40]  }
0x396: {  	v20 =	vld [tilespmem:s15+$0x8FC0];
	v4 =	vmax.f32 v4, v16  }
0x397: {  	v21 =	vld [tilespmem:s15+$0x9440];
	v4 =	vmax.f32 v4, v17  }
0x398: {  	v22 =	vld [tilespmem:s15+$0x94C0];
	v4 =	vmax.f32 v4, v18  }
0x399: {  	v23 =	vld [tilespmem:s15+$0x9540];
	v4 =	vmax.f32 v4, v19  }
0x39a: {  	v4 =	vmax.f32 v4, v5;
	v5 =	vld [tilespmem:s15+$0x95C0]  }
0x39b: {  	v24 =	vld [tilespmem:s15+$0x9640];
	v4 =	vmax.f32 v4, v20  }
0x39c: {  	v25 =	vld [tilespmem:s15+$0x96C0];
	v4 =	vmax.f32 v4, v21  }
0x39d: {  	v26 =	vld [tilespmem:s15+$0x9740];
	v4 =	vmax.f32 v4, v22  }
0x39e: {  	v27 =	vld [tilespmem:s15+$0x97C0];
	v4 =	vmax.f32 v4, v23  }
0x39f: {  	v4 =	vmax.f32 v4, v5  }
0x3a0: {  	v4 =	vmax.f32 v4, v24  }
0x3a1: {  	v4 =	vmax.f32 v4, v25  }
0x3a2: {  	v4 =	vmax.f32 v4, v26  }
0x3a3: {  	v4 =	vmax.f32 v4, v27  }
0x3a4: {  	[tilespmem:v3+s16+$0x440 ss:$0x1] =	vst.idx.msk $0xffff, v4  }
0x3a5: {  	v4 =	vld [tilespmem:s15+$0x8C50]  }
0x3a6: {  	v5 =	vld [tilespmem:s15+$0x8CD0]  }
0x3a7: {  	v28 =	vld [tilespmem:s15+$0x8D50]  }
0x3a8: {  	v29 =	vld [tilespmem:s15+$0x8DD0]  }
0x3a9: {  	v30 =	vld [tilespmem:s15+$0x8E50]  }
0x3aa: {  	v31 =	vld [tilespmem:s15+$0x8ED0]  }
0x3ab: {  	v4 =	vmax.f32 v4, v5;
	v5 =	vld [tilespmem:s15+$0x8F50]  }
0x3ac: {  	v32 =	vld [tilespmem:s15+$0x8FD0];
	v4 =	vmax.f32 v4, v28  }
0x3ad: {  	v33 =	vld [tilespmem:s15+$0x9450];
	v4 =	vmax.f32 v4, v29  }
0x3ae: {  	v34 =	vld [tilespmem:s15+$0x94D0];
	v4 =	vmax.f32 v4, v30  }
0x3af: {  	v35 =	vld [tilespmem:s15+$0x9550];
	v4 =	vmax.f32 v4, v31  }
0x3b0: {  	v4 =	vmax.f32 v4, v5;
	v5 =	vld [tilespmem:s15+$0x95D0]  }
0x3b1: {  	v36 =	vld [tilespmem:s15+$0x9650];
	v4 =	vmax.f32 v4, v32  }
0x3b2: {  	v37 =	vld [tilespmem:s15+$0x96D0];
	v4 =	vmax.f32 v4, v33  }
0x3b3: {  	v38 =	vld [tilespmem:s15+$0x9750];
	v4 =	vmax.f32 v4, v34  }
0x3b4: {  	v39 =	vld [tilespmem:s15+$0x97D0];
	v4 =	vmax.f32 v4, v35  }
0x3b5: {  	v4 =	vmax.f32 v4, v5  }
0x3b6: {  	v4 =	vmax.f32 v4, v36  }
0x3b7: {  	v4 =	vmax.f32 v4, v37  }
0x3b8: {  	v4 =	vmax.f32 v4, v38  }
0x3b9: {  	v4 =	vmax.f32 v4, v39  }
0x3ba: {  	[tilespmem:v3+s16+$0x450 ss:$0x1] =	vst.idx.msk $0xffff, v4  }
0x3bb: {  	v4 =	vld [tilespmem:s15+$0x8C60]  }
0x3bc: {  	v5 =	vld [tilespmem:s15+$0x8CE0]  }
0x3bd: {  	v40 =	vld [tilespmem:s15+$0x8D60]  }
0x3be: {  	v41 =	vld [tilespmem:s15+$0x8DE0]  }
0x3bf: {  	v42 =	vld [tilespmem:s15+$0x8E60]  }
0x3c0: {  	v43 =	vld [tilespmem:s15+$0x8EE0]  }
0x3c1: {  	v4 =	vmax.f32 v4, v5;
	v5 =	vld [tilespmem:s15+$0x8F60]  }
0x3c2: {  	v44 =	vld [tilespmem:s15+$0x8FE0];
	v4 =	vmax.f32 v4, v40  }
0x3c3: {  	v45 =	vld [tilespmem:s15+$0x9460];
	v4 =	vmax.f32 v4, v41  }
0x3c4: {  	v46 =	vld [tilespmem:s15+$0x94E0];
	v4 =	vmax.f32 v4, v42  }
0x3c5: {  	v47 =	vld [tilespmem:s15+$0x9560];
	v4 =	vmax.f32 v4, v43  }
0x3c6: {  	v4 =	vmax.f32 v4, v5;
	v5 =	vld [tilespmem:s15+$0x95E0]  }
0x3c7: {  	v48 =	vld [tilespmem:s15+$0x9660];
	v4 =	vmax.f32 v4, v44  }
0x3c8: {  	v49 =	vld [tilespmem:s15+$0x96E0];
	v4 =	vmax.f32 v4, v45  }
0x3c9: {  	v50 =	vld [tilespmem:s15+$0x9760];
	v4 =	vmax.f32 v4, v46  }
0x3ca: {  	v51 =	vld [tilespmem:s15+$0x97E0];
	v4 =	vmax.f32 v4, v47  }
0x3cb: {  	v4 =	vmax.f32 v4, v5  }
0x3cc: {  	v4 =	vmax.f32 v4, v48  }
0x3cd: {  	v4 =	vmax.f32 v4, v49  }
0x3ce: {  	v4 =	vmax.f32 v4, v50  }
0x3cf: {  	v4 =	vmax.f32 v4, v51  }
0x3d0: {  	[tilespmem:v3+s16+$0x460 ss:$0x1] =	vst.idx.msk $0xffff, v4  }
0x3d1: {  	v4 =	vld [tilespmem:s15+$0x8C70]  }
0x3d2: {  	v5 =	vld [tilespmem:s15+$0x8CF0]  }
0x3d3: {  	v52 =	vld [tilespmem:s15+$0x8D70]  }
0x3d4: {  	v53 =	vld [tilespmem:s15+$0x8DF0]  }
0x3d5: {  	v54 =	vld [tilespmem:s15+$0x8E70]  }
0x3d6: {  	v55 =	vld [tilespmem:s15+$0x8EF0]  }
0x3d7: {  	v4 =	vmax.f32 v4, v5;
	v5 =	vld [tilespmem:s15+$0x8F70]  }
0x3d8: {  	v56 =	vld [tilespmem:s15+$0x8FF0];
	v4 =	vmax.f32 v4, v52  }
0x3d9: {  	v57 =	vld [tilespmem:s15+$0x9470];
	v4 =	vmax.f32 v4, v53  }
0x3da: {  	v58 =	vld [tilespmem:s15+$0x94F0];
	v4 =	vmax.f32 v4, v54  }
0x3db: {  	v59 =	vld [tilespmem:s15+$0x9570];
	v4 =	vmax.f32 v4, v55  }
0x3dc: {  	v4 =	vmax.f32 v4, v5;
	v5 =	vld [tilespmem:s15+$0x95F0]  }
0x3dd: {  	v60 =	vld [tilespmem:s15+$0x9670];
	v4 =	vmax.f32 v4, v56  }
0x3de: {  	v61 =	vld [tilespmem:s15+$0x96F0];
	v4 =	vmax.f32 v4, v57  }
0x3df: {  	v62 =	vld [tilespmem:s15+$0x9770];
	v4 =	vmax.f32 v4, v58  }
0x3e0: {  	v63 =	vld [tilespmem:s15+$0x97F0];
	v4 =	vmax.f32 v4, v59  }
0x3e1: {  	p0 =	sne.s32 s14, $0x7;
	v4 =	vmax.f32 v4, v5  }
.Ltmp2:
0x3e2: {  	v4 =	vmax.f32 v4, v60;
	(pc) =	sbr.rel @p0 .LBB2_7-.Ltmp2, $4  }
0x3e3: {  	v4 =	vmax.f32 v4, v61  }
0x3e4: {  	v4 =	vmax.f32 v4, v62  }
0x3e5: {  	v4 =	vmax.f32 v4, v63  }
0x3e6: {  	s14 =	sadd.s32 $0x1, s14;
	[tilespmem:v3+s16+$0x470 ss:$0x1] =	vst.idx.msk $0xffff, v4  }
0x3e7: {  	s13 =	sadd.s32 $0x1, s13  }
0x3e8: {  	p0 =	sne.s32 s13, $0x8  }
.Ltmp3:
0x3e9: {  	_ = 	snop;
	(pc) =	sbr.rel @p0 .LBB2_2-.Ltmp3, $1  }
0x3ea: {  	_ =	sdelay $0x3  }
0x3eb: {  	s13 =	rddreg [dreg:$0x5];
	s14 =	simm.s32 $0x10800  }
0x3ec: {  	[hbm4b:s13+s3] =	stream.linear.scatter [tilespmem:s14], [sflag:$0x3], $0x8000, $0x38;
	[tilespmem:$0x18800] =	vst v63  }
0x3ed: {  	s14 =	simm.s32 $0x3  }
0x3ee: {  	_ =	swait.ge [sflag:s14], $0x8000  }
0x3ef: {  	s15 =	rddreg [dreg:$0x7]  }
0x3f0: {  	s17 =	rddreg [dreg:$0x6];
	s15 =	sadd.s32 $0x1, s15  }
0x3f1: {  	p0 =	sne.s32 s15, s17  }
.Ltmp4:
0x3f2: {  	_ = 	snop;
	(pc) =	sbr.rel @p0 .LBB2_1-.Ltmp4, $3  }
0x3f3: {  	_ =	sdelay $0x1  }
0x3f4: {  	[sflag:s14] =	ssyncset.done $0x0  }
0x3f5: {  	[sflag:s14] =	ssyncadd.s32 $0xFFFF8000  }
0x3f6: {  	_ =	sfence.sel $0x180000  }
0x3f7: {  	[bflag:$0x0] =	sbarrier.arrive $0xFFFF  }
0x3f8: {  	_ =	strace $0x90000047  }
0x3f9: {  	s0 =	stileid.u32;
	[bflag:$0x2] =	sbarrier.arrive $0xFFFF  }
0x3fa: {  	p0 =	sne.s32 s0, $0x0;
	s0 =	rddreg [dreg:$0x3]  }
0x3fb: {  	s0 =	sadd.s32 @!p0 $0x100000, s0  }
0x3fc: {  	[sflag:s0] =	ssyncadd.tile.s32 @!p0 $0x1;
	_ =	shalt  }
.Lfunc_end2:
_tile_overlayer_lowered:
.L_overlay_start_2:
0x3fd: {  	(tag) =	ssettag $0x2  }
0x3fe: {  	s0 =	rddreg [dreg:$0x0];
	s2 =	stileid.u32  }
0x3ff: {  	s1 =	rddreg [dreg:$0x1];
	p0 =	sne.s32 s2, $0x0  }
0x400: {  	s3 =	rddreg [dreg:$0x2];
	[bflag:$0x3] =	sbarrier.arrive $0xFFFF;
	s2 =	simm.s32 @!p0 $0x1C03  }
0x401: {  	[timem:s3], [sflag:s2] =	dma.local @!p0 [hbm:s0], s1  }
0x402: {  	s0 =	simm.s32 @!p0 $0x3  }
0x403: {  	_ =	swait.ge @!p0 [sflag:s0], s1  }
0x404: {  	s1 =	ssub.s32 @!p0 $0x0, s1;
	[sflag:s0] =	ssyncset.done @!p0 $0x0  }
0x405: {  	[sflag:s0] =	ssyncadd.s32 @!p0 s1  }
0x406: {  	[bflag:$0x3] =	sbarrier.arrive $0xFFFF  }
0x407: {  	_ =	shalt  }

</sc_bundles>
